<compile_context>
chip_gen: v7x
topology: tpu7x:2x2x1
jax: 0.10.2.dev20260603
libtpu: 0.0.44.dev20260713+nightly
codegen_flags: <defaults>
</compile_context>

<pallas_src>
import functools
import math

import jax
import jax.numpy as jnp
from jax import lax
from jax.experimental import pallas as pl
from jax.experimental.pallas import tpu as pltpu
from jax.experimental.pallas import tpu_sc as plsc

N_ATOMS = 32768
NB = 1024
H = 256
HH = 128
H4 = 64
RBF = 16
EPS = 1e-5

NC = 2
NS = 16
NW = NC * NS
PW = N_ATOMS // NW
RPW = PW // 128
BPW = NB // NS

NCH = 2
NA2 = N_ATOMS // NCH
PW2 = NA2 // NW
RPW2 = PW2 // 128

TILE = 2048
NT = N_ATOMS // TILE
NT2 = NA2 // TILE

_MESH = functools.partial(
    plsc.VectorSubcoreMesh, core_axis_name="c", subcore_axis_name="s")


def _ln(x, g, b):
    mu = jnp.mean(x, axis=-1, keepdims=True)
    var = jnp.mean((x - mu) ** 2, axis=-1, keepdims=True)
    return (x - mu) * lax.rsqrt(var + EPS) * g + b


def _wid():
    return lax.axis_index("s") * NC + lax.axis_index("c")



def _sc_stats_body(posp_h, bid_h, zeros_h, out_h, idx_v, rows_v, zb_v, shared):
    c = lax.axis_index("c")
    s = lax.axis_index("s")
    wid = s * NC + c
    pltpu.sync_copy(zeros_h.at[pl.ds(s * BPW, BPW)], zb_v)
    pltpu.sync_copy(zb_v, shared.at[pl.ds(s * BPW, BPW)])
    plsc.subcore_barrier()
    pltpu.sync_copy(bid_h.at[pl.ds(wid * RPW, RPW)], idx_v)
    pltpu.sync_copy(posp_h.at[pl.ds(wid * PW, PW)], rows_v)
    for j in range(RPW):
        pltpu.sync_copy(rows_v.at[pl.ds(j * 128, 128)],
                        shared.at[idx_v.at[j]], add=True)
    plsc.subcore_barrier()
    pltpu.sync_copy(shared.at[pl.ds(s * BPW, BPW)], zb_v)
    pltpu.sync_copy(zb_v, out_h.at[pl.ds(c * NB + s * BPW, BPW)])


def _sc_stats(posp16, bid2, zeros16):
    return pl.kernel(
        _sc_stats_body,
        out_type=jax.ShapeDtypeStruct((NC * NB, 16), jnp.float32),
        mesh=_MESH(),
        compiler_params=pltpu.CompilerParams(use_tc_tiling_on_sc=False),
        scratch_types=[
            pltpu.VMEM((RPW, 128), jnp.int32),
            pltpu.VMEM((PW, 16), jnp.float32),
            pltpu.VMEM((BPW, 16), jnp.float32),
            pltpu.VMEM_SHARED((NB, 16), jnp.float32),
        ],
    )(posp16, bid2, zeros16)



def _pack_bf16(lo, hi):
    lo_u = lax.bitcast_convert_type(
        lax.convert_element_type(lo, jnp.bfloat16), jnp.uint16)
    hi_u = lax.bitcast_convert_type(
        lax.convert_element_type(hi, jnp.bfloat16), jnp.uint16)
    return lo_u.astype(jnp.uint32) | (hi_u.astype(jnp.uint32) << 16)


def _unpack_bf16(pk):
    lo = lax.bitcast_convert_type(pk << 16, jnp.float32)
    hi = lax.bitcast_convert_type(pk & jnp.uint32(0xFFFF0000), jnp.float32)
    return lo, hi



def _centq_body(stats_ref, bf_ref, wq_ref, bq_ref,
                cent_ref, qpk_ref):
    stats = stats_ref[:NB, :] + stats_ref[NB:, :]
    cnt = jnp.maximum(stats[:, 0:1], 1.0)
    lane = lax.broadcasted_iota(jnp.int32, (NB, 16), 1)
    keep = (lane >= 1) & (lane <= 3)
    cent_ref[...] = jnp.where(keep, stats / cnt, 0.0)
    q = jnp.dot(bf_ref[...], wq_ref[...],
                preferred_element_type=jnp.float32) + bq_ref[...]
    qpk_ref[...] = _pack_bf16(q[:, :HH], q[:, HH:])



def _make_gather2_body(off):
    orow = off // 128

    def body(cent_h, qpk_h, bid_h, centg_h, qpkg_h,
             idx_v, crow_v, b0_v, b1_v, csem, gsem, osem):
        wid = _wid()
        base = wid * PW2
        pltpu.sync_copy(bid_h.at[pl.ds(orow + wid * RPW2, RPW2)], idx_v)
        for j in range(RPW2):
            pltpu.async_copy(cent_h.at[idx_v.at[j]],
                             crow_v.at[pl.ds(j * 128, 128)], csem)
        bb = (b0_v, b1_v)
        pltpu.async_copy(qpk_h.at[idx_v.at[0]], b0_v, gsem)
        for j in range(RPW2):
            if j >= 1:
                pltpu.make_async_copy(
                    bb[(j - 1) % 2],
                    qpkg_h.at[pl.ds(base + (j - 1) * 128, 128)], osem).wait()
            if j + 1 < RPW2:
                pltpu.async_copy(qpk_h.at[idx_v.at[j + 1]],
                                 bb[(j + 1) % 2], gsem)
            pltpu.make_async_copy(qpk_h.at[idx_v.at[j]], bb[j % 2], gsem).wait()
            pltpu.async_copy(bb[j % 2],
                             qpkg_h.at[pl.ds(base + j * 128, 128)], osem)
        for j in range(RPW2):
            pltpu.make_async_copy(cent_h.at[idx_v.at[j]],
                                  crow_v.at[pl.ds(j * 128, 128)], csem).wait()
        pltpu.sync_copy(crow_v, centg_h.at[pl.ds(base, PW2)])
        pltpu.make_async_copy(
            bb[(RPW2 - 1) % 2],
            qpkg_h.at[pl.ds(base + (RPW2 - 1) * 128, 128)], osem).wait()

    return body


def _sc_gather2(cent16, qpk, bid2, off):
    return pl.kernel(
        _make_gather2_body(off),
        out_type=[jax.ShapeDtypeStruct((NA2, 16), jnp.float32),
                  jax.ShapeDtypeStruct((NA2, HH), jnp.uint32)],
        mesh=_MESH(),
        compiler_params=pltpu.CompilerParams(use_tc_tiling_on_sc=False),
        scratch_types=[
            pltpu.VMEM((RPW2, 128), jnp.int32),
            pltpu.VMEM((PW2, 16), jnp.float32),
            pltpu.VMEM((128, HH), jnp.uint32),
            pltpu.VMEM((128, HH), jnp.uint32),
            pltpu.SemaphoreType.DMA,
            pltpu.SemaphoreType.DMA,
            pltpu.SemaphoreType.DMA,
        ],
    )(cent16, qpk, bid2)



def _atoms_body(af_ref, pos_ref, centg_ref, qpkg_ref,
                cen_ref, wid_ref, wg_ref, bg_ref,
                wka_ref, wkb_ref, bk_ref, wva_ref, wvb_ref, bv_ref,
                evlo_ref, evhi_ref, epk_ref):
    pos = pos_ref[...]
    cg = centg_ref[...]
    dx = pos[:, 0:1] - cg[:, 1:2]
    dy = pos[:, 1:2] - cg[:, 2:3]
    dz = pos[:, 2:3] - cg[:, 3:4]
    dist = jnp.sqrt(dx * dx + dy * dy + dz * dz)
    d = dist - cen_ref[...]
    rbf = jnp.exp(-(d * d) / (2.0 * wid_ref[...] * wid_ref[...]))
    geom = jnp.dot(rbf, wg_ref[...],
                   preferred_element_type=jnp.float32) + bg_ref[...]

    af = af_ref[...]
    k = (jnp.dot(af, wka_ref[...], preferred_element_type=jnp.float32)
         + jnp.dot(geom, wkb_ref[...], preferred_element_type=jnp.float32)
         + bk_ref[...])
    v = (jnp.dot(af, wva_ref[...], preferred_element_type=jnp.float32)
         + jnp.dot(geom, wvb_ref[...], preferred_element_type=jnp.float32)
         + bv_ref[...])

    qlo, qhi = _unpack_bf16(qpkg_ref[...])
    s = (jnp.sum(qlo * k[:, :HH], axis=1)
         + jnp.sum(qhi * k[:, HH:], axis=1)) * (1.0 / math.sqrt(H))
    e = jnp.exp(s)
    ecol = e[:, None]
    evlo_ref[...] = ecol * v[:, :HH]
    evhi_ref[...] = ecol * v[:, HH:]
    e2 = e.reshape(TILE // 8, 8)
    grp = lax.broadcasted_iota(jnp.int32, (8, 128), 1) // 16
    row = lax.broadcasted_iota(jnp.int32, (8, 128), 0)
    sel = jnp.where(grp == row, 1.0, 0.0)
    epk_ref[...] = jnp.dot(e2, sel, preferred_element_type=jnp.float32)



def _make_ctx_body(off):
    orow = off // 128

    def body(evlo_h, evhi_h, e16_h, bid_h, zlohi_h, ze_h,
             acclo_h, acchi_h, acce_h,
             idx_v, l0_v, l1_v, h0_v, h1_v, erow_v, zb_v, zbe_v,
             shlo, shhi, she, lsem, ssem):
        c = lax.axis_index("c")
        s = lax.axis_index("s")
        wid = s * NC + c
        base = wid * PW2
        pltpu.sync_copy(zlohi_h.at[pl.ds(s * BPW, BPW)], zb_v)
        pltpu.sync_copy(zb_v, shlo.at[pl.ds(s * BPW, BPW)])
        pltpu.sync_copy(zb_v, shhi.at[pl.ds(s * BPW, BPW)])
        pltpu.sync_copy(ze_h.at[pl.ds(s * BPW, BPW)], zbe_v)
        pltpu.sync_copy(zbe_v, she.at[pl.ds(s * BPW, BPW)])
        pltpu.sync_copy(bid_h.at[pl.ds(orow + wid * RPW2, RPW2)], idx_v)
        pltpu.sync_copy(e16_h.at[pl.ds(base, PW2)], erow_v)
        plsc.subcore_barrier()
        lb = (l0_v, l1_v)
        hb = (h0_v, h1_v)
        pltpu.async_copy(evlo_h.at[pl.ds(base, 128)], l0_v, lsem)
        pltpu.async_copy(evhi_h.at[pl.ds(base, 128)], h0_v, lsem)
        for j in range(RPW2):
            pltpu.sync_copy(erow_v.at[pl.ds(j * 128, 128)],
                            she.at[idx_v.at[j]], add=True)
            if j >= 1:
                pltpu.make_async_copy(lb[(j - 1) % 2],
                                      shlo.at[idx_v.at[j - 1]], ssem).wait()
                pltpu.make_async_copy(hb[(j - 1) % 2],
                                      shhi.at[idx_v.at[j - 1]], ssem).wait()
            if j + 1 < RPW2:
                pltpu.async_copy(evlo_h.at[pl.ds(base + (j + 1) * 128, 128)],
                                 lb[(j + 1) % 2], lsem)
                pltpu.async_copy(evhi_h.at[pl.ds(base + (j + 1) * 128, 128)],
                                 hb[(j + 1) % 2], lsem)
            pltpu.make_async_copy(evlo_h.at[pl.ds(base + j * 128, 128)],
                                  lb[j % 2], lsem).wait()
            pltpu.make_async_copy(evhi_h.at[pl.ds(base + j * 128, 128)],
                                  hb[j % 2], lsem).wait()
            pltpu.async_copy(lb[j % 2], shlo.at[idx_v.at[j]], ssem, add=True)
            pltpu.async_copy(hb[j % 2], shhi.at[idx_v.at[j]], ssem, add=True)
        pltpu.make_async_copy(lb[(RPW2 - 1) % 2],
                              shlo.at[idx_v.at[RPW2 - 1]], ssem).wait()
        pltpu.make_async_copy(hb[(RPW2 - 1) % 2],
                              shhi.at[idx_v.at[RPW2 - 1]], ssem).wait()
        plsc.subcore_barrier()
        pltpu.sync_copy(shlo.at[pl.ds(s * BPW, BPW)], zb_v)
        pltpu.sync_copy(zb_v, acclo_h.at[pl.ds(c * NB + s * BPW, BPW)])
        pltpu.sync_copy(shhi.at[pl.ds(s * BPW, BPW)], zb_v)
        pltpu.sync_copy(zb_v, acchi_h.at[pl.ds(c * NB + s * BPW, BPW)])
        pltpu.sync_copy(she.at[pl.ds(s * BPW, BPW)], zbe_v)
        pltpu.sync_copy(zbe_v, acce_h.at[pl.ds(c * NB + s * BPW, BPW)])

    return body


def _sc_ctx(evlo, evhi, e16, bid2, zlohi, ze16, off):
    return pl.kernel(
        _make_ctx_body(off),
        out_type=[jax.ShapeDtypeStruct((NC * NB, HH), jnp.float32),
                  jax.ShapeDtypeStruct((NC * NB, HH), jnp.float32),
                  jax.ShapeDtypeStruct((NC * NB, 16), jnp.float32)],
        mesh=_MESH(),
        compiler_params=pltpu.CompilerParams(use_tc_tiling_on_sc=False),
        scratch_types=[
            pltpu.VMEM((RPW2, 128), jnp.int32),
            pltpu.VMEM((128, HH), jnp.float32),
            pltpu.VMEM((128, HH), jnp.float32),
            pltpu.VMEM((128, HH), jnp.float32),
            pltpu.VMEM((128, HH), jnp.float32),
            pltpu.VMEM((PW2, 16), jnp.float32),
            pltpu.VMEM((BPW, HH), jnp.float32),
            pltpu.VMEM((BPW, 16), jnp.float32),
            pltpu.VMEM_SHARED((NB, HH), jnp.float32),
            pltpu.VMEM_SHARED((NB, HH), jnp.float32),
            pltpu.VMEM_SHARED((NB, 16), jnp.float32),
            pltpu.SemaphoreType.DMA,
            pltpu.SemaphoreType.DMA,
        ],
    )(evlo, evhi, e16, bid2, zlohi, ze16)



def _upd_body(alo0_ref, ahi0_ref, ae0_ref, alo1_ref, ahi1_ref, ae1_ref,
              wc1_ref, bc1_ref, wc2_ref, bc2_ref, updpk_ref):
    ae = ae0_ref[:NB, 0:1] + ae0_ref[NB:, 0:1] \
        + ae1_ref[:NB, 0:1] + ae1_ref[NB:, 0:1]
    den = jnp.maximum(ae, 1e-30)
    ctx = jnp.concatenate(
        [alo0_ref[:NB, :] + alo0_ref[NB:, :]
         + alo1_ref[:NB, :] + alo1_ref[NB:, :],
         ahi0_ref[:NB, :] + ahi0_ref[NB:, :]
         + ahi1_ref[:NB, :] + ahi1_ref[NB:, :]], axis=1) / den
    h1 = jax.nn.relu(jnp.dot(ctx, wc1_ref[...],
                             preferred_element_type=jnp.float32) + bc1_ref[...])
    upd = jnp.dot(h1, wc2_ref[...],
                  preferred_element_type=jnp.float32) + bc2_ref[...]
    updpk_ref[...] = _pack_bf16(upd[:, :HH], upd[:, HH:])



def _sc_gather1_body(updpk_h, bid_h, ugpk_h,
                     idx_v, b0_v, b1_v, gsem, osem):
    wid = _wid()
    base = wid * PW
    pltpu.sync_copy(bid_h.at[pl.ds(wid * RPW, RPW)], idx_v)
    bb = (b0_v, b1_v)
    pltpu.async_copy(updpk_h.at[idx_v.at[0]], b0_v, gsem)
    for j in range(RPW):
        if j >= 1:
            pltpu.make_async_copy(
                bb[(j - 1) % 2],
                ugpk_h.at[pl.ds(base + (j - 1) * 128, 128)], osem).wait()
        if j + 1 < RPW:
            pltpu.async_copy(updpk_h.at[idx_v.at[j + 1]], bb[(j + 1) % 2], gsem)
        pltpu.make_async_copy(updpk_h.at[idx_v.at[j]], bb[j % 2], gsem).wait()
        pltpu.async_copy(bb[j % 2],
                         ugpk_h.at[pl.ds(base + j * 128, 128)], osem)
    pltpu.make_async_copy(
        bb[(RPW - 1) % 2],
        ugpk_h.at[pl.ds(base + (RPW - 1) * 128, 128)], osem).wait()


def _sc_gather1(updpk, bid2):
    return pl.kernel(
        _sc_gather1_body,
        out_type=jax.ShapeDtypeStruct((N_ATOMS, HH), jnp.uint32),
        mesh=_MESH(),
        compiler_params=pltpu.CompilerParams(use_tc_tiling_on_sc=False),
        scratch_types=[
            pltpu.VMEM((RPW, 128), jnp.int32),
            pltpu.VMEM((128, HH), jnp.uint32),
            pltpu.VMEM((128, HH), jnp.uint32),
            pltpu.SemaphoreType.DMA,
            pltpu.SemaphoreType.DMA,
        ],
    )(updpk, bid2)



def _final_body(af_ref, ugpk_ref,
                wf1_ref, bf1_ref, wf2_ref, bf2_ref,
                g1_ref, b1_ref, g2_ref, b2_ref, out_ref):
    uglo, ughi = _unpack_bf16(ugpk_ref[...])
    upd = jnp.concatenate([uglo, ughi], axis=1)
    x = _ln(af_ref[...] + upd, g1_ref[...], b1_ref[...])
    f = jax.nn.relu(jnp.dot(x, wf1_ref[...],
                            preferred_element_type=jnp.float32) + bf1_ref[...])
    f = jnp.dot(f, wf2_ref[...],
                preferred_element_type=jnp.float32) + bf2_ref[...]
    out_ref[...] = _ln(x + f, g2_ref[...], b2_ref[...])


def kernel(atom_features, atom_positions, block_features, params, block_id):
    p = params
    af = atom_features
    posp16 = jnp.concatenate(
        [jnp.ones((N_ATOMS, 1), jnp.float32), atom_positions,
         jnp.zeros((N_ATOMS, 12), jnp.float32)], axis=1)
    bid2 = block_id.reshape(N_ATOMS // 128, 128)
    zeros16 = jnp.zeros((NB, 16), jnp.float32)
    zlohi = jnp.zeros((NB, HH), jnp.float32)

    cen_pad = jnp.zeros((128,), jnp.float32).at[:RBF].set(p['centers'])
    wid_pad = jnp.ones((128,), jnp.float32).at[:RBF].set(p['widths'])
    wg_pad = jnp.zeros((128, 128), jnp.float32).at[:RBF, :H4].set(p['Wg'])
    bg_pad = jnp.zeros((128,), jnp.float32).at[:H4].set(p['bg'])
    wka, wkb = p['Wk'][:H], jnp.zeros((128, H), jnp.float32).at[:H4].set(p['Wk'][H:])
    wva, wvb = p['Wv'][:H], jnp.zeros((128, H), jnp.float32).at[:H4].set(p['Wv'][H:])

    stats = _sc_stats(posp16, bid2, zeros16)

    cent16, qpk = pl.pallas_call(
        _centq_body,
        in_specs=[pl.BlockSpec((NC * NB, 16), lambda: (0, 0)),
                  pl.BlockSpec((NB, H), lambda: (0, 0)),
                  pl.BlockSpec((H, H), lambda: (0, 0)),
                  pl.BlockSpec((H,), lambda: (0,))],
        out_specs=[pl.BlockSpec((NB, 16), lambda: (0, 0)),
                   pl.BlockSpec((NB, HH), lambda: (0, 0))],
        out_shape=[jax.ShapeDtypeStruct((NB, 16), jnp.float32),
                   jax.ShapeDtypeStruct((NB, HH), jnp.uint32)],
    )(stats, block_features, p['Wq'], p['bq'])

    vec = lambda n: pl.BlockSpec((n,), lambda i: (0,))
    mat = lambda a, b: pl.BlockSpec((a, b), lambda i: (0, 0))

    accs = []
    for ci in range(NCH):
        off = ci * NA2
        centg, qpkg = _sc_gather2(cent16, qpk, bid2, off)

        ctile = lambda c: pl.BlockSpec((TILE, c), lambda i: (i, 0))
        ftile = lambda c: pl.BlockSpec(
            (TILE, c), lambda i, _o=off // TILE: (i + _o, 0))

        evlo, evhi, epk = pl.pallas_call(
            _atoms_body,
            grid=(NT2,),
            in_specs=[ftile(H), ftile(3), ctile(16), ctile(HH),
                      vec(128), vec(128), mat(128, 128), vec(128),
                      mat(H, H), mat(128, H), vec(H),
                      mat(H, H), mat(128, H), vec(H)],
            out_specs=[ctile(HH), ctile(HH),
                       pl.BlockSpec((TILE // 8, 128), lambda i: (i, 0))],
            out_shape=[jax.ShapeDtypeStruct((NA2, HH), jnp.float32),
                       jax.ShapeDtypeStruct((NA2, HH), jnp.float32),
                       jax.ShapeDtypeStruct((NA2 // 8, 128), jnp.float32)],
        )(af, atom_positions, centg, qpkg,
          cen_pad, wid_pad, wg_pad, bg_pad,
          wka, wkb, p['bk'], wva, wvb, p['bv'])

        e16 = epk.reshape(NA2, 16)
        accs.append(_sc_ctx(evlo, evhi, e16, bid2, zlohi, zeros16, off))

    (alo0, ahi0, ae0), (alo1, ahi1, ae1) = accs

    updpk, = pl.pallas_call(
        _upd_body,
        in_specs=[pl.BlockSpec((NC * NB, HH), lambda: (0, 0)),
                  pl.BlockSpec((NC * NB, HH), lambda: (0, 0)),
                  pl.BlockSpec((NC * NB, 16), lambda: (0, 0)),
                  pl.BlockSpec((NC * NB, HH), lambda: (0, 0)),
                  pl.BlockSpec((NC * NB, HH), lambda: (0, 0)),
                  pl.BlockSpec((NC * NB, 16), lambda: (0, 0)),
                  pl.BlockSpec((H, H), lambda: (0, 0)),
                  pl.BlockSpec((H,), lambda: (0,)),
                  pl.BlockSpec((H, H), lambda: (0, 0)),
                  pl.BlockSpec((H,), lambda: (0,))],
        out_specs=[pl.BlockSpec((NB, HH), lambda: (0, 0))],
        out_shape=[jax.ShapeDtypeStruct((NB, HH), jnp.uint32)],
    )(alo0, ahi0, ae0, alo1, ahi1, ae1,
      p['Wc1'], p['bc1'], p['Wc2'], p['bc2'])

    ugpk = _sc_gather1(updpk, bid2)

    atile = lambda c: pl.BlockSpec((TILE, c), lambda i: (i, 0))
    out = pl.pallas_call(
        _final_body,
        grid=(NT,),
        in_specs=[atile(H), atile(HH),
                  mat(H, 2 * H), vec(2 * H), mat(2 * H, H), vec(H),
                  vec(H), vec(H), vec(H), vec(H)],
        out_specs=atile(H),
        out_shape=jax.ShapeDtypeStruct((N_ATOMS, H), jnp.float32),
    )(af, ugpk,
      p['Wf1'], p['bf1'], p['Wf2'], p['bf2'],
      p['g1'], p['b1'], p['g2'], p['b2'])
    return out

# --- scband reference (transcript-rebuilt; emitter-appended) ---
"""Pipeline reference for scband-geometry-aware-cross-attention-15522011807843 (READ-ONLY COPY).

The authoritative reference and input builder live on the scoring server;
editing this copy changes nothing except your own understanding.
"""

import jax, jax.numpy as jnp
import numpy as np

N_ATOMS = 32768
NB = 1024
H = 256
H4 = H // 4
RBF = 16
CUTOFF = 10.0
EPS = 1e-5


def _layernorm(x, g, b):
    mu = jnp.mean(x, axis=-1, keepdims=True)
    var = jnp.mean((x - mu) ** 2, axis=-1, keepdims=True)
    return (x - mu) / jnp.sqrt(var + EPS) * g + b


def setup_inputs(seed: int = 0) -> dict:
    key = jax.random.key(seed)
    ks = [jax.random.fold_in(key, i) for i in range(32)]
    atom_features = jax.random.normal(ks[0], (N_ATOMS, H), dtype=jnp.float32)
    atom_positions = jax.random.normal(ks[1], (N_ATOMS, 3), dtype=jnp.float32)
    block_features = jax.random.normal(ks[2], (NB, H), dtype=jnp.float32)
    block_id = jnp.sort(jax.random.randint(ks[3], (N_ATOMS,), 0, NB)).astype(jnp.int32)
    s = 0.05
    params = {
        'centers': jnp.linspace(0.0, CUTOFF, RBF, dtype=jnp.float32),
        'widths': jnp.ones((RBF,), jnp.float32) * (CUTOFF / RBF),
        'Wg': jax.random.normal(ks[4], (RBF, H4), dtype=jnp.float32) * s,
        'bg': jnp.zeros((H4,), jnp.float32),
        'Wq': jax.random.normal(ks[5], (H, H), dtype=jnp.float32) * s,
        'bq': jnp.zeros((H,), jnp.float32),
        'Wk': jax.random.normal(ks[6], (H + H4, H), dtype=jnp.float32) * s,
        'bk': jnp.zeros((H,), jnp.float32),
        'Wv': jax.random.normal(ks[7], (H + H4, H), dtype=jnp.float32) * s,
        'bv': jnp.zeros((H,), jnp.float32),
        'Wc1': jax.random.normal(ks[8], (H, H), dtype=jnp.float32) * s,
        'bc1': jnp.zeros((H,), jnp.float32),
        'Wc2': jax.random.normal(ks[9], (H, H), dtype=jnp.float32) * s,
        'bc2': jnp.zeros((H,), jnp.float32),
        'Wf1': jax.random.normal(ks[10], (H, 2 * H), dtype=jnp.float32) * s,
        'bf1': jnp.zeros((2 * H,), jnp.float32),
        'Wf2': jax.random.normal(ks[11], (2 * H, H), dtype=jnp.float32) * s,
        'bf2': jnp.zeros((H,), jnp.float32),
        'g1': jnp.ones((H,), jnp.float32),
        'b1': jnp.zeros((H,), jnp.float32),
        'g2': jnp.ones((H,), jnp.float32),
        'b2': jnp.zeros((H,), jnp.float32),
    }
    return {'atom_features': atom_features, 'atom_positions': atom_positions,
            'block_features': block_features, 'params': params, 'block_id': block_id}


def _forward(af, pos, bf, p, bid):
    ones = jnp.ones((af.shape[0],), af.dtype)
    counts = jax.ops.segment_sum(ones, bid, num_segments=NB)
    safe = jnp.maximum(counts, 1.0)
    cent = jax.ops.segment_sum(pos, bid, num_segments=NB) / safe[:, None]
    rel = pos - cent[bid]
    dist = jnp.linalg.norm(rel, axis=1)
    rbf = jnp.exp(-(dist[:, None] - p['centers'][None, :]) ** 2 / (2.0 * p['widths'][None, :] ** 2))
    geom = rbf @ p['Wg'] + p['bg']
    aug = jnp.concatenate([af, geom], axis=1)
    Q = bf @ p['Wq'] + p['bq']
    K = aug @ p['Wk'] + p['bk']
    V = aug @ p['Wv'] + p['bv']
    s = jnp.sum(Q[bid] * K, axis=1) / np.sqrt(H)
    m = jax.ops.segment_max(s, bid, num_segments=NB)
    m = jnp.where(jnp.isfinite(m), m, 0.0)
    e = jnp.exp(s - m[bid])
    den = jax.ops.segment_sum(e, bid, num_segments=NB)
    w = e / jnp.maximum(den, 1e-30)[bid]
    ctx = jax.ops.segment_sum(w[:, None] * V, bid, num_segments=NB)
    upd = jax.nn.relu(ctx @ p['Wc1'] + p['bc1']) @ p['Wc2'] + p['bc2']
    x = _layernorm(af + upd[bid], p['g1'], p['b1'])
    f = jax.nn.relu(x @ p['Wf1'] + p['bf1']) @ p['Wf2'] + p['bf2']
    x = _layernorm(x + f, p['g2'], p['b2'])
    return x


def reference(atom_features, atom_positions, block_features, params, block_id):
    return _forward(atom_features, atom_positions, block_features, params, block_id)

if __name__ == "__main__":
    import jax
    _d = setup_inputs()
    print(jax.jit(kernel)(*tuple(_d.values())))

</pallas_src>

<mosaic_0001>
#map = affine_map<(d0, d1) -> (0, 0)>
module attributes {stable_mosaic.version = 14 : i64} {
  func.func @body(%arg0: i32, %arg1: i32, %arg2: memref<1024x16xf32, #tpu.memory_space<hbm>>, %arg3: memref<1024x128xi32, #tpu.memory_space<hbm>>, %arg4: memref<256x128xi32, #tpu.memory_space<hbm>>, %arg5: memref<16384x16xf32, #tpu.memory_space<hbm>>, %arg6: memref<16384x128xi32, #tpu.memory_space<hbm>>, %arg7: memref<4x128xi32, #tpu.memory_space<vmem>>, %arg8: memref<512x16xf32, #tpu.memory_space<vmem>>, %arg9: memref<128x128xi32, #tpu.memory_space<vmem>>, %arg10: memref<128x128xi32, #tpu.memory_space<vmem>>, %arg11: memref<!tpu.dma_semaphore, #tpu.memory_space<semaphore_mem>>, %arg12: memref<!tpu.dma_semaphore, #tpu.memory_space<semaphore_mem>>, %arg13: memref<!tpu.dma_semaphore, #tpu.memory_space<semaphore_mem>>) attributes {dimension_semantics = [#tpu.dimension_semantics<core_parallel>, #tpu.dimension_semantics<subcore_parallel>], iteration_bounds = array<i64: 2, 16>, scalar_prefetch = 0 : i64, scratch_operands = 7 : i64, tpu.core_type = #tpu.core_type<sc_vector_subcore>, window_params = [{transform_indices = #map}, {transform_indices = #map}, {transform_indices = #map}, {transform_indices = #map}, {transform_indices = #map}]} {
    %mul3A = arith.constant 2 : i32
    %mul3A_0 = arith.muli %arg1, %mul3A : i32
    %add3A = arith.addi %mul3A_0, %arg0 : i32
    %mul3A_1 = arith.constant 512 : i32
    %mul3A_2 = arith.muli %add3A, %mul3A_1 : i32
    %mul3A_3 = arith.constant 4 : i32
    %mul3A_4 = arith.muli %add3A, %mul3A_3 : i32
    %add3A_5 = arith.constant 0 : i32
    %add3A_6 = arith.addi %add3A_5, %mul3A_4 : i32
    "tpu.region"() ({
      %run_scoped3A = tpu.sem_alloc : memref<!tpu.dma_semaphore, #tpu.memory_space<semaphore_mem>>
      %dma_start3A_189 = arith.constant 0 : i32
      %dma_start3A_190 = tpu.memref_slice %arg4[%add3A_6, %dma_start3A_189] : memref<256x128xi32, #tpu.memory_space<hbm>> -> memref<4x128xi32, #tpu.memory_space<hbm>>
      %dma_start3A_191 = arith.constant 0 : i32
      %dma_start3A_192 = tpu.memref_slice %arg4[%add3A_6, %dma_start3A_191] : memref<256x128xi32, #tpu.memory_space<hbm>> -> memref<4x128xi32, #tpu.memory_space<hbm>>
      tpu.enqueue_dma source(%dma_start3A_192 : memref<4x128xi32, #tpu.memory_space<hbm>>) target(%arg7 : memref<4x128xi32, #tpu.memory_space<vmem>>) target_semaphore(%run_scoped3A : memref<!tpu.dma_semaphore, #tpu.memory_space<semaphore_mem>>)
      %dma_wait3A_193 = arith.constant 0 : i32
      %dma_wait3A_194 = tpu.memref_slice %arg4[%add3A_6, %dma_wait3A_193] : memref<256x128xi32, #tpu.memory_space<hbm>> -> memref<4x128xi32, #tpu.memory_space<hbm>>
      %dma_wait3A_195 = arith.constant 0 : i32
      %dma_wait3A_196 = tpu.memref_slice %arg4[%add3A_6, %dma_wait3A_195] : memref<256x128xi32, #tpu.memory_space<hbm>> -> memref<4x128xi32, #tpu.memory_space<hbm>>
      tpu.wait_dma2 semaphore(%run_scoped3A : memref<!tpu.dma_semaphore, #tpu.memory_space<semaphore_mem>>) src(%dma_wait3A_196 : memref<4x128xi32, #tpu.memory_space<hbm>>) dst(%arg7 : memref<4x128xi32, #tpu.memory_space<vmem>>)
      tpu.yield
    }) : () -> ()
    %dma_start3A = arith.constant 0 : i32
    %dma_start3A_7 = arith.constant 0 : i32
    %dma_start3A_8 = arith.constant 0 : i32
    %dma_start3A_9 = tpu.memref_slice %arg8[%dma_start3A_7, %dma_start3A_8] : memref<512x16xf32, #tpu.memory_space<vmem>> -> memref<128x16xf32, #tpu.memory_space<vmem>>
    %dma_start3A_10 = arith.constant 0 : i32
    %dma_start3A_11 = tpu.memref_slice %arg7[%dma_start3A, %dma_start3A_10] : memref<4x128xi32, #tpu.memory_space<vmem>> -> memref<1x128xi32, #tpu.memory_space<vmem>>
    %dma_start3A_12 = tpu.memref_squeeze %dma_start3A_11 : memref<1x128xi32, #tpu.memory_space<vmem>> -> memref<128xi32, #tpu.memory_space<vmem>>
    %dma_start3A_13 = arith.constant 0 : i32
    %dma_start3A_14 = arith.constant 0 : i32
    %dma_start3A_15 = tpu.memref_slice %arg2[%dma_start3A_13, %dma_start3A_14] : memref<1024x16xf32, #tpu.memory_space<hbm>> -> memref<1024x16xf32, #tpu.memory_space<hbm>>
    tpu.enqueue_indirect_dma source(%dma_start3A_15 : memref<1024x16xf32, #tpu.memory_space<hbm>>) target(%dma_start3A_9 : memref<128x16xf32, #tpu.memory_space<vmem>>) offsets(%dma_start3A_12 : memref<128xi32, #tpu.memory_space<vmem>>) semaphore(%arg11 : memref<!tpu.dma_semaphore, #tpu.memory_space<semaphore_mem>>)
    %dma_start3A_16 = arith.constant 1 : i32
    %dma_start3A_17 = arith.constant 128 : i32
    %dma_start3A_18 = arith.constant 0 : i32
    %dma_start3A_19 = tpu.memref_slice %arg8[%dma_start3A_17, %dma_start3A_18] : memref<512x16xf32, #tpu.memory_space<vmem>> -> memref<128x16xf32, #tpu.memory_space<vmem>>
    %dma_start3A_20 = arith.constant 0 : i32
    %dma_start3A_21 = tpu.memref_slice %arg7[%dma_start3A_16, %dma_start3A_20] : memref<4x128xi32, #tpu.memory_space<vmem>> -> memref<1x128xi32, #tpu.memory_space<vmem>>
    %dma_start3A_22 = tpu.memref_squeeze %dma_start3A_21 : memref<1x128xi32, #tpu.memory_space<vmem>> -> memref<128xi32, #tpu.memory_space<vmem>>
    %dma_start3A_23 = arith.constant 0 : i32
    %dma_start3A_24 = arith.constant 0 : i32
    %dma_start3A_25 = tpu.memref_slice %arg2[%dma_start3A_23, %dma_start3A_24] : memref<1024x16xf32, #tpu.memory_space<hbm>> -> memref<1024x16xf32, #tpu.memory_space<hbm>>
    tpu.enqueue_indirect_dma source(%dma_start3A_25 : memref<1024x16xf32, #tpu.memory_space<hbm>>) target(%dma_start3A_19 : memref<128x16xf32, #tpu.memory_space<vmem>>) offsets(%dma_start3A_22 : memref<128xi32, #tpu.memory_space<vmem>>) semaphore(%arg11 : memref<!tpu.dma_semaphore, #tpu.memory_space<semaphore_mem>>)
    %dma_start3A_26 = arith.constant 2 : i32
    %dma_start3A_27 = arith.constant 256 : i32
    %dma_start3A_28 = arith.constant 0 : i32
    %dma_start3A_29 = tpu.memref_slice %arg8[%dma_start3A_27, %dma_start3A_28] : memref<512x16xf32, #tpu.memory_space<vmem>> -> memref<128x16xf32, #tpu.memory_space<vmem>>
    %dma_start3A_30 = arith.constant 0 : i32
    %dma_start3A_31 = tpu.memref_slice %arg7[%dma_start3A_26, %dma_start3A_30] : memref<4x128xi32, #tpu.memory_space<vmem>> -> memref<1x128xi32, #tpu.memory_space<vmem>>
    %dma_start3A_32 = tpu.memref_squeeze %dma_start3A_31 : memref<1x128xi32, #tpu.memory_space<vmem>> -> memref<128xi32, #tpu.memory_space<vmem>>
    %dma_start3A_33 = arith.constant 0 : i32
    %dma_start3A_34 = arith.constant 0 : i32
    %dma_start3A_35 = tpu.memref_slice %arg2[%dma_start3A_33, %dma_start3A_34] : memref<1024x16xf32, #tpu.memory_space<hbm>> -> memref<1024x16xf32, #tpu.memory_space<hbm>>
    tpu.enqueue_indirect_dma source(%dma_start3A_35 : memref<1024x16xf32, #tpu.memory_space<hbm>>) target(%dma_start3A_29 : memref<128x16xf32, #tpu.memory_space<vmem>>) offsets(%dma_start3A_32 : memref<128xi32, #tpu.memory_space<vmem>>) semaphore(%arg11 : memref<!tpu.dma_semaphore, #tpu.memory_space<semaphore_mem>>)
    %dma_start3A_36 = arith.constant 3 : i32
    %dma_start3A_37 = arith.constant 384 : i32
    %dma_start3A_38 = arith.constant 0 : i32
    %dma_start3A_39 = tpu.memref_slice %arg8[%dma_start3A_37, %dma_start3A_38] : memref<512x16xf32, #tpu.memory_space<vmem>> -> memref<128x16xf32, #tpu.memory_space<vmem>>
    %dma_start3A_40 = arith.constant 0 : i32
    %dma_start3A_41 = tpu.memref_slice %arg7[%dma_start3A_36, %dma_start3A_40] : memref<4x128xi32, #tpu.memory_space<vmem>> -> memref<1x128xi32, #tpu.memory_space<vmem>>
    %dma_start3A_42 = tpu.memref_squeeze %dma_start3A_41 : memref<1x128xi32, #tpu.memory_space<vmem>> -> memref<128xi32, #tpu.memory_space<vmem>>
    %dma_start3A_43 = arith.constant 0 : i32
    %dma_start3A_44 = arith.constant 0 : i32
    %dma_start3A_45 = tpu.memref_slice %arg2[%dma_start3A_43, %dma_start3A_44] : memref<1024x16xf32, #tpu.memory_space<hbm>> -> memref<1024x16xf32, #tpu.memory_space<hbm>>
    tpu.enqueue_indirect_dma source(%dma_start3A_45 : memref<1024x16xf32, #tpu.memory_space<hbm>>) target(%dma_start3A_39 : memref<128x16xf32, #tpu.memory_space<vmem>>) offsets(%dma_start3A_42 : memref<128xi32, #tpu.memory_space<vmem>>) semaphore(%arg11 : memref<!tpu.dma_semaphore, #tpu.memory_space<semaphore_mem>>)
    %dma_start3A_46 = arith.constant 0 : i32
    %dma_start3A_47 = arith.constant 0 : i32
    %dma_start3A_48 = tpu.memref_slice %arg7[%dma_start3A_46, %dma_start3A_47] : memref<4x128xi32, #tpu.memory_space<vmem>> -> memref<1x128xi32, #tpu.memory_space<vmem>>
    %dma_start3A_49 = tpu.memref_squeeze %dma_start3A_48 : memref<1x128xi32, #tpu.memory_space<vmem>> -> memref<128xi32, #tpu.memory_space<vmem>>
    %dma_start3A_50 = arith.constant 0 : i32
    %dma_start3A_51 = arith.constant 0 : i32
    %dma_start3A_52 = tpu.memref_slice %arg3[%dma_start3A_50, %dma_start3A_51] : memref<1024x128xi32, #tpu.memory_space<hbm>> -> memref<1024x128xi32, #tpu.memory_space<hbm>>
    tpu.enqueue_indirect_dma source(%dma_start3A_52 : memref<1024x128xi32, #tpu.memory_space<hbm>>) target(%arg9 : memref<128x128xi32, #tpu.memory_space<vmem>>) offsets(%dma_start3A_49 : memref<128xi32, #tpu.memory_space<vmem>>) semaphore(%arg12 : memref<!tpu.dma_semaphore, #tpu.memory_space<semaphore_mem>>)
    %dma_start3A_53 = arith.constant 1 : i32
    %dma_start3A_54 = arith.constant 0 : i32
    %dma_start3A_55 = tpu.memref_slice %arg7[%dma_start3A_53, %dma_start3A_54] : memref<4x128xi32, #tpu.memory_space<vmem>> -> memref<1x128xi32, #tpu.memory_space<vmem>>
    %dma_start3A_56 = tpu.memref_squeeze %dma_start3A_55 : memref<1x128xi32, #tpu.memory_space<vmem>> -> memref<128xi32, #tpu.memory_space<vmem>>
    %dma_start3A_57 = arith.constant 0 : i32
    %dma_start3A_58 = arith.constant 0 : i32
    %dma_start3A_59 = tpu.memref_slice %arg3[%dma_start3A_57, %dma_start3A_58] : memref<1024x128xi32, #tpu.memory_space<hbm>> -> memref<1024x128xi32, #tpu.memory_space<hbm>>
    tpu.enqueue_indirect_dma source(%dma_start3A_59 : memref<1024x128xi32, #tpu.memory_space<hbm>>) target(%arg10 : memref<128x128xi32, #tpu.memory_space<vmem>>) offsets(%dma_start3A_56 : memref<128xi32, #tpu.memory_space<vmem>>) semaphore(%arg12 : memref<!tpu.dma_semaphore, #tpu.memory_space<semaphore_mem>>)
    %dma_wait3A = arith.constant 0 : i32
    %dma_wait3A_60 = arith.constant 0 : i32
    %dma_wait3A_61 = tpu.memref_slice %arg7[%dma_wait3A, %dma_wait3A_60] : memref<4x128xi32, #tpu.memory_space<vmem>> -> memref<1x128xi32, #tpu.memory_space<vmem>>
    %dma_wait3A_62 = tpu.memref_squeeze %dma_wait3A_61 : memref<1x128xi32, #tpu.memory_space<vmem>> -> memref<128xi32, #tpu.memory_space<vmem>>
    %dma_wait3A_63 = arith.constant 0 : i32
    %dma_wait3A_64 = arith.constant 0 : i32
    %dma_wait3A_65 = tpu.memref_slice %arg3[%dma_wait3A_63, %dma_wait3A_64] : memref<1024x128xi32, #tpu.memory_space<hbm>> -> memref<1024x128xi32, #tpu.memory_space<hbm>>
    tpu.wait_indirect_dma semaphore(%arg12 : memref<!tpu.dma_semaphore, #tpu.memory_space<semaphore_mem>>) src(%dma_wait3A_65 : memref<1024x128xi32, #tpu.memory_space<hbm>>) dst(%arg9 : memref<128x128xi32, #tpu.memory_space<vmem>>)
    %add3A_66 = arith.constant 0 : i32
    %add3A_67 = arith.addi %mul3A_2, %add3A_66 : i32
    %dma_start3A_68 = arith.constant 0 : i32
    %dma_start3A_69 = tpu.memref_slice %arg6[%add3A_67, %dma_start3A_68] : memref<16384x128xi32, #tpu.memory_space<hbm>> -> memref<128x128xi32, #tpu.memory_space<hbm>>
    %dma_start3A_70 = arith.constant 0 : i32
    %dma_start3A_71 = tpu.memref_slice %arg6[%add3A_67, %dma_start3A_70] : memref<16384x128xi32, #tpu.memory_space<hbm>> -> memref<128x128xi32, #tpu.memory_space<hbm>>
    tpu.enqueue_dma source(%arg9 : memref<128x128xi32, #tpu.memory_space<vmem>>) target(%dma_start3A_71 : memref<128x128xi32, #tpu.memory_space<hbm>>) target_semaphore(%arg13 : memref<!tpu.dma_semaphore, #tpu.memory_space<semaphore_mem>>)
    %add3A_72 = arith.constant 0 : i32
    %add3A_73 = arith.addi %mul3A_2, %add3A_72 : i32
    %dma_wait3A_74 = arith.constant 0 : i32
    %dma_wait3A_75 = tpu.memref_slice %arg6[%add3A_73, %dma_wait3A_74] : memref<16384x128xi32, #tpu.memory_space<hbm>> -> memref<128x128xi32, #tpu.memory_space<hbm>>
    %dma_wait3A_76 = arith.constant 0 : i32
    %dma_wait3A_77 = tpu.memref_slice %arg6[%add3A_73, %dma_wait3A_76] : memref<16384x128xi32, #tpu.memory_space<hbm>> -> memref<128x128xi32, #tpu.memory_space<hbm>>
    tpu.wait_dma2 semaphore(%arg13 : memref<!tpu.dma_semaphore, #tpu.memory_space<semaphore_mem>>) src(%arg9 : memref<128x128xi32, #tpu.memory_space<vmem>>) dst(%dma_wait3A_77 : memref<128x128xi32, #tpu.memory_space<hbm>>)
    %dma_start3A_78 = arith.constant 2 : i32
    %dma_start3A_79 = arith.constant 0 : i32
    %dma_start3A_80 = tpu.memref_slice %arg7[%dma_start3A_78, %dma_start3A_79] : memref<4x128xi32, #tpu.memory_space<vmem>> -> memref<1x128xi32, #tpu.memory_space<vmem>>
    %dma_start3A_81 = tpu.memref_squeeze %dma_start3A_80 : memref<1x128xi32, #tpu.memory_space<vmem>> -> memref<128xi32, #tpu.memory_space<vmem>>
    %dma_start3A_82 = arith.constant 0 : i32
    %dma_start3A_83 = arith.constant 0 : i32
    %dma_start3A_84 = tpu.memref_slice %arg3[%dma_start3A_82, %dma_start3A_83] : memref<1024x128xi32, #tpu.memory_space<hbm>> -> memref<1024x128xi32, #tpu.memory_space<hbm>>
    tpu.enqueue_indirect_dma source(%dma_start3A_84 : memref<1024x128xi32, #tpu.memory_space<hbm>>) target(%arg9 : memref<128x128xi32, #tpu.memory_space<vmem>>) offsets(%dma_start3A_81 : memref<128xi32, #tpu.memory_space<vmem>>) semaphore(%arg12 : memref<!tpu.dma_semaphore, #tpu.memory_space<semaphore_mem>>)
    %dma_wait3A_85 = arith.constant 1 : i32
    %dma_wait3A_86 = arith.constant 0 : i32
    %dma_wait3A_87 = tpu.memref_slice %arg7[%dma_wait3A_85, %dma_wait3A_86] : memref<4x128xi32, #tpu.memory_space<vmem>> -> memref<1x128xi32, #tpu.memory_space<vmem>>
    %dma_wait3A_88 = tpu.memref_squeeze %dma_wait3A_87 : memref<1x128xi32, #tpu.memory_space<vmem>> -> memref<128xi32, #tpu.memory_space<vmem>>
    %dma_wait3A_89 = arith.constant 0 : i32
    %dma_wait3A_90 = arith.constant 0 : i32
    %dma_wait3A_91 = tpu.memref_slice %arg3[%dma_wait3A_89, %dma_wait3A_90] : memref<1024x128xi32, #tpu.memory_space<hbm>> -> memref<1024x128xi32, #tpu.memory_space<hbm>>
    tpu.wait_indirect_dma semaphore(%arg12 : memref<!tpu.dma_semaphore, #tpu.memory_space<semaphore_mem>>) src(%dma_wait3A_91 : memref<1024x128xi32, #tpu.memory_space<hbm>>) dst(%arg10 : memref<128x128xi32, #tpu.memory_space<vmem>>)
    %add3A_92 = arith.constant 128 : i32
    %add3A_93 = arith.addi %mul3A_2, %add3A_92 : i32
    %dma_start3A_94 = arith.constant 0 : i32
    %dma_start3A_95 = tpu.memref_slice %arg6[%add3A_93, %dma_start3A_94] : memref<16384x128xi32, #tpu.memory_space<hbm>> -> memref<128x128xi32, #tpu.memory_space<hbm>>
    %dma_start3A_96 = arith.constant 0 : i32
    %dma_start3A_97 = tpu.memref_slice %arg6[%add3A_93, %dma_start3A_96] : memref<16384x128xi32, #tpu.memory_space<hbm>> -> memref<128x128xi32, #tpu.memory_space<hbm>>
    tpu.enqueue_dma source(%arg10 : memref<128x128xi32, #tpu.memory_space<vmem>>) target(%dma_start3A_97 : memref<128x128xi32, #tpu.memory_space<hbm>>) target_semaphore(%arg13 : memref<!tpu.dma_semaphore, #tpu.memory_space<semaphore_mem>>)
    %add3A_98 = arith.constant 128 : i32
    %add3A_99 = arith.addi %mul3A_2, %add3A_98 : i32
    %dma_wait3A_100 = arith.constant 0 : i32
    %dma_wait3A_101 = tpu.memref_slice %arg6[%add3A_99, %dma_wait3A_100] : memref<16384x128xi32, #tpu.memory_space<hbm>> -> memref<128x128xi32, #tpu.memory_space<hbm>>
    %dma_wait3A_102 = arith.constant 0 : i32
    %dma_wait3A_103 = tpu.memref_slice %arg6[%add3A_99, %dma_wait3A_102] : memref<16384x128xi32, #tpu.memory_space<hbm>> -> memref<128x128xi32, #tpu.memory_space<hbm>>
    tpu.wait_dma2 semaphore(%arg13 : memref<!tpu.dma_semaphore, #tpu.memory_space<semaphore_mem>>) src(%arg10 : memref<128x128xi32, #tpu.memory_space<vmem>>) dst(%dma_wait3A_103 : memref<128x128xi32, #tpu.memory_space<hbm>>)
    %dma_start3A_104 = arith.constant 3 : i32
    %dma_start3A_105 = arith.constant 0 : i32
    %dma_start3A_106 = tpu.memref_slice %arg7[%dma_start3A_104, %dma_start3A_105] : memref<4x128xi32, #tpu.memory_space<vmem>> -> memref<1x128xi32, #tpu.memory_space<vmem>>
    %dma_start3A_107 = tpu.memref_squeeze %dma_start3A_106 : memref<1x128xi32, #tpu.memory_space<vmem>> -> memref<128xi32, #tpu.memory_space<vmem>>
    %dma_start3A_108 = arith.constant 0 : i32
    %dma_start3A_109 = arith.constant 0 : i32
    %dma_start3A_110 = tpu.memref_slice %arg3[%dma_start3A_108, %dma_start3A_109] : memref<1024x128xi32, #tpu.memory_space<hbm>> -> memref<1024x128xi32, #tpu.memory_space<hbm>>
    tpu.enqueue_indirect_dma source(%dma_start3A_110 : memref<1024x128xi32, #tpu.memory_space<hbm>>) target(%arg10 : memref<128x128xi32, #tpu.memory_space<vmem>>) offsets(%dma_start3A_107 : memref<128xi32, #tpu.memory_space<vmem>>) semaphore(%arg12 : memref<!tpu.dma_semaphore, #tpu.memory_space<semaphore_mem>>)
    %dma_wait3A_111 = arith.constant 2 : i32
    %dma_wait3A_112 = arith.constant 0 : i32
    %dma_wait3A_113 = tpu.memref_slice %arg7[%dma_wait3A_111, %dma_wait3A_112] : memref<4x128xi32, #tpu.memory_space<vmem>> -> memref<1x128xi32, #tpu.memory_space<vmem>>
    %dma_wait3A_114 = tpu.memref_squeeze %dma_wait3A_113 : memref<1x128xi32, #tpu.memory_space<vmem>> -> memref<128xi32, #tpu.memory_space<vmem>>
    %dma_wait3A_115 = arith.constant 0 : i32
    %dma_wait3A_116 = arith.constant 0 : i32
    %dma_wait3A_117 = tpu.memref_slice %arg3[%dma_wait3A_115, %dma_wait3A_116] : memref<1024x128xi32, #tpu.memory_space<hbm>> -> memref<1024x128xi32, #tpu.memory_space<hbm>>
    tpu.wait_indirect_dma semaphore(%arg12 : memref<!tpu.dma_semaphore, #tpu.memory_space<semaphore_mem>>) src(%dma_wait3A_117 : memref<1024x128xi32, #tpu.memory_space<hbm>>) dst(%arg9 : memref<128x128xi32, #tpu.memory_space<vmem>>)
    %add3A_118 = arith.constant 256 : i32
    %add3A_119 = arith.addi %mul3A_2, %add3A_118 : i32
    %dma_start3A_120 = arith.constant 0 : i32
    %dma_start3A_121 = tpu.memref_slice %arg6[%add3A_119, %dma_start3A_120] : memref<16384x128xi32, #tpu.memory_space<hbm>> -> memref<128x128xi32, #tpu.memory_space<hbm>>
    %dma_start3A_122 = arith.constant 0 : i32
    %dma_start3A_123 = tpu.memref_slice %arg6[%add3A_119, %dma_start3A_122] : memref<16384x128xi32, #tpu.memory_space<hbm>> -> memref<128x128xi32, #tpu.memory_space<hbm>>
    tpu.enqueue_dma source(%arg9 : memref<128x128xi32, #tpu.memory_space<vmem>>) target(%dma_start3A_123 : memref<128x128xi32, #tpu.memory_space<hbm>>) target_semaphore(%arg13 : memref<!tpu.dma_semaphore, #tpu.memory_space<semaphore_mem>>)
    %add3A_124 = arith.constant 256 : i32
    %add3A_125 = arith.addi %mul3A_2, %add3A_124 : i32
    %dma_wait3A_126 = arith.constant 0 : i32
    %dma_wait3A_127 = tpu.memref_slice %arg6[%add3A_125, %dma_wait3A_126] : memref<16384x128xi32, #tpu.memory_space<hbm>> -> memref<128x128xi32, #tpu.memory_space<hbm>>
    %dma_wait3A_128 = arith.constant 0 : i32
    %dma_wait3A_129 = tpu.memref_slice %arg6[%add3A_125, %dma_wait3A_128] : memref<16384x128xi32, #tpu.memory_space<hbm>> -> memref<128x128xi32, #tpu.memory_space<hbm>>
    tpu.wait_dma2 semaphore(%arg13 : memref<!tpu.dma_semaphore, #tpu.memory_space<semaphore_mem>>) src(%arg9 : memref<128x128xi32, #tpu.memory_space<vmem>>) dst(%dma_wait3A_129 : memref<128x128xi32, #tpu.memory_space<hbm>>)
    %dma_wait3A_130 = arith.constant 3 : i32
    %dma_wait3A_131 = arith.constant 0 : i32
    %dma_wait3A_132 = tpu.memref_slice %arg7[%dma_wait3A_130, %dma_wait3A_131] : memref<4x128xi32, #tpu.memory_space<vmem>> -> memref<1x128xi32, #tpu.memory_space<vmem>>
    %dma_wait3A_133 = tpu.memref_squeeze %dma_wait3A_132 : memref<1x128xi32, #tpu.memory_space<vmem>> -> memref<128xi32, #tpu.memory_space<vmem>>
    %dma_wait3A_134 = arith.constant 0 : i32
    %dma_wait3A_135 = arith.constant 0 : i32
    %dma_wait3A_136 = tpu.memref_slice %arg3[%dma_wait3A_134, %dma_wait3A_135] : memref<1024x128xi32, #tpu.memory_space<hbm>> -> memref<1024x128xi32, #tpu.memory_space<hbm>>
    tpu.wait_indirect_dma semaphore(%arg12 : memref<!tpu.dma_semaphore, #tpu.memory_space<semaphore_mem>>) src(%dma_wait3A_136 : memref<1024x128xi32, #tpu.memory_space<hbm>>) dst(%arg10 : memref<128x128xi32, #tpu.memory_space<vmem>>)
    %add3A_137 = arith.constant 384 : i32
    %add3A_138 = arith.addi %mul3A_2, %add3A_137 : i32
    %dma_start3A_139 = arith.constant 0 : i32
    %dma_start3A_140 = tpu.memref_slice %arg6[%add3A_138, %dma_start3A_139] : memref<16384x128xi32, #tpu.memory_space<hbm>> -> memref<128x128xi32, #tpu.memory_space<hbm>>
    %dma_start3A_141 = arith.constant 0 : i32
    %dma_start3A_142 = tpu.memref_slice %arg6[%add3A_138, %dma_start3A_141] : memref<16384x128xi32, #tpu.memory_space<hbm>> -> memref<128x128xi32, #tpu.memory_space<hbm>>
    tpu.enqueue_dma source(%arg10 : memref<128x128xi32, #tpu.memory_space<vmem>>) target(%dma_start3A_142 : memref<128x128xi32, #tpu.memory_space<hbm>>) target_semaphore(%arg13 : memref<!tpu.dma_semaphore, #tpu.memory_space<semaphore_mem>>)
    %dma_wait3A_143 = arith.constant 0 : i32
    %dma_wait3A_144 = arith.constant 0 : i32
    %dma_wait3A_145 = arith.constant 0 : i32
    %dma_wait3A_146 = tpu.memref_slice %arg8[%dma_wait3A_144, %dma_wait3A_145] : memref<512x16xf32, #tpu.memory_space<vmem>> -> memref<128x16xf32, #tpu.memory_space<vmem>>
    %dma_wait3A_147 = arith.constant 0 : i32
    %dma_wait3A_148 = tpu.memref_slice %arg7[%dma_wait3A_143, %dma_wait3A_147] : memref<4x128xi32, #tpu.memory_space<vmem>> -> memref<1x128xi32, #tpu.memory_space<vmem>>
    %dma_wait3A_149 = tpu.memref_squeeze %dma_wait3A_148 : memref<1x128xi32, #tpu.memory_space<vmem>> -> memref<128xi32, #tpu.memory_space<vmem>>
    %dma_wait3A_150 = arith.constant 0 : i32
    %dma_wait3A_151 = arith.constant 0 : i32
    %dma_wait3A_152 = tpu.memref_slice %arg2[%dma_wait3A_150, %dma_wait3A_151] : memref<1024x16xf32, #tpu.memory_space<hbm>> -> memref<1024x16xf32, #tpu.memory_space<hbm>>
    tpu.wait_indirect_dma semaphore(%arg11 : memref<!tpu.dma_semaphore, #tpu.memory_space<semaphore_mem>>) src(%dma_wait3A_152 : memref<1024x16xf32, #tpu.memory_space<hbm>>) dst(%dma_wait3A_146 : memref<128x16xf32, #tpu.memory_space<vmem>>)
    %dma_wait3A_153 = arith.constant 1 : i32
    %dma_wait3A_154 = arith.constant 128 : i32
    %dma_wait3A_155 = arith.constant 0 : i32
    %dma_wait3A_156 = tpu.memref_slice %arg8[%dma_wait3A_154, %dma_wait3A_155] : memref<512x16xf32, #tpu.memory_space<vmem>> -> memref<128x16xf32, #tpu.memory_space<vmem>>
    %dma_wait3A_157 = arith.constant 0 : i32
    %dma_wait3A_158 = tpu.memref_slice %arg7[%dma_wait3A_153, %dma_wait3A_157] : memref<4x128xi32, #tpu.memory_space<vmem>> -> memref<1x128xi32, #tpu.memory_space<vmem>>
    %dma_wait3A_159 = tpu.memref_squeeze %dma_wait3A_158 : memref<1x128xi32, #tpu.memory_space<vmem>> -> memref<128xi32, #tpu.memory_space<vmem>>
    %dma_wait3A_160 = arith.constant 0 : i32
    %dma_wait3A_161 = arith.constant 0 : i32
    %dma_wait3A_162 = tpu.memref_slice %arg2[%dma_wait3A_160, %dma_wait3A_161] : memref<1024x16xf32, #tpu.memory_space<hbm>> -> memref<1024x16xf32, #tpu.memory_space<hbm>>
    tpu.wait_indirect_dma semaphore(%arg11 : memref<!tpu.dma_semaphore, #tpu.memory_space<semaphore_mem>>) src(%dma_wait3A_162 : memref<1024x16xf32, #tpu.memory_space<hbm>>) dst(%dma_wait3A_156 : memref<128x16xf32, #tpu.memory_space<vmem>>)
    %dma_wait3A_163 = arith.constant 2 : i32
    %dma_wait3A_164 = arith.constant 256 : i32
    %dma_wait3A_165 = arith.constant 0 : i32
    %dma_wait3A_166 = tpu.memref_slice %arg8[%dma_wait3A_164, %dma_wait3A_165] : memref<512x16xf32, #tpu.memory_space<vmem>> -> memref<128x16xf32, #tpu.memory_space<vmem>>
    %dma_wait3A_167 = arith.constant 0 : i32
    %dma_wait3A_168 = tpu.memref_slice %arg7[%dma_wait3A_163, %dma_wait3A_167] : memref<4x128xi32, #tpu.memory_space<vmem>> -> memref<1x128xi32, #tpu.memory_space<vmem>>
    %dma_wait3A_169 = tpu.memref_squeeze %dma_wait3A_168 : memref<1x128xi32, #tpu.memory_space<vmem>> -> memref<128xi32, #tpu.memory_space<vmem>>
    %dma_wait3A_170 = arith.constant 0 : i32
    %dma_wait3A_171 = arith.constant 0 : i32
    %dma_wait3A_172 = tpu.memref_slice %arg2[%dma_wait3A_170, %dma_wait3A_171] : memref<1024x16xf32, #tpu.memory_space<hbm>> -> memref<1024x16xf32, #tpu.memory_space<hbm>>
    tpu.wait_indirect_dma semaphore(%arg11 : memref<!tpu.dma_semaphore, #tpu.memory_space<semaphore_mem>>) src(%dma_wait3A_172 : memref<1024x16xf32, #tpu.memory_space<hbm>>) dst(%dma_wait3A_166 : memref<128x16xf32, #tpu.memory_space<vmem>>)
    %dma_wait3A_173 = arith.constant 3 : i32
    %dma_wait3A_174 = arith.constant 384 : i32
    %dma_wait3A_175 = arith.constant 0 : i32
    %dma_wait3A_176 = tpu.memref_slice %arg8[%dma_wait3A_174, %dma_wait3A_175] : memref<512x16xf32, #tpu.memory_space<vmem>> -> memref<128x16xf32, #tpu.memory_space<vmem>>
    %dma_wait3A_177 = arith.constant 0 : i32
    %dma_wait3A_178 = tpu.memref_slice %arg7[%dma_wait3A_173, %dma_wait3A_177] : memref<4x128xi32, #tpu.memory_space<vmem>> -> memref<1x128xi32, #tpu.memory_space<vmem>>
    %dma_wait3A_179 = tpu.memref_squeeze %dma_wait3A_178 : memref<1x128xi32, #tpu.memory_space<vmem>> -> memref<128xi32, #tpu.memory_space<vmem>>
    %dma_wait3A_180 = arith.constant 0 : i32
    %dma_wait3A_181 = arith.constant 0 : i32
    %dma_wait3A_182 = tpu.memref_slice %arg2[%dma_wait3A_180, %dma_wait3A_181] : memref<1024x16xf32, #tpu.memory_space<hbm>> -> memref<1024x16xf32, #tpu.memory_space<hbm>>
    tpu.wait_indirect_dma semaphore(%arg11 : memref<!tpu.dma_semaphore, #tpu.memory_space<semaphore_mem>>) src(%dma_wait3A_182 : memref<1024x16xf32, #tpu.memory_space<hbm>>) dst(%dma_wait3A_176 : memref<128x16xf32, #tpu.memory_space<vmem>>)
    "tpu.region"() ({
      %run_scoped3A = tpu.sem_alloc : memref<!tpu.dma_semaphore, #tpu.memory_space<semaphore_mem>>
      %dma_start3A_189 = arith.constant 0 : i32
      %dma_start3A_190 = tpu.memref_slice %arg5[%mul3A_2, %dma_start3A_189] : memref<16384x16xf32, #tpu.memory_space<hbm>> -> memref<512x16xf32, #tpu.memory_space<hbm>>
      %dma_start3A_191 = arith.constant 0 : i32
      %dma_start3A_192 = tpu.memref_slice %arg5[%mul3A_2, %dma_start3A_191] : memref<16384x16xf32, #tpu.memory_space<hbm>> -> memref<512x16xf32, #tpu.memory_space<hbm>>
      tpu.enqueue_dma source(%arg8 : memref<512x16xf32, #tpu.memory_space<vmem>>) target(%dma_start3A_192 : memref<512x16xf32, #tpu.memory_space<hbm>>) target_semaphore(%run_scoped3A : memref<!tpu.dma_semaphore, #tpu.memory_space<semaphore_mem>>)
      %dma_wait3A_193 = arith.constant 0 : i32
      %dma_wait3A_194 = tpu.memref_slice %arg5[%mul3A_2, %dma_wait3A_193] : memref<16384x16xf32, #tpu.memory_space<hbm>> -> memref<512x16xf32, #tpu.memory_space<hbm>>
      %dma_wait3A_195 = arith.constant 0 : i32
      %dma_wait3A_196 = tpu.memref_slice %arg5[%mul3A_2, %dma_wait3A_195] : memref<16384x16xf32, #tpu.memory_space<hbm>> -> memref<512x16xf32, #tpu.memory_space<hbm>>
      tpu.wait_dma2 semaphore(%run_scoped3A : memref<!tpu.dma_semaphore, #tpu.memory_space<semaphore_mem>>) src(%arg8 : memref<512x16xf32, #tpu.memory_space<vmem>>) dst(%dma_wait3A_196 : memref<512x16xf32, #tpu.memory_space<hbm>>)
      tpu.yield
    }) : () -> ()
    %add3A_183 = arith.constant 384 : i32
    %add3A_184 = arith.addi %mul3A_2, %add3A_183 : i32
    %dma_wait3A_185 = arith.constant 0 : i32
    %dma_wait3A_186 = tpu.memref_slice %arg6[%add3A_184, %dma_wait3A_185] : memref<16384x128xi32, #tpu.memory_space<hbm>> -> memref<128x128xi32, #tpu.memory_space<hbm>>
    %dma_wait3A_187 = arith.constant 0 : i32
    %dma_wait3A_188 = tpu.memref_slice %arg6[%add3A_184, %dma_wait3A_187] : memref<16384x128xi32, #tpu.memory_space<hbm>> -> memref<128x128xi32, #tpu.memory_space<hbm>>
    tpu.wait_dma2 semaphore(%arg13 : memref<!tpu.dma_semaphore, #tpu.memory_space<semaphore_mem>>) src(%arg10 : memref<128x128xi32, #tpu.memory_space<vmem>>) dst(%dma_wait3A_188 : memref<128x128xi32, #tpu.memory_space<hbm>>)
    return
  }
}

#map = affine_map<(d0, d1) -> (0, 0)>
module attributes {stable_mosaic.version = 14 : i64} {
  func.func @_sc_stats_body(%arg0: i32, %arg1: i32, %arg2: memref<32768x16xf32, #tpu.memory_space<hbm>>, %arg3: memref<256x128xi32, #tpu.memory_space<hbm>>, %arg4: memref<1024x16xf32, #tpu.memory_space<hbm>>, %arg5: memref<2048x16xf32, #tpu.memory_space<hbm>>, %arg6: memref<8x128xi32, #tpu.memory_space<vmem>>, %arg7: memref<1024x16xf32, #tpu.memory_space<vmem>>, %arg8: memref<64x16xf32, #tpu.memory_space<vmem>>, %arg9: memref<1024x16xf32, #tpu.memory_space<vmem_shared>>) attributes {dimension_semantics = [#tpu.dimension_semantics<core_parallel>, #tpu.dimension_semantics<subcore_parallel>], iteration_bounds = array<i64: 2, 16>, scalar_prefetch = 0 : i64, scratch_operands = 4 : i64, tpu.core_type = #tpu.core_type<sc_vector_subcore>, window_params = [{transform_indices = #map}, {transform_indices = #map}, {transform_indices = #map}, {transform_indices = #map}]} {
    %mul3A = arith.constant 2 : i32
    %mul3A_0 = arith.muli %arg1, %mul3A : i32
    %add3A = arith.addi %mul3A_0, %arg0 : i32
    %mul3A_1 = arith.constant 64 : i32
    %mul3A_2 = arith.muli %arg1, %mul3A_1 : i32
    "tpu.region"() ({
      %run_scoped3A_24 = tpu.sem_alloc : memref<!tpu.dma_semaphore, #tpu.memory_space<semaphore_mem>>
      %dma_start3A = arith.constant 0 : i32
      %dma_start3A_25 = tpu.memref_slice %arg4[%mul3A_2, %dma_start3A] : memref<1024x16xf32, #tpu.memory_space<hbm>> -> memref<64x16xf32, #tpu.memory_space<hbm>>
      %dma_start3A_26 = arith.constant 0 : i32
      %dma_start3A_27 = tpu.memref_slice %arg4[%mul3A_2, %dma_start3A_26] : memref<1024x16xf32, #tpu.memory_space<hbm>> -> memref<64x16xf32, #tpu.memory_space<hbm>>
      tpu.enqueue_dma source(%dma_start3A_27 : memref<64x16xf32, #tpu.memory_space<hbm>>) target(%arg8 : memref<64x16xf32, #tpu.memory_space<vmem>>) target_semaphore(%run_scoped3A_24 : memref<!tpu.dma_semaphore, #tpu.memory_space<semaphore_mem>>)
      %dma_wait3A = arith.constant 0 : i32
      %dma_wait3A_28 = tpu.memref_slice %arg4[%mul3A_2, %dma_wait3A] : memref<1024x16xf32, #tpu.memory_space<hbm>> -> memref<64x16xf32, #tpu.memory_space<hbm>>
      %dma_wait3A_29 = arith.constant 0 : i32
      %dma_wait3A_30 = tpu.memref_slice %arg4[%mul3A_2, %dma_wait3A_29] : memref<1024x16xf32, #tpu.memory_space<hbm>> -> memref<64x16xf32, #tpu.memory_space<hbm>>
      tpu.wait_dma2 semaphore(%run_scoped3A_24 : memref<!tpu.dma_semaphore, #tpu.memory_space<semaphore_mem>>) src(%dma_wait3A_30 : memref<64x16xf32, #tpu.memory_space<hbm>>) dst(%arg8 : memref<64x16xf32, #tpu.memory_space<vmem>>)
      tpu.yield
    }) : () -> ()
    %mul3A_3 = arith.constant 64 : i32
    %mul3A_4 = arith.muli %arg1, %mul3A_3 : i32
    "tpu.region"() ({
      %run_scoped3A_24 = tpu.sem_alloc : memref<!tpu.dma_semaphore, #tpu.memory_space<semaphore_mem>>
      %dma_start3A = arith.constant 0 : i32
      %dma_start3A_25 = tpu.memref_slice %arg9[%mul3A_4, %dma_start3A] : memref<1024x16xf32, #tpu.memory_space<vmem_shared>> -> memref<64x16xf32, #tpu.memory_space<vmem_shared>>
      %dma_start3A_26 = arith.constant 0 : i32
      %dma_start3A_27 = tpu.memref_slice %arg9[%mul3A_4, %dma_start3A_26] : memref<1024x16xf32, #tpu.memory_space<vmem_shared>> -> memref<64x16xf32, #tpu.memory_space<vmem_shared>>
      tpu.enqueue_dma source(%arg8 : memref<64x16xf32, #tpu.memory_space<vmem>>) target(%dma_start3A_27 : memref<64x16xf32, #tpu.memory_space<vmem_shared>>) target_semaphore(%run_scoped3A_24 : memref<!tpu.dma_semaphore, #tpu.memory_space<semaphore_mem>>)
      %dma_wait3A = arith.constant 0 : i32
      %dma_wait3A_28 = tpu.memref_slice %arg9[%mul3A_4, %dma_wait3A] : memref<1024x16xf32, #tpu.memory_space<vmem_shared>> -> memref<64x16xf32, #tpu.memory_space<vmem_shared>>
      %dma_wait3A_29 = arith.constant 0 : i32
      %dma_wait3A_30 = tpu.memref_slice %arg9[%mul3A_4, %dma_wait3A_29] : memref<1024x16xf32, #tpu.memory_space<vmem_shared>> -> memref<64x16xf32, #tpu.memory_space<vmem_shared>>
      tpu.wait_dma2 semaphore(%run_scoped3A_24 : memref<!tpu.dma_semaphore, #tpu.memory_space<semaphore_mem>>) src(%arg8 : memref<64x16xf32, #tpu.memory_space<vmem>>) dst(%dma_wait3A_30 : memref<64x16xf32, #tpu.memory_space<vmem_shared>>)
      tpu.yield
    }) : () -> ()
    %barrier3A = arith.constant 0 : index
    tpu.barrier barrier_id(%barrier3A)
    %mul3A_5 = arith.constant 8 : i32
    %mul3A_6 = arith.muli %add3A, %mul3A_5 : i32
    "tpu.region"() ({
      %run_scoped3A_24 = tpu.sem_alloc : memref<!tpu.dma_semaphore, #tpu.memory_space<semaphore_mem>>
      %dma_start3A = arith.constant 0 : i32
      %dma_start3A_25 = tpu.memref_slice %arg3[%mul3A_6, %dma_start3A] : memref<256x128xi32, #tpu.memory_space<hbm>> -> memref<8x128xi32, #tpu.memory_space<hbm>>
      %dma_start3A_26 = arith.constant 0 : i32
      %dma_start3A_27 = tpu.memref_slice %arg3[%mul3A_6, %dma_start3A_26] : memref<256x128xi32, #tpu.memory_space<hbm>> -> memref<8x128xi32, #tpu.memory_space<hbm>>
      tpu.enqueue_dma source(%dma_start3A_27 : memref<8x128xi32, #tpu.memory_space<hbm>>) target(%arg6 : memref<8x128xi32, #tpu.memory_space<vmem>>) target_semaphore(%run_scoped3A_24 : memref<!tpu.dma_semaphore, #tpu.memory_space<semaphore_mem>>)
      %dma_wait3A = arith.constant 0 : i32
      %dma_wait3A_28 = tpu.memref_slice %arg3[%mul3A_6, %dma_wait3A] : memref<256x128xi32, #tpu.memory_space<hbm>> -> memref<8x128xi32, #tpu.memory_space<hbm>>
      %dma_wait3A_29 = arith.constant 0 : i32
      %dma_wait3A_30 = tpu.memref_slice %arg3[%mul3A_6, %dma_wait3A_29] : memref<256x128xi32, #tpu.memory_space<hbm>> -> memref<8x128xi32, #tpu.memory_space<hbm>>
      tpu.wait_dma2 semaphore(%run_scoped3A_24 : memref<!tpu.dma_semaphore, #tpu.memory_space<semaphore_mem>>) src(%dma_wait3A_30 : memref<8x128xi32, #tpu.memory_space<hbm>>) dst(%arg6 : memref<8x128xi32, #tpu.memory_space<vmem>>)
      tpu.yield
    }) : () -> ()
    %mul3A_7 = arith.constant 1024 : i32
    %mul3A_8 = arith.muli %add3A, %mul3A_7 : i32
    "tpu.region"() ({
      %run_scoped3A_24 = tpu.sem_alloc : memref<!tpu.dma_semaphore, #tpu.memory_space<semaphore_mem>>
      %dma_start3A = arith.constant 0 : i32
      %dma_start3A_25 = tpu.memref_slice %arg2[%mul3A_8, %dma_start3A] : memref<32768x16xf32, #tpu.memory_space<hbm>> -> memref<1024x16xf32, #tpu.memory_space<hbm>>
      %dma_start3A_26 = arith.constant 0 : i32
      %dma_start3A_27 = tpu.memref_slice %arg2[%mul3A_8, %dma_start3A_26] : memref<32768x16xf32, #tpu.memory_space<hbm>> -> memref<1024x16xf32, #tpu.memory_space<hbm>>
      tpu.enqueue_dma source(%dma_start3A_27 : memref<1024x16xf32, #tpu.memory_space<hbm>>) target(%arg7 : memref<1024x16xf32, #tpu.memory_space<vmem>>) target_semaphore(%run_scoped3A_24 : memref<!tpu.dma_semaphore, #tpu.memory_space<semaphore_mem>>)
      %dma_wait3A = arith.constant 0 : i32
      %dma_wait3A_28 = tpu.memref_slice %arg2[%mul3A_8, %dma_wait3A] : memref<32768x16xf32, #tpu.memory_space<hbm>> -> memref<1024x16xf32, #tpu.memory_space<hbm>>
      %dma_wait3A_29 = arith.constant 0 : i32
      %dma_wait3A_30 = tpu.memref_slice %arg2[%mul3A_8, %dma_wait3A_29] : memref<32768x16xf32, #tpu.memory_space<hbm>> -> memref<1024x16xf32, #tpu.memory_space<hbm>>
      tpu.wait_dma2 semaphore(%run_scoped3A_24 : memref<!tpu.dma_semaphore, #tpu.memory_space<semaphore_mem>>) src(%dma_wait3A_30 : memref<1024x16xf32, #tpu.memory_space<hbm>>) dst(%arg7 : memref<1024x16xf32, #tpu.memory_space<vmem>>)
      tpu.yield
    }) : () -> ()
    %run_scoped3A = arith.constant 0 : i32
    "tpu.region"() ({
      %run_scoped3A_24 = tpu.sem_alloc : memref<!tpu.dma_semaphore, #tpu.memory_space<semaphore_mem>>
      %dma_start3A = arith.constant 0 : i32
      %dma_start3A_25 = arith.constant 0 : i32
      %dma_start3A_26 = tpu.memref_slice %arg7[%dma_start3A, %dma_start3A_25] : memref<1024x16xf32, #tpu.memory_space<vmem>> -> memref<128x16xf32, #tpu.memory_space<vmem>>
      %dma_start3A_27 = arith.constant 0 : i32
      %dma_start3A_28 = tpu.memref_slice %arg6[%run_scoped3A, %dma_start3A_27] : memref<8x128xi32, #tpu.memory_space<vmem>> -> memref<1x128xi32, #tpu.memory_space<vmem>>
      %dma_start3A_29 = tpu.memref_squeeze %dma_start3A_28 : memref<1x128xi32, #tpu.memory_space<vmem>> -> memref<128xi32, #tpu.memory_space<vmem>>
      %dma_start3A_30 = arith.constant 0 : i32
      %dma_start3A_31 = arith.constant 0 : i32
      %dma_start3A_32 = tpu.memref_slice %arg9[%dma_start3A_30, %dma_start3A_31] : memref<1024x16xf32, #tpu.memory_space<vmem_shared>> -> memref<1024x16xf32, #tpu.memory_space<vmem_shared>>
      tpu.enqueue_indirect_dma source(%dma_start3A_26 : memref<128x16xf32, #tpu.memory_space<vmem>>) target(%dma_start3A_32 : memref<1024x16xf32, #tpu.memory_space<vmem_shared>>) offsets(%dma_start3A_29 : memref<128xi32, #tpu.memory_space<vmem>>) semaphore(%run_scoped3A_24 : memref<!tpu.dma_semaphore, #tpu.memory_space<semaphore_mem>>) {add = true}
      %dma_wait3A = arith.constant 0 : i32
      %dma_wait3A_33 = arith.constant 0 : i32
      %dma_wait3A_34 = tpu.memref_slice %arg7[%dma_wait3A, %dma_wait3A_33] : memref<1024x16xf32, #tpu.memory_space<vmem>> -> memref<128x16xf32, #tpu.memory_space<vmem>>
      %dma_wait3A_35 = arith.constant 0 : i32
      %dma_wait3A_36 = tpu.memref_slice %arg6[%run_scoped3A, %dma_wait3A_35] : memref<8x128xi32, #tpu.memory_space<vmem>> -> memref<1x128xi32, #tpu.memory_space<vmem>>
      %dma_wait3A_37 = tpu.memref_squeeze %dma_wait3A_36 : memref<1x128xi32, #tpu.memory_space<vmem>> -> memref<128xi32, #tpu.memory_space<vmem>>
      %dma_wait3A_38 = arith.constant 0 : i32
      %dma_wait3A_39 = arith.constant 0 : i32
      %dma_wait3A_40 = tpu.memref_slice %arg9[%dma_wait3A_38, %dma_wait3A_39] : memref<1024x16xf32, #tpu.memory_space<vmem_shared>> -> memref<1024x16xf32, #tpu.memory_space<vmem_shared>>
      tpu.wait_indirect_dma semaphore(%run_scoped3A_24 : memref<!tpu.dma_semaphore, #tpu.memory_space<semaphore_mem>>) src(%dma_wait3A_34 : memref<128x16xf32, #tpu.memory_space<vmem>>) dst(%dma_wait3A_40 : memref<1024x16xf32, #tpu.memory_space<vmem_shared>>)
      tpu.yield
    }) : () -> ()
    %run_scoped3A_9 = arith.constant 1 : i32
    "tpu.region"() ({
      %run_scoped3A_24 = tpu.sem_alloc : memref<!tpu.dma_semaphore, #tpu.memory_space<semaphore_mem>>
      %dma_start3A = arith.constant 128 : i32
      %dma_start3A_25 = arith.constant 0 : i32
      %dma_start3A_26 = tpu.memref_slice %arg7[%dma_start3A, %dma_start3A_25] : memref<1024x16xf32, #tpu.memory_space<vmem>> -> memref<128x16xf32, #tpu.memory_space<vmem>>
      %dma_start3A_27 = arith.constant 0 : i32
      %dma_start3A_28 = tpu.memref_slice %arg6[%run_scoped3A_9, %dma_start3A_27] : memref<8x128xi32, #tpu.memory_space<vmem>> -> memref<1x128xi32, #tpu.memory_space<vmem>>
      %dma_start3A_29 = tpu.memref_squeeze %dma_start3A_28 : memref<1x128xi32, #tpu.memory_space<vmem>> -> memref<128xi32, #tpu.memory_space<vmem>>
      %dma_start3A_30 = arith.constant 0 : i32
      %dma_start3A_31 = arith.constant 0 : i32
      %dma_start3A_32 = tpu.memref_slice %arg9[%dma_start3A_30, %dma_start3A_31] : memref<1024x16xf32, #tpu.memory_space<vmem_shared>> -> memref<1024x16xf32, #tpu.memory_space<vmem_shared>>
      tpu.enqueue_indirect_dma source(%dma_start3A_26 : memref<128x16xf32, #tpu.memory_space<vmem>>) target(%dma_start3A_32 : memref<1024x16xf32, #tpu.memory_space<vmem_shared>>) offsets(%dma_start3A_29 : memref<128xi32, #tpu.memory_space<vmem>>) semaphore(%run_scoped3A_24 : memref<!tpu.dma_semaphore, #tpu.memory_space<semaphore_mem>>) {add = true}
      %dma_wait3A = arith.constant 128 : i32
      %dma_wait3A_33 = arith.constant 0 : i32
      %dma_wait3A_34 = tpu.memref_slice %arg7[%dma_wait3A, %dma_wait3A_33] : memref<1024x16xf32, #tpu.memory_space<vmem>> -> memref<128x16xf32, #tpu.memory_space<vmem>>
      %dma_wait3A_35 = arith.constant 0 : i32
      %dma_wait3A_36 = tpu.memref_slice %arg6[%run_scoped3A_9, %dma_wait3A_35] : memref<8x128xi32, #tpu.memory_space<vmem>> -> memref<1x128xi32, #tpu.memory_space<vmem>>
      %dma_wait3A_37 = tpu.memref_squeeze %dma_wait3A_36 : memref<1x128xi32, #tpu.memory_space<vmem>> -> memref<128xi32, #tpu.memory_space<vmem>>
      %dma_wait3A_38 = arith.constant 0 : i32
      %dma_wait3A_39 = arith.constant 0 : i32
      %dma_wait3A_40 = tpu.memref_slice %arg9[%dma_wait3A_38, %dma_wait3A_39] : memref<1024x16xf32, #tpu.memory_space<vmem_shared>> -> memref<1024x16xf32, #tpu.memory_space<vmem_shared>>
      tpu.wait_indirect_dma semaphore(%run_scoped3A_24 : memref<!tpu.dma_semaphore, #tpu.memory_space<semaphore_mem>>) src(%dma_wait3A_34 : memref<128x16xf32, #tpu.memory_space<vmem>>) dst(%dma_wait3A_40 : memref<1024x16xf32, #tpu.memory_space<vmem_shared>>)
      tpu.yield
    }) : () -> ()
    %run_scoped3A_10 = arith.constant 2 : i32
    "tpu.region"() ({
      %run_scoped3A_24 = tpu.sem_alloc : memref<!tpu.dma_semaphore, #tpu.memory_space<semaphore_mem>>
      %dma_start3A = arith.constant 256 : i32
      %dma_start3A_25 = arith.constant 0 : i32
      %dma_start3A_26 = tpu.memref_slice %arg7[%dma_start3A, %dma_start3A_25] : memref<1024x16xf32, #tpu.memory_space<vmem>> -> memref<128x16xf32, #tpu.memory_space<vmem>>
      %dma_start3A_27 = arith.constant 0 : i32
      %dma_start3A_28 = tpu.memref_slice %arg6[%run_scoped3A_10, %dma_start3A_27] : memref<8x128xi32, #tpu.memory_space<vmem>> -> memref<1x128xi32, #tpu.memory_space<vmem>>
      %dma_start3A_29 = tpu.memref_squeeze %dma_start3A_28 : memref<1x128xi32, #tpu.memory_space<vmem>> -> memref<128xi32, #tpu.memory_space<vmem>>
      %dma_start3A_30 = arith.constant 0 : i32
      %dma_start3A_31 = arith.constant 0 : i32
      %dma_start3A_32 = tpu.memref_slice %arg9[%dma_start3A_30, %dma_start3A_31] : memref<1024x16xf32, #tpu.memory_space<vmem_shared>> -> memref<1024x16xf32, #tpu.memory_space<vmem_shared>>
      tpu.enqueue_indirect_dma source(%dma_start3A_26 : memref<128x16xf32, #tpu.memory_space<vmem>>) target(%dma_start3A_32 : memref<1024x16xf32, #tpu.memory_space<vmem_shared>>) offsets(%dma_start3A_29 : memref<128xi32, #tpu.memory_space<vmem>>) semaphore(%run_scoped3A_24 : memref<!tpu.dma_semaphore, #tpu.memory_space<semaphore_mem>>) {add = true}
      %dma_wait3A = arith.constant 256 : i32
      %dma_wait3A_33 = arith.constant 0 : i32
      %dma_wait3A_34 = tpu.memref_slice %arg7[%dma_wait3A, %dma_wait3A_33] : memref<1024x16xf32, #tpu.memory_space<vmem>> -> memref<128x16xf32, #tpu.memory_space<vmem>>
      %dma_wait3A_35 = arith.constant 0 : i32
      %dma_wait3A_36 = tpu.memref_slice %arg6[%run_scoped3A_10, %dma_wait3A_35] : memref<8x128xi32, #tpu.memory_space<vmem>> -> memref<1x128xi32, #tpu.memory_space<vmem>>
      %dma_wait3A_37 = tpu.memref_squeeze %dma_wait3A_36 : memref<1x128xi32, #tpu.memory_space<vmem>> -> memref<128xi32, #tpu.memory_space<vmem>>
      %dma_wait3A_38 = arith.constant 0 : i32
      %dma_wait3A_39 = arith.constant 0 : i32
      %dma_wait3A_40 = tpu.memref_slice %arg9[%dma_wait3A_38, %dma_wait3A_39] : memref<1024x16xf32, #tpu.memory_space<vmem_shared>> -> memref<1024x16xf32, #tpu.memory_space<vmem_shared>>
      tpu.wait_indirect_dma semaphore(%run_scoped3A_24 : memref<!tpu.dma_semaphore, #tpu.memory_space<semaphore_mem>>) src(%dma_wait3A_34 : memref<128x16xf32, #tpu.memory_space<vmem>>) dst(%dma_wait3A_40 : memref<1024x16xf32, #tpu.memory_space<vmem_shared>>)
      tpu.yield
    }) : () -> ()
    %run_scoped3A_11 = arith.constant 3 : i32
    "tpu.region"() ({
      %run_scoped3A_24 = tpu.sem_alloc : memref<!tpu.dma_semaphore, #tpu.memory_space<semaphore_mem>>
      %dma_start3A = arith.constant 384 : i32
      %dma_start3A_25 = arith.constant 0 : i32
      %dma_start3A_26 = tpu.memref_slice %arg7[%dma_start3A, %dma_start3A_25] : memref<1024x16xf32, #tpu.memory_space<vmem>> -> memref<128x16xf32, #tpu.memory_space<vmem>>
      %dma_start3A_27 = arith.constant 0 : i32
      %dma_start3A_28 = tpu.memref_slice %arg6[%run_scoped3A_11, %dma_start3A_27] : memref<8x128xi32, #tpu.memory_space<vmem>> -> memref<1x128xi32, #tpu.memory_space<vmem>>
      %dma_start3A_29 = tpu.memref_squeeze %dma_start3A_28 : memref<1x128xi32, #tpu.memory_space<vmem>> -> memref<128xi32, #tpu.memory_space<vmem>>
      %dma_start3A_30 = arith.constant 0 : i32
      %dma_start3A_31 = arith.constant 0 : i32
      %dma_start3A_32 = tpu.memref_slice %arg9[%dma_start3A_30, %dma_start3A_31] : memref<1024x16xf32, #tpu.memory_space<vmem_shared>> -> memref<1024x16xf32, #tpu.memory_space<vmem_shared>>
      tpu.enqueue_indirect_dma source(%dma_start3A_26 : memref<128x16xf32, #tpu.memory_space<vmem>>) target(%dma_start3A_32 : memref<1024x16xf32, #tpu.memory_space<vmem_shared>>) offsets(%dma_start3A_29 : memref<128xi32, #tpu.memory_space<vmem>>) semaphore(%run_scoped3A_24 : memref<!tpu.dma_semaphore, #tpu.memory_space<semaphore_mem>>) {add = true}
      %dma_wait3A = arith.constant 384 : i32
      %dma_wait3A_33 = arith.constant 0 : i32
      %dma_wait3A_34 = tpu.memref_slice %arg7[%dma_wait3A, %dma_wait3A_33] : memref<1024x16xf32, #tpu.memory_space<vmem>> -> memref<128x16xf32, #tpu.memory_space<vmem>>
      %dma_wait3A_35 = arith.constant 0 : i32
      %dma_wait3A_36 = tpu.memref_slice %arg6[%run_scoped3A_11, %dma_wait3A_35] : memref<8x128xi32, #tpu.memory_space<vmem>> -> memref<1x128xi32, #tpu.memory_space<vmem>>
      %dma_wait3A_37 = tpu.memref_squeeze %dma_wait3A_36 : memref<1x128xi32, #tpu.memory_space<vmem>> -> memref<128xi32, #tpu.memory_space<vmem>>
      %dma_wait3A_38 = arith.constant 0 : i32
      %dma_wait3A_39 = arith.constant 0 : i32
      %dma_wait3A_40 = tpu.memref_slice %arg9[%dma_wait3A_38, %dma_wait3A_39] : memref<1024x16xf32, #tpu.memory_space<vmem_shared>> -> memref<1024x16xf32, #tpu.memory_space<vmem_shared>>
      tpu.wait_indirect_dma semaphore(%run_scoped3A_24 : memref<!tpu.dma_semaphore, #tpu.memory_space<semaphore_mem>>) src(%dma_wait3A_34 : memref<128x16xf32, #tpu.memory_space<vmem>>) dst(%dma_wait3A_40 : memref<1024x16xf32, #tpu.memory_space<vmem_shared>>)
      tpu.yield
    }) : () -> ()
    %run_scoped3A_12 = arith.constant 4 : i32
    "tpu.region"() ({
      %run_scoped3A_24 = tpu.sem_alloc : memref<!tpu.dma_semaphore, #tpu.memory_space<semaphore_mem>>
      %dma_start3A = arith.constant 512 : i32
      %dma_start3A_25 = arith.constant 0 : i32
      %dma_start3A_26 = tpu.memref_slice %arg7[%dma_start3A, %dma_start3A_25] : memref<1024x16xf32, #tpu.memory_space<vmem>> -> memref<128x16xf32, #tpu.memory_space<vmem>>
      %dma_start3A_27 = arith.constant 0 : i32
      %dma_start3A_28 = tpu.memref_slice %arg6[%run_scoped3A_12, %dma_start3A_27] : memref<8x128xi32, #tpu.memory_space<vmem>> -> memref<1x128xi32, #tpu.memory_space<vmem>>
      %dma_start3A_29 = tpu.memref_squeeze %dma_start3A_28 : memref<1x128xi32, #tpu.memory_space<vmem>> -> memref<128xi32, #tpu.memory_space<vmem>>
      %dma_start3A_30 = arith.constant 0 : i32
      %dma_start3A_31 = arith.constant 0 : i32
      %dma_start3A_32 = tpu.memref_slice %arg9[%dma_start3A_30, %dma_start3A_31] : memref<1024x16xf32, #tpu.memory_space<vmem_shared>> -> memref<1024x16xf32, #tpu.memory_space<vmem_shared>>
      tpu.enqueue_indirect_dma source(%dma_start3A_26 : memref<128x16xf32, #tpu.memory_space<vmem>>) target(%dma_start3A_32 : memref<1024x16xf32, #tpu.memory_space<vmem_shared>>) offsets(%dma_start3A_29 : memref<128xi32, #tpu.memory_space<vmem>>) semaphore(%run_scoped3A_24 : memref<!tpu.dma_semaphore, #tpu.memory_space<semaphore_mem>>) {add = true}
      %dma_wait3A = arith.constant 512 : i32
      %dma_wait3A_33 = arith.constant 0 : i32
      %dma_wait3A_34 = tpu.memref_slice %arg7[%dma_wait3A, %dma_wait3A_33] : memref<1024x16xf32, #tpu.memory_space<vmem>> -> memref<128x16xf32, #tpu.memory_space<vmem>>
      %dma_wait3A_35 = arith.constant 0 : i32
      %dma_wait3A_36 = tpu.memref_slice %arg6[%run_scoped3A_12, %dma_wait3A_35] : memref<8x128xi32, #tpu.memory_space<vmem>> -> memref<1x128xi32, #tpu.memory_space<vmem>>
      %dma_wait3A_37 = tpu.memref_squeeze %dma_wait3A_36 : memref<1x128xi32, #tpu.memory_space<vmem>> -> memref<128xi32, #tpu.memory_space<vmem>>
      %dma_wait3A_38 = arith.constant 0 : i32
      %dma_wait3A_39 = arith.constant 0 : i32
      %dma_wait3A_40 = tpu.memref_slice %arg9[%dma_wait3A_38, %dma_wait3A_39] : memref<1024x16xf32, #tpu.memory_space<vmem_shared>> -> memref<1024x16xf32, #tpu.memory_space<vmem_shared>>
      tpu.wait_indirect_dma semaphore(%run_scoped3A_24 : memref<!tpu.dma_semaphore, #tpu.memory_space<semaphore_mem>>) src(%dma_wait3A_34 : memref<128x16xf32, #tpu.memory_space<vmem>>) dst(%dma_wait3A_40 : memref<1024x16xf32, #tpu.memory_space<vmem_shared>>)
      tpu.yield
    }) : () -> ()
    %run_scoped3A_13 = arith.constant 5 : i32
    "tpu.region"() ({
      %run_scoped3A_24 = tpu.sem_alloc : memref<!tpu.dma_semaphore, #tpu.memory_space<semaphore_mem>>
      %dma_start3A = arith.constant 640 : i32
      %dma_start3A_25 = arith.constant 0 : i32
      %dma_start3A_26 = tpu.memref_slice %arg7[%dma_start3A, %dma_start3A_25] : memref<1024x16xf32, #tpu.memory_space<vmem>> -> memref<128x16xf32, #tpu.memory_space<vmem>>
      %dma_start3A_27 = arith.constant 0 : i32
      %dma_start3A_28 = tpu.memref_slice %arg6[%run_scoped3A_13, %dma_start3A_27] : memref<8x128xi32, #tpu.memory_space<vmem>> -> memref<1x128xi32, #tpu.memory_space<vmem>>
      %dma_start3A_29 = tpu.memref_squeeze %dma_start3A_28 : memref<1x128xi32, #tpu.memory_space<vmem>> -> memref<128xi32, #tpu.memory_space<vmem>>
      %dma_start3A_30 = arith.constant 0 : i32
      %dma_start3A_31 = arith.constant 0 : i32
      %dma_start3A_32 = tpu.memref_slice %arg9[%dma_start3A_30, %dma_start3A_31] : memref<1024x16xf32, #tpu.memory_space<vmem_shared>> -> memref<1024x16xf32, #tpu.memory_space<vmem_shared>>
      tpu.enqueue_indirect_dma source(%dma_start3A_26 : memref<128x16xf32, #tpu.memory_space<vmem>>) target(%dma_start3A_32 : memref<1024x16xf32, #tpu.memory_space<vmem_shared>>) offsets(%dma_start3A_29 : memref<128xi32, #tpu.memory_space<vmem>>) semaphore(%run_scoped3A_24 : memref<!tpu.dma_semaphore, #tpu.memory_space<semaphore_mem>>) {add = true}
      %dma_wait3A = arith.constant 640 : i32
      %dma_wait3A_33 = arith.constant 0 : i32
      %dma_wait3A_34 = tpu.memref_slice %arg7[%dma_wait3A, %dma_wait3A_33] : memref<1024x16xf32, #tpu.memory_space<vmem>> -> memref<128x16xf32, #tpu.memory_space<vmem>>
      %dma_wait3A_35 = arith.constant 0 : i32
      %dma_wait3A_36 = tpu.memref_slice %arg6[%run_scoped3A_13, %dma_wait3A_35] : memref<8x128xi32, #tpu.memory_space<vmem>> -> memref<1x128xi32, #tpu.memory_space<vmem>>
      %dma_wait3A_37 = tpu.memref_squeeze %dma_wait3A_36 : memref<1x128xi32, #tpu.memory_space<vmem>> -> memref<128xi32, #tpu.memory_space<vmem>>
      %dma_wait3A_38 = arith.constant 0 : i32
      %dma_wait3A_39 = arith.constant 0 : i32
      %dma_wait3A_40 = tpu.memref_slice %arg9[%dma_wait3A_38, %dma_wait3A_39] : memref<1024x16xf32, #tpu.memory_space<vmem_shared>> -> memref<1024x16xf32, #tpu.memory_space<vmem_shared>>
      tpu.wait_indirect_dma semaphore(%run_scoped3A_24 : memref<!tpu.dma_semaphore, #tpu.memory_space<semaphore_mem>>) src(%dma_wait3A_34 : memref<128x16xf32, #tpu.memory_space<vmem>>) dst(%dma_wait3A_40 : memref<1024x16xf32, #tpu.memory_space<vmem_shared>>)
      tpu.yield
    }) : () -> ()
    %run_scoped3A_14 = arith.constant 6 : i32
    "tpu.region"() ({
      %run_scoped3A_24 = tpu.sem_alloc : memref<!tpu.dma_semaphore, #tpu.memory_space<semaphore_mem>>
      %dma_start3A = arith.constant 768 : i32
      %dma_start3A_25 = arith.constant 0 : i32
      %dma_start3A_26 = tpu.memref_slice %arg7[%dma_start3A, %dma_start3A_25] : memref<1024x16xf32, #tpu.memory_space<vmem>> -> memref<128x16xf32, #tpu.memory_space<vmem>>
      %dma_start3A_27 = arith.constant 0 : i32
      %dma_start3A_28 = tpu.memref_slice %arg6[%run_scoped3A_14, %dma_start3A_27] : memref<8x128xi32, #tpu.memory_space<vmem>> -> memref<1x128xi32, #tpu.memory_space<vmem>>
      %dma_start3A_29 = tpu.memref_squeeze %dma_start3A_28 : memref<1x128xi32, #tpu.memory_space<vmem>> -> memref<128xi32, #tpu.memory_space<vmem>>
      %dma_start3A_30 = arith.constant 0 : i32
      %dma_start3A_31 = arith.constant 0 : i32
      %dma_start3A_32 = tpu.memref_slice %arg9[%dma_start3A_30, %dma_start3A_31] : memref<1024x16xf32, #tpu.memory_space<vmem_shared>> -> memref<1024x16xf32, #tpu.memory_space<vmem_shared>>
      tpu.enqueue_indirect_dma source(%dma_start3A_26 : memref<128x16xf32, #tpu.memory_space<vmem>>) target(%dma_start3A_32 : memref<1024x16xf32, #tpu.memory_space<vmem_shared>>) offsets(%dma_start3A_29 : memref<128xi32, #tpu.memory_space<vmem>>) semaphore(%run_scoped3A_24 : memref<!tpu.dma_semaphore, #tpu.memory_space<semaphore_mem>>) {add = true}
      %dma_wait3A = arith.constant 768 : i32
      %dma_wait3A_33 = arith.constant 0 : i32
      %dma_wait3A_34 = tpu.memref_slice %arg7[%dma_wait3A, %dma_wait3A_33] : memref<1024x16xf32, #tpu.memory_space<vmem>> -> memref<128x16xf32, #tpu.memory_space<vmem>>
      %dma_wait3A_35 = arith.constant 0 : i32
      %dma_wait3A_36 = tpu.memref_slice %arg6[%run_scoped3A_14, %dma_wait3A_35] : memref<8x128xi32, #tpu.memory_space<vmem>> -> memref<1x128xi32, #tpu.memory_space<vmem>>
      %dma_wait3A_37 = tpu.memref_squeeze %dma_wait3A_36 : memref<1x128xi32, #tpu.memory_space<vmem>> -> memref<128xi32, #tpu.memory_space<vmem>>
      %dma_wait3A_38 = arith.constant 0 : i32
      %dma_wait3A_39 = arith.constant 0 : i32
      %dma_wait3A_40 = tpu.memref_slice %arg9[%dma_wait3A_38, %dma_wait3A_39] : memref<1024x16xf32, #tpu.memory_space<vmem_shared>> -> memref<1024x16xf32, #tpu.memory_space<vmem_shared>>
      tpu.wait_indirect_dma semaphore(%run_scoped3A_24 : memref<!tpu.dma_semaphore, #tpu.memory_space<semaphore_mem>>) src(%dma_wait3A_34 : memref<128x16xf32, #tpu.memory_space<vmem>>) dst(%dma_wait3A_40 : memref<1024x16xf32, #tpu.memory_space<vmem_shared>>)
      tpu.yield
    }) : () -> ()
    %run_scoped3A_15 = arith.constant 7 : i32
    "tpu.region"() ({
      %run_scoped3A_24 = tpu.sem_alloc : memref<!tpu.dma_semaphore, #tpu.memory_space<semaphore_mem>>
      %dma_start3A = arith.constant 896 : i32
      %dma_start3A_25 = arith.constant 0 : i32
      %dma_start3A_26 = tpu.memref_slice %arg7[%dma_start3A, %dma_start3A_25] : memref<1024x16xf32, #tpu.memory_space<vmem>> -> memref<128x16xf32, #tpu.memory_space<vmem>>
      %dma_start3A_27 = arith.constant 0 : i32
      %dma_start3A_28 = tpu.memref_slice %arg6[%run_scoped3A_15, %dma_start3A_27] : memref<8x128xi32, #tpu.memory_space<vmem>> -> memref<1x128xi32, #tpu.memory_space<vmem>>
      %dma_start3A_29 = tpu.memref_squeeze %dma_start3A_28 : memref<1x128xi32, #tpu.memory_space<vmem>> -> memref<128xi32, #tpu.memory_space<vmem>>
      %dma_start3A_30 = arith.constant 0 : i32
      %dma_start3A_31 = arith.constant 0 : i32
      %dma_start3A_32 = tpu.memref_slice %arg9[%dma_start3A_30, %dma_start3A_31] : memref<1024x16xf32, #tpu.memory_space<vmem_shared>> -> memref<1024x16xf32, #tpu.memory_space<vmem_shared>>
      tpu.enqueue_indirect_dma source(%dma_start3A_26 : memref<128x16xf32, #tpu.memory_space<vmem>>) target(%dma_start3A_32 : memref<1024x16xf32, #tpu.memory_space<vmem_shared>>) offsets(%dma_start3A_29 : memref<128xi32, #tpu.memory_space<vmem>>) semaphore(%run_scoped3A_24 : memref<!tpu.dma_semaphore, #tpu.memory_space<semaphore_mem>>) {add = true}
      %dma_wait3A = arith.constant 896 : i32
      %dma_wait3A_33 = arith.constant 0 : i32
      %dma_wait3A_34 = tpu.memref_slice %arg7[%dma_wait3A, %dma_wait3A_33] : memref<1024x16xf32, #tpu.memory_space<vmem>> -> memref<128x16xf32, #tpu.memory_space<vmem>>
      %dma_wait3A_35 = arith.constant 0 : i32
      %dma_wait3A_36 = tpu.memref_slice %arg6[%run_scoped3A_15, %dma_wait3A_35] : memref<8x128xi32, #tpu.memory_space<vmem>> -> memref<1x128xi32, #tpu.memory_space<vmem>>
      %dma_wait3A_37 = tpu.memref_squeeze %dma_wait3A_36 : memref<1x128xi32, #tpu.memory_space<vmem>> -> memref<128xi32, #tpu.memory_space<vmem>>
      %dma_wait3A_38 = arith.constant 0 : i32
      %dma_wait3A_39 = arith.constant 0 : i32
      %dma_wait3A_40 = tpu.memref_slice %arg9[%dma_wait3A_38, %dma_wait3A_39] : memref<1024x16xf32, #tpu.memory_space<vmem_shared>> -> memref<1024x16xf32, #tpu.memory_space<vmem_shared>>
      tpu.wait_indirect_dma semaphore(%run_scoped3A_24 : memref<!tpu.dma_semaphore, #tpu.memory_space<semaphore_mem>>) src(%dma_wait3A_34 : memref<128x16xf32, #tpu.memory_space<vmem>>) dst(%dma_wait3A_40 : memref<1024x16xf32, #tpu.memory_space<vmem_shared>>)
      tpu.yield
    }) : () -> ()
    %barrier3A_16 = arith.constant 0 : index
    tpu.barrier barrier_id(%barrier3A_16)
    %mul3A_17 = arith.constant 64 : i32
    %mul3A_18 = arith.muli %arg1, %mul3A_17 : i32
    "tpu.region"() ({
      %run_scoped3A_24 = tpu.sem_alloc : memref<!tpu.dma_semaphore, #tpu.memory_space<semaphore_mem>>
      %dma_start3A = arith.constant 0 : i32
      %dma_start3A_25 = tpu.memref_slice %arg9[%mul3A_18, %dma_start3A] : memref<1024x16xf32, #tpu.memory_space<vmem_shared>> -> memref<64x16xf32, #tpu.memory_space<vmem_shared>>
      %dma_start3A_26 = arith.constant 0 : i32
      %dma_start3A_27 = tpu.memref_slice %arg9[%mul3A_18, %dma_start3A_26] : memref<1024x16xf32, #tpu.memory_space<vmem_shared>> -> memref<64x16xf32, #tpu.memory_space<vmem_shared>>
      tpu.enqueue_dma source(%dma_start3A_27 : memref<64x16xf32, #tpu.memory_space<vmem_shared>>) target(%arg8 : memref<64x16xf32, #tpu.memory_space<vmem>>) target_semaphore(%run_scoped3A_24 : memref<!tpu.dma_semaphore, #tpu.memory_space<semaphore_mem>>)
      %dma_wait3A = arith.constant 0 : i32
      %dma_wait3A_28 = tpu.memref_slice %arg9[%mul3A_18, %dma_wait3A] : memref<1024x16xf32, #tpu.memory_space<vmem_shared>> -> memref<64x16xf32, #tpu.memory_space<vmem_shared>>
      %dma_wait3A_29 = arith.constant 0 : i32
      %dma_wait3A_30 = tpu.memref_slice %arg9[%mul3A_18, %dma_wait3A_29] : memref<1024x16xf32, #tpu.memory_space<vmem_shared>> -> memref<64x16xf32, #tpu.memory_space<vmem_shared>>
      tpu.wait_dma2 semaphore(%run_scoped3A_24 : memref<!tpu.dma_semaphore, #tpu.memory_space<semaphore_mem>>) src(%dma_wait3A_30 : memref<64x16xf32, #tpu.memory_space<vmem_shared>>) dst(%arg8 : memref<64x16xf32, #tpu.memory_space<vmem>>)
      tpu.yield
    }) : () -> ()
    %mul3A_19 = arith.constant 1024 : i32
    %mul3A_20 = arith.muli %arg0, %mul3A_19 : i32
    %mul3A_21 = arith.constant 64 : i32
    %mul3A_22 = arith.muli %arg1, %mul3A_21 : i32
    %add3A_23 = arith.addi %mul3A_20, %mul3A_22 : i32
    "tpu.region"() ({
      %run_scoped3A_24 = tpu.sem_alloc : memref<!tpu.dma_semaphore, #tpu.memory_space<semaphore_mem>>
      %dma_start3A = arith.constant 0 : i32
      %dma_start3A_25 = tpu.memref_slice %arg5[%add3A_23, %dma_start3A] : memref<2048x16xf32, #tpu.memory_space<hbm>> -> memref<64x16xf32, #tpu.memory_space<hbm>>
      %dma_start3A_26 = arith.constant 0 : i32
      %dma_start3A_27 = tpu.memref_slice %arg5[%add3A_23, %dma_start3A_26] : memref<2048x16xf32, #tpu.memory_space<hbm>> -> memref<64x16xf32, #tpu.memory_space<hbm>>
      tpu.enqueue_dma source(%arg8 : memref<64x16xf32, #tpu.memory_space<vmem>>) target(%dma_start3A_27 : memref<64x16xf32, #tpu.memory_space<hbm>>) target_semaphore(%run_scoped3A_24 : memref<!tpu.dma_semaphore, #tpu.memory_space<semaphore_mem>>)
      %dma_wait3A = arith.constant 0 : i32
      %dma_wait3A_28 = tpu.memref_slice %arg5[%add3A_23, %dma_wait3A] : memref<2048x16xf32, #tpu.memory_space<hbm>> -> memref<64x16xf32, #tpu.memory_space<hbm>>
      %dma_wait3A_29 = arith.constant 0 : i32
      %dma_wait3A_30 = tpu.memref_slice %arg5[%add3A_23, %dma_wait3A_29] : memref<2048x16xf32, #tpu.memory_space<hbm>> -> memref<64x16xf32, #tpu.memory_space<hbm>>
      tpu.wait_dma2 semaphore(%run_scoped3A_24 : memref<!tpu.dma_semaphore, #tpu.memory_space<semaphore_mem>>) src(%arg8 : memref<64x16xf32, #tpu.memory_space<vmem>>) dst(%dma_wait3A_30 : memref<64x16xf32, #tpu.memory_space<hbm>>)
      tpu.yield
    }) : () -> ()
    return
  }
}

#map = affine_map<(d0, d1) -> (0, 0)>
module attributes {stable_mosaic.version = 14 : i64} {
  func.func @body(%arg0: i32, %arg1: i32, %arg2: memref<1024x16xf32, #tpu.memory_space<hbm>>, %arg3: memref<1024x128xi32, #tpu.memory_space<hbm>>, %arg4: memref<256x128xi32, #tpu.memory_space<hbm>>, %arg5: memref<16384x16xf32, #tpu.memory_space<hbm>>, %arg6: memref<16384x128xi32, #tpu.memory_space<hbm>>, %arg7: memref<4x128xi32, #tpu.memory_space<vmem>>, %arg8: memref<512x16xf32, #tpu.memory_space<vmem>>, %arg9: memref<128x128xi32, #tpu.memory_space<vmem>>, %arg10: memref<128x128xi32, #tpu.memory_space<vmem>>, %arg11: memref<!tpu.dma_semaphore, #tpu.memory_space<semaphore_mem>>, %arg12: memref<!tpu.dma_semaphore, #tpu.memory_space<semaphore_mem>>, %arg13: memref<!tpu.dma_semaphore, #tpu.memory_space<semaphore_mem>>) attributes {dimension_semantics = [#tpu.dimension_semantics<core_parallel>, #tpu.dimension_semantics<subcore_parallel>], iteration_bounds = array<i64: 2, 16>, scalar_prefetch = 0 : i64, scratch_operands = 7 : i64, tpu.core_type = #tpu.core_type<sc_vector_subcore>, window_params = [{transform_indices = #map}, {transform_indices = #map}, {transform_indices = #map}, {transform_indices = #map}, {transform_indices = #map}]} {
    %mul3A = arith.constant 2 : i32
    %mul3A_0 = arith.muli %arg1, %mul3A : i32
    %add3A = arith.addi %mul3A_0, %arg0 : i32
    %mul3A_1 = arith.constant 512 : i32
    %mul3A_2 = arith.muli %add3A, %mul3A_1 : i32
    %mul3A_3 = arith.constant 4 : i32
    %mul3A_4 = arith.muli %add3A, %mul3A_3 : i32
    %add3A_5 = arith.constant 128 : i32
    %add3A_6 = arith.addi %add3A_5, %mul3A_4 : i32
    "tpu.region"() ({
      %run_scoped3A = tpu.sem_alloc : memref<!tpu.dma_semaphore, #tpu.memory_space<semaphore_mem>>
      %dma_start3A_189 = arith.constant 0 : i32
      %dma_start3A_190 = tpu.memref_slice %arg4[%add3A_6, %dma_start3A_189] : memref<256x128xi32, #tpu.memory_space<hbm>> -> memref<4x128xi32, #tpu.memory_space<hbm>>
      %dma_start3A_191 = arith.constant 0 : i32
      %dma_start3A_192 = tpu.memref_slice %arg4[%add3A_6, %dma_start3A_191] : memref<256x128xi32, #tpu.memory_space<hbm>> -> memref<4x128xi32, #tpu.memory_space<hbm>>
      tpu.enqueue_dma source(%dma_start3A_192 : memref<4x128xi32, #tpu.memory_space<hbm>>) target(%arg7 : memref<4x128xi32, #tpu.memory_space<vmem>>) target_semaphore(%run_scoped3A : memref<!tpu.dma_semaphore, #tpu.memory_space<semaphore_mem>>)
      %dma_wait3A_193 = arith.constant 0 : i32
      %dma_wait3A_194 = tpu.memref_slice %arg4[%add3A_6, %dma_wait3A_193] : memref<256x128xi32, #tpu.memory_space<hbm>> -> memref<4x128xi32, #tpu.memory_space<hbm>>
      %dma_wait3A_195 = arith.constant 0 : i32
      %dma_wait3A_196 = tpu.memref_slice %arg4[%add3A_6, %dma_wait3A_195] : memref<256x128xi32, #tpu.memory_space<hbm>> -> memref<4x128xi32, #tpu.memory_space<hbm>>
      tpu.wait_dma2 semaphore(%run_scoped3A : memref<!tpu.dma_semaphore, #tpu.memory_space<semaphore_mem>>) src(%dma_wait3A_196 : memref<4x128xi32, #tpu.memory_space<hbm>>) dst(%arg7 : memref<4x128xi32, #tpu.memory_space<vmem>>)
      tpu.yield
    }) : () -> ()
    %dma_start3A = arith.constant 0 : i32
    %dma_start3A_7 = arith.constant 0 : i32
    %dma_start3A_8 = arith.constant 0 : i32
    %dma_start3A_9 = tpu.memref_slice %arg8[%dma_start3A_7, %dma_start3A_8] : memref<512x16xf32, #tpu.memory_space<vmem>> -> memref<128x16xf32, #tpu.memory_space<vmem>>
    %dma_start3A_10 = arith.constant 0 : i32
    %dma_start3A_11 = tpu.memref_slice %arg7[%dma_start3A, %dma_start3A_10] : memref<4x128xi32, #tpu.memory_space<vmem>> -> memref<1x128xi32, #tpu.memory_space<vmem>>
    %dma_start3A_12 = tpu.memref_squeeze %dma_start3A_11 : memref<1x128xi32, #tpu.memory_space<vmem>> -> memref<128xi32, #tpu.memory_space<vmem>>
    %dma_start3A_13 = arith.constant 0 : i32
    %dma_start3A_14 = arith.constant 0 : i32
    %dma_start3A_15 = tpu.memref_slice %arg2[%dma_start3A_13, %dma_start3A_14] : memref<1024x16xf32, #tpu.memory_space<hbm>> -> memref<1024x16xf32, #tpu.memory_space<hbm>>
    tpu.enqueue_indirect_dma source(%dma_start3A_15 : memref<1024x16xf32, #tpu.memory_space<hbm>>) target(%dma_start3A_9 : memref<128x16xf32, #tpu.memory_space<vmem>>) offsets(%dma_start3A_12 : memref<128xi32, #tpu.memory_space<vmem>>) semaphore(%arg11 : memref<!tpu.dma_semaphore, #tpu.memory_space<semaphore_mem>>)
    %dma_start3A_16 = arith.constant 1 : i32
    %dma_start3A_17 = arith.constant 128 : i32
    %dma_start3A_18 = arith.constant 0 : i32
    %dma_start3A_19 = tpu.memref_slice %arg8[%dma_start3A_17, %dma_start3A_18] : memref<512x16xf32, #tpu.memory_space<vmem>> -> memref<128x16xf32, #tpu.memory_space<vmem>>
    %dma_start3A_20 = arith.constant 0 : i32
    %dma_start3A_21 = tpu.memref_slice %arg7[%dma_start3A_16, %dma_start3A_20] : memref<4x128xi32, #tpu.memory_space<vmem>> -> memref<1x128xi32, #tpu.memory_space<vmem>>
    %dma_start3A_22 = tpu.memref_squeeze %dma_start3A_21 : memref<1x128xi32, #tpu.memory_space<vmem>> -> memref<128xi32, #tpu.memory_space<vmem>>
    %dma_start3A_23 = arith.constant 0 : i32
    %dma_start3A_24 = arith.constant 0 : i32
    %dma_start3A_25 = tpu.memref_slice %arg2[%dma_start3A_23, %dma_start3A_24] : memref<1024x16xf32, #tpu.memory_space<hbm>> -> memref<1024x16xf32, #tpu.memory_space<hbm>>
    tpu.enqueue_indirect_dma source(%dma_start3A_25 : memref<1024x16xf32, #tpu.memory_space<hbm>>) target(%dma_start3A_19 : memref<128x16xf32, #tpu.memory_space<vmem>>) offsets(%dma_start3A_22 : memref<128xi32, #tpu.memory_space<vmem>>) semaphore(%arg11 : memref<!tpu.dma_semaphore, #tpu.memory_space<semaphore_mem>>)
    %dma_start3A_26 = arith.constant 2 : i32
    %dma_start3A_27 = arith.constant 256 : i32
    %dma_start3A_28 = arith.constant 0 : i32
    %dma_start3A_29 = tpu.memref_slice %arg8[%dma_start3A_27, %dma_start3A_28] : memref<512x16xf32, #tpu.memory_space<vmem>> -> memref<128x16xf32, #tpu.memory_space<vmem>>
    %dma_start3A_30 = arith.constant 0 : i32
    %dma_start3A_31 = tpu.memref_slice %arg7[%dma_start3A_26, %dma_start3A_30] : memref<4x128xi32, #tpu.memory_space<vmem>> -> memref<1x128xi32, #tpu.memory_space<vmem>>
    %dma_start3A_32 = tpu.memref_squeeze %dma_start3A_31 : memref<1x128xi32, #tpu.memory_space<vmem>> -> memref<128xi32, #tpu.memory_space<vmem>>
    %dma_start3A_33 = arith.constant 0 : i32
    %dma_start3A_34 = arith.constant 0 : i32
    %dma_start3A_35 = tpu.memref_slice %arg2[%dma_start3A_33, %dma_start3A_34] : memref<1024x16xf32, #tpu.memory_space<hbm>> -> memref<1024x16xf32, #tpu.memory_space<hbm>>
    tpu.enqueue_indirect_dma source(%dma_start3A_35 : memref<1024x16xf32, #tpu.memory_space<hbm>>) target(%dma_start3A_29 : memref<128x16xf32, #tpu.memory_space<vmem>>) offsets(%dma_start3A_32 : memref<128xi32, #tpu.memory_space<vmem>>) semaphore(%arg11 : memref<!tpu.dma_semaphore, #tpu.memory_space<semaphore_mem>>)
    %dma_start3A_36 = arith.constant 3 : i32
    %dma_start3A_37 = arith.constant 384 : i32
    %dma_start3A_38 = arith.constant 0 : i32
    %dma_start3A_39 = tpu.memref_slice %arg8[%dma_start3A_37, %dma_start3A_38] : memref<512x16xf32, #tpu.memory_space<vmem>> -> memref<128x16xf32, #tpu.memory_space<vmem>>
    %dma_start3A_40 = arith.constant 0 : i32
    %dma_start3A_41 = tpu.memref_slice %arg7[%dma_start3A_36, %dma_start3A_40] : memref<4x128xi32, #tpu.memory_space<vmem>> -> memref<1x128xi32, #tpu.memory_space<vmem>>
    %dma_start3A_42 = tpu.memref_squeeze %dma_start3A_41 : memref<1x128xi32, #tpu.memory_space<vmem>> -> memref<128xi32, #tpu.memory_space<vmem>>
    %dma_start3A_43 = arith.constant 0 : i32
    %dma_start3A_44 = arith.constant 0 : i32
    %dma_start3A_45 = tpu.memref_slice %arg2[%dma_start3A_43, %dma_start3A_44] : memref<1024x16xf32, #tpu.memory_space<hbm>> -> memref<1024x16xf32, #tpu.memory_space<hbm>>
    tpu.enqueue_indirect_dma source(%dma_start3A_45 : memref<1024x16xf32, #tpu.memory_space<hbm>>) target(%dma_start3A_39 : memref<128x16xf32, #tpu.memory_space<vmem>>) offsets(%dma_start3A_42 : memref<128xi32, #tpu.memory_space<vmem>>) semaphore(%arg11 : memref<!tpu.dma_semaphore, #tpu.memory_space<semaphore_mem>>)
    %dma_start3A_46 = arith.constant 0 : i32
    %dma_start3A_47 = arith.constant 0 : i32
    %dma_start3A_48 = tpu.memref_slice %arg7[%dma_start3A_46, %dma_start3A_47] : memref<4x128xi32, #tpu.memory_space<vmem>> -> memref<1x128xi32, #tpu.memory_space<vmem>>
    %dma_start3A_49 = tpu.memref_squeeze %dma_start3A_48 : memref<1x128xi32, #tpu.memory_space<vmem>> -> memref<128xi32, #tpu.memory_space<vmem>>
    %dma_start3A_50 = arith.constant 0 : i32
    %dma_start3A_51 = arith.constant 0 : i32
    %dma_start3A_52 = tpu.memref_slice %arg3[%dma_start3A_50, %dma_start3A_51] : memref<1024x128xi32, #tpu.memory_space<hbm>> -> memref<1024x128xi32, #tpu.memory_space<hbm>>
    tpu.enqueue_indirect_dma source(%dma_start3A_52 : memref<1024x128xi32, #tpu.memory_space<hbm>>) target(%arg9 : memref<128x128xi32, #tpu.memory_space<vmem>>) offsets(%dma_start3A_49 : memref<128xi32, #tpu.memory_space<vmem>>) semaphore(%arg12 : memref<!tpu.dma_semaphore, #tpu.memory_space<semaphore_mem>>)
    %dma_start3A_53 = arith.constant 1 : i32
    %dma_start3A_54 = arith.constant 0 : i32
    %dma_start3A_55 = tpu.memref_slice %arg7[%dma_start3A_53, %dma_start3A_54] : memref<4x128xi32, #tpu.memory_space<vmem>> -> memref<1x128xi32, #tpu.memory_space<vmem>>
    %dma_start3A_56 = tpu.memref_squeeze %dma_start3A_55 : memref<1x128xi32, #tpu.memory_space<vmem>> -> memref<128xi32, #tpu.memory_space<vmem>>
    %dma_start3A_57 = arith.constant 0 : i32
    %dma_start3A_58 = arith.constant 0 : i32
    %dma_start3A_59 = tpu.memref_slice %arg3[%dma_start3A_57, %dma_start3A_58] : memref<1024x128xi32, #tpu.memory_space<hbm>> -> memref<1024x128xi32, #tpu.memory_space<hbm>>
    tpu.enqueue_indirect_dma source(%dma_start3A_59 : memref<1024x128xi32, #tpu.memory_space<hbm>>) target(%arg10 : memref<128x128xi32, #tpu.memory_space<vmem>>) offsets(%dma_start3A_56 : memref<128xi32, #tpu.memory_space<vmem>>) semaphore(%arg12 : memref<!tpu.dma_semaphore, #tpu.memory_space<semaphore_mem>>)
    %dma_wait3A = arith.constant 0 : i32
    %dma_wait3A_60 = arith.constant 0 : i32
    %dma_wait3A_61 = tpu.memref_slice %arg7[%dma_wait3A, %dma_wait3A_60] : memref<4x128xi32, #tpu.memory_space<vmem>> -> memref<1x128xi32, #tpu.memory_space<vmem>>
    %dma_wait3A_62 = tpu.memref_squeeze %dma_wait3A_61 : memref<1x128xi32, #tpu.memory_space<vmem>> -> memref<128xi32, #tpu.memory_space<vmem>>
    %dma_wait3A_63 = arith.constant 0 : i32
    %dma_wait3A_64 = arith.constant 0 : i32
    %dma_wait3A_65 = tpu.memref_slice %arg3[%dma_wait3A_63, %dma_wait3A_64] : memref<1024x128xi32, #tpu.memory_space<hbm>> -> memref<1024x128xi32, #tpu.memory_space<hbm>>
    tpu.wait_indirect_dma semaphore(%arg12 : memref<!tpu.dma_semaphore, #tpu.memory_space<semaphore_mem>>) src(%dma_wait3A_65 : memref<1024x128xi32, #tpu.memory_space<hbm>>) dst(%arg9 : memref<128x128xi32, #tpu.memory_space<vmem>>)
    %add3A_66 = arith.constant 0 : i32
    %add3A_67 = arith.addi %mul3A_2, %add3A_66 : i32
    %dma_start3A_68 = arith.constant 0 : i32
    %dma_start3A_69 = tpu.memref_slice %arg6[%add3A_67, %dma_start3A_68] : memref<16384x128xi32, #tpu.memory_space<hbm>> -> memref<128x128xi32, #tpu.memory_space<hbm>>
    %dma_start3A_70 = arith.constant 0 : i32
    %dma_start3A_71 = tpu.memref_slice %arg6[%add3A_67, %dma_start3A_70] : memref<16384x128xi32, #tpu.memory_space<hbm>> -> memref<128x128xi32, #tpu.memory_space<hbm>>
    tpu.enqueue_dma source(%arg9 : memref<128x128xi32, #tpu.memory_space<vmem>>) target(%dma_start3A_71 : memref<128x128xi32, #tpu.memory_space<hbm>>) target_semaphore(%arg13 : memref<!tpu.dma_semaphore, #tpu.memory_space<semaphore_mem>>)
    %add3A_72 = arith.constant 0 : i32
    %add3A_73 = arith.addi %mul3A_2, %add3A_72 : i32
    %dma_wait3A_74 = arith.constant 0 : i32
    %dma_wait3A_75 = tpu.memref_slice %arg6[%add3A_73, %dma_wait3A_74] : memref<16384x128xi32, #tpu.memory_space<hbm>> -> memref<128x128xi32, #tpu.memory_space<hbm>>
    %dma_wait3A_76 = arith.constant 0 : i32
    %dma_wait3A_77 = tpu.memref_slice %arg6[%add3A_73, %dma_wait3A_76] : memref<16384x128xi32, #tpu.memory_space<hbm>> -> memref<128x128xi32, #tpu.memory_space<hbm>>
    tpu.wait_dma2 semaphore(%arg13 : memref<!tpu.dma_semaphore, #tpu.memory_space<semaphore_mem>>) src(%arg9 : memref<128x128xi32, #tpu.memory_space<vmem>>) dst(%dma_wait3A_77 : memref<128x128xi32, #tpu.memory_space<hbm>>)
    %dma_start3A_78 = arith.constant 2 : i32
    %dma_start3A_79 = arith.constant 0 : i32
    %dma_start3A_80 = tpu.memref_slice %arg7[%dma_start3A_78, %dma_start3A_79] : memref<4x128xi32, #tpu.memory_space<vmem>> -> memref<1x128xi32, #tpu.memory_space<vmem>>
    %dma_start3A_81 = tpu.memref_squeeze %dma_start3A_80 : memref<1x128xi32, #tpu.memory_space<vmem>> -> memref<128xi32, #tpu.memory_space<vmem>>
    %dma_start3A_82 = arith.constant 0 : i32
    %dma_start3A_83 = arith.constant 0 : i32
    %dma_start3A_84 = tpu.memref_slice %arg3[%dma_start3A_82, %dma_start3A_83] : memref<1024x128xi32, #tpu.memory_space<hbm>> -> memref<1024x128xi32, #tpu.memory_space<hbm>>
    tpu.enqueue_indirect_dma source(%dma_start3A_84 : memref<1024x128xi32, #tpu.memory_space<hbm>>) target(%arg9 : memref<128x128xi32, #tpu.memory_space<vmem>>) offsets(%dma_start3A_81 : memref<128xi32, #tpu.memory_space<vmem>>) semaphore(%arg12 : memref<!tpu.dma_semaphore, #tpu.memory_space<semaphore_mem>>)
    %dma_wait3A_85 = arith.constant 1 : i32
    %dma_wait3A_86 = arith.constant 0 : i32
    %dma_wait3A_87 = tpu.memref_slice %arg7[%dma_wait3A_85, %dma_wait3A_86] : memref<4x128xi32, #tpu.memory_space<vmem>> -> memref<1x128xi32, #tpu.memory_space<vmem>>
    %dma_wait3A_88 = tpu.memref_squeeze %dma_wait3A_87 : memref<1x128xi32, #tpu.memory_space<vmem>> -> memref<128xi32, #tpu.memory_space<vmem>>
    %dma_wait3A_89 = arith.constant 0 : i32
    %dma_wait3A_90 = arith.constant 0 : i32
    %dma_wait3A_91 = tpu.memref_slice %arg3[%dma_wait3A_89, %dma_wait3A_90] : memref<1024x128xi32, #tpu.memory_space<hbm>> -> memref<1024x128xi32, #tpu.memory_space<hbm>>
    tpu.wait_indirect_dma semaphore(%arg12 : memref<!tpu.dma_semaphore, #tpu.memory_space<semaphore_mem>>) src(%dma_wait3A_91 : memref<1024x128xi32, #tpu.memory_space<hbm>>) dst(%arg10 : memref<128x128xi32, #tpu.memory_space<vmem>>)
    %add3A_92 = arith.constant 128 : i32
    %add3A_93 = arith.addi %mul3A_2, %add3A_92 : i32
    %dma_start3A_94 = arith.constant 0 : i32
    %dma_start3A_95 = tpu.memref_slice %arg6[%add3A_93, %dma_start3A_94] : memref<16384x128xi32, #tpu.memory_space<hbm>> -> memref<128x128xi32, #tpu.memory_space<hbm>>
    %dma_start3A_96 = arith.constant 0 : i32
    %dma_start3A_97 = tpu.memref_slice %arg6[%add3A_93, %dma_start3A_96] : memref<16384x128xi32, #tpu.memory_space<hbm>> -> memref<128x128xi32, #tpu.memory_space<hbm>>
    tpu.enqueue_dma source(%arg10 : memref<128x128xi32, #tpu.memory_space<vmem>>) target(%dma_start3A_97 : memref<128x128xi32, #tpu.memory_space<hbm>>) target_semaphore(%arg13 : memref<!tpu.dma_semaphore, #tpu.memory_space<semaphore_mem>>)
    %add3A_98 = arith.constant 128 : i32
    %add3A_99 = arith.addi %mul3A_2, %add3A_98 : i32
    %dma_wait3A_100 = arith.constant 0 : i32
    %dma_wait3A_101 = tpu.memref_slice %arg6[%add3A_99, %dma_wait3A_100] : memref<16384x128xi32, #tpu.memory_space<hbm>> -> memref<128x128xi32, #tpu.memory_space<hbm>>
    %dma_wait3A_102 = arith.constant 0 : i32
    %dma_wait3A_103 = tpu.memref_slice %arg6[%add3A_99, %dma_wait3A_102] : memref<16384x128xi32, #tpu.memory_space<hbm>> -> memref<128x128xi32, #tpu.memory_space<hbm>>
    tpu.wait_dma2 semaphore(%arg13 : memref<!tpu.dma_semaphore, #tpu.memory_space<semaphore_mem>>) src(%arg10 : memref<128x128xi32, #tpu.memory_space<vmem>>) dst(%dma_wait3A_103 : memref<128x128xi32, #tpu.memory_space<hbm>>)
    %dma_start3A_104 = arith.constant 3 : i32
    %dma_start3A_105 = arith.constant 0 : i32
    %dma_start3A_106 = tpu.memref_slice %arg7[%dma_start3A_104, %dma_start3A_105] : memref<4x128xi32, #tpu.memory_space<vmem>> -> memref<1x128xi32, #tpu.memory_space<vmem>>
    %dma_start3A_107 = tpu.memref_squeeze %dma_start3A_106 : memref<1x128xi32, #tpu.memory_space<vmem>> -> memref<128xi32, #tpu.memory_space<vmem>>
    %dma_start3A_108 = arith.constant 0 : i32
    %dma_start3A_109 = arith.constant 0 : i32
    %dma_start3A_110 = tpu.memref_slice %arg3[%dma_start3A_108, %dma_start3A_109] : memref<1024x128xi32, #tpu.memory_space<hbm>> -> memref<1024x128xi32, #tpu.memory_space<hbm>>
    tpu.enqueue_indirect_dma source(%dma_start3A_110 : memref<1024x128xi32, #tpu.memory_space<hbm>>) target(%arg10 : memref<128x128xi32, #tpu.memory_space<vmem>>) offsets(%dma_start3A_107 : memref<128xi32, #tpu.memory_space<vmem>>) semaphore(%arg12 : memref<!tpu.dma_semaphore, #tpu.memory_space<semaphore_mem>>)
    %dma_wait3A_111 = arith.constant 2 : i32
    %dma_wait3A_112 = arith.constant 0 : i32
    %dma_wait3A_113 = tpu.memref_slice %arg7[%dma_wait3A_111, %dma_wait3A_112] : memref<4x128xi32, #tpu.memory_space<vmem>> -> memref<1x128xi32, #tpu.memory_space<vmem>>
    %dma_wait3A_114 = tpu.memref_squeeze %dma_wait3A_113 : memref<1x128xi32, #tpu.memory_space<vmem>> -> memref<128xi32, #tpu.memory_space<vmem>>
    %dma_wait3A_115 = arith.constant 0 : i32
    %dma_wait3A_116 = arith.constant 0 : i32
    %dma_wait3A_117 = tpu.memref_slice %arg3[%dma_wait3A_115, %dma_wait3A_116] : memref<1024x128xi32, #tpu.memory_space<hbm>> -> memref<1024x128xi32, #tpu.memory_space<hbm>>
    tpu.wait_indirect_dma semaphore(%arg12 : memref<!tpu.dma_semaphore, #tpu.memory_space<semaphore_mem>>) src(%dma_wait3A_117 : memref<1024x128xi32, #tpu.memory_space<hbm>>) dst(%arg9 : memref<128x128xi32, #tpu.memory_space<vmem>>)
    %add3A_118 = arith.constant 256 : i32
    %add3A_119 = arith.addi %mul3A_2, %add3A_118 : i32
    %dma_start3A_120 = arith.constant 0 : i32
    %dma_start3A_121 = tpu.memref_slice %arg6[%add3A_119, %dma_start3A_120] : memref<16384x128xi32, #tpu.memory_space<hbm>> -> memref<128x128xi32, #tpu.memory_space<hbm>>
    %dma_start3A_122 = arith.constant 0 : i32
    %dma_start3A_123 = tpu.memref_slice %arg6[%add3A_119, %dma_start3A_122] : memref<16384x128xi32, #tpu.memory_space<hbm>> -> memref<128x128xi32, #tpu.memory_space<hbm>>
    tpu.enqueue_dma source(%arg9 : memref<128x128xi32, #tpu.memory_space<vmem>>) target(%dma_start3A_123 : memref<128x128xi32, #tpu.memory_space<hbm>>) target_semaphore(%arg13 : memref<!tpu.dma_semaphore, #tpu.memory_space<semaphore_mem>>)
    %add3A_124 = arith.constant 256 : i32
    %add3A_125 = arith.addi %mul3A_2, %add3A_124 : i32
    %dma_wait3A_126 = arith.constant 0 : i32
    %dma_wait3A_127 = tpu.memref_slice %arg6[%add3A_125, %dma_wait3A_126] : memref<16384x128xi32, #tpu.memory_space<hbm>> -> memref<128x128xi32, #tpu.memory_space<hbm>>
    %dma_wait3A_128 = arith.constant 0 : i32
    %dma_wait3A_129 = tpu.memref_slice %arg6[%add3A_125, %dma_wait3A_128] : memref<16384x128xi32, #tpu.memory_space<hbm>> -> memref<128x128xi32, #tpu.memory_space<hbm>>
    tpu.wait_dma2 semaphore(%arg13 : memref<!tpu.dma_semaphore, #tpu.memory_space<semaphore_mem>>) src(%arg9 : memref<128x128xi32, #tpu.memory_space<vmem>>) dst(%dma_wait3A_129 : memref<128x128xi32, #tpu.memory_space<hbm>>)
    %dma_wait3A_130 = arith.constant 3 : i32
    %dma_wait3A_131 = arith.constant 0 : i32
    %dma_wait3A_132 = tpu.memref_slice %arg7[%dma_wait3A_130, %dma_wait3A_131] : memref<4x128xi32, #tpu.memory_space<vmem>> -> memref<1x128xi32, #tpu.memory_space<vmem>>
    %dma_wait3A_133 = tpu.memref_squeeze %dma_wait3A_132 : memref<1x128xi32, #tpu.memory_space<vmem>> -> memref<128xi32, #tpu.memory_space<vmem>>
    %dma_wait3A_134 = arith.constant 0 : i32
    %dma_wait3A_135 = arith.constant 0 : i32
    %dma_wait3A_136 = tpu.memref_slice %arg3[%dma_wait3A_134, %dma_wait3A_135] : memref<1024x128xi32, #tpu.memory_space<hbm>> -> memref<1024x128xi32, #tpu.memory_space<hbm>>
    tpu.wait_indirect_dma semaphore(%arg12 : memref<!tpu.dma_semaphore, #tpu.memory_space<semaphore_mem>>) src(%dma_wait3A_136 : memref<1024x128xi32, #tpu.memory_space<hbm>>) dst(%arg10 : memref<128x128xi32, #tpu.memory_space<vmem>>)
    %add3A_137 = arith.constant 384 : i32
    %add3A_138 = arith.addi %mul3A_2, %add3A_137 : i32
    %dma_start3A_139 = arith.constant 0 : i32
    %dma_start3A_140 = tpu.memref_slice %arg6[%add3A_138, %dma_start3A_139] : memref<16384x128xi32, #tpu.memory_space<hbm>> -> memref<128x128xi32, #tpu.memory_space<hbm>>
    %dma_start3A_141 = arith.constant 0 : i32
    %dma_start3A_142 = tpu.memref_slice %arg6[%add3A_138, %dma_start3A_141] : memref<16384x128xi32, #tpu.memory_space<hbm>> -> memref<128x128xi32, #tpu.memory_space<hbm>>
    tpu.enqueue_dma source(%arg10 : memref<128x128xi32, #tpu.memory_space<vmem>>) target(%dma_start3A_142 : memref<128x128xi32, #tpu.memory_space<hbm>>) target_semaphore(%arg13 : memref<!tpu.dma_semaphore, #tpu.memory_space<semaphore_mem>>)
    %dma_wait3A_143 = arith.constant 0 : i32
    %dma_wait3A_144 = arith.constant 0 : i32
    %dma_wait3A_145 = arith.constant 0 : i32
    %dma_wait3A_146 = tpu.memref_slice %arg8[%dma_wait3A_144, %dma_wait3A_145] : memref<512x16xf32, #tpu.memory_space<vmem>> -> memref<128x16xf32, #tpu.memory_space<vmem>>
    %dma_wait3A_147 = arith.constant 0 : i32
    %dma_wait3A_148 = tpu.memref_slice %arg7[%dma_wait3A_143, %dma_wait3A_147] : memref<4x128xi32, #tpu.memory_space<vmem>> -> memref<1x128xi32, #tpu.memory_space<vmem>>
    %dma_wait3A_149 = tpu.memref_squeeze %dma_wait3A_148 : memref<1x128xi32, #tpu.memory_space<vmem>> -> memref<128xi32, #tpu.memory_space<vmem>>
    %dma_wait3A_150 = arith.constant 0 : i32
    %dma_wait3A_151 = arith.constant 0 : i32
    %dma_wait3A_152 = tpu.memref_slice %arg2[%dma_wait3A_150, %dma_wait3A_151] : memref<1024x16xf32, #tpu.memory_space<hbm>> -> memref<1024x16xf32, #tpu.memory_space<hbm>>
    tpu.wait_indirect_dma semaphore(%arg11 : memref<!tpu.dma_semaphore, #tpu.memory_space<semaphore_mem>>) src(%dma_wait3A_152 : memref<1024x16xf32, #tpu.memory_space<hbm>>) dst(%dma_wait3A_146 : memref<128x16xf32, #tpu.memory_space<vmem>>)
    %dma_wait3A_153 = arith.constant 1 : i32
    %dma_wait3A_154 = arith.constant 128 : i32
    %dma_wait3A_155 = arith.constant 0 : i32
    %dma_wait3A_156 = tpu.memref_slice %arg8[%dma_wait3A_154, %dma_wait3A_155] : memref<512x16xf32, #tpu.memory_space<vmem>> -> memref<128x16xf32, #tpu.memory_space<vmem>>
    %dma_wait3A_157 = arith.constant 0 : i32
    %dma_wait3A_158 = tpu.memref_slice %arg7[%dma_wait3A_153, %dma_wait3A_157] : memref<4x128xi32, #tpu.memory_space<vmem>> -> memref<1x128xi32, #tpu.memory_space<vmem>>
    %dma_wait3A_159 = tpu.memref_squeeze %dma_wait3A_158 : memref<1x128xi32, #tpu.memory_space<vmem>> -> memref<128xi32, #tpu.memory_space<vmem>>
    %dma_wait3A_160 = arith.constant 0 : i32
    %dma_wait3A_161 = arith.constant 0 : i32
    %dma_wait3A_162 = tpu.memref_slice %arg2[%dma_wait3A_160, %dma_wait3A_161] : memref<1024x16xf32, #tpu.memory_space<hbm>> -> memref<1024x16xf32, #tpu.memory_space<hbm>>
    tpu.wait_indirect_dma semaphore(%arg11 : memref<!tpu.dma_semaphore, #tpu.memory_space<semaphore_mem>>) src(%dma_wait3A_162 : memref<1024x16xf32, #tpu.memory_space<hbm>>) dst(%dma_wait3A_156 : memref<128x16xf32, #tpu.memory_space<vmem>>)
    %dma_wait3A_163 = arith.constant 2 : i32
    %dma_wait3A_164 = arith.constant 256 : i32
    %dma_wait3A_165 = arith.constant 0 : i32
    %dma_wait3A_166 = tpu.memref_slice %arg8[%dma_wait3A_164, %dma_wait3A_165] : memref<512x16xf32, #tpu.memory_space<vmem>> -> memref<128x16xf32, #tpu.memory_space<vmem>>
    %dma_wait3A_167 = arith.constant 0 : i32
    %dma_wait3A_168 = tpu.memref_slice %arg7[%dma_wait3A_163, %dma_wait3A_167] : memref<4x128xi32, #tpu.memory_space<vmem>> -> memref<1x128xi32, #tpu.memory_space<vmem>>
    %dma_wait3A_169 = tpu.memref_squeeze %dma_wait3A_168 : memref<1x128xi32, #tpu.memory_space<vmem>> -> memref<128xi32, #tpu.memory_space<vmem>>
    %dma_wait3A_170 = arith.constant 0 : i32
    %dma_wait3A_171 = arith.constant 0 : i32
    %dma_wait3A_172 = tpu.memref_slice %arg2[%dma_wait3A_170, %dma_wait3A_171] : memref<1024x16xf32, #tpu.memory_space<hbm>> -> memref<1024x16xf32, #tpu.memory_space<hbm>>
    tpu.wait_indirect_dma semaphore(%arg11 : memref<!tpu.dma_semaphore, #tpu.memory_space<semaphore_mem>>) src(%dma_wait3A_172 : memref<1024x16xf32, #tpu.memory_space<hbm>>) dst(%dma_wait3A_166 : memref<128x16xf32, #tpu.memory_space<vmem>>)
    %dma_wait3A_173 = arith.constant 3 : i32
    %dma_wait3A_174 = arith.constant 384 : i32
    %dma_wait3A_175 = arith.constant 0 : i32
    %dma_wait3A_176 = tpu.memref_slice %arg8[%dma_wait3A_174, %dma_wait3A_175] : memref<512x16xf32, #tpu.memory_space<vmem>> -> memref<128x16xf32, #tpu.memory_space<vmem>>
    %dma_wait3A_177 = arith.constant 0 : i32
    %dma_wait3A_178 = tpu.memref_slice %arg7[%dma_wait3A_173, %dma_wait3A_177] : memref<4x128xi32, #tpu.memory_space<vmem>> -> memref<1x128xi32, #tpu.memory_space<vmem>>
    %dma_wait3A_179 = tpu.memref_squeeze %dma_wait3A_178 : memref<1x128xi32, #tpu.memory_space<vmem>> -> memref<128xi32, #tpu.memory_space<vmem>>
    %dma_wait3A_180 = arith.constant 0 : i32
    %dma_wait3A_181 = arith.constant 0 : i32
    %dma_wait3A_182 = tpu.memref_slice %arg2[%dma_wait3A_180, %dma_wait3A_181] : memref<1024x16xf32, #tpu.memory_space<hbm>> -> memref<1024x16xf32, #tpu.memory_space<hbm>>
    tpu.wait_indirect_dma semaphore(%arg11 : memref<!tpu.dma_semaphore, #tpu.memory_space<semaphore_mem>>) src(%dma_wait3A_182 : memref<1024x16xf32, #tpu.memory_space<hbm>>) dst(%dma_wait3A_176 : memref<128x16xf32, #tpu.memory_space<vmem>>)
    "tpu.region"() ({
      %run_scoped3A = tpu.sem_alloc : memref<!tpu.dma_semaphore, #tpu.memory_space<semaphore_mem>>
      %dma_start3A_189 = arith.constant 0 : i32
      %dma_start3A_190 = tpu.memref_slice %arg5[%mul3A_2, %dma_start3A_189] : memref<16384x16xf32, #tpu.memory_space<hbm>> -> memref<512x16xf32, #tpu.memory_space<hbm>>
      %dma_start3A_191 = arith.constant 0 : i32
      %dma_start3A_192 = tpu.memref_slice %arg5[%mul3A_2, %dma_start3A_191] : memref<16384x16xf32, #tpu.memory_space<hbm>> -> memref<512x16xf32, #tpu.memory_space<hbm>>
      tpu.enqueue_dma source(%arg8 : memref<512x16xf32, #tpu.memory_space<vmem>>) target(%dma_start3A_192 : memref<512x16xf32, #tpu.memory_space<hbm>>) target_semaphore(%run_scoped3A : memref<!tpu.dma_semaphore, #tpu.memory_space<semaphore_mem>>)
      %dma_wait3A_193 = arith.constant 0 : i32
      %dma_wait3A_194 = tpu.memref_slice %arg5[%mul3A_2, %dma_wait3A_193] : memref<16384x16xf32, #tpu.memory_space<hbm>> -> memref<512x16xf32, #tpu.memory_space<hbm>>
      %dma_wait3A_195 = arith.constant 0 : i32
      %dma_wait3A_196 = tpu.memref_slice %arg5[%mul3A_2, %dma_wait3A_195] : memref<16384x16xf32, #tpu.memory_space<hbm>> -> memref<512x16xf32, #tpu.memory_space<hbm>>
      tpu.wait_dma2 semaphore(%run_scoped3A : memref<!tpu.dma_semaphore, #tpu.memory_space<semaphore_mem>>) src(%arg8 : memref<512x16xf32, #tpu.memory_space<vmem>>) dst(%dma_wait3A_196 : memref<512x16xf32, #tpu.memory_space<hbm>>)
      tpu.yield
    }) : () -> ()
    %add3A_183 = arith.constant 384 : i32
    %add3A_184 = arith.addi %mul3A_2, %add3A_183 : i32
    %dma_wait3A_185 = arith.constant 0 : i32
    %dma_wait3A_186 = tpu.memref_slice %arg6[%add3A_184, %dma_wait3A_185] : memref<16384x128xi32, #tpu.memory_space<hbm>> -> memref<128x128xi32, #tpu.memory_space<hbm>>
    %dma_wait3A_187 = arith.constant 0 : i32
    %dma_wait3A_188 = tpu.memref_slice %arg6[%add3A_184, %dma_wait3A_187] : memref<16384x128xi32, #tpu.memory_space<hbm>> -> memref<128x128xi32, #tpu.memory_space<hbm>>
    tpu.wait_dma2 semaphore(%arg13 : memref<!tpu.dma_semaphore, #tpu.memory_space<semaphore_mem>>) src(%arg10 : memref<128x128xi32, #tpu.memory_space<vmem>>) dst(%dma_wait3A_188 : memref<128x128xi32, #tpu.memory_space<hbm>>)
    return
  }
}

#map = affine_map<(d0, d1) -> (0, 0)>
module attributes {stable_mosaic.version = 14 : i64} {
  func.func @body(%arg0: i32, %arg1: i32, %arg2: memref<16384x128xf32, #tpu.memory_space<hbm>>, %arg3: memref<16384x128xf32, #tpu.memory_space<hbm>>, %arg4: memref<16384x16xf32, #tpu.memory_space<hbm>>, %arg5: memref<256x128xi32, #tpu.memory_space<hbm>>, %arg6: memref<1024x128xf32, #tpu.memory_space<hbm>>, %arg7: memref<1024x16xf32, #tpu.memory_space<hbm>>, %arg8: memref<2048x128xf32, #tpu.memory_space<hbm>>, %arg9: memref<2048x128xf32, #tpu.memory_space<hbm>>, %arg10: memref<2048x16xf32, #tpu.memory_space<hbm>>, %arg11: memref<4x128xi32, #tpu.memory_space<vmem>>, %arg12: memref<128x128xf32, #tpu.memory_space<vmem>>, %arg13: memref<128x128xf32, #tpu.memory_space<vmem>>, %arg14: memref<128x128xf32, #tpu.memory_space<vmem>>, %arg15: memref<128x128xf32, #tpu.memory_space<vmem>>, %arg16: memref<512x16xf32, #tpu.memory_space<vmem>>, %arg17: memref<64x128xf32, #tpu.memory_space<vmem>>, %arg18: memref<64x16xf32, #tpu.memory_space<vmem>>, %arg19: memref<1024x128xf32, #tpu.memory_space<vmem_shared>>, %arg20: memref<1024x128xf32, #tpu.memory_space<vmem_shared>>, %arg21: memref<1024x16xf32, #tpu.memory_space<vmem_shared>>, %arg22: memref<!tpu.dma_semaphore, #tpu.memory_space<semaphore_mem>>, %arg23: memref<!tpu.dma_semaphore, #tpu.memory_space<semaphore_mem>>) attributes {dimension_semantics = [#tpu.dimension_semantics<core_parallel>, #tpu.dimension_semantics<subcore_parallel>], iteration_bounds = array<i64: 2, 16>, scalar_prefetch = 0 : i64, scratch_operands = 13 : i64, tpu.core_type = #tpu.core_type<sc_vector_subcore>, window_params = [{transform_indices = #map}, {transform_indices = #map}, {transform_indices = #map}, {transform_indices = #map}, {transform_indices = #map}, {transform_indices = #map}, {transform_indices = #map}, {transform_indices = #map}, {transform_indices = #map}]} {
    %mul3A = arith.constant 2 : i32
    %mul3A_0 = arith.muli %arg1, %mul3A : i32
    %add3A = arith.addi %mul3A_0, %arg0 : i32
    %mul3A_1 = arith.constant 512 : i32
    %mul3A_2 = arith.muli %add3A, %mul3A_1 : i32
    %mul3A_3 = arith.constant 64 : i32
    %mul3A_4 = arith.muli %arg1, %mul3A_3 : i32
    "tpu.region"() ({
      %run_scoped3A_244 = tpu.sem_alloc : memref<!tpu.dma_semaphore, #tpu.memory_space<semaphore_mem>>
      %dma_start3A_245 = arith.constant 0 : i32
      %dma_start3A_246 = tpu.memref_slice %arg6[%mul3A_4, %dma_start3A_245] : memref<1024x128xf32, #tpu.memory_space<hbm>> -> memref<64x128xf32, #tpu.memory_space<hbm>>
      %dma_start3A_247 = arith.constant 0 : i32
      %dma_start3A_248 = tpu.memref_slice %arg6[%mul3A_4, %dma_start3A_247] : memref<1024x128xf32, #tpu.memory_space<hbm>> -> memref<64x128xf32, #tpu.memory_space<hbm>>
      tpu.enqueue_dma source(%dma_start3A_248 : memref<64x128xf32, #tpu.memory_space<hbm>>) target(%arg17 : memref<64x128xf32, #tpu.memory_space<vmem>>) target_semaphore(%run_scoped3A_244 : memref<!tpu.dma_semaphore, #tpu.memory_space<semaphore_mem>>)
      %dma_wait3A_249 = arith.constant 0 : i32
      %dma_wait3A_250 = tpu.memref_slice %arg6[%mul3A_4, %dma_wait3A_249] : memref<1024x128xf32, #tpu.memory_space<hbm>> -> memref<64x128xf32, #tpu.memory_space<hbm>>
      %dma_wait3A_251 = arith.constant 0 : i32
      %dma_wait3A_252 = tpu.memref_slice %arg6[%mul3A_4, %dma_wait3A_251] : memref<1024x128xf32, #tpu.memory_space<hbm>> -> memref<64x128xf32, #tpu.memory_space<hbm>>
      tpu.wait_dma2 semaphore(%run_scoped3A_244 : memref<!tpu.dma_semaphore, #tpu.memory_space<semaphore_mem>>) src(%dma_wait3A_252 : memref<64x128xf32, #tpu.memory_space<hbm>>) dst(%arg17 : memref<64x128xf32, #tpu.memory_space<vmem>>)
      tpu.yield
    }) : () -> ()
    %mul3A_5 = arith.constant 64 : i32
    %mul3A_6 = arith.muli %arg1, %mul3A_5 : i32
    "tpu.region"() ({
      %run_scoped3A_244 = tpu.sem_alloc : memref<!tpu.dma_semaphore, #tpu.memory_space<semaphore_mem>>
      %dma_start3A_245 = arith.constant 0 : i32
      %dma_start3A_246 = tpu.memref_slice %arg19[%mul3A_6, %dma_start3A_245] : memref<1024x128xf32, #tpu.memory_space<vmem_shared>> -> memref<64x128xf32, #tpu.memory_space<vmem_shared>>
      %dma_start3A_247 = arith.constant 0 : i32
      %dma_start3A_248 = tpu.memref_slice %arg19[%mul3A_6, %dma_start3A_247] : memref<1024x128xf32, #tpu.memory_space<vmem_shared>> -> memref<64x128xf32, #tpu.memory_space<vmem_shared>>
      tpu.enqueue_dma source(%arg17 : memref<64x128xf32, #tpu.memory_space<vmem>>) target(%dma_start3A_248 : memref<64x128xf32, #tpu.memory_space<vmem_shared>>) target_semaphore(%run_scoped3A_244 : memref<!tpu.dma_semaphore, #tpu.memory_space<semaphore_mem>>)
      %dma_wait3A_249 = arith.constant 0 : i32
      %dma_wait3A_250 = tpu.memref_slice %arg19[%mul3A_6, %dma_wait3A_249] : memref<1024x128xf32, #tpu.memory_space<vmem_shared>> -> memref<64x128xf32, #tpu.memory_space<vmem_shared>>
      %dma_wait3A_251 = arith.constant 0 : i32
      %dma_wait3A_252 = tpu.memref_slice %arg19[%mul3A_6, %dma_wait3A_251] : memref<1024x128xf32, #tpu.memory_space<vmem_shared>> -> memref<64x128xf32, #tpu.memory_space<vmem_shared>>
      tpu.wait_dma2 semaphore(%run_scoped3A_244 : memref<!tpu.dma_semaphore, #tpu.memory_space<semaphore_mem>>) src(%arg17 : memref<64x128xf32, #tpu.memory_space<vmem>>) dst(%dma_wait3A_252 : memref<64x128xf32, #tpu.memory_space<vmem_shared>>)
      tpu.yield
    }) : () -> ()
    %mul3A_7 = arith.constant 64 : i32
    %mul3A_8 = arith.muli %arg1, %mul3A_7 : i32
    "tpu.region"() ({
      %run_scoped3A_244 = tpu.sem_alloc : memref<!tpu.dma_semaphore, #tpu.memory_space<semaphore_mem>>
      %dma_start3A_245 = arith.constant 0 : i32
      %dma_start3A_246 = tpu.memref_slice %arg20[%mul3A_8, %dma_start3A_245] : memref<1024x128xf32, #tpu.memory_space<vmem_shared>> -> memref<64x128xf32, #tpu.memory_space<vmem_shared>>
      %dma_start3A_247 = arith.constant 0 : i32
      %dma_start3A_248 = tpu.memref_slice %arg20[%mul3A_8, %dma_start3A_247] : memref<1024x128xf32, #tpu.memory_space<vmem_shared>> -> memref<64x128xf32, #tpu.memory_space<vmem_shared>>
      tpu.enqueue_dma source(%arg17 : memref<64x128xf32, #tpu.memory_space<vmem>>) target(%dma_start3A_248 : memref<64x128xf32, #tpu.memory_space<vmem_shared>>) target_semaphore(%run_scoped3A_244 : memref<!tpu.dma_semaphore, #tpu.memory_space<semaphore_mem>>)
      %dma_wait3A_249 = arith.constant 0 : i32
      %dma_wait3A_250 = tpu.memref_slice %arg20[%mul3A_8, %dma_wait3A_249] : memref<1024x128xf32, #tpu.memory_space<vmem_shared>> -> memref<64x128xf32, #tpu.memory_space<vmem_shared>>
      %dma_wait3A_251 = arith.constant 0 : i32
      %dma_wait3A_252 = tpu.memref_slice %arg20[%mul3A_8, %dma_wait3A_251] : memref<1024x128xf32, #tpu.memory_space<vmem_shared>> -> memref<64x128xf32, #tpu.memory_space<vmem_shared>>
      tpu.wait_dma2 semaphore(%run_scoped3A_244 : memref<!tpu.dma_semaphore, #tpu.memory_space<semaphore_mem>>) src(%arg17 : memref<64x128xf32, #tpu.memory_space<vmem>>) dst(%dma_wait3A_252 : memref<64x128xf32, #tpu.memory_space<vmem_shared>>)
      tpu.yield
    }) : () -> ()
    %mul3A_9 = arith.constant 64 : i32
    %mul3A_10 = arith.muli %arg1, %mul3A_9 : i32
    "tpu.region"() ({
      %run_scoped3A_244 = tpu.sem_alloc : memref<!tpu.dma_semaphore, #tpu.memory_space<semaphore_mem>>
      %dma_start3A_245 = arith.constant 0 : i32
      %dma_start3A_246 = tpu.memref_slice %arg7[%mul3A_10, %dma_start3A_245] : memref<1024x16xf32, #tpu.memory_space<hbm>> -> memref<64x16xf32, #tpu.memory_space<hbm>>
      %dma_start3A_247 = arith.constant 0 : i32
      %dma_start3A_248 = tpu.memref_slice %arg7[%mul3A_10, %dma_start3A_247] : memref<1024x16xf32, #tpu.memory_space<hbm>> -> memref<64x16xf32, #tpu.memory_space<hbm>>
      tpu.enqueue_dma source(%dma_start3A_248 : memref<64x16xf32, #tpu.memory_space<hbm>>) target(%arg18 : memref<64x16xf32, #tpu.memory_space<vmem>>) target_semaphore(%run_scoped3A_244 : memref<!tpu.dma_semaphore, #tpu.memory_space<semaphore_mem>>)
      %dma_wait3A_249 = arith.constant 0 : i32
      %dma_wait3A_250 = tpu.memref_slice %arg7[%mul3A_10, %dma_wait3A_249] : memref<1024x16xf32, #tpu.memory_space<hbm>> -> memref<64x16xf32, #tpu.memory_space<hbm>>
      %dma_wait3A_251 = arith.constant 0 : i32
      %dma_wait3A_252 = tpu.memref_slice %arg7[%mul3A_10, %dma_wait3A_251] : memref<1024x16xf32, #tpu.memory_space<hbm>> -> memref<64x16xf32, #tpu.memory_space<hbm>>
      tpu.wait_dma2 semaphore(%run_scoped3A_244 : memref<!tpu.dma_semaphore, #tpu.memory_space<semaphore_mem>>) src(%dma_wait3A_252 : memref<64x16xf32, #tpu.memory_space<hbm>>) dst(%arg18 : memref<64x16xf32, #tpu.memory_space<vmem>>)
      tpu.yield
    }) : () -> ()
    %mul3A_11 = arith.constant 64 : i32
    %mul3A_12 = arith.muli %arg1, %mul3A_11 : i32
    "tpu.region"() ({
      %run_scoped3A_244 = tpu.sem_alloc : memref<!tpu.dma_semaphore, #tpu.memory_space<semaphore_mem>>
      %dma_start3A_245 = arith.constant 0 : i32
      %dma_start3A_246 = tpu.memref_slice %arg21[%mul3A_12, %dma_start3A_245] : memref<1024x16xf32, #tpu.memory_space<vmem_shared>> -> memref<64x16xf32, #tpu.memory_space<vmem_shared>>
      %dma_start3A_247 = arith.constant 0 : i32
      %dma_start3A_248 = tpu.memref_slice %arg21[%mul3A_12, %dma_start3A_247] : memref<1024x16xf32, #tpu.memory_space<vmem_shared>> -> memref<64x16xf32, #tpu.memory_space<vmem_shared>>
      tpu.enqueue_dma source(%arg18 : memref<64x16xf32, #tpu.memory_space<vmem>>) target(%dma_start3A_248 : memref<64x16xf32, #tpu.memory_space<vmem_shared>>) target_semaphore(%run_scoped3A_244 : memref<!tpu.dma_semaphore, #tpu.memory_space<semaphore_mem>>)
      %dma_wait3A_249 = arith.constant 0 : i32
      %dma_wait3A_250 = tpu.memref_slice %arg21[%mul3A_12, %dma_wait3A_249] : memref<1024x16xf32, #tpu.memory_space<vmem_shared>> -> memref<64x16xf32, #tpu.memory_space<vmem_shared>>
      %dma_wait3A_251 = arith.constant 0 : i32
      %dma_wait3A_252 = tpu.memref_slice %arg21[%mul3A_12, %dma_wait3A_251] : memref<1024x16xf32, #tpu.memory_space<vmem_shared>> -> memref<64x16xf32, #tpu.memory_space<vmem_shared>>
      tpu.wait_dma2 semaphore(%run_scoped3A_244 : memref<!tpu.dma_semaphore, #tpu.memory_space<semaphore_mem>>) src(%arg18 : memref<64x16xf32, #tpu.memory_space<vmem>>) dst(%dma_wait3A_252 : memref<64x16xf32, #tpu.memory_space<vmem_shared>>)
      tpu.yield
    }) : () -> ()
    %mul3A_13 = arith.constant 4 : i32
    %mul3A_14 = arith.muli %add3A, %mul3A_13 : i32
    %add3A_15 = arith.constant 128 : i32
    %add3A_16 = arith.addi %add3A_15, %mul3A_14 : i32
    "tpu.region"() ({
      %run_scoped3A_244 = tpu.sem_alloc : memref<!tpu.dma_semaphore, #tpu.memory_space<semaphore_mem>>
      %dma_start3A_245 = arith.constant 0 : i32
      %dma_start3A_246 = tpu.memref_slice %arg5[%add3A_16, %dma_start3A_245] : memref<256x128xi32, #tpu.memory_space<hbm>> -> memref<4x128xi32, #tpu.memory_space<hbm>>
      %dma_start3A_247 = arith.constant 0 : i32
      %dma_start3A_248 = tpu.memref_slice %arg5[%add3A_16, %dma_start3A_247] : memref<256x128xi32, #tpu.memory_space<hbm>> -> memref<4x128xi32, #tpu.memory_space<hbm>>
      tpu.enqueue_dma source(%dma_start3A_248 : memref<4x128xi32, #tpu.memory_space<hbm>>) target(%arg11 : memref<4x128xi32, #tpu.memory_space<vmem>>) target_semaphore(%run_scoped3A_244 : memref<!tpu.dma_semaphore, #tpu.memory_space<semaphore_mem>>)
      %dma_wait3A_249 = arith.constant 0 : i32
      %dma_wait3A_250 = tpu.memref_slice %arg5[%add3A_16, %dma_wait3A_249] : memref<256x128xi32, #tpu.memory_space<hbm>> -> memref<4x128xi32, #tpu.memory_space<hbm>>
      %dma_wait3A_251 = arith.constant 0 : i32
      %dma_wait3A_252 = tpu.memref_slice %arg5[%add3A_16, %dma_wait3A_251] : memref<256x128xi32, #tpu.memory_space<hbm>> -> memref<4x128xi32, #tpu.memory_space<hbm>>
      tpu.wait_dma2 semaphore(%run_scoped3A_244 : memref<!tpu.dma_semaphore, #tpu.memory_space<semaphore_mem>>) src(%dma_wait3A_252 : memref<4x128xi32, #tpu.memory_space<hbm>>) dst(%arg11 : memref<4x128xi32, #tpu.memory_space<vmem>>)
      tpu.yield
    }) : () -> ()
    "tpu.region"() ({
      %run_scoped3A_244 = tpu.sem_alloc : memref<!tpu.dma_semaphore, #tpu.memory_space<semaphore_mem>>
      %dma_start3A_245 = arith.constant 0 : i32
      %dma_start3A_246 = tpu.memref_slice %arg4[%mul3A_2, %dma_start3A_245] : memref<16384x16xf32, #tpu.memory_space<hbm>> -> memref<512x16xf32, #tpu.memory_space<hbm>>
      %dma_start3A_247 = arith.constant 0 : i32
      %dma_start3A_248 = tpu.memref_slice %arg4[%mul3A_2, %dma_start3A_247] : memref<16384x16xf32, #tpu.memory_space<hbm>> -> memref<512x16xf32, #tpu.memory_space<hbm>>
      tpu.enqueue_dma source(%dma_start3A_248 : memref<512x16xf32, #tpu.memory_space<hbm>>) target(%arg16 : memref<512x16xf32, #tpu.memory_space<vmem>>) target_semaphore(%run_scoped3A_244 : memref<!tpu.dma_semaphore, #tpu.memory_space<semaphore_mem>>)
      %dma_wait3A_249 = arith.constant 0 : i32
      %dma_wait3A_250 = tpu.memref_slice %arg4[%mul3A_2, %dma_wait3A_249] : memref<16384x16xf32, #tpu.memory_space<hbm>> -> memref<512x16xf32, #tpu.memory_space<hbm>>
      %dma_wait3A_251 = arith.constant 0 : i32
      %dma_wait3A_252 = tpu.memref_slice %arg4[%mul3A_2, %dma_wait3A_251] : memref<16384x16xf32, #tpu.memory_space<hbm>> -> memref<512x16xf32, #tpu.memory_space<hbm>>
      tpu.wait_dma2 semaphore(%run_scoped3A_244 : memref<!tpu.dma_semaphore, #tpu.memory_space<semaphore_mem>>) src(%dma_wait3A_252 : memref<512x16xf32, #tpu.memory_space<hbm>>) dst(%arg16 : memref<512x16xf32, #tpu.memory_space<vmem>>)
      tpu.yield
    }) : () -> ()
    %barrier3A = arith.constant 0 : index
    tpu.barrier barrier_id(%barrier3A)
    %dma_start3A = arith.constant 0 : i32
    %dma_start3A_17 = tpu.memref_slice %arg2[%mul3A_2, %dma_start3A] : memref<16384x128xf32, #tpu.memory_space<hbm>> -> memref<128x128xf32, #tpu.memory_space<hbm>>
    %dma_start3A_18 = arith.constant 0 : i32
    %dma_start3A_19 = tpu.memref_slice %arg2[%mul3A_2, %dma_start3A_18] : memref<16384x128xf32, #tpu.memory_space<hbm>> -> memref<128x128xf32, #tpu.memory_space<hbm>>
    tpu.enqueue_dma source(%dma_start3A_19 : memref<128x128xf32, #tpu.memory_space<hbm>>) target(%arg12 : memref<128x128xf32, #tpu.memory_space<vmem>>) target_semaphore(%arg22 : memref<!tpu.dma_semaphore, #tpu.memory_space<semaphore_mem>>)
    %dma_start3A_20 = arith.constant 0 : i32
    %dma_start3A_21 = tpu.memref_slice %arg3[%mul3A_2, %dma_start3A_20] : memref<16384x128xf32, #tpu.memory_space<hbm>> -> memref<128x128xf32, #tpu.memory_space<hbm>>
    %dma_start3A_22 = arith.constant 0 : i32
    %dma_start3A_23 = tpu.memref_slice %arg3[%mul3A_2, %dma_start3A_22] : memref<16384x128xf32, #tpu.memory_space<hbm>> -> memref<128x128xf32, #tpu.memory_space<hbm>>
    tpu.enqueue_dma source(%dma_start3A_23 : memref<128x128xf32, #tpu.memory_space<hbm>>) target(%arg14 : memref<128x128xf32, #tpu.memory_space<vmem>>) target_semaphore(%arg22 : memref<!tpu.dma_semaphore, #tpu.memory_space<semaphore_mem>>)
    %run_scoped3A = arith.constant 0 : i32
    "tpu.region"() ({
      %run_scoped3A_244 = tpu.sem_alloc : memref<!tpu.dma_semaphore, #tpu.memory_space<semaphore_mem>>
      %dma_start3A_245 = arith.constant 0 : i32
      %dma_start3A_246 = arith.constant 0 : i32
      %dma_start3A_247 = tpu.memref_slice %arg16[%dma_start3A_245, %dma_start3A_246] : memref<512x16xf32, #tpu.memory_space<vmem>> -> memref<128x16xf32, #tpu.memory_space<vmem>>
      %dma_start3A_248 = arith.constant 0 : i32
      %dma_start3A_249 = tpu.memref_slice %arg11[%run_scoped3A, %dma_start3A_248] : memref<4x128xi32, #tpu.memory_space<vmem>> -> memref<1x128xi32, #tpu.memory_space<vmem>>
      %dma_start3A_250 = tpu.memref_squeeze %dma_start3A_249 : memref<1x128xi32, #tpu.memory_space<vmem>> -> memref<128xi32, #tpu.memory_space<vmem>>
      %dma_start3A_251 = arith.constant 0 : i32
      %dma_start3A_252 = arith.constant 0 : i32
      %dma_start3A_253 = tpu.memref_slice %arg21[%dma_start3A_251, %dma_start3A_252] : memref<1024x16xf32, #tpu.memory_space<vmem_shared>> -> memref<1024x16xf32, #tpu.memory_space<vmem_shared>>
      tpu.enqueue_indirect_dma source(%dma_start3A_247 : memref<128x16xf32, #tpu.memory_space<vmem>>) target(%dma_start3A_253 : memref<1024x16xf32, #tpu.memory_space<vmem_shared>>) offsets(%dma_start3A_250 : memref<128xi32, #tpu.memory_space<vmem>>) semaphore(%run_scoped3A_244 : memref<!tpu.dma_semaphore, #tpu.memory_space<semaphore_mem>>) {add = true}
      %dma_wait3A_254 = arith.constant 0 : i32
      %dma_wait3A_255 = arith.constant 0 : i32
      %dma_wait3A_256 = tpu.memref_slice %arg16[%dma_wait3A_254, %dma_wait3A_255] : memref<512x16xf32, #tpu.memory_space<vmem>> -> memref<128x16xf32, #tpu.memory_space<vmem>>
      %dma_wait3A_257 = arith.constant 0 : i32
      %dma_wait3A_258 = tpu.memref_slice %arg11[%run_scoped3A, %dma_wait3A_257] : memref<4x128xi32, #tpu.memory_space<vmem>> -> memref<1x128xi32, #tpu.memory_space<vmem>>
      %dma_wait3A_259 = tpu.memref_squeeze %dma_wait3A_258 : memref<1x128xi32, #tpu.memory_space<vmem>> -> memref<128xi32, #tpu.memory_space<vmem>>
      %dma_wait3A_260 = arith.constant 0 : i32
      %dma_wait3A_261 = arith.constant 0 : i32
      %dma_wait3A_262 = tpu.memref_slice %arg21[%dma_wait3A_260, %dma_wait3A_261] : memref<1024x16xf32, #tpu.memory_space<vmem_shared>> -> memref<1024x16xf32, #tpu.memory_space<vmem_shared>>
      tpu.wait_indirect_dma semaphore(%run_scoped3A_244 : memref<!tpu.dma_semaphore, #tpu.memory_space<semaphore_mem>>) src(%dma_wait3A_256 : memref<128x16xf32, #tpu.memory_space<vmem>>) dst(%dma_wait3A_262 : memref<1024x16xf32, #tpu.memory_space<vmem_shared>>)
      tpu.yield
    }) : () -> ()
    %add3A_24 = arith.constant 128 : i32
    %add3A_25 = arith.addi %mul3A_2, %add3A_24 : i32
    %dma_start3A_26 = arith.constant 0 : i32
    %dma_start3A_27 = tpu.memref_slice %arg2[%add3A_25, %dma_start3A_26] : memref<16384x128xf32, #tpu.memory_space<hbm>> -> memref<128x128xf32, #tpu.memory_space<hbm>>
    %dma_start3A_28 = arith.constant 0 : i32
    %dma_start3A_29 = tpu.memref_slice %arg2[%add3A_25, %dma_start3A_28] : memref<16384x128xf32, #tpu.memory_space<hbm>> -> memref<128x128xf32, #tpu.memory_space<hbm>>
    tpu.enqueue_dma source(%dma_start3A_29 : memref<128x128xf32, #tpu.memory_space<hbm>>) target(%arg13 : memref<128x128xf32, #tpu.memory_space<vmem>>) target_semaphore(%arg22 : memref<!tpu.dma_semaphore, #tpu.memory_space<semaphore_mem>>)
    %add3A_30 = arith.constant 128 : i32
    %add3A_31 = arith.addi %mul3A_2, %add3A_30 : i32
    %dma_start3A_32 = arith.constant 0 : i32
    %dma_start3A_33 = tpu.memref_slice %arg3[%add3A_31, %dma_start3A_32] : memref<16384x128xf32, #tpu.memory_space<hbm>> -> memref<128x128xf32, #tpu.memory_space<hbm>>
    %dma_start3A_34 = arith.constant 0 : i32
    %dma_start3A_35 = tpu.memref_slice %arg3[%add3A_31, %dma_start3A_34] : memref<16384x128xf32, #tpu.memory_space<hbm>> -> memref<128x128xf32, #tpu.memory_space<hbm>>
    tpu.enqueue_dma source(%dma_start3A_35 : memref<128x128xf32, #tpu.memory_space<hbm>>) target(%arg15 : memref<128x128xf32, #tpu.memory_space<vmem>>) target_semaphore(%arg22 : memref<!tpu.dma_semaphore, #tpu.memory_space<semaphore_mem>>)
    %add3A_36 = arith.constant 0 : i32
    %add3A_37 = arith.addi %mul3A_2, %add3A_36 : i32
    %dma_wait3A = arith.constant 0 : i32
    %dma_wait3A_38 = tpu.memref_slice %arg2[%add3A_37, %dma_wait3A] : memref<16384x128xf32, #tpu.memory_space<hbm>> -> memref<128x128xf32, #tpu.memory_space<hbm>>
    %dma_wait3A_39 = arith.constant 0 : i32
    %dma_wait3A_40 = tpu.memref_slice %arg2[%add3A_37, %dma_wait3A_39] : memref<16384x128xf32, #tpu.memory_space<hbm>> -> memref<128x128xf32, #tpu.memory_space<hbm>>
    tpu.wait_dma2 semaphore(%arg22 : memref<!tpu.dma_semaphore, #tpu.memory_space<semaphore_mem>>) src(%dma_wait3A_40 : memref<128x128xf32, #tpu.memory_space<hbm>>) dst(%arg12 : memref<128x128xf32, #tpu.memory_space<vmem>>)
    %add3A_41 = arith.constant 0 : i32
    %add3A_42 = arith.addi %mul3A_2, %add3A_41 : i32
    %dma_wait3A_43 = arith.constant 0 : i32
    %dma_wait3A_44 = tpu.memref_slice %arg3[%add3A_42, %dma_wait3A_43] : memref<16384x128xf32, #tpu.memory_space<hbm>> -> memref<128x128xf32, #tpu.memory_space<hbm>>
    %dma_wait3A_45 = arith.constant 0 : i32
    %dma_wait3A_46 = tpu.memref_slice %arg3[%add3A_42, %dma_wait3A_45] : memref<16384x128xf32, #tpu.memory_space<hbm>> -> memref<128x128xf32, #tpu.memory_space<hbm>>
    tpu.wait_dma2 semaphore(%arg22 : memref<!tpu.dma_semaphore, #tpu.memory_space<semaphore_mem>>) src(%dma_wait3A_46 : memref<128x128xf32, #tpu.memory_space<hbm>>) dst(%arg14 : memref<128x128xf32, #tpu.memory_space<vmem>>)
    %dma_start3A_47 = arith.constant 0 : i32
    %dma_start3A_48 = arith.constant 0 : i32
    %dma_start3A_49 = tpu.memref_slice %arg11[%dma_start3A_47, %dma_start3A_48] : memref<4x128xi32, #tpu.memory_space<vmem>> -> memref<1x128xi32, #tpu.memory_space<vmem>>
    %dma_start3A_50 = tpu.memref_squeeze %dma_start3A_49 : memref<1x128xi32, #tpu.memory_space<vmem>> -> memref<128xi32, #tpu.memory_space<vmem>>
    %dma_start3A_51 = arith.constant 0 : i32
    %dma_start3A_52 = arith.constant 0 : i32
    %dma_start3A_53 = tpu.memref_slice %arg19[%dma_start3A_51, %dma_start3A_52] : memref<1024x128xf32, #tpu.memory_space<vmem_shared>> -> memref<1024x128xf32, #tpu.memory_space<vmem_shared>>
    tpu.enqueue_indirect_dma source(%arg12 : memref<128x128xf32, #tpu.memory_space<vmem>>) target(%dma_start3A_53 : memref<1024x128xf32, #tpu.memory_space<vmem_shared>>) offsets(%dma_start3A_50 : memref<128xi32, #tpu.memory_space<vmem>>) semaphore(%arg23 : memref<!tpu.dma_semaphore, #tpu.memory_space<semaphore_mem>>) {add = true}
    %dma_start3A_54 = arith.constant 0 : i32
    %dma_start3A_55 = arith.constant 0 : i32
    %dma_start3A_56 = tpu.memref_slice %arg11[%dma_start3A_54, %dma_start3A_55] : memref<4x128xi32, #tpu.memory_space<vmem>> -> memref<1x128xi32, #tpu.memory_space<vmem>>
    %dma_start3A_57 = tpu.memref_squeeze %dma_start3A_56 : memref<1x128xi32, #tpu.memory_space<vmem>> -> memref<128xi32, #tpu.memory_space<vmem>>
    %dma_start3A_58 = arith.constant 0 : i32
    %dma_start3A_59 = arith.constant 0 : i32
    %dma_start3A_60 = tpu.memref_slice %arg20[%dma_start3A_58, %dma_start3A_59] : memref<1024x128xf32, #tpu.memory_space<vmem_shared>> -> memref<1024x128xf32, #tpu.memory_space<vmem_shared>>
    tpu.enqueue_indirect_dma source(%arg14 : memref<128x128xf32, #tpu.memory_space<vmem>>) target(%dma_start3A_60 : memref<1024x128xf32, #tpu.memory_space<vmem_shared>>) offsets(%dma_start3A_57 : memref<128xi32, #tpu.memory_space<vmem>>) semaphore(%arg23 : memref<!tpu.dma_semaphore, #tpu.memory_space<semaphore_mem>>) {add = true}
    %run_scoped3A_61 = arith.constant 1 : i32
    "tpu.region"() ({
      %run_scoped3A_244 = tpu.sem_alloc : memref<!tpu.dma_semaphore, #tpu.memory_space<semaphore_mem>>
      %dma_start3A_245 = arith.constant 128 : i32
      %dma_start3A_246 = arith.constant 0 : i32
      %dma_start3A_247 = tpu.memref_slice %arg16[%dma_start3A_245, %dma_start3A_246] : memref<512x16xf32, #tpu.memory_space<vmem>> -> memref<128x16xf32, #tpu.memory_space<vmem>>
      %dma_start3A_248 = arith.constant 0 : i32
      %dma_start3A_249 = tpu.memref_slice %arg11[%run_scoped3A_61, %dma_start3A_248] : memref<4x128xi32, #tpu.memory_space<vmem>> -> memref<1x128xi32, #tpu.memory_space<vmem>>
      %dma_start3A_250 = tpu.memref_squeeze %dma_start3A_249 : memref<1x128xi32, #tpu.memory_space<vmem>> -> memref<128xi32, #tpu.memory_space<vmem>>
      %dma_start3A_251 = arith.constant 0 : i32
      %dma_start3A_252 = arith.constant 0 : i32
      %dma_start3A_253 = tpu.memref_slice %arg21[%dma_start3A_251, %dma_start3A_252] : memref<1024x16xf32, #tpu.memory_space<vmem_shared>> -> memref<1024x16xf32, #tpu.memory_space<vmem_shared>>
      tpu.enqueue_indirect_dma source(%dma_start3A_247 : memref<128x16xf32, #tpu.memory_space<vmem>>) target(%dma_start3A_253 : memref<1024x16xf32, #tpu.memory_space<vmem_shared>>) offsets(%dma_start3A_250 : memref<128xi32, #tpu.memory_space<vmem>>) semaphore(%run_scoped3A_244 : memref<!tpu.dma_semaphore, #tpu.memory_space<semaphore_mem>>) {add = true}
      %dma_wait3A_254 = arith.constant 128 : i32
      %dma_wait3A_255 = arith.constant 0 : i32
      %dma_wait3A_256 = tpu.memref_slice %arg16[%dma_wait3A_254, %dma_wait3A_255] : memref<512x16xf32, #tpu.memory_space<vmem>> -> memref<128x16xf32, #tpu.memory_space<vmem>>
      %dma_wait3A_257 = arith.constant 0 : i32
      %dma_wait3A_258 = tpu.memref_slice %arg11[%run_scoped3A_61, %dma_wait3A_257] : memref<4x128xi32, #tpu.memory_space<vmem>> -> memref<1x128xi32, #tpu.memory_space<vmem>>
      %dma_wait3A_259 = tpu.memref_squeeze %dma_wait3A_258 : memref<1x128xi32, #tpu.memory_space<vmem>> -> memref<128xi32, #tpu.memory_space<vmem>>
      %dma_wait3A_260 = arith.constant 0 : i32
      %dma_wait3A_261 = arith.constant 0 : i32
      %dma_wait3A_262 = tpu.memref_slice %arg21[%dma_wait3A_260, %dma_wait3A_261] : memref<1024x16xf32, #tpu.memory_space<vmem_shared>> -> memref<1024x16xf32, #tpu.memory_space<vmem_shared>>
      tpu.wait_indirect_dma semaphore(%run_scoped3A_244 : memref<!tpu.dma_semaphore, #tpu.memory_space<semaphore_mem>>) src(%dma_wait3A_256 : memref<128x16xf32, #tpu.memory_space<vmem>>) dst(%dma_wait3A_262 : memref<1024x16xf32, #tpu.memory_space<vmem_shared>>)
      tpu.yield
    }) : () -> ()
    %dma_wait3A_62 = arith.constant 0 : i32
    %dma_wait3A_63 = arith.constant 0 : i32
    %dma_wait3A_64 = tpu.memref_slice %arg11[%dma_wait3A_62, %dma_wait3A_63] : memref<4x128xi32, #tpu.memory_space<vmem>> -> memref<1x128xi32, #tpu.memory_space<vmem>>
    %dma_wait3A_65 = tpu.memref_squeeze %dma_wait3A_64 : memref<1x128xi32, #tpu.memory_space<vmem>> -> memref<128xi32, #tpu.memory_space<vmem>>
    %dma_wait3A_66 = arith.constant 0 : i32
    %dma_wait3A_67 = arith.constant 0 : i32
    %dma_wait3A_68 = tpu.memref_slice %arg19[%dma_wait3A_66, %dma_wait3A_67] : memref<1024x128xf32, #tpu.memory_space<vmem_shared>> -> memref<1024x128xf32, #tpu.memory_space<vmem_shared>>
    tpu.wait_indirect_dma semaphore(%arg23 : memref<!tpu.dma_semaphore, #tpu.memory_space<semaphore_mem>>) src(%arg12 : memref<128x128xf32, #tpu.memory_space<vmem>>) dst(%dma_wait3A_68 : memref<1024x128xf32, #tpu.memory_space<vmem_shared>>)
    %dma_wait3A_69 = arith.constant 0 : i32
    %dma_wait3A_70 = arith.constant 0 : i32
    %dma_wait3A_71 = tpu.memref_slice %arg11[%dma_wait3A_69, %dma_wait3A_70] : memref<4x128xi32, #tpu.memory_space<vmem>> -> memref<1x128xi32, #tpu.memory_space<vmem>>
    %dma_wait3A_72 = tpu.memref_squeeze %dma_wait3A_71 : memref<1x128xi32, #tpu.memory_space<vmem>> -> memref<128xi32, #tpu.memory_space<vmem>>
    %dma_wait3A_73 = arith.constant 0 : i32
    %dma_wait3A_74 = arith.constant 0 : i32
    %dma_wait3A_75 = tpu.memref_slice %arg20[%dma_wait3A_73, %dma_wait3A_74] : memref<1024x128xf32, #tpu.memory_space<vmem_shared>> -> memref<1024x128xf32, #tpu.memory_space<vmem_shared>>
    tpu.wait_indirect_dma semaphore(%arg23 : memref<!tpu.dma_semaphore, #tpu.memory_space<semaphore_mem>>) src(%arg14 : memref<128x128xf32, #tpu.memory_space<vmem>>) dst(%dma_wait3A_75 : memref<1024x128xf32, #tpu.memory_space<vmem_shared>>)
    %add3A_76 = arith.constant 256 : i32
    %add3A_77 = arith.addi %mul3A_2, %add3A_76 : i32
    %dma_start3A_78 = arith.constant 0 : i32
    %dma_start3A_79 = tpu.memref_slice %arg2[%add3A_77, %dma_start3A_78] : memref<16384x128xf32, #tpu.memory_space<hbm>> -> memref<128x128xf32, #tpu.memory_space<hbm>>
    %dma_start3A_80 = arith.constant 0 : i32
    %dma_start3A_81 = tpu.memref_slice %arg2[%add3A_77, %dma_start3A_80] : memref<16384x128xf32, #tpu.memory_space<hbm>> -> memref<128x128xf32, #tpu.memory_space<hbm>>
    tpu.enqueue_dma source(%dma_start3A_81 : memref<128x128xf32, #tpu.memory_space<hbm>>) target(%arg12 : memref<128x128xf32, #tpu.memory_space<vmem>>) target_semaphore(%arg22 : memref<!tpu.dma_semaphore, #tpu.memory_space<semaphore_mem>>)
    %add3A_82 = arith.constant 256 : i32
    %add3A_83 = arith.addi %mul3A_2, %add3A_82 : i32
    %dma_start3A_84 = arith.constant 0 : i32
    %dma_start3A_85 = tpu.memref_slice %arg3[%add3A_83, %dma_start3A_84] : memref<16384x128xf32, #tpu.memory_space<hbm>> -> memref<128x128xf32, #tpu.memory_space<hbm>>
    %dma_start3A_86 = arith.constant 0 : i32
    %dma_start3A_87 = tpu.memref_slice %arg3[%add3A_83, %dma_start3A_86] : memref<16384x128xf32, #tpu.memory_space<hbm>> -> memref<128x128xf32, #tpu.memory_space<hbm>>
    tpu.enqueue_dma source(%dma_start3A_87 : memref<128x128xf32, #tpu.memory_space<hbm>>) target(%arg14 : memref<128x128xf32, #tpu.memory_space<vmem>>) target_semaphore(%arg22 : memref<!tpu.dma_semaphore, #tpu.memory_space<semaphore_mem>>)
    %add3A_88 = arith.constant 128 : i32
    %add3A_89 = arith.addi %mul3A_2, %add3A_88 : i32
    %dma_wait3A_90 = arith.constant 0 : i32
    %dma_wait3A_91 = tpu.memref_slice %arg2[%add3A_89, %dma_wait3A_90] : memref<16384x128xf32, #tpu.memory_space<hbm>> -> memref<128x128xf32, #tpu.memory_space<hbm>>
    %dma_wait3A_92 = arith.constant 0 : i32
    %dma_wait3A_93 = tpu.memref_slice %arg2[%add3A_89, %dma_wait3A_92] : memref<16384x128xf32, #tpu.memory_space<hbm>> -> memref<128x128xf32, #tpu.memory_space<hbm>>
    tpu.wait_dma2 semaphore(%arg22 : memref<!tpu.dma_semaphore, #tpu.memory_space<semaphore_mem>>) src(%dma_wait3A_93 : memref<128x128xf32, #tpu.memory_space<hbm>>) dst(%arg13 : memref<128x128xf32, #tpu.memory_space<vmem>>)
    %add3A_94 = arith.constant 128 : i32
    %add3A_95 = arith.addi %mul3A_2, %add3A_94 : i32
    %dma_wait3A_96 = arith.constant 0 : i32
    %dma_wait3A_97 = tpu.memref_slice %arg3[%add3A_95, %dma_wait3A_96] : memref<16384x128xf32, #tpu.memory_space<hbm>> -> memref<128x128xf32, #tpu.memory_space<hbm>>
    %dma_wait3A_98 = arith.constant 0 : i32
    %dma_wait3A_99 = tpu.memref_slice %arg3[%add3A_95, %dma_wait3A_98] : memref<16384x128xf32, #tpu.memory_space<hbm>> -> memref<128x128xf32, #tpu.memory_space<hbm>>
    tpu.wait_dma2 semaphore(%arg22 : memref<!tpu.dma_semaphore, #tpu.memory_space<semaphore_mem>>) src(%dma_wait3A_99 : memref<128x128xf32, #tpu.memory_space<hbm>>) dst(%arg15 : memref<128x128xf32, #tpu.memory_space<vmem>>)
    %dma_start3A_100 = arith.constant 1 : i32
    %dma_start3A_101 = arith.constant 0 : i32
    %dma_start3A_102 = tpu.memref_slice %arg11[%dma_start3A_100, %dma_start3A_101] : memref<4x128xi32, #tpu.memory_space<vmem>> -> memref<1x128xi32, #tpu.memory_space<vmem>>
    %dma_start3A_103 = tpu.memref_squeeze %dma_start3A_102 : memref<1x128xi32, #tpu.memory_space<vmem>> -> memref<128xi32, #tpu.memory_space<vmem>>
    %dma_start3A_104 = arith.constant 0 : i32
    %dma_start3A_105 = arith.constant 0 : i32
    %dma_start3A_106 = tpu.memref_slice %arg19[%dma_start3A_104, %dma_start3A_105] : memref<1024x128xf32, #tpu.memory_space<vmem_shared>> -> memref<1024x128xf32, #tpu.memory_space<vmem_shared>>
    tpu.enqueue_indirect_dma source(%arg13 : memref<128x128xf32, #tpu.memory_space<vmem>>) target(%dma_start3A_106 : memref<1024x128xf32, #tpu.memory_space<vmem_shared>>) offsets(%dma_start3A_103 : memref<128xi32, #tpu.memory_space<vmem>>) semaphore(%arg23 : memref<!tpu.dma_semaphore, #tpu.memory_space<semaphore_mem>>) {add = true}
    %dma_start3A_107 = arith.constant 1 : i32
    %dma_start3A_108 = arith.constant 0 : i32
    %dma_start3A_109 = tpu.memref_slice %arg11[%dma_start3A_107, %dma_start3A_108] : memref<4x128xi32, #tpu.memory_space<vmem>> -> memref<1x128xi32, #tpu.memory_space<vmem>>
    %dma_start3A_110 = tpu.memref_squeeze %dma_start3A_109 : memref<1x128xi32, #tpu.memory_space<vmem>> -> memref<128xi32, #tpu.memory_space<vmem>>
    %dma_start3A_111 = arith.constant 0 : i32
    %dma_start3A_112 = arith.constant 0 : i32
    %dma_start3A_113 = tpu.memref_slice %arg20[%dma_start3A_111, %dma_start3A_112] : memref<1024x128xf32, #tpu.memory_space<vmem_shared>> -> memref<1024x128xf32, #tpu.memory_space<vmem_shared>>
    tpu.enqueue_indirect_dma source(%arg15 : memref<128x128xf32, #tpu.memory_space<vmem>>) target(%dma_start3A_113 : memref<1024x128xf32, #tpu.memory_space<vmem_shared>>) offsets(%dma_start3A_110 : memref<128xi32, #tpu.memory_space<vmem>>) semaphore(%arg23 : memref<!tpu.dma_semaphore, #tpu.memory_space<semaphore_mem>>) {add = true}
    %run_scoped3A_114 = arith.constant 2 : i32
    "tpu.region"() ({
      %run_scoped3A_244 = tpu.sem_alloc : memref<!tpu.dma_semaphore, #tpu.memory_space<semaphore_mem>>
      %dma_start3A_245 = arith.constant 256 : i32
      %dma_start3A_246 = arith.constant 0 : i32
      %dma_start3A_247 = tpu.memref_slice %arg16[%dma_start3A_245, %dma_start3A_246] : memref<512x16xf32, #tpu.memory_space<vmem>> -> memref<128x16xf32, #tpu.memory_space<vmem>>
      %dma_start3A_248 = arith.constant 0 : i32
      %dma_start3A_249 = tpu.memref_slice %arg11[%run_scoped3A_114, %dma_start3A_248] : memref<4x128xi32, #tpu.memory_space<vmem>> -> memref<1x128xi32, #tpu.memory_space<vmem>>
      %dma_start3A_250 = tpu.memref_squeeze %dma_start3A_249 : memref<1x128xi32, #tpu.memory_space<vmem>> -> memref<128xi32, #tpu.memory_space<vmem>>
      %dma_start3A_251 = arith.constant 0 : i32
      %dma_start3A_252 = arith.constant 0 : i32
      %dma_start3A_253 = tpu.memref_slice %arg21[%dma_start3A_251, %dma_start3A_252] : memref<1024x16xf32, #tpu.memory_space<vmem_shared>> -> memref<1024x16xf32, #tpu.memory_space<vmem_shared>>
      tpu.enqueue_indirect_dma source(%dma_start3A_247 : memref<128x16xf32, #tpu.memory_space<vmem>>) target(%dma_start3A_253 : memref<1024x16xf32, #tpu.memory_space<vmem_shared>>) offsets(%dma_start3A_250 : memref<128xi32, #tpu.memory_space<vmem>>) semaphore(%run_scoped3A_244 : memref<!tpu.dma_semaphore, #tpu.memory_space<semaphore_mem>>) {add = true}
      %dma_wait3A_254 = arith.constant 256 : i32
      %dma_wait3A_255 = arith.constant 0 : i32
      %dma_wait3A_256 = tpu.memref_slice %arg16[%dma_wait3A_254, %dma_wait3A_255] : memref<512x16xf32, #tpu.memory_space<vmem>> -> memref<128x16xf32, #tpu.memory_space<vmem>>
      %dma_wait3A_257 = arith.constant 0 : i32
      %dma_wait3A_258 = tpu.memref_slice %arg11[%run_scoped3A_114, %dma_wait3A_257] : memref<4x128xi32, #tpu.memory_space<vmem>> -> memref<1x128xi32, #tpu.memory_space<vmem>>
      %dma_wait3A_259 = tpu.memref_squeeze %dma_wait3A_258 : memref<1x128xi32, #tpu.memory_space<vmem>> -> memref<128xi32, #tpu.memory_space<vmem>>
      %dma_wait3A_260 = arith.constant 0 : i32
      %dma_wait3A_261 = arith.constant 0 : i32
      %dma_wait3A_262 = tpu.memref_slice %arg21[%dma_wait3A_260, %dma_wait3A_261] : memref<1024x16xf32, #tpu.memory_space<vmem_shared>> -> memref<1024x16xf32, #tpu.memory_space<vmem_shared>>
      tpu.wait_indirect_dma semaphore(%run_scoped3A_244 : memref<!tpu.dma_semaphore, #tpu.memory_space<semaphore_mem>>) src(%dma_wait3A_256 : memref<128x16xf32, #tpu.memory_space<vmem>>) dst(%dma_wait3A_262 : memref<1024x16xf32, #tpu.memory_space<vmem_shared>>)
      tpu.yield
    }) : () -> ()
    %dma_wait3A_115 = arith.constant 1 : i32
    %dma_wait3A_116 = arith.constant 0 : i32
    %dma_wait3A_117 = tpu.memref_slice %arg11[%dma_wait3A_115, %dma_wait3A_116] : memref<4x128xi32, #tpu.memory_space<vmem>> -> memref<1x128xi32, #tpu.memory_space<vmem>>
    %dma_wait3A_118 = tpu.memref_squeeze %dma_wait3A_117 : memref<1x128xi32, #tpu.memory_space<vmem>> -> memref<128xi32, #tpu.memory_space<vmem>>
    %dma_wait3A_119 = arith.constant 0 : i32
    %dma_wait3A_120 = arith.constant 0 : i32
    %dma_wait3A_121 = tpu.memref_slice %arg19[%dma_wait3A_119, %dma_wait3A_120] : memref<1024x128xf32, #tpu.memory_space<vmem_shared>> -> memref<1024x128xf32, #tpu.memory_space<vmem_shared>>
    tpu.wait_indirect_dma semaphore(%arg23 : memref<!tpu.dma_semaphore, #tpu.memory_space<semaphore_mem>>) src(%arg13 : memref<128x128xf32, #tpu.memory_space<vmem>>) dst(%dma_wait3A_121 : memref<1024x128xf32, #tpu.memory_space<vmem_shared>>)
    %dma_wait3A_122 = arith.constant 1 : i32
    %dma_wait3A_123 = arith.constant 0 : i32
    %dma_wait3A_124 = tpu.memref_slice %arg11[%dma_wait3A_122, %dma_wait3A_123] : memref<4x128xi32, #tpu.memory_space<vmem>> -> memref<1x128xi32, #tpu.memory_space<vmem>>
    %dma_wait3A_125 = tpu.memref_squeeze %dma_wait3A_124 : memref<1x128xi32, #tpu.memory_space<vmem>> -> memref<128xi32, #tpu.memory_space<vmem>>
    %dma_wait3A_126 = arith.constant 0 : i32
    %dma_wait3A_127 = arith.constant 0 : i32
    %dma_wait3A_128 = tpu.memref_slice %arg20[%dma_wait3A_126, %dma_wait3A_127] : memref<1024x128xf32, #tpu.memory_space<vmem_shared>> -> memref<1024x128xf32, #tpu.memory_space<vmem_shared>>
    tpu.wait_indirect_dma semaphore(%arg23 : memref<!tpu.dma_semaphore, #tpu.memory_space<semaphore_mem>>) src(%arg15 : memref<128x128xf32, #tpu.memory_space<vmem>>) dst(%dma_wait3A_128 : memref<1024x128xf32, #tpu.memory_space<vmem_shared>>)
    %add3A_129 = arith.constant 384 : i32
    %add3A_130 = arith.addi %mul3A_2, %add3A_129 : i32
    %dma_start3A_131 = arith.constant 0 : i32
    %dma_start3A_132 = tpu.memref_slice %arg2[%add3A_130, %dma_start3A_131] : memref<16384x128xf32, #tpu.memory_space<hbm>> -> memref<128x128xf32, #tpu.memory_space<hbm>>
    %dma_start3A_133 = arith.constant 0 : i32
    %dma_start3A_134 = tpu.memref_slice %arg2[%add3A_130, %dma_start3A_133] : memref<16384x128xf32, #tpu.memory_space<hbm>> -> memref<128x128xf32, #tpu.memory_space<hbm>>
    tpu.enqueue_dma source(%dma_start3A_134 : memref<128x128xf32, #tpu.memory_space<hbm>>) target(%arg13 : memref<128x128xf32, #tpu.memory_space<vmem>>) target_semaphore(%arg22 : memref<!tpu.dma_semaphore, #tpu.memory_space<semaphore_mem>>)
    %add3A_135 = arith.constant 384 : i32
    %add3A_136 = arith.addi %mul3A_2, %add3A_135 : i32
    %dma_start3A_137 = arith.constant 0 : i32
    %dma_start3A_138 = tpu.memref_slice %arg3[%add3A_136, %dma_start3A_137] : memref<16384x128xf32, #tpu.memory_space<hbm>> -> memref<128x128xf32, #tpu.memory_space<hbm>>
    %dma_start3A_139 = arith.constant 0 : i32
    %dma_start3A_140 = tpu.memref_slice %arg3[%add3A_136, %dma_start3A_139] : memref<16384x128xf32, #tpu.memory_space<hbm>> -> memref<128x128xf32, #tpu.memory_space<hbm>>
    tpu.enqueue_dma source(%dma_start3A_140 : memref<128x128xf32, #tpu.memory_space<hbm>>) target(%arg15 : memref<128x128xf32, #tpu.memory_space<vmem>>) target_semaphore(%arg22 : memref<!tpu.dma_semaphore, #tpu.memory_space<semaphore_mem>>)
    %add3A_141 = arith.constant 256 : i32
    %add3A_142 = arith.addi %mul3A_2, %add3A_141 : i32
    %dma_wait3A_143 = arith.constant 0 : i32
    %dma_wait3A_144 = tpu.memref_slice %arg2[%add3A_142, %dma_wait3A_143] : memref<16384x128xf32, #tpu.memory_space<hbm>> -> memref<128x128xf32, #tpu.memory_space<hbm>>
    %dma_wait3A_145 = arith.constant 0 : i32
    %dma_wait3A_146 = tpu.memref_slice %arg2[%add3A_142, %dma_wait3A_145] : memref<16384x128xf32, #tpu.memory_space<hbm>> -> memref<128x128xf32, #tpu.memory_space<hbm>>
    tpu.wait_dma2 semaphore(%arg22 : memref<!tpu.dma_semaphore, #tpu.memory_space<semaphore_mem>>) src(%dma_wait3A_146 : memref<128x128xf32, #tpu.memory_space<hbm>>) dst(%arg12 : memref<128x128xf32, #tpu.memory_space<vmem>>)
    %add3A_147 = arith.constant 256 : i32
    %add3A_148 = arith.addi %mul3A_2, %add3A_147 : i32
    %dma_wait3A_149 = arith.constant 0 : i32
    %dma_wait3A_150 = tpu.memref_slice %arg3[%add3A_148, %dma_wait3A_149] : memref<16384x128xf32, #tpu.memory_space<hbm>> -> memref<128x128xf32, #tpu.memory_space<hbm>>
    %dma_wait3A_151 = arith.constant 0 : i32
    %dma_wait3A_152 = tpu.memref_slice %arg3[%add3A_148, %dma_wait3A_151] : memref<16384x128xf32, #tpu.memory_space<hbm>> -> memref<128x128xf32, #tpu.memory_space<hbm>>
    tpu.wait_dma2 semaphore(%arg22 : memref<!tpu.dma_semaphore, #tpu.memory_space<semaphore_mem>>) src(%dma_wait3A_152 : memref<128x128xf32, #tpu.memory_space<hbm>>) dst(%arg14 : memref<128x128xf32, #tpu.memory_space<vmem>>)
    %dma_start3A_153 = arith.constant 2 : i32
    %dma_start3A_154 = arith.constant 0 : i32
    %dma_start3A_155 = tpu.memref_slice %arg11[%dma_start3A_153, %dma_start3A_154] : memref<4x128xi32, #tpu.memory_space<vmem>> -> memref<1x128xi32, #tpu.memory_space<vmem>>
    %dma_start3A_156 = tpu.memref_squeeze %dma_start3A_155 : memref<1x128xi32, #tpu.memory_space<vmem>> -> memref<128xi32, #tpu.memory_space<vmem>>
    %dma_start3A_157 = arith.constant 0 : i32
    %dma_start3A_158 = arith.constant 0 : i32
    %dma_start3A_159 = tpu.memref_slice %arg19[%dma_start3A_157, %dma_start3A_158] : memref<1024x128xf32, #tpu.memory_space<vmem_shared>> -> memref<1024x128xf32, #tpu.memory_space<vmem_shared>>
    tpu.enqueue_indirect_dma source(%arg12 : memref<128x128xf32, #tpu.memory_space<vmem>>) target(%dma_start3A_159 : memref<1024x128xf32, #tpu.memory_space<vmem_shared>>) offsets(%dma_start3A_156 : memref<128xi32, #tpu.memory_space<vmem>>) semaphore(%arg23 : memref<!tpu.dma_semaphore, #tpu.memory_space<semaphore_mem>>) {add = true}
    %dma_start3A_160 = arith.constant 2 : i32
    %dma_start3A_161 = arith.constant 0 : i32
    %dma_start3A_162 = tpu.memref_slice %arg11[%dma_start3A_160, %dma_start3A_161] : memref<4x128xi32, #tpu.memory_space<vmem>> -> memref<1x128xi32, #tpu.memory_space<vmem>>
    %dma_start3A_163 = tpu.memref_squeeze %dma_start3A_162 : memref<1x128xi32, #tpu.memory_space<vmem>> -> memref<128xi32, #tpu.memory_space<vmem>>
    %dma_start3A_164 = arith.constant 0 : i32
    %dma_start3A_165 = arith.constant 0 : i32
    %dma_start3A_166 = tpu.memref_slice %arg20[%dma_start3A_164, %dma_start3A_165] : memref<1024x128xf32, #tpu.memory_space<vmem_shared>> -> memref<1024x128xf32, #tpu.memory_space<vmem_shared>>
    tpu.enqueue_indirect_dma source(%arg14 : memref<128x128xf32, #tpu.memory_space<vmem>>) target(%dma_start3A_166 : memref<1024x128xf32, #tpu.memory_space<vmem_shared>>) offsets(%dma_start3A_163 : memref<128xi32, #tpu.memory_space<vmem>>) semaphore(%arg23 : memref<!tpu.dma_semaphore, #tpu.memory_space<semaphore_mem>>) {add = true}
    %run_scoped3A_167 = arith.constant 3 : i32
    "tpu.region"() ({
      %run_scoped3A_244 = tpu.sem_alloc : memref<!tpu.dma_semaphore, #tpu.memory_space<semaphore_mem>>
      %dma_start3A_245 = arith.constant 384 : i32
      %dma_start3A_246 = arith.constant 0 : i32
      %dma_start3A_247 = tpu.memref_slice %arg16[%dma_start3A_245, %dma_start3A_246] : memref<512x16xf32, #tpu.memory_space<vmem>> -> memref<128x16xf32, #tpu.memory_space<vmem>>
      %dma_start3A_248 = arith.constant 0 : i32
      %dma_start3A_249 = tpu.memref_slice %arg11[%run_scoped3A_167, %dma_start3A_248] : memref<4x128xi32, #tpu.memory_space<vmem>> -> memref<1x128xi32, #tpu.memory_space<vmem>>
      %dma_start3A_250 = tpu.memref_squeeze %dma_start3A_249 : memref<1x128xi32, #tpu.memory_space<vmem>> -> memref<128xi32, #tpu.memory_space<vmem>>
      %dma_start3A_251 = arith.constant 0 : i32
      %dma_start3A_252 = arith.constant 0 : i32
      %dma_start3A_253 = tpu.memref_slice %arg21[%dma_start3A_251, %dma_start3A_252] : memref<1024x16xf32, #tpu.memory_space<vmem_shared>> -> memref<1024x16xf32, #tpu.memory_space<vmem_shared>>
      tpu.enqueue_indirect_dma source(%dma_start3A_247 : memref<128x16xf32, #tpu.memory_space<vmem>>) target(%dma_start3A_253 : memref<1024x16xf32, #tpu.memory_space<vmem_shared>>) offsets(%dma_start3A_250 : memref<128xi32, #tpu.memory_space<vmem>>) semaphore(%run_scoped3A_244 : memref<!tpu.dma_semaphore, #tpu.memory_space<semaphore_mem>>) {add = true}
      %dma_wait3A_254 = arith.constant 384 : i32
      %dma_wait3A_255 = arith.constant 0 : i32
      %dma_wait3A_256 = tpu.memref_slice %arg16[%dma_wait3A_254, %dma_wait3A_255] : memref<512x16xf32, #tpu.memory_space<vmem>> -> memref<128x16xf32, #tpu.memory_space<vmem>>
      %dma_wait3A_257 = arith.constant 0 : i32
      %dma_wait3A_258 = tpu.memref_slice %arg11[%run_scoped3A_167, %dma_wait3A_257] : memref<4x128xi32, #tpu.memory_space<vmem>> -> memref<1x128xi32, #tpu.memory_space<vmem>>
      %dma_wait3A_259 = tpu.memref_squeeze %dma_wait3A_258 : memref<1x128xi32, #tpu.memory_space<vmem>> -> memref<128xi32, #tpu.memory_space<vmem>>
      %dma_wait3A_260 = arith.constant 0 : i32
      %dma_wait3A_261 = arith.constant 0 : i32
      %dma_wait3A_262 = tpu.memref_slice %arg21[%dma_wait3A_260, %dma_wait3A_261] : memref<1024x16xf32, #tpu.memory_space<vmem_shared>> -> memref<1024x16xf32, #tpu.memory_space<vmem_shared>>
      tpu.wait_indirect_dma semaphore(%run_scoped3A_244 : memref<!tpu.dma_semaphore, #tpu.memory_space<semaphore_mem>>) src(%dma_wait3A_256 : memref<128x16xf32, #tpu.memory_space<vmem>>) dst(%dma_wait3A_262 : memref<1024x16xf32, #tpu.memory_space<vmem_shared>>)
      tpu.yield
    }) : () -> ()
    %dma_wait3A_168 = arith.constant 2 : i32
    %dma_wait3A_169 = arith.constant 0 : i32
    %dma_wait3A_170 = tpu.memref_slice %arg11[%dma_wait3A_168, %dma_wait3A_169] : memref<4x128xi32, #tpu.memory_space<vmem>> -> memref<1x128xi32, #tpu.memory_space<vmem>>
    %dma_wait3A_171 = tpu.memref_squeeze %dma_wait3A_170 : memref<1x128xi32, #tpu.memory_space<vmem>> -> memref<128xi32, #tpu.memory_space<vmem>>
    %dma_wait3A_172 = arith.constant 0 : i32
    %dma_wait3A_173 = arith.constant 0 : i32
    %dma_wait3A_174 = tpu.memref_slice %arg19[%dma_wait3A_172, %dma_wait3A_173] : memref<1024x128xf32, #tpu.memory_space<vmem_shared>> -> memref<1024x128xf32, #tpu.memory_space<vmem_shared>>
    tpu.wait_indirect_dma semaphore(%arg23 : memref<!tpu.dma_semaphore, #tpu.memory_space<semaphore_mem>>) src(%arg12 : memref<128x128xf32, #tpu.memory_space<vmem>>) dst(%dma_wait3A_174 : memref<1024x128xf32, #tpu.memory_space<vmem_shared>>)
    %dma_wait3A_175 = arith.constant 2 : i32
    %dma_wait3A_176 = arith.constant 0 : i32
    %dma_wait3A_177 = tpu.memref_slice %arg11[%dma_wait3A_175, %dma_wait3A_176] : memref<4x128xi32, #tpu.memory_space<vmem>> -> memref<1x128xi32, #tpu.memory_space<vmem>>
    %dma_wait3A_178 = tpu.memref_squeeze %dma_wait3A_177 : memref<1x128xi32, #tpu.memory_space<vmem>> -> memref<128xi32, #tpu.memory_space<vmem>>
    %dma_wait3A_179 = arith.constant 0 : i32
    %dma_wait3A_180 = arith.constant 0 : i32
    %dma_wait3A_181 = tpu.memref_slice %arg20[%dma_wait3A_179, %dma_wait3A_180] : memref<1024x128xf32, #tpu.memory_space<vmem_shared>> -> memref<1024x128xf32, #tpu.memory_space<vmem_shared>>
    tpu.wait_indirect_dma semaphore(%arg23 : memref<!tpu.dma_semaphore, #tpu.memory_space<semaphore_mem>>) src(%arg14 : memref<128x128xf32, #tpu.memory_space<vmem>>) dst(%dma_wait3A_181 : memref<1024x128xf32, #tpu.memory_space<vmem_shared>>)
    %add3A_182 = arith.constant 384 : i32
    %add3A_183 = arith.addi %mul3A_2, %add3A_182 : i32
    %dma_wait3A_184 = arith.constant 0 : i32
    %dma_wait3A_185 = tpu.memref_slice %arg2[%add3A_183, %dma_wait3A_184] : memref<16384x128xf32, #tpu.memory_space<hbm>> -> memref<128x128xf32, #tpu.memory_space<hbm>>
    %dma_wait3A_186 = arith.constant 0 : i32
    %dma_wait3A_187 = tpu.memref_slice %arg2[%add3A_183, %dma_wait3A_186] : memref<16384x128xf32, #tpu.memory_space<hbm>> -> memref<128x128xf32, #tpu.memory_space<hbm>>
    tpu.wait_dma2 semaphore(%arg22 : memref<!tpu.dma_semaphore, #tpu.memory_space<semaphore_mem>>) src(%dma_wait3A_187 : memref<128x128xf32, #tpu.memory_space<hbm>>) dst(%arg13 : memref<128x128xf32, #tpu.memory_space<vmem>>)
    %add3A_188 = arith.constant 384 : i32
    %add3A_189 = arith.addi %mul3A_2, %add3A_188 : i32
    %dma_wait3A_190 = arith.constant 0 : i32
    %dma_wait3A_191 = tpu.memref_slice %arg3[%add3A_189, %dma_wait3A_190] : memref<16384x128xf32, #tpu.memory_space<hbm>> -> memref<128x128xf32, #tpu.memory_space<hbm>>
    %dma_wait3A_192 = arith.constant 0 : i32
    %dma_wait3A_193 = tpu.memref_slice %arg3[%add3A_189, %dma_wait3A_192] : memref<16384x128xf32, #tpu.memory_space<hbm>> -> memref<128x128xf32, #tpu.memory_space<hbm>>
    tpu.wait_dma2 semaphore(%arg22 : memref<!tpu.dma_semaphore, #tpu.memory_space<semaphore_mem>>) src(%dma_wait3A_193 : memref<128x128xf32, #tpu.memory_space<hbm>>) dst(%arg15 : memref<128x128xf32, #tpu.memory_space<vmem>>)
    %dma_start3A_194 = arith.constant 3 : i32
    %dma_start3A_195 = arith.constant 0 : i32
    %dma_start3A_196 = tpu.memref_slice %arg11[%dma_start3A_194, %dma_start3A_195] : memref<4x128xi32, #tpu.memory_space<vmem>> -> memref<1x128xi32, #tpu.memory_space<vmem>>
    %dma_start3A_197 = tpu.memref_squeeze %dma_start3A_196 : memref<1x128xi32, #tpu.memory_space<vmem>> -> memref<128xi32, #tpu.memory_space<vmem>>
    %dma_start3A_198 = arith.constant 0 : i32
    %dma_start3A_199 = arith.constant 0 : i32
    %dma_start3A_200 = tpu.memref_slice %arg19[%dma_start3A_198, %dma_start3A_199] : memref<1024x128xf32, #tpu.memory_space<vmem_shared>> -> memref<1024x128xf32, #tpu.memory_space<vmem_shared>>
    tpu.enqueue_indirect_dma source(%arg13 : memref<128x128xf32, #tpu.memory_space<vmem>>) target(%dma_start3A_200 : memref<1024x128xf32, #tpu.memory_space<vmem_shared>>) offsets(%dma_start3A_197 : memref<128xi32, #tpu.memory_space<vmem>>) semaphore(%arg23 : memref<!tpu.dma_semaphore, #tpu.memory_space<semaphore_mem>>) {add = true}
    %dma_start3A_201 = arith.constant 3 : i32
    %dma_start3A_202 = arith.constant 0 : i32
    %dma_start3A_203 = tpu.memref_slice %arg11[%dma_start3A_201, %dma_start3A_202] : memref<4x128xi32, #tpu.memory_space<vmem>> -> memref<1x128xi32, #tpu.memory_space<vmem>>
    %dma_start3A_204 = tpu.memref_squeeze %dma_start3A_203 : memref<1x128xi32, #tpu.memory_space<vmem>> -> memref<128xi32, #tpu.memory_space<vmem>>
    %dma_start3A_205 = arith.constant 0 : i32
    %dma_start3A_206 = arith.constant 0 : i32
    %dma_start3A_207 = tpu.memref_slice %arg20[%dma_start3A_205, %dma_start3A_206] : memref<1024x128xf32, #tpu.memory_space<vmem_shared>> -> memref<1024x128xf32, #tpu.memory_space<vmem_shared>>
    tpu.enqueue_indirect_dma source(%arg15 : memref<128x128xf32, #tpu.memory_space<vmem>>) target(%dma_start3A_207 : memref<1024x128xf32, #tpu.memory_space<vmem_shared>>) offsets(%dma_start3A_204 : memref<128xi32, #tpu.memory_space<vmem>>) semaphore(%arg23 : memref<!tpu.dma_semaphore, #tpu.memory_space<semaphore_mem>>) {add = true}
    %dma_wait3A_208 = arith.constant 3 : i32
    %dma_wait3A_209 = arith.constant 0 : i32
    %dma_wait3A_210 = tpu.memref_slice %arg11[%dma_wait3A_208, %dma_wait3A_209] : memref<4x128xi32, #tpu.memory_space<vmem>> -> memref<1x128xi32, #tpu.memory_space<vmem>>
    %dma_wait3A_211 = tpu.memref_squeeze %dma_wait3A_210 : memref<1x128xi32, #tpu.memory_space<vmem>> -> memref<128xi32, #tpu.memory_space<vmem>>
    %dma_wait3A_212 = arith.constant 0 : i32
    %dma_wait3A_213 = arith.constant 0 : i32
    %dma_wait3A_214 = tpu.memref_slice %arg19[%dma_wait3A_212, %dma_wait3A_213] : memref<1024x128xf32, #tpu.memory_space<vmem_shared>> -> memref<1024x128xf32, #tpu.memory_space<vmem_shared>>
    tpu.wait_indirect_dma semaphore(%arg23 : memref<!tpu.dma_semaphore, #tpu.memory_space<semaphore_mem>>) src(%arg13 : memref<128x128xf32, #tpu.memory_space<vmem>>) dst(%dma_wait3A_214 : memref<1024x128xf32, #tpu.memory_space<vmem_shared>>)
    %dma_wait3A_215 = arith.constant 3 : i32
    %dma_wait3A_216 = arith.constant 0 : i32
    %dma_wait3A_217 = tpu.memref_slice %arg11[%dma_wait3A_215, %dma_wait3A_216] : memref<4x128xi32, #tpu.memory_space<vmem>> -> memref<1x128xi32, #tpu.memory_space<vmem>>
    %dma_wait3A_218 = tpu.memref_squeeze %dma_wait3A_217 : memref<1x128xi32, #tpu.memory_space<vmem>> -> memref<128xi32, #tpu.memory_space<vmem>>
    %dma_wait3A_219 = arith.constant 0 : i32
    %dma_wait3A_220 = arith.constant 0 : i32
    %dma_wait3A_221 = tpu.memref_slice %arg20[%dma_wait3A_219, %dma_wait3A_220] : memref<1024x128xf32, #tpu.memory_space<vmem_shared>> -> memref<1024x128xf32, #tpu.memory_space<vmem_shared>>
    tpu.wait_indirect_dma semaphore(%arg23 : memref<!tpu.dma_semaphore, #tpu.memory_space<semaphore_mem>>) src(%arg15 : memref<128x128xf32, #tpu.memory_space<vmem>>) dst(%dma_wait3A_221 : memref<1024x128xf32, #tpu.memory_space<vmem_shared>>)
    %barrier3A_222 = arith.constant 0 : index
    tpu.barrier barrier_id(%barrier3A_222)
    %mul3A_223 = arith.constant 64 : i32
    %mul3A_224 = arith.muli %arg1, %mul3A_223 : i32
    "tpu.region"() ({
      %run_scoped3A_244 = tpu.sem_alloc : memref<!tpu.dma_semaphore, #tpu.memory_space<semaphore_mem>>
      %dma_start3A_245 = arith.constant 0 : i32
      %dma_start3A_246 = tpu.memref_slice %arg19[%mul3A_224, %dma_start3A_245] : memref<1024x128xf32, #tpu.memory_space<vmem_shared>> -> memref<64x128xf32, #tpu.memory_space<vmem_shared>>
      %dma_start3A_247 = arith.constant 0 : i32
      %dma_start3A_248 = tpu.memref_slice %arg19[%mul3A_224, %dma_start3A_247] : memref<1024x128xf32, #tpu.memory_space<vmem_shared>> -> memref<64x128xf32, #tpu.memory_space<vmem_shared>>
      tpu.enqueue_dma source(%dma_start3A_248 : memref<64x128xf32, #tpu.memory_space<vmem_shared>>) target(%arg17 : memref<64x128xf32, #tpu.memory_space<vmem>>) target_semaphore(%run_scoped3A_244 : memref<!tpu.dma_semaphore, #tpu.memory_space<semaphore_mem>>)
      %dma_wait3A_249 = arith.constant 0 : i32
      %dma_wait3A_250 = tpu.memref_slice %arg19[%mul3A_224, %dma_wait3A_249] : memref<1024x128xf32, #tpu.memory_space<vmem_shared>> -> memref<64x128xf32, #tpu.memory_space<vmem_shared>>
      %dma_wait3A_251 = arith.constant 0 : i32
      %dma_wait3A_252 = tpu.memref_slice %arg19[%mul3A_224, %dma_wait3A_251] : memref<1024x128xf32, #tpu.memory_space<vmem_shared>> -> memref<64x128xf32, #tpu.memory_space<vmem_shared>>
      tpu.wait_dma2 semaphore(%run_scoped3A_244 : memref<!tpu.dma_semaphore, #tpu.memory_space<semaphore_mem>>) src(%dma_wait3A_252 : memref<64x128xf32, #tpu.memory_space<vmem_shared>>) dst(%arg17 : memref<64x128xf32, #tpu.memory_space<vmem>>)
      tpu.yield
    }) : () -> ()
    %mul3A_225 = arith.constant 1024 : i32
    %mul3A_226 = arith.muli %arg0, %mul3A_225 : i32
    %mul3A_227 = arith.constant 64 : i32
    %mul3A_228 = arith.muli %arg1, %mul3A_227 : i32
    %add3A_229 = arith.addi %mul3A_226, %mul3A_228 : i32
    "tpu.region"() ({
      %run_scoped3A_244 = tpu.sem_alloc : memref<!tpu.dma_semaphore, #tpu.memory_space<semaphore_mem>>
      %dma_start3A_245 = arith.constant 0 : i32
      %dma_start3A_246 = tpu.memref_slice %arg8[%add3A_229, %dma_start3A_245] : memref<2048x128xf32, #tpu.memory_space<hbm>> -> memref<64x128xf32, #tpu.memory_space<hbm>>
      %dma_start3A_247 = arith.constant 0 : i32
      %dma_start3A_248 = tpu.memref_slice %arg8[%add3A_229, %dma_start3A_247] : memref<2048x128xf32, #tpu.memory_space<hbm>> -> memref<64x128xf32, #tpu.memory_space<hbm>>
      tpu.enqueue_dma source(%arg17 : memref<64x128xf32, #tpu.memory_space<vmem>>) target(%dma_start3A_248 : memref<64x128xf32, #tpu.memory_space<hbm>>) target_semaphore(%run_scoped3A_244 : memref<!tpu.dma_semaphore, #tpu.memory_space<semaphore_mem>>)
      %dma_wait3A_249 = arith.constant 0 : i32
      %dma_wait3A_250 = tpu.memref_slice %arg8[%add3A_229, %dma_wait3A_249] : memref<2048x128xf32, #tpu.memory_space<hbm>> -> memref<64x128xf32, #tpu.memory_space<hbm>>
      %dma_wait3A_251 = arith.constant 0 : i32
      %dma_wait3A_252 = tpu.memref_slice %arg8[%add3A_229, %dma_wait3A_251] : memref<2048x128xf32, #tpu.memory_space<hbm>> -> memref<64x128xf32, #tpu.memory_space<hbm>>
      tpu.wait_dma2 semaphore(%run_scoped3A_244 : memref<!tpu.dma_semaphore, #tpu.memory_space<semaphore_mem>>) src(%arg17 : memref<64x128xf32, #tpu.memory_space<vmem>>) dst(%dma_wait3A_252 : memref<64x128xf32, #tpu.memory_space<hbm>>)
      tpu.yield
    }) : () -> ()
    %mul3A_230 = arith.constant 64 : i32
    %mul3A_231 = arith.muli %arg1, %mul3A_230 : i32
    "tpu.region"() ({
      %run_scoped3A_244 = tpu.sem_alloc : memref<!tpu.dma_semaphore, #tpu.memory_space<semaphore_mem>>
      %dma_start3A_245 = arith.constant 0 : i32
      %dma_start3A_246 = tpu.memref_slice %arg20[%mul3A_231, %dma_start3A_245] : memref<1024x128xf32, #tpu.memory_space<vmem_shared>> -> memref<64x128xf32, #tpu.memory_space<vmem_shared>>
      %dma_start3A_247 = arith.constant 0 : i32
      %dma_start3A_248 = tpu.memref_slice %arg20[%mul3A_231, %dma_start3A_247] : memref<1024x128xf32, #tpu.memory_space<vmem_shared>> -> memref<64x128xf32, #tpu.memory_space<vmem_shared>>
      tpu.enqueue_dma source(%dma_start3A_248 : memref<64x128xf32, #tpu.memory_space<vmem_shared>>) target(%arg17 : memref<64x128xf32, #tpu.memory_space<vmem>>) target_semaphore(%run_scoped3A_244 : memref<!tpu.dma_semaphore, #tpu.memory_space<semaphore_mem>>)
      %dma_wait3A_249 = arith.constant 0 : i32
      %dma_wait3A_250 = tpu.memref_slice %arg20[%mul3A_231, %dma_wait3A_249] : memref<1024x128xf32, #tpu.memory_space<vmem_shared>> -> memref<64x128xf32, #tpu.memory_space<vmem_shared>>
      %dma_wait3A_251 = arith.constant 0 : i32
      %dma_wait3A_252 = tpu.memref_slice %arg20[%mul3A_231, %dma_wait3A_251] : memref<1024x128xf32, #tpu.memory_space<vmem_shared>> -> memref<64x128xf32, #tpu.memory_space<vmem_shared>>
      tpu.wait_dma2 semaphore(%run_scoped3A_244 : memref<!tpu.dma_semaphore, #tpu.memory_space<semaphore_mem>>) src(%dma_wait3A_252 : memref<64x128xf32, #tpu.memory_space<vmem_shared>>) dst(%arg17 : memref<64x128xf32, #tpu.memory_space<vmem>>)
      tpu.yield
    }) : () -> ()
    %mul3A_232 = arith.constant 1024 : i32
    %mul3A_233 = arith.muli %arg0, %mul3A_232 : i32
    %mul3A_234 = arith.constant 64 : i32
    %mul3A_235 = arith.muli %arg1, %mul3A_234 : i32
    %add3A_236 = arith.addi %mul3A_233, %mul3A_235 : i32
    "tpu.region"() ({
      %run_scoped3A_244 = tpu.sem_alloc : memref<!tpu.dma_semaphore, #tpu.memory_space<semaphore_mem>>
      %dma_start3A_245 = arith.constant 0 : i32
      %dma_start3A_246 = tpu.memref_slice %arg9[%add3A_236, %dma_start3A_245] : memref<2048x128xf32, #tpu.memory_space<hbm>> -> memref<64x128xf32, #tpu.memory_space<hbm>>
      %dma_start3A_247 = arith.constant 0 : i32
      %dma_start3A_248 = tpu.memref_slice %arg9[%add3A_236, %dma_start3A_247] : memref<2048x128xf32, #tpu.memory_space<hbm>> -> memref<64x128xf32, #tpu.memory_space<hbm>>
      tpu.enqueue_dma source(%arg17 : memref<64x128xf32, #tpu.memory_space<vmem>>) target(%dma_start3A_248 : memref<64x128xf32, #tpu.memory_space<hbm>>) target_semaphore(%run_scoped3A_244 : memref<!tpu.dma_semaphore, #tpu.memory_space<semaphore_mem>>)
      %dma_wait3A_249 = arith.constant 0 : i32
      %dma_wait3A_250 = tpu.memref_slice %arg9[%add3A_236, %dma_wait3A_249] : memref<2048x128xf32, #tpu.memory_space<hbm>> -> memref<64x128xf32, #tpu.memory_space<hbm>>
      %dma_wait3A_251 = arith.constant 0 : i32
      %dma_wait3A_252 = tpu.memref_slice %arg9[%add3A_236, %dma_wait3A_251] : memref<2048x128xf32, #tpu.memory_space<hbm>> -> memref<64x128xf32, #tpu.memory_space<hbm>>
      tpu.wait_dma2 semaphore(%run_scoped3A_244 : memref<!tpu.dma_semaphore, #tpu.memory_space<semaphore_mem>>) src(%arg17 : memref<64x128xf32, #tpu.memory_space<vmem>>) dst(%dma_wait3A_252 : memref<64x128xf32, #tpu.memory_space<hbm>>)
      tpu.yield
    }) : () -> ()
    %mul3A_237 = arith.constant 64 : i32
    %mul3A_238 = arith.muli %arg1, %mul3A_237 : i32
    "tpu.region"() ({
      %run_scoped3A_244 = tpu.sem_alloc : memref<!tpu.dma_semaphore, #tpu.memory_space<semaphore_mem>>
      %dma_start3A_245 = arith.constant 0 : i32
      %dma_start3A_246 = tpu.memref_slice %arg21[%mul3A_238, %dma_start3A_245] : memref<1024x16xf32, #tpu.memory_space<vmem_shared>> -> memref<64x16xf32, #tpu.memory_space<vmem_shared>>
      %dma_start3A_247 = arith.constant 0 : i32
      %dma_start3A_248 = tpu.memref_slice %arg21[%mul3A_238, %dma_start3A_247] : memref<1024x16xf32, #tpu.memory_space<vmem_shared>> -> memref<64x16xf32, #tpu.memory_space<vmem_shared>>
      tpu.enqueue_dma source(%dma_start3A_248 : memref<64x16xf32, #tpu.memory_space<vmem_shared>>) target(%arg18 : memref<64x16xf32, #tpu.memory_space<vmem>>) target_semaphore(%run_scoped3A_244 : memref<!tpu.dma_semaphore, #tpu.memory_space<semaphore_mem>>)
      %dma_wait3A_249 = arith.constant 0 : i32
      %dma_wait3A_250 = tpu.memref_slice %arg21[%mul3A_238, %dma_wait3A_249] : memref<1024x16xf32, #tpu.memory_space<vmem_shared>> -> memref<64x16xf32, #tpu.memory_space<vmem_shared>>
      %dma_wait3A_251 = arith.constant 0 : i32
      %dma_wait3A_252 = tpu.memref_slice %arg21[%mul3A_238, %dma_wait3A_251] : memref<1024x16xf32, #tpu.memory_space<vmem_shared>> -> memref<64x16xf32, #tpu.memory_space<vmem_shared>>
      tpu.wait_dma2 semaphore(%run_scoped3A_244 : memref<!tpu.dma_semaphore, #tpu.memory_space<semaphore_mem>>) src(%dma_wait3A_252 : memref<64x16xf32, #tpu.memory_space<vmem_shared>>) dst(%arg18 : memref<64x16xf32, #tpu.memory_space<vmem>>)
      tpu.yield
    }) : () -> ()
    %mul3A_239 = arith.constant 1024 : i32
    %mul3A_240 = arith.muli %arg0, %mul3A_239 : i32
    %mul3A_241 = arith.constant 64 : i32
    %mul3A_242 = arith.muli %arg1, %mul3A_241 : i32
    %add3A_243 = arith.addi %mul3A_240, %mul3A_242 : i32
    "tpu.region"() ({
      %run_scoped3A_244 = tpu.sem_alloc : memref<!tpu.dma_semaphore, #tpu.memory_space<semaphore_mem>>
      %dma_start3A_245 = arith.constant 0 : i32
      %dma_start3A_246 = tpu.memref_slice %arg10[%add3A_243, %dma_start3A_245] : memref<2048x16xf32, #tpu.memory_space<hbm>> -> memref<64x16xf32, #tpu.memory_space<hbm>>
      %dma_start3A_247 = arith.constant 0 : i32
      %dma_start3A_248 = tpu.memref_slice %arg10[%add3A_243, %dma_start3A_247] : memref<2048x16xf32, #tpu.memory_space<hbm>> -> memref<64x16xf32, #tpu.memory_space<hbm>>
      tpu.enqueue_dma source(%arg18 : memref<64x16xf32, #tpu.memory_space<vmem>>) target(%dma_start3A_248 : memref<64x16xf32, #tpu.memory_space<hbm>>) target_semaphore(%run_scoped3A_244 : memref<!tpu.dma_semaphore, #tpu.memory_space<semaphore_mem>>)
      %dma_wait3A_249 = arith.constant 0 : i32
      %dma_wait3A_250 = tpu.memref_slice %arg10[%add3A_243, %dma_wait3A_249] : memref<2048x16xf32, #tpu.memory_space<hbm>> -> memref<64x16xf32, #tpu.memory_space<hbm>>
      %dma_wait3A_251 = arith.constant 0 : i32
      %dma_wait3A_252 = tpu.memref_slice %arg10[%add3A_243, %dma_wait3A_251] : memref<2048x16xf32, #tpu.memory_space<hbm>> -> memref<64x16xf32, #tpu.memory_space<hbm>>
      tpu.wait_dma2 semaphore(%run_scoped3A_244 : memref<!tpu.dma_semaphore, #tpu.memory_space<semaphore_mem>>) src(%arg18 : memref<64x16xf32, #tpu.memory_space<vmem>>) dst(%dma_wait3A_252 : memref<64x16xf32, #tpu.memory_space<hbm>>)
      tpu.yield
    }) : () -> ()
    return
  }
}

#map = affine_map<(d0, d1) -> (0, 0)>
module attributes {stable_mosaic.version = 14 : i64} {
  func.func @body(%arg0: i32, %arg1: i32, %arg2: memref<16384x128xf32, #tpu.memory_space<hbm>>, %arg3: memref<16384x128xf32, #tpu.memory_space<hbm>>, %arg4: memref<16384x16xf32, #tpu.memory_space<hbm>>, %arg5: memref<256x128xi32, #tpu.memory_space<hbm>>, %arg6: memref<1024x128xf32, #tpu.memory_space<hbm>>, %arg7: memref<1024x16xf32, #tpu.memory_space<hbm>>, %arg8: memref<2048x128xf32, #tpu.memory_space<hbm>>, %arg9: memref<2048x128xf32, #tpu.memory_space<hbm>>, %arg10: memref<2048x16xf32, #tpu.memory_space<hbm>>, %arg11: memref<4x128xi32, #tpu.memory_space<vmem>>, %arg12: memref<128x128xf32, #tpu.memory_space<vmem>>, %arg13: memref<128x128xf32, #tpu.memory_space<vmem>>, %arg14: memref<128x128xf32, #tpu.memory_space<vmem>>, %arg15: memref<128x128xf32, #tpu.memory_space<vmem>>, %arg16: memref<512x16xf32, #tpu.memory_space<vmem>>, %arg17: memref<64x128xf32, #tpu.memory_space<vmem>>, %arg18: memref<64x16xf32, #tpu.memory_space<vmem>>, %arg19: memref<1024x128xf32, #tpu.memory_space<vmem_shared>>, %arg20: memref<1024x128xf32, #tpu.memory_space<vmem_shared>>, %arg21: memref<1024x16xf32, #tpu.memory_space<vmem_shared>>, %arg22: memref<!tpu.dma_semaphore, #tpu.memory_space<semaphore_mem>>, %arg23: memref<!tpu.dma_semaphore, #tpu.memory_space<semaphore_mem>>) attributes {dimension_semantics = [#tpu.dimension_semantics<core_parallel>, #tpu.dimension_semantics<subcore_parallel>], iteration_bounds = array<i64: 2, 16>, scalar_prefetch = 0 : i64, scratch_operands = 13 : i64, tpu.core_type = #tpu.core_type<sc_vector_subcore>, window_params = [{transform_indices = #map}, {transform_indices = #map}, {transform_indices = #map}, {transform_indices = #map}, {transform_indices = #map}, {transform_indices = #map}, {transform_indices = #map}, {transform_indices = #map}, {transform_indices = #map}]} {
    %mul3A = arith.constant 2 : i32
    %mul3A_0 = arith.muli %arg1, %mul3A : i32
    %add3A = arith.addi %mul3A_0, %arg0 : i32
    %mul3A_1 = arith.constant 512 : i32
    %mul3A_2 = arith.muli %add3A, %mul3A_1 : i32
    %mul3A_3 = arith.constant 64 : i32
    %mul3A_4 = arith.muli %arg1, %mul3A_3 : i32
    "tpu.region"() ({
      %run_scoped3A_244 = tpu.sem_alloc : memref<!tpu.dma_semaphore, #tpu.memory_space<semaphore_mem>>
      %dma_start3A_245 = arith.constant 0 : i32
      %dma_start3A_246 = tpu.memref_slice %arg6[%mul3A_4, %dma_start3A_245] : memref<1024x128xf32, #tpu.memory_space<hbm>> -> memref<64x128xf32, #tpu.memory_space<hbm>>
      %dma_start3A_247 = arith.constant 0 : i32
      %dma_start3A_248 = tpu.memref_slice %arg6[%mul3A_4, %dma_start3A_247] : memref<1024x128xf32, #tpu.memory_space<hbm>> -> memref<64x128xf32, #tpu.memory_space<hbm>>
      tpu.enqueue_dma source(%dma_start3A_248 : memref<64x128xf32, #tpu.memory_space<hbm>>) target(%arg17 : memref<64x128xf32, #tpu.memory_space<vmem>>) target_semaphore(%run_scoped3A_244 : memref<!tpu.dma_semaphore, #tpu.memory_space<semaphore_mem>>)
      %dma_wait3A_249 = arith.constant 0 : i32
      %dma_wait3A_250 = tpu.memref_slice %arg6[%mul3A_4, %dma_wait3A_249] : memref<1024x128xf32, #tpu.memory_space<hbm>> -> memref<64x128xf32, #tpu.memory_space<hbm>>
      %dma_wait3A_251 = arith.constant 0 : i32
      %dma_wait3A_252 = tpu.memref_slice %arg6[%mul3A_4, %dma_wait3A_251] : memref<1024x128xf32, #tpu.memory_space<hbm>> -> memref<64x128xf32, #tpu.memory_space<hbm>>
      tpu.wait_dma2 semaphore(%run_scoped3A_244 : memref<!tpu.dma_semaphore, #tpu.memory_space<semaphore_mem>>) src(%dma_wait3A_252 : memref<64x128xf32, #tpu.memory_space<hbm>>) dst(%arg17 : memref<64x128xf32, #tpu.memory_space<vmem>>)
      tpu.yield
    }) : () -> ()
    %mul3A_5 = arith.constant 64 : i32
    %mul3A_6 = arith.muli %arg1, %mul3A_5 : i32
    "tpu.region"() ({
      %run_scoped3A_244 = tpu.sem_alloc : memref<!tpu.dma_semaphore, #tpu.memory_space<semaphore_mem>>
      %dma_start3A_245 = arith.constant 0 : i32
      %dma_start3A_246 = tpu.memref_slice %arg19[%mul3A_6, %dma_start3A_245] : memref<1024x128xf32, #tpu.memory_space<vmem_shared>> -> memref<64x128xf32, #tpu.memory_space<vmem_shared>>
      %dma_start3A_247 = arith.constant 0 : i32
      %dma_start3A_248 = tpu.memref_slice %arg19[%mul3A_6, %dma_start3A_247] : memref<1024x128xf32, #tpu.memory_space<vmem_shared>> -> memref<64x128xf32, #tpu.memory_space<vmem_shared>>
      tpu.enqueue_dma source(%arg17 : memref<64x128xf32, #tpu.memory_space<vmem>>) target(%dma_start3A_248 : memref<64x128xf32, #tpu.memory_space<vmem_shared>>) target_semaphore(%run_scoped3A_244 : memref<!tpu.dma_semaphore, #tpu.memory_space<semaphore_mem>>)
      %dma_wait3A_249 = arith.constant 0 : i32
      %dma_wait3A_250 = tpu.memref_slice %arg19[%mul3A_6, %dma_wait3A_249] : memref<1024x128xf32, #tpu.memory_space<vmem_shared>> -> memref<64x128xf32, #tpu.memory_space<vmem_shared>>
      %dma_wait3A_251 = arith.constant 0 : i32
      %dma_wait3A_252 = tpu.memref_slice %arg19[%mul3A_6, %dma_wait3A_251] : memref<1024x128xf32, #tpu.memory_space<vmem_shared>> -> memref<64x128xf32, #tpu.memory_space<vmem_shared>>
      tpu.wait_dma2 semaphore(%run_scoped3A_244 : memref<!tpu.dma_semaphore, #tpu.memory_space<semaphore_mem>>) src(%arg17 : memref<64x128xf32, #tpu.memory_space<vmem>>) dst(%dma_wait3A_252 : memref<64x128xf32, #tpu.memory_space<vmem_shared>>)
      tpu.yield
    }) : () -> ()
    %mul3A_7 = arith.constant 64 : i32
    %mul3A_8 = arith.muli %arg1, %mul3A_7 : i32
    "tpu.region"() ({
      %run_scoped3A_244 = tpu.sem_alloc : memref<!tpu.dma_semaphore, #tpu.memory_space<semaphore_mem>>
      %dma_start3A_245 = arith.constant 0 : i32
      %dma_start3A_246 = tpu.memref_slice %arg20[%mul3A_8, %dma_start3A_245] : memref<1024x128xf32, #tpu.memory_space<vmem_shared>> -> memref<64x128xf32, #tpu.memory_space<vmem_shared>>
      %dma_start3A_247 = arith.constant 0 : i32
      %dma_start3A_248 = tpu.memref_slice %arg20[%mul3A_8, %dma_start3A_247] : memref<1024x128xf32, #tpu.memory_space<vmem_shared>> -> memref<64x128xf32, #tpu.memory_space<vmem_shared>>
      tpu.enqueue_dma source(%arg17 : memref<64x128xf32, #tpu.memory_space<vmem>>) target(%dma_start3A_248 : memref<64x128xf32, #tpu.memory_space<vmem_shared>>) target_semaphore(%run_scoped3A_244 : memref<!tpu.dma_semaphore, #tpu.memory_space<semaphore_mem>>)
      %dma_wait3A_249 = arith.constant 0 : i32
      %dma_wait3A_250 = tpu.memref_slice %arg20[%mul3A_8, %dma_wait3A_249] : memref<1024x128xf32, #tpu.memory_space<vmem_shared>> -> memref<64x128xf32, #tpu.memory_space<vmem_shared>>
      %dma_wait3A_251 = arith.constant 0 : i32
      %dma_wait3A_252 = tpu.memref_slice %arg20[%mul3A_8, %dma_wait3A_251] : memref<1024x128xf32, #tpu.memory_space<vmem_shared>> -> memref<64x128xf32, #tpu.memory_space<vmem_shared>>
      tpu.wait_dma2 semaphore(%run_scoped3A_244 : memref<!tpu.dma_semaphore, #tpu.memory_space<semaphore_mem>>) src(%arg17 : memref<64x128xf32, #tpu.memory_space<vmem>>) dst(%dma_wait3A_252 : memref<64x128xf32, #tpu.memory_space<vmem_shared>>)
      tpu.yield
    }) : () -> ()
    %mul3A_9 = arith.constant 64 : i32
    %mul3A_10 = arith.muli %arg1, %mul3A_9 : i32
    "tpu.region"() ({
      %run_scoped3A_244 = tpu.sem_alloc : memref<!tpu.dma_semaphore, #tpu.memory_space<semaphore_mem>>
      %dma_start3A_245 = arith.constant 0 : i32
      %dma_start3A_246 = tpu.memref_slice %arg7[%mul3A_10, %dma_start3A_245] : memref<1024x16xf32, #tpu.memory_space<hbm>> -> memref<64x16xf32, #tpu.memory_space<hbm>>
      %dma_start3A_247 = arith.constant 0 : i32
      %dma_start3A_248 = tpu.memref_slice %arg7[%mul3A_10, %dma_start3A_247] : memref<1024x16xf32, #tpu.memory_space<hbm>> -> memref<64x16xf32, #tpu.memory_space<hbm>>
      tpu.enqueue_dma source(%dma_start3A_248 : memref<64x16xf32, #tpu.memory_space<hbm>>) target(%arg18 : memref<64x16xf32, #tpu.memory_space<vmem>>) target_semaphore(%run_scoped3A_244 : memref<!tpu.dma_semaphore, #tpu.memory_space<semaphore_mem>>)
      %dma_wait3A_249 = arith.constant 0 : i32
      %dma_wait3A_250 = tpu.memref_slice %arg7[%mul3A_10, %dma_wait3A_249] : memref<1024x16xf32, #tpu.memory_space<hbm>> -> memref<64x16xf32, #tpu.memory_space<hbm>>
      %dma_wait3A_251 = arith.constant 0 : i32
      %dma_wait3A_252 = tpu.memref_slice %arg7[%mul3A_10, %dma_wait3A_251] : memref<1024x16xf32, #tpu.memory_space<hbm>> -> memref<64x16xf32, #tpu.memory_space<hbm>>
      tpu.wait_dma2 semaphore(%run_scoped3A_244 : memref<!tpu.dma_semaphore, #tpu.memory_space<semaphore_mem>>) src(%dma_wait3A_252 : memref<64x16xf32, #tpu.memory_space<hbm>>) dst(%arg18 : memref<64x16xf32, #tpu.memory_space<vmem>>)
      tpu.yield
    }) : () -> ()
    %mul3A_11 = arith.constant 64 : i32
    %mul3A_12 = arith.muli %arg1, %mul3A_11 : i32
    "tpu.region"() ({
      %run_scoped3A_244 = tpu.sem_alloc : memref<!tpu.dma_semaphore, #tpu.memory_space<semaphore_mem>>
      %dma_start3A_245 = arith.constant 0 : i32
      %dma_start3A_246 = tpu.memref_slice %arg21[%mul3A_12, %dma_start3A_245] : memref<1024x16xf32, #tpu.memory_space<vmem_shared>> -> memref<64x16xf32, #tpu.memory_space<vmem_shared>>
      %dma_start3A_247 = arith.constant 0 : i32
      %dma_start3A_248 = tpu.memref_slice %arg21[%mul3A_12, %dma_start3A_247] : memref<1024x16xf32, #tpu.memory_space<vmem_shared>> -> memref<64x16xf32, #tpu.memory_space<vmem_shared>>
      tpu.enqueue_dma source(%arg18 : memref<64x16xf32, #tpu.memory_space<vmem>>) target(%dma_start3A_248 : memref<64x16xf32, #tpu.memory_space<vmem_shared>>) target_semaphore(%run_scoped3A_244 : memref<!tpu.dma_semaphore, #tpu.memory_space<semaphore_mem>>)
      %dma_wait3A_249 = arith.constant 0 : i32
      %dma_wait3A_250 = tpu.memref_slice %arg21[%mul3A_12, %dma_wait3A_249] : memref<1024x16xf32, #tpu.memory_space<vmem_shared>> -> memref<64x16xf32, #tpu.memory_space<vmem_shared>>
      %dma_wait3A_251 = arith.constant 0 : i32
      %dma_wait3A_252 = tpu.memref_slice %arg21[%mul3A_12, %dma_wait3A_251] : memref<1024x16xf32, #tpu.memory_space<vmem_shared>> -> memref<64x16xf32, #tpu.memory_space<vmem_shared>>
      tpu.wait_dma2 semaphore(%run_scoped3A_244 : memref<!tpu.dma_semaphore, #tpu.memory_space<semaphore_mem>>) src(%arg18 : memref<64x16xf32, #tpu.memory_space<vmem>>) dst(%dma_wait3A_252 : memref<64x16xf32, #tpu.memory_space<vmem_shared>>)
      tpu.yield
    }) : () -> ()
    %mul3A_13 = arith.constant 4 : i32
    %mul3A_14 = arith.muli %add3A, %mul3A_13 : i32
    %add3A_15 = arith.constant 0 : i32
    %add3A_16 = arith.addi %add3A_15, %mul3A_14 : i32
    "tpu.region"() ({
      %run_scoped3A_244 = tpu.sem_alloc : memref<!tpu.dma_semaphore, #tpu.memory_space<semaphore_mem>>
      %dma_start3A_245 = arith.constant 0 : i32
      %dma_start3A_246 = tpu.memref_slice %arg5[%add3A_16, %dma_start3A_245] : memref<256x128xi32, #tpu.memory_space<hbm>> -> memref<4x128xi32, #tpu.memory_space<hbm>>
      %dma_start3A_247 = arith.constant 0 : i32
      %dma_start3A_248 = tpu.memref_slice %arg5[%add3A_16, %dma_start3A_247] : memref<256x128xi32, #tpu.memory_space<hbm>> -> memref<4x128xi32, #tpu.memory_space<hbm>>
      tpu.enqueue_dma source(%dma_start3A_248 : memref<4x128xi32, #tpu.memory_space<hbm>>) target(%arg11 : memref<4x128xi32, #tpu.memory_space<vmem>>) target_semaphore(%run_scoped3A_244 : memref<!tpu.dma_semaphore, #tpu.memory_space<semaphore_mem>>)
      %dma_wait3A_249 = arith.constant 0 : i32
      %dma_wait3A_250 = tpu.memref_slice %arg5[%add3A_16, %dma_wait3A_249] : memref<256x128xi32, #tpu.memory_space<hbm>> -> memref<4x128xi32, #tpu.memory_space<hbm>>
      %dma_wait3A_251 = arith.constant 0 : i32
      %dma_wait3A_252 = tpu.memref_slice %arg5[%add3A_16, %dma_wait3A_251] : memref<256x128xi32, #tpu.memory_space<hbm>> -> memref<4x128xi32, #tpu.memory_space<hbm>>
      tpu.wait_dma2 semaphore(%run_scoped3A_244 : memref<!tpu.dma_semaphore, #tpu.memory_space<semaphore_mem>>) src(%dma_wait3A_252 : memref<4x128xi32, #tpu.memory_space<hbm>>) dst(%arg11 : memref<4x128xi32, #tpu.memory_space<vmem>>)
      tpu.yield
    }) : () -> ()
    "tpu.region"() ({
      %run_scoped3A_244 = tpu.sem_alloc : memref<!tpu.dma_semaphore, #tpu.memory_space<semaphore_mem>>
      %dma_start3A_245 = arith.constant 0 : i32
      %dma_start3A_246 = tpu.memref_slice %arg4[%mul3A_2, %dma_start3A_245] : memref<16384x16xf32, #tpu.memory_space<hbm>> -> memref<512x16xf32, #tpu.memory_space<hbm>>
      %dma_start3A_247 = arith.constant 0 : i32
      %dma_start3A_248 = tpu.memref_slice %arg4[%mul3A_2, %dma_start3A_247] : memref<16384x16xf32, #tpu.memory_space<hbm>> -> memref<512x16xf32, #tpu.memory_space<hbm>>
      tpu.enqueue_dma source(%dma_start3A_248 : memref<512x16xf32, #tpu.memory_space<hbm>>) target(%arg16 : memref<512x16xf32, #tpu.memory_space<vmem>>) target_semaphore(%run_scoped3A_244 : memref<!tpu.dma_semaphore, #tpu.memory_space<semaphore_mem>>)
      %dma_wait3A_249 = arith.constant 0 : i32
      %dma_wait3A_250 = tpu.memref_slice %arg4[%mul3A_2, %dma_wait3A_249] : memref<16384x16xf32, #tpu.memory_space<hbm>> -> memref<512x16xf32, #tpu.memory_space<hbm>>
      %dma_wait3A_251 = arith.constant 0 : i32
      %dma_wait3A_252 = tpu.memref_slice %arg4[%mul3A_2, %dma_wait3A_251] : memref<16384x16xf32, #tpu.memory_space<hbm>> -> memref<512x16xf32, #tpu.memory_space<hbm>>
      tpu.wait_dma2 semaphore(%run_scoped3A_244 : memref<!tpu.dma_semaphore, #tpu.memory_space<semaphore_mem>>) src(%dma_wait3A_252 : memref<512x16xf32, #tpu.memory_space<hbm>>) dst(%arg16 : memref<512x16xf32, #tpu.memory_space<vmem>>)
      tpu.yield
    }) : () -> ()
    %barrier3A = arith.constant 0 : index
    tpu.barrier barrier_id(%barrier3A)
    %dma_start3A = arith.constant 0 : i32
    %dma_start3A_17 = tpu.memref_slice %arg2[%mul3A_2, %dma_start3A] : memref<16384x128xf32, #tpu.memory_space<hbm>> -> memref<128x128xf32, #tpu.memory_space<hbm>>
    %dma_start3A_18 = arith.constant 0 : i32
    %dma_start3A_19 = tpu.memref_slice %arg2[%mul3A_2, %dma_start3A_18] : memref<16384x128xf32, #tpu.memory_space<hbm>> -> memref<128x128xf32, #tpu.memory_space<hbm>>
    tpu.enqueue_dma source(%dma_start3A_19 : memref<128x128xf32, #tpu.memory_space<hbm>>) target(%arg12 : memref<128x128xf32, #tpu.memory_space<vmem>>) target_semaphore(%arg22 : memref<!tpu.dma_semaphore, #tpu.memory_space<semaphore_mem>>)
    %dma_start3A_20 = arith.constant 0 : i32
    %dma_start3A_21 = tpu.memref_slice %arg3[%mul3A_2, %dma_start3A_20] : memref<16384x128xf32, #tpu.memory_space<hbm>> -> memref<128x128xf32, #tpu.memory_space<hbm>>
    %dma_start3A_22 = arith.constant 0 : i32
    %dma_start3A_23 = tpu.memref_slice %arg3[%mul3A_2, %dma_start3A_22] : memref<16384x128xf32, #tpu.memory_space<hbm>> -> memref<128x128xf32, #tpu.memory_space<hbm>>
    tpu.enqueue_dma source(%dma_start3A_23 : memref<128x128xf32, #tpu.memory_space<hbm>>) target(%arg14 : memref<128x128xf32, #tpu.memory_space<vmem>>) target_semaphore(%arg22 : memref<!tpu.dma_semaphore, #tpu.memory_space<semaphore_mem>>)
    %run_scoped3A = arith.constant 0 : i32
    "tpu.region"() ({
      %run_scoped3A_244 = tpu.sem_alloc : memref<!tpu.dma_semaphore, #tpu.memory_space<semaphore_mem>>
      %dma_start3A_245 = arith.constant 0 : i32
      %dma_start3A_246 = arith.constant 0 : i32
      %dma_start3A_247 = tpu.memref_slice %arg16[%dma_start3A_245, %dma_start3A_246] : memref<512x16xf32, #tpu.memory_space<vmem>> -> memref<128x16xf32, #tpu.memory_space<vmem>>
      %dma_start3A_248 = arith.constant 0 : i32
      %dma_start3A_249 = tpu.memref_slice %arg11[%run_scoped3A, %dma_start3A_248] : memref<4x128xi32, #tpu.memory_space<vmem>> -> memref<1x128xi32, #tpu.memory_space<vmem>>
      %dma_start3A_250 = tpu.memref_squeeze %dma_start3A_249 : memref<1x128xi32, #tpu.memory_space<vmem>> -> memref<128xi32, #tpu.memory_space<vmem>>
      %dma_start3A_251 = arith.constant 0 : i32
      %dma_start3A_252 = arith.constant 0 : i32
      %dma_start3A_253 = tpu.memref_slice %arg21[%dma_start3A_251, %dma_start3A_252] : memref<1024x16xf32, #tpu.memory_space<vmem_shared>> -> memref<1024x16xf32, #tpu.memory_space<vmem_shared>>
      tpu.enqueue_indirect_dma source(%dma_start3A_247 : memref<128x16xf32, #tpu.memory_space<vmem>>) target(%dma_start3A_253 : memref<1024x16xf32, #tpu.memory_space<vmem_shared>>) offsets(%dma_start3A_250 : memref<128xi32, #tpu.memory_space<vmem>>) semaphore(%run_scoped3A_244 : memref<!tpu.dma_semaphore, #tpu.memory_space<semaphore_mem>>) {add = true}
      %dma_wait3A_254 = arith.constant 0 : i32
      %dma_wait3A_255 = arith.constant 0 : i32
      %dma_wait3A_256 = tpu.memref_slice %arg16[%dma_wait3A_254, %dma_wait3A_255] : memref<512x16xf32, #tpu.memory_space<vmem>> -> memref<128x16xf32, #tpu.memory_space<vmem>>
      %dma_wait3A_257 = arith.constant 0 : i32
      %dma_wait3A_258 = tpu.memref_slice %arg11[%run_scoped3A, %dma_wait3A_257] : memref<4x128xi32, #tpu.memory_space<vmem>> -> memref<1x128xi32, #tpu.memory_space<vmem>>
      %dma_wait3A_259 = tpu.memref_squeeze %dma_wait3A_258 : memref<1x128xi32, #tpu.memory_space<vmem>> -> memref<128xi32, #tpu.memory_space<vmem>>
      %dma_wait3A_260 = arith.constant 0 : i32
      %dma_wait3A_261 = arith.constant 0 : i32
      %dma_wait3A_262 = tpu.memref_slice %arg21[%dma_wait3A_260, %dma_wait3A_261] : memref<1024x16xf32, #tpu.memory_space<vmem_shared>> -> memref<1024x16xf32, #tpu.memory_space<vmem_shared>>
      tpu.wait_indirect_dma semaphore(%run_scoped3A_244 : memref<!tpu.dma_semaphore, #tpu.memory_space<semaphore_mem>>) src(%dma_wait3A_256 : memref<128x16xf32, #tpu.memory_space<vmem>>) dst(%dma_wait3A_262 : memref<1024x16xf32, #tpu.memory_space<vmem_shared>>)
      tpu.yield
    }) : () -> ()
    %add3A_24 = arith.constant 128 : i32
    %add3A_25 = arith.addi %mul3A_2, %add3A_24 : i32
    %dma_start3A_26 = arith.constant 0 : i32
    %dma_start3A_27 = tpu.memref_slice %arg2[%add3A_25, %dma_start3A_26] : memref<16384x128xf32, #tpu.memory_space<hbm>> -> memref<128x128xf32, #tpu.memory_space<hbm>>
    %dma_start3A_28 = arith.constant 0 : i32
    %dma_start3A_29 = tpu.memref_slice %arg2[%add3A_25, %dma_start3A_28] : memref<16384x128xf32, #tpu.memory_space<hbm>> -> memref<128x128xf32, #tpu.memory_space<hbm>>
    tpu.enqueue_dma source(%dma_start3A_29 : memref<128x128xf32, #tpu.memory_space<hbm>>) target(%arg13 : memref<128x128xf32, #tpu.memory_space<vmem>>) target_semaphore(%arg22 : memref<!tpu.dma_semaphore, #tpu.memory_space<semaphore_mem>>)
    %add3A_30 = arith.constant 128 : i32
    %add3A_31 = arith.addi %mul3A_2, %add3A_30 : i32
    %dma_start3A_32 = arith.constant 0 : i32
    %dma_start3A_33 = tpu.memref_slice %arg3[%add3A_31, %dma_start3A_32] : memref<16384x128xf32, #tpu.memory_space<hbm>> -> memref<128x128xf32, #tpu.memory_space<hbm>>
    %dma_start3A_34 = arith.constant 0 : i32
    %dma_start3A_35 = tpu.memref_slice %arg3[%add3A_31, %dma_start3A_34] : memref<16384x128xf32, #tpu.memory_space<hbm>> -> memref<128x128xf32, #tpu.memory_space<hbm>>
    tpu.enqueue_dma source(%dma_start3A_35 : memref<128x128xf32, #tpu.memory_space<hbm>>) target(%arg15 : memref<128x128xf32, #tpu.memory_space<vmem>>) target_semaphore(%arg22 : memref<!tpu.dma_semaphore, #tpu.memory_space<semaphore_mem>>)
    %add3A_36 = arith.constant 0 : i32
    %add3A_37 = arith.addi %mul3A_2, %add3A_36 : i32
    %dma_wait3A = arith.constant 0 : i32
    %dma_wait3A_38 = tpu.memref_slice %arg2[%add3A_37, %dma_wait3A] : memref<16384x128xf32, #tpu.memory_space<hbm>> -> memref<128x128xf32, #tpu.memory_space<hbm>>
    %dma_wait3A_39 = arith.constant 0 : i32
    %dma_wait3A_40 = tpu.memref_slice %arg2[%add3A_37, %dma_wait3A_39] : memref<16384x128xf32, #tpu.memory_space<hbm>> -> memref<128x128xf32, #tpu.memory_space<hbm>>
    tpu.wait_dma2 semaphore(%arg22 : memref<!tpu.dma_semaphore, #tpu.memory_space<semaphore_mem>>) src(%dma_wait3A_40 : memref<128x128xf32, #tpu.memory_space<hbm>>) dst(%arg12 : memref<128x128xf32, #tpu.memory_space<vmem>>)
    %add3A_41 = arith.constant 0 : i32
    %add3A_42 = arith.addi %mul3A_2, %add3A_41 : i32
    %dma_wait3A_43 = arith.constant 0 : i32
    %dma_wait3A_44 = tpu.memref_slice %arg3[%add3A_42, %dma_wait3A_43] : memref<16384x128xf32, #tpu.memory_space<hbm>> -> memref<128x128xf32, #tpu.memory_space<hbm>>
    %dma_wait3A_45 = arith.constant 0 : i32
    %dma_wait3A_46 = tpu.memref_slice %arg3[%add3A_42, %dma_wait3A_45] : memref<16384x128xf32, #tpu.memory_space<hbm>> -> memref<128x128xf32, #tpu.memory_space<hbm>>
    tpu.wait_dma2 semaphore(%arg22 : memref<!tpu.dma_semaphore, #tpu.memory_space<semaphore_mem>>) src(%dma_wait3A_46 : memref<128x128xf32, #tpu.memory_space<hbm>>) dst(%arg14 : memref<128x128xf32, #tpu.memory_space<vmem>>)
    %dma_start3A_47 = arith.constant 0 : i32
    %dma_start3A_48 = arith.constant 0 : i32
    %dma_start3A_49 = tpu.memref_slice %arg11[%dma_start3A_47, %dma_start3A_48] : memref<4x128xi32, #tpu.memory_space<vmem>> -> memref<1x128xi32, #tpu.memory_space<vmem>>
    %dma_start3A_50 = tpu.memref_squeeze %dma_start3A_49 : memref<1x128xi32, #tpu.memory_space<vmem>> -> memref<128xi32, #tpu.memory_space<vmem>>
    %dma_start3A_51 = arith.constant 0 : i32
    %dma_start3A_52 = arith.constant 0 : i32
    %dma_start3A_53 = tpu.memref_slice %arg19[%dma_start3A_51, %dma_start3A_52] : memref<1024x128xf32, #tpu.memory_space<vmem_shared>> -> memref<1024x128xf32, #tpu.memory_space<vmem_shared>>
    tpu.enqueue_indirect_dma source(%arg12 : memref<128x128xf32, #tpu.memory_space<vmem>>) target(%dma_start3A_53 : memref<1024x128xf32, #tpu.memory_space<vmem_shared>>) offsets(%dma_start3A_50 : memref<128xi32, #tpu.memory_space<vmem>>) semaphore(%arg23 : memref<!tpu.dma_semaphore, #tpu.memory_space<semaphore_mem>>) {add = true}
    %dma_start3A_54 = arith.constant 0 : i32
    %dma_start3A_55 = arith.constant 0 : i32
    %dma_start3A_56 = tpu.memref_slice %arg11[%dma_start3A_54, %dma_start3A_55] : memref<4x128xi32, #tpu.memory_space<vmem>> -> memref<1x128xi32, #tpu.memory_space<vmem>>
    %dma_start3A_57 = tpu.memref_squeeze %dma_start3A_56 : memref<1x128xi32, #tpu.memory_space<vmem>> -> memref<128xi32, #tpu.memory_space<vmem>>
    %dma_start3A_58 = arith.constant 0 : i32
    %dma_start3A_59 = arith.constant 0 : i32
    %dma_start3A_60 = tpu.memref_slice %arg20[%dma_start3A_58, %dma_start3A_59] : memref<1024x128xf32, #tpu.memory_space<vmem_shared>> -> memref<1024x128xf32, #tpu.memory_space<vmem_shared>>
    tpu.enqueue_indirect_dma source(%arg14 : memref<128x128xf32, #tpu.memory_space<vmem>>) target(%dma_start3A_60 : memref<1024x128xf32, #tpu.memory_space<vmem_shared>>) offsets(%dma_start3A_57 : memref<128xi32, #tpu.memory_space<vmem>>) semaphore(%arg23 : memref<!tpu.dma_semaphore, #tpu.memory_space<semaphore_mem>>) {add = true}
    %run_scoped3A_61 = arith.constant 1 : i32
    "tpu.region"() ({
      %run_scoped3A_244 = tpu.sem_alloc : memref<!tpu.dma_semaphore, #tpu.memory_space<semaphore_mem>>
      %dma_start3A_245 = arith.constant 128 : i32
      %dma_start3A_246 = arith.constant 0 : i32
      %dma_start3A_247 = tpu.memref_slice %arg16[%dma_start3A_245, %dma_start3A_246] : memref<512x16xf32, #tpu.memory_space<vmem>> -> memref<128x16xf32, #tpu.memory_space<vmem>>
      %dma_start3A_248 = arith.constant 0 : i32
      %dma_start3A_249 = tpu.memref_slice %arg11[%run_scoped3A_61, %dma_start3A_248] : memref<4x128xi32, #tpu.memory_space<vmem>> -> memref<1x128xi32, #tpu.memory_space<vmem>>
      %dma_start3A_250 = tpu.memref_squeeze %dma_start3A_249 : memref<1x128xi32, #tpu.memory_space<vmem>> -> memref<128xi32, #tpu.memory_space<vmem>>
      %dma_start3A_251 = arith.constant 0 : i32
      %dma_start3A_252 = arith.constant 0 : i32
      %dma_start3A_253 = tpu.memref_slice %arg21[%dma_start3A_251, %dma_start3A_252] : memref<1024x16xf32, #tpu.memory_space<vmem_shared>> -> memref<1024x16xf32, #tpu.memory_space<vmem_shared>>
      tpu.enqueue_indirect_dma source(%dma_start3A_247 : memref<128x16xf32, #tpu.memory_space<vmem>>) target(%dma_start3A_253 : memref<1024x16xf32, #tpu.memory_space<vmem_shared>>) offsets(%dma_start3A_250 : memref<128xi32, #tpu.memory_space<vmem>>) semaphore(%run_scoped3A_244 : memref<!tpu.dma_semaphore, #tpu.memory_space<semaphore_mem>>) {add = true}
      %dma_wait3A_254 = arith.constant 128 : i32
      %dma_wait3A_255 = arith.constant 0 : i32
      %dma_wait3A_256 = tpu.memref_slice %arg16[%dma_wait3A_254, %dma_wait3A_255] : memref<512x16xf32, #tpu.memory_space<vmem>> -> memref<128x16xf32, #tpu.memory_space<vmem>>
      %dma_wait3A_257 = arith.constant 0 : i32
      %dma_wait3A_258 = tpu.memref_slice %arg11[%run_scoped3A_61, %dma_wait3A_257] : memref<4x128xi32, #tpu.memory_space<vmem>> -> memref<1x128xi32, #tpu.memory_space<vmem>>
      %dma_wait3A_259 = tpu.memref_squeeze %dma_wait3A_258 : memref<1x128xi32, #tpu.memory_space<vmem>> -> memref<128xi32, #tpu.memory_space<vmem>>
      %dma_wait3A_260 = arith.constant 0 : i32
      %dma_wait3A_261 = arith.constant 0 : i32
      %dma_wait3A_262 = tpu.memref_slice %arg21[%dma_wait3A_260, %dma_wait3A_261] : memref<1024x16xf32, #tpu.memory_space<vmem_shared>> -> memref<1024x16xf32, #tpu.memory_space<vmem_shared>>
      tpu.wait_indirect_dma semaphore(%run_scoped3A_244 : memref<!tpu.dma_semaphore, #tpu.memory_space<semaphore_mem>>) src(%dma_wait3A_256 : memref<128x16xf32, #tpu.memory_space<vmem>>) dst(%dma_wait3A_262 : memref<1024x16xf32, #tpu.memory_space<vmem_shared>>)
      tpu.yield
    }) : () -> ()
    %dma_wait3A_62 = arith.constant 0 : i32
    %dma_wait3A_63 = arith.constant 0 : i32
    %dma_wait3A_64 = tpu.memref_slice %arg11[%dma_wait3A_62, %dma_wait3A_63] : memref<4x128xi32, #tpu.memory_space<vmem>> -> memref<1x128xi32, #tpu.memory_space<vmem>>
    %dma_wait3A_65 = tpu.memref_squeeze %dma_wait3A_64 : memref<1x128xi32, #tpu.memory_space<vmem>> -> memref<128xi32, #tpu.memory_space<vmem>>
    %dma_wait3A_66 = arith.constant 0 : i32
    %dma_wait3A_67 = arith.constant 0 : i32
    %dma_wait3A_68 = tpu.memref_slice %arg19[%dma_wait3A_66, %dma_wait3A_67] : memref<1024x128xf32, #tpu.memory_space<vmem_shared>> -> memref<1024x128xf32, #tpu.memory_space<vmem_shared>>
    tpu.wait_indirect_dma semaphore(%arg23 : memref<!tpu.dma_semaphore, #tpu.memory_space<semaphore_mem>>) src(%arg12 : memref<128x128xf32, #tpu.memory_space<vmem>>) dst(%dma_wait3A_68 : memref<1024x128xf32, #tpu.memory_space<vmem_shared>>)
    %dma_wait3A_69 = arith.constant 0 : i32
    %dma_wait3A_70 = arith.constant 0 : i32
    %dma_wait3A_71 = tpu.memref_slice %arg11[%dma_wait3A_69, %dma_wait3A_70] : memref<4x128xi32, #tpu.memory_space<vmem>> -> memref<1x128xi32, #tpu.memory_space<vmem>>
    %dma_wait3A_72 = tpu.memref_squeeze %dma_wait3A_71 : memref<1x128xi32, #tpu.memory_space<vmem>> -> memref<128xi32, #tpu.memory_space<vmem>>
    %dma_wait3A_73 = arith.constant 0 : i32
    %dma_wait3A_74 = arith.constant 0 : i32
    %dma_wait3A_75 = tpu.memref_slice %arg20[%dma_wait3A_73, %dma_wait3A_74] : memref<1024x128xf32, #tpu.memory_space<vmem_shared>> -> memref<1024x128xf32, #tpu.memory_space<vmem_shared>>
    tpu.wait_indirect_dma semaphore(%arg23 : memref<!tpu.dma_semaphore, #tpu.memory_space<semaphore_mem>>) src(%arg14 : memref<128x128xf32, #tpu.memory_space<vmem>>) dst(%dma_wait3A_75 : memref<1024x128xf32, #tpu.memory_space<vmem_shared>>)
    %add3A_76 = arith.constant 256 : i32
    %add3A_77 = arith.addi %mul3A_2, %add3A_76 : i32
    %dma_start3A_78 = arith.constant 0 : i32
    %dma_start3A_79 = tpu.memref_slice %arg2[%add3A_77, %dma_start3A_78] : memref<16384x128xf32, #tpu.memory_space<hbm>> -> memref<128x128xf32, #tpu.memory_space<hbm>>
    %dma_start3A_80 = arith.constant 0 : i32
    %dma_start3A_81 = tpu.memref_slice %arg2[%add3A_77, %dma_start3A_80] : memref<16384x128xf32, #tpu.memory_space<hbm>> -> memref<128x128xf32, #tpu.memory_space<hbm>>
    tpu.enqueue_dma source(%dma_start3A_81 : memref<128x128xf32, #tpu.memory_space<hbm>>) target(%arg12 : memref<128x128xf32, #tpu.memory_space<vmem>>) target_semaphore(%arg22 : memref<!tpu.dma_semaphore, #tpu.memory_space<semaphore_mem>>)
    %add3A_82 = arith.constant 256 : i32
    %add3A_83 = arith.addi %mul3A_2, %add3A_82 : i32
    %dma_start3A_84 = arith.constant 0 : i32
    %dma_start3A_85 = tpu.memref_slice %arg3[%add3A_83, %dma_start3A_84] : memref<16384x128xf32, #tpu.memory_space<hbm>> -> memref<128x128xf32, #tpu.memory_space<hbm>>
    %dma_start3A_86 = arith.constant 0 : i32
    %dma_start3A_87 = tpu.memref_slice %arg3[%add3A_83, %dma_start3A_86] : memref<16384x128xf32, #tpu.memory_space<hbm>> -> memref<128x128xf32, #tpu.memory_space<hbm>>
    tpu.enqueue_dma source(%dma_start3A_87 : memref<128x128xf32, #tpu.memory_space<hbm>>) target(%arg14 : memref<128x128xf32, #tpu.memory_space<vmem>>) target_semaphore(%arg22 : memref<!tpu.dma_semaphore, #tpu.memory_space<semaphore_mem>>)
    %add3A_88 = arith.constant 128 : i32
    %add3A_89 = arith.addi %mul3A_2, %add3A_88 : i32
    %dma_wait3A_90 = arith.constant 0 : i32
    %dma_wait3A_91 = tpu.memref_slice %arg2[%add3A_89, %dma_wait3A_90] : memref<16384x128xf32, #tpu.memory_space<hbm>> -> memref<128x128xf32, #tpu.memory_space<hbm>>
    %dma_wait3A_92 = arith.constant 0 : i32
    %dma_wait3A_93 = tpu.memref_slice %arg2[%add3A_89, %dma_wait3A_92] : memref<16384x128xf32, #tpu.memory_space<hbm>> -> memref<128x128xf32, #tpu.memory_space<hbm>>
    tpu.wait_dma2 semaphore(%arg22 : memref<!tpu.dma_semaphore, #tpu.memory_space<semaphore_mem>>) src(%dma_wait3A_93 : memref<128x128xf32, #tpu.memory_space<hbm>>) dst(%arg13 : memref<128x128xf32, #tpu.memory_space<vmem>>)
    %add3A_94 = arith.constant 128 : i32
    %add3A_95 = arith.addi %mul3A_2, %add3A_94 : i32
    %dma_wait3A_96 = arith.constant 0 : i32
    %dma_wait3A_97 = tpu.memref_slice %arg3[%add3A_95, %dma_wait3A_96] : memref<16384x128xf32, #tpu.memory_space<hbm>> -> memref<128x128xf32, #tpu.memory_space<hbm>>
    %dma_wait3A_98 = arith.constant 0 : i32
    %dma_wait3A_99 = tpu.memref_slice %arg3[%add3A_95, %dma_wait3A_98] : memref<16384x128xf32, #tpu.memory_space<hbm>> -> memref<128x128xf32, #tpu.memory_space<hbm>>
    tpu.wait_dma2 semaphore(%arg22 : memref<!tpu.dma_semaphore, #tpu.memory_space<semaphore_mem>>) src(%dma_wait3A_99 : memref<128x128xf32, #tpu.memory_space<hbm>>) dst(%arg15 : memref<128x128xf32, #tpu.memory_space<vmem>>)
    %dma_start3A_100 = arith.constant 1 : i32
    %dma_start3A_101 = arith.constant 0 : i32
    %dma_start3A_102 = tpu.memref_slice %arg11[%dma_start3A_100, %dma_start3A_101] : memref<4x128xi32, #tpu.memory_space<vmem>> -> memref<1x128xi32, #tpu.memory_space<vmem>>
    %dma_start3A_103 = tpu.memref_squeeze %dma_start3A_102 : memref<1x128xi32, #tpu.memory_space<vmem>> -> memref<128xi32, #tpu.memory_space<vmem>>
    %dma_start3A_104 = arith.constant 0 : i32
    %dma_start3A_105 = arith.constant 0 : i32
    %dma_start3A_106 = tpu.memref_slice %arg19[%dma_start3A_104, %dma_start3A_105] : memref<1024x128xf32, #tpu.memory_space<vmem_shared>> -> memref<1024x128xf32, #tpu.memory_space<vmem_shared>>
    tpu.enqueue_indirect_dma source(%arg13 : memref<128x128xf32, #tpu.memory_space<vmem>>) target(%dma_start3A_106 : memref<1024x128xf32, #tpu.memory_space<vmem_shared>>) offsets(%dma_start3A_103 : memref<128xi32, #tpu.memory_space<vmem>>) semaphore(%arg23 : memref<!tpu.dma_semaphore, #tpu.memory_space<semaphore_mem>>) {add = true}
    %dma_start3A_107 = arith.constant 1 : i32
    %dma_start3A_108 = arith.constant 0 : i32
    %dma_start3A_109 = tpu.memref_slice %arg11[%dma_start3A_107, %dma_start3A_108] : memref<4x128xi32, #tpu.memory_space<vmem>> -> memref<1x128xi32, #tpu.memory_space<vmem>>
    %dma_start3A_110 = tpu.memref_squeeze %dma_start3A_109 : memref<1x128xi32, #tpu.memory_space<vmem>> -> memref<128xi32, #tpu.memory_space<vmem>>
    %dma_start3A_111 = arith.constant 0 : i32
    %dma_start3A_112 = arith.constant 0 : i32
    %dma_start3A_113 = tpu.memref_slice %arg20[%dma_start3A_111, %dma_start3A_112] : memref<1024x128xf32, #tpu.memory_space<vmem_shared>> -> memref<1024x128xf32, #tpu.memory_space<vmem_shared>>
    tpu.enqueue_indirect_dma source(%arg15 : memref<128x128xf32, #tpu.memory_space<vmem>>) target(%dma_start3A_113 : memref<1024x128xf32, #tpu.memory_space<vmem_shared>>) offsets(%dma_start3A_110 : memref<128xi32, #tpu.memory_space<vmem>>) semaphore(%arg23 : memref<!tpu.dma_semaphore, #tpu.memory_space<semaphore_mem>>) {add = true}
    %run_scoped3A_114 = arith.constant 2 : i32
    "tpu.region"() ({
      %run_scoped3A_244 = tpu.sem_alloc : memref<!tpu.dma_semaphore, #tpu.memory_space<semaphore_mem>>
      %dma_start3A_245 = arith.constant 256 : i32
      %dma_start3A_246 = arith.constant 0 : i32
      %dma_start3A_247 = tpu.memref_slice %arg16[%dma_start3A_245, %dma_start3A_246] : memref<512x16xf32, #tpu.memory_space<vmem>> -> memref<128x16xf32, #tpu.memory_space<vmem>>
      %dma_start3A_248 = arith.constant 0 : i32
      %dma_start3A_249 = tpu.memref_slice %arg11[%run_scoped3A_114, %dma_start3A_248] : memref<4x128xi32, #tpu.memory_space<vmem>> -> memref<1x128xi32, #tpu.memory_space<vmem>>
      %dma_start3A_250 = tpu.memref_squeeze %dma_start3A_249 : memref<1x128xi32, #tpu.memory_space<vmem>> -> memref<128xi32, #tpu.memory_space<vmem>>
      %dma_start3A_251 = arith.constant 0 : i32
      %dma_start3A_252 = arith.constant 0 : i32
      %dma_start3A_253 = tpu.memref_slice %arg21[%dma_start3A_251, %dma_start3A_252] : memref<1024x16xf32, #tpu.memory_space<vmem_shared>> -> memref<1024x16xf32, #tpu.memory_space<vmem_shared>>
      tpu.enqueue_indirect_dma source(%dma_start3A_247 : memref<128x16xf32, #tpu.memory_space<vmem>>) target(%dma_start3A_253 : memref<1024x16xf32, #tpu.memory_space<vmem_shared>>) offsets(%dma_start3A_250 : memref<128xi32, #tpu.memory_space<vmem>>) semaphore(%run_scoped3A_244 : memref<!tpu.dma_semaphore, #tpu.memory_space<semaphore_mem>>) {add = true}
      %dma_wait3A_254 = arith.constant 256 : i32
      %dma_wait3A_255 = arith.constant 0 : i32
      %dma_wait3A_256 = tpu.memref_slice %arg16[%dma_wait3A_254, %dma_wait3A_255] : memref<512x16xf32, #tpu.memory_space<vmem>> -> memref<128x16xf32, #tpu.memory_space<vmem>>
      %dma_wait3A_257 = arith.constant 0 : i32
      %dma_wait3A_258 = tpu.memref_slice %arg11[%run_scoped3A_114, %dma_wait3A_257] : memref<4x128xi32, #tpu.memory_space<vmem>> -> memref<1x128xi32, #tpu.memory_space<vmem>>
      %dma_wait3A_259 = tpu.memref_squeeze %dma_wait3A_258 : memref<1x128xi32, #tpu.memory_space<vmem>> -> memref<128xi32, #tpu.memory_space<vmem>>
      %dma_wait3A_260 = arith.constant 0 : i32
      %dma_wait3A_261 = arith.constant 0 : i32
      %dma_wait3A_262 = tpu.memref_slice %arg21[%dma_wait3A_260, %dma_wait3A_261] : memref<1024x16xf32, #tpu.memory_space<vmem_shared>> -> memref<1024x16xf32, #tpu.memory_space<vmem_shared>>
      tpu.wait_indirect_dma semaphore(%run_scoped3A_244 : memref<!tpu.dma_semaphore, #tpu.memory_space<semaphore_mem>>) src(%dma_wait3A_256 : memref<128x16xf32, #tpu.memory_space<vmem>>) dst(%dma_wait3A_262 : memref<1024x16xf32, #tpu.memory_space<vmem_shared>>)
      tpu.yield
    }) : () -> ()
    %dma_wait3A_115 = arith.constant 1 : i32
    %dma_wait3A_116 = arith.constant 0 : i32
    %dma_wait3A_117 = tpu.memref_slice %arg11[%dma_wait3A_115, %dma_wait3A_116] : memref<4x128xi32, #tpu.memory_space<vmem>> -> memref<1x128xi32, #tpu.memory_space<vmem>>
    %dma_wait3A_118 = tpu.memref_squeeze %dma_wait3A_117 : memref<1x128xi32, #tpu.memory_space<vmem>> -> memref<128xi32, #tpu.memory_space<vmem>>
    %dma_wait3A_119 = arith.constant 0 : i32
    %dma_wait3A_120 = arith.constant 0 : i32
    %dma_wait3A_121 = tpu.memref_slice %arg19[%dma_wait3A_119, %dma_wait3A_120] : memref<1024x128xf32, #tpu.memory_space<vmem_shared>> -> memref<1024x128xf32, #tpu.memory_space<vmem_shared>>
    tpu.wait_indirect_dma semaphore(%arg23 : memref<!tpu.dma_semaphore, #tpu.memory_space<semaphore_mem>>) src(%arg13 : memref<128x128xf32, #tpu.memory_space<vmem>>) dst(%dma_wait3A_121 : memref<1024x128xf32, #tpu.memory_space<vmem_shared>>)
    %dma_wait3A_122 = arith.constant 1 : i32
    %dma_wait3A_123 = arith.constant 0 : i32
    %dma_wait3A_124 = tpu.memref_slice %arg11[%dma_wait3A_122, %dma_wait3A_123] : memref<4x128xi32, #tpu.memory_space<vmem>> -> memref<1x128xi32, #tpu.memory_space<vmem>>
    %dma_wait3A_125 = tpu.memref_squeeze %dma_wait3A_124 : memref<1x128xi32, #tpu.memory_space<vmem>> -> memref<128xi32, #tpu.memory_space<vmem>>
    %dma_wait3A_126 = arith.constant 0 : i32
    %dma_wait3A_127 = arith.constant 0 : i32
    %dma_wait3A_128 = tpu.memref_slice %arg20[%dma_wait3A_126, %dma_wait3A_127] : memref<1024x128xf32, #tpu.memory_space<vmem_shared>> -> memref<1024x128xf32, #tpu.memory_space<vmem_shared>>
    tpu.wait_indirect_dma semaphore(%arg23 : memref<!tpu.dma_semaphore, #tpu.memory_space<semaphore_mem>>) src(%arg15 : memref<128x128xf32, #tpu.memory_space<vmem>>) dst(%dma_wait3A_128 : memref<1024x128xf32, #tpu.memory_space<vmem_shared>>)
    %add3A_129 = arith.constant 384 : i32
    %add3A_130 = arith.addi %mul3A_2, %add3A_129 : i32
    %dma_start3A_131 = arith.constant 0 : i32
    %dma_start3A_132 = tpu.memref_slice %arg2[%add3A_130, %dma_start3A_131] : memref<16384x128xf32, #tpu.memory_space<hbm>> -> memref<128x128xf32, #tpu.memory_space<hbm>>
    %dma_start3A_133 = arith.constant 0 : i32
    %dma_start3A_134 = tpu.memref_slice %arg2[%add3A_130, %dma_start3A_133] : memref<16384x128xf32, #tpu.memory_space<hbm>> -> memref<128x128xf32, #tpu.memory_space<hbm>>
    tpu.enqueue_dma source(%dma_start3A_134 : memref<128x128xf32, #tpu.memory_space<hbm>>) target(%arg13 : memref<128x128xf32, #tpu.memory_space<vmem>>) target_semaphore(%arg22 : memref<!tpu.dma_semaphore, #tpu.memory_space<semaphore_mem>>)
    %add3A_135 = arith.constant 384 : i32
    %add3A_136 = arith.addi %mul3A_2, %add3A_135 : i32
    %dma_start3A_137 = arith.constant 0 : i32
    %dma_start3A_138 = tpu.memref_slice %arg3[%add3A_136, %dma_start3A_137] : memref<16384x128xf32, #tpu.memory_space<hbm>> -> memref<128x128xf32, #tpu.memory_space<hbm>>
    %dma_start3A_139 = arith.constant 0 : i32
    %dma_start3A_140 = tpu.memref_slice %arg3[%add3A_136, %dma_start3A_139] : memref<16384x128xf32, #tpu.memory_space<hbm>> -> memref<128x128xf32, #tpu.memory_space<hbm>>
    tpu.enqueue_dma source(%dma_start3A_140 : memref<128x128xf32, #tpu.memory_space<hbm>>) target(%arg15 : memref<128x128xf32, #tpu.memory_space<vmem>>) target_semaphore(%arg22 : memref<!tpu.dma_semaphore, #tpu.memory_space<semaphore_mem>>)
    %add3A_141 = arith.constant 256 : i32
    %add3A_142 = arith.addi %mul3A_2, %add3A_141 : i32
    %dma_wait3A_143 = arith.constant 0 : i32
    %dma_wait3A_144 = tpu.memref_slice %arg2[%add3A_142, %dma_wait3A_143] : memref<16384x128xf32, #tpu.memory_space<hbm>> -> memref<128x128xf32, #tpu.memory_space<hbm>>
    %dma_wait3A_145 = arith.constant 0 : i32
    %dma_wait3A_146 = tpu.memref_slice %arg2[%add3A_142, %dma_wait3A_145] : memref<16384x128xf32, #tpu.memory_space<hbm>> -> memref<128x128xf32, #tpu.memory_space<hbm>>
    tpu.wait_dma2 semaphore(%arg22 : memref<!tpu.dma_semaphore, #tpu.memory_space<semaphore_mem>>) src(%dma_wait3A_146 : memref<128x128xf32, #tpu.memory_space<hbm>>) dst(%arg12 : memref<128x128xf32, #tpu.memory_space<vmem>>)
    %add3A_147 = arith.constant 256 : i32
    %add3A_148 = arith.addi %mul3A_2, %add3A_147 : i32
    %dma_wait3A_149 = arith.constant 0 : i32
    %dma_wait3A_150 = tpu.memref_slice %arg3[%add3A_148, %dma_wait3A_149] : memref<16384x128xf32, #tpu.memory_space<hbm>> -> memref<128x128xf32, #tpu.memory_space<hbm>>
    %dma_wait3A_151 = arith.constant 0 : i32
    %dma_wait3A_152 = tpu.memref_slice %arg3[%add3A_148, %dma_wait3A_151] : memref<16384x128xf32, #tpu.memory_space<hbm>> -> memref<128x128xf32, #tpu.memory_space<hbm>>
    tpu.wait_dma2 semaphore(%arg22 : memref<!tpu.dma_semaphore, #tpu.memory_space<semaphore_mem>>) src(%dma_wait3A_152 : memref<128x128xf32, #tpu.memory_space<hbm>>) dst(%arg14 : memref<128x128xf32, #tpu.memory_space<vmem>>)
    %dma_start3A_153 = arith.constant 2 : i32
    %dma_start3A_154 = arith.constant 0 : i32
    %dma_start3A_155 = tpu.memref_slice %arg11[%dma_start3A_153, %dma_start3A_154] : memref<4x128xi32, #tpu.memory_space<vmem>> -> memref<1x128xi32, #tpu.memory_space<vmem>>
    %dma_start3A_156 = tpu.memref_squeeze %dma_start3A_155 : memref<1x128xi32, #tpu.memory_space<vmem>> -> memref<128xi32, #tpu.memory_space<vmem>>
    %dma_start3A_157 = arith.constant 0 : i32
    %dma_start3A_158 = arith.constant 0 : i32
    %dma_start3A_159 = tpu.memref_slice %arg19[%dma_start3A_157, %dma_start3A_158] : memref<1024x128xf32, #tpu.memory_space<vmem_shared>> -> memref<1024x128xf32, #tpu.memory_space<vmem_shared>>
    tpu.enqueue_indirect_dma source(%arg12 : memref<128x128xf32, #tpu.memory_space<vmem>>) target(%dma_start3A_159 : memref<1024x128xf32, #tpu.memory_space<vmem_shared>>) offsets(%dma_start3A_156 : memref<128xi32, #tpu.memory_space<vmem>>) semaphore(%arg23 : memref<!tpu.dma_semaphore, #tpu.memory_space<semaphore_mem>>) {add = true}
    %dma_start3A_160 = arith.constant 2 : i32
    %dma_start3A_161 = arith.constant 0 : i32
    %dma_start3A_162 = tpu.memref_slice %arg11[%dma_start3A_160, %dma_start3A_161] : memref<4x128xi32, #tpu.memory_space<vmem>> -> memref<1x128xi32, #tpu.memory_space<vmem>>
    %dma_start3A_163 = tpu.memref_squeeze %dma_start3A_162 : memref<1x128xi32, #tpu.memory_space<vmem>> -> memref<128xi32, #tpu.memory_space<vmem>>
    %dma_start3A_164 = arith.constant 0 : i32
    %dma_start3A_165 = arith.constant 0 : i32
    %dma_start3A_166 = tpu.memref_slice %arg20[%dma_start3A_164, %dma_start3A_165] : memref<1024x128xf32, #tpu.memory_space<vmem_shared>> -> memref<1024x128xf32, #tpu.memory_space<vmem_shared>>
    tpu.enqueue_indirect_dma source(%arg14 : memref<128x128xf32, #tpu.memory_space<vmem>>) target(%dma_start3A_166 : memref<1024x128xf32, #tpu.memory_space<vmem_shared>>) offsets(%dma_start3A_163 : memref<128xi32, #tpu.memory_space<vmem>>) semaphore(%arg23 : memref<!tpu.dma_semaphore, #tpu.memory_space<semaphore_mem>>) {add = true}
    %run_scoped3A_167 = arith.constant 3 : i32
    "tpu.region"() ({
      %run_scoped3A_244 = tpu.sem_alloc : memref<!tpu.dma_semaphore, #tpu.memory_space<semaphore_mem>>
      %dma_start3A_245 = arith.constant 384 : i32
      %dma_start3A_246 = arith.constant 0 : i32
      %dma_start3A_247 = tpu.memref_slice %arg16[%dma_start3A_245, %dma_start3A_246] : memref<512x16xf32, #tpu.memory_space<vmem>> -> memref<128x16xf32, #tpu.memory_space<vmem>>
      %dma_start3A_248 = arith.constant 0 : i32
      %dma_start3A_249 = tpu.memref_slice %arg11[%run_scoped3A_167, %dma_start3A_248] : memref<4x128xi32, #tpu.memory_space<vmem>> -> memref<1x128xi32, #tpu.memory_space<vmem>>
      %dma_start3A_250 = tpu.memref_squeeze %dma_start3A_249 : memref<1x128xi32, #tpu.memory_space<vmem>> -> memref<128xi32, #tpu.memory_space<vmem>>
      %dma_start3A_251 = arith.constant 0 : i32
      %dma_start3A_252 = arith.constant 0 : i32
      %dma_start3A_253 = tpu.memref_slice %arg21[%dma_start3A_251, %dma_start3A_252] : memref<1024x16xf32, #tpu.memory_space<vmem_shared>> -> memref<1024x16xf32, #tpu.memory_space<vmem_shared>>
      tpu.enqueue_indirect_dma source(%dma_start3A_247 : memref<128x16xf32, #tpu.memory_space<vmem>>) target(%dma_start3A_253 : memref<1024x16xf32, #tpu.memory_space<vmem_shared>>) offsets(%dma_start3A_250 : memref<128xi32, #tpu.memory_space<vmem>>) semaphore(%run_scoped3A_244 : memref<!tpu.dma_semaphore, #tpu.memory_space<semaphore_mem>>) {add = true}
      %dma_wait3A_254 = arith.constant 384 : i32
      %dma_wait3A_255 = arith.constant 0 : i32
      %dma_wait3A_256 = tpu.memref_slice %arg16[%dma_wait3A_254, %dma_wait3A_255] : memref<512x16xf32, #tpu.memory_space<vmem>> -> memref<128x16xf32, #tpu.memory_space<vmem>>
      %dma_wait3A_257 = arith.constant 0 : i32
      %dma_wait3A_258 = tpu.memref_slice %arg11[%run_scoped3A_167, %dma_wait3A_257] : memref<4x128xi32, #tpu.memory_space<vmem>> -> memref<1x128xi32, #tpu.memory_space<vmem>>
      %dma_wait3A_259 = tpu.memref_squeeze %dma_wait3A_258 : memref<1x128xi32, #tpu.memory_space<vmem>> -> memref<128xi32, #tpu.memory_space<vmem>>
      %dma_wait3A_260 = arith.constant 0 : i32
      %dma_wait3A_261 = arith.constant 0 : i32
      %dma_wait3A_262 = tpu.memref_slice %arg21[%dma_wait3A_260, %dma_wait3A_261] : memref<1024x16xf32, #tpu.memory_space<vmem_shared>> -> memref<1024x16xf32, #tpu.memory_space<vmem_shared>>
      tpu.wait_indirect_dma semaphore(%run_scoped3A_244 : memref<!tpu.dma_semaphore, #tpu.memory_space<semaphore_mem>>) src(%dma_wait3A_256 : memref<128x16xf32, #tpu.memory_space<vmem>>) dst(%dma_wait3A_262 : memref<1024x16xf32, #tpu.memory_space<vmem_shared>>)
      tpu.yield
    }) : () -> ()
    %dma_wait3A_168 = arith.constant 2 : i32
    %dma_wait3A_169 = arith.constant 0 : i32
    %dma_wait3A_170 = tpu.memref_slice %arg11[%dma_wait3A_168, %dma_wait3A_169] : memref<4x128xi32, #tpu.memory_space<vmem>> -> memref<1x128xi32, #tpu.memory_space<vmem>>
    %dma_wait3A_171 = tpu.memref_squeeze %dma_wait3A_170 : memref<1x128xi32, #tpu.memory_space<vmem>> -> memref<128xi32, #tpu.memory_space<vmem>>
    %dma_wait3A_172 = arith.constant 0 : i32
    %dma_wait3A_173 = arith.constant 0 : i32
    %dma_wait3A_174 = tpu.memref_slice %arg19[%dma_wait3A_172, %dma_wait3A_173] : memref<1024x128xf32, #tpu.memory_space<vmem_shared>> -> memref<1024x128xf32, #tpu.memory_space<vmem_shared>>
    tpu.wait_indirect_dma semaphore(%arg23 : memref<!tpu.dma_semaphore, #tpu.memory_space<semaphore_mem>>) src(%arg12 : memref<128x128xf32, #tpu.memory_space<vmem>>) dst(%dma_wait3A_174 : memref<1024x128xf32, #tpu.memory_space<vmem_shared>>)
    %dma_wait3A_175 = arith.constant 2 : i32
    %dma_wait3A_176 = arith.constant 0 : i32
    %dma_wait3A_177 = tpu.memref_slice %arg11[%dma_wait3A_175, %dma_wait3A_176] : memref<4x128xi32, #tpu.memory_space<vmem>> -> memref<1x128xi32, #tpu.memory_space<vmem>>
    %dma_wait3A_178 = tpu.memref_squeeze %dma_wait3A_177 : memref<1x128xi32, #tpu.memory_space<vmem>> -> memref<128xi32, #tpu.memory_space<vmem>>
    %dma_wait3A_179 = arith.constant 0 : i32
    %dma_wait3A_180 = arith.constant 0 : i32
    %dma_wait3A_181 = tpu.memref_slice %arg20[%dma_wait3A_179, %dma_wait3A_180] : memref<1024x128xf32, #tpu.memory_space<vmem_shared>> -> memref<1024x128xf32, #tpu.memory_space<vmem_shared>>
    tpu.wait_indirect_dma semaphore(%arg23 : memref<!tpu.dma_semaphore, #tpu.memory_space<semaphore_mem>>) src(%arg14 : memref<128x128xf32, #tpu.memory_space<vmem>>) dst(%dma_wait3A_181 : memref<1024x128xf32, #tpu.memory_space<vmem_shared>>)
    %add3A_182 = arith.constant 384 : i32
    %add3A_183 = arith.addi %mul3A_2, %add3A_182 : i32
    %dma_wait3A_184 = arith.constant 0 : i32
    %dma_wait3A_185 = tpu.memref_slice %arg2[%add3A_183, %dma_wait3A_184] : memref<16384x128xf32, #tpu.memory_space<hbm>> -> memref<128x128xf32, #tpu.memory_space<hbm>>
    %dma_wait3A_186 = arith.constant 0 : i32
    %dma_wait3A_187 = tpu.memref_slice %arg2[%add3A_183, %dma_wait3A_186] : memref<16384x128xf32, #tpu.memory_space<hbm>> -> memref<128x128xf32, #tpu.memory_space<hbm>>
    tpu.wait_dma2 semaphore(%arg22 : memref<!tpu.dma_semaphore, #tpu.memory_space<semaphore_mem>>) src(%dma_wait3A_187 : memref<128x128xf32, #tpu.memory_space<hbm>>) dst(%arg13 : memref<128x128xf32, #tpu.memory_space<vmem>>)
    %add3A_188 = arith.constant 384 : i32
    %add3A_189 = arith.addi %mul3A_2, %add3A_188 : i32
    %dma_wait3A_190 = arith.constant 0 : i32
    %dma_wait3A_191 = tpu.memref_slice %arg3[%add3A_189, %dma_wait3A_190] : memref<16384x128xf32, #tpu.memory_space<hbm>> -> memref<128x128xf32, #tpu.memory_space<hbm>>
    %dma_wait3A_192 = arith.constant 0 : i32
    %dma_wait3A_193 = tpu.memref_slice %arg3[%add3A_189, %dma_wait3A_192] : memref<16384x128xf32, #tpu.memory_space<hbm>> -> memref<128x128xf32, #tpu.memory_space<hbm>>
    tpu.wait_dma2 semaphore(%arg22 : memref<!tpu.dma_semaphore, #tpu.memory_space<semaphore_mem>>) src(%dma_wait3A_193 : memref<128x128xf32, #tpu.memory_space<hbm>>) dst(%arg15 : memref<128x128xf32, #tpu.memory_space<vmem>>)
    %dma_start3A_194 = arith.constant 3 : i32
    %dma_start3A_195 = arith.constant 0 : i32
    %dma_start3A_196 = tpu.memref_slice %arg11[%dma_start3A_194, %dma_start3A_195] : memref<4x128xi32, #tpu.memory_space<vmem>> -> memref<1x128xi32, #tpu.memory_space<vmem>>
    %dma_start3A_197 = tpu.memref_squeeze %dma_start3A_196 : memref<1x128xi32, #tpu.memory_space<vmem>> -> memref<128xi32, #tpu.memory_space<vmem>>
    %dma_start3A_198 = arith.constant 0 : i32
    %dma_start3A_199 = arith.constant 0 : i32
    %dma_start3A_200 = tpu.memref_slice %arg19[%dma_start3A_198, %dma_start3A_199] : memref<1024x128xf32, #tpu.memory_space<vmem_shared>> -> memref<1024x128xf32, #tpu.memory_space<vmem_shared>>
    tpu.enqueue_indirect_dma source(%arg13 : memref<128x128xf32, #tpu.memory_space<vmem>>) target(%dma_start3A_200 : memref<1024x128xf32, #tpu.memory_space<vmem_shared>>) offsets(%dma_start3A_197 : memref<128xi32, #tpu.memory_space<vmem>>) semaphore(%arg23 : memref<!tpu.dma_semaphore, #tpu.memory_space<semaphore_mem>>) {add = true}
    %dma_start3A_201 = arith.constant 3 : i32
    %dma_start3A_202 = arith.constant 0 : i32
    %dma_start3A_203 = tpu.memref_slice %arg11[%dma_start3A_201, %dma_start3A_202] : memref<4x128xi32, #tpu.memory_space<vmem>> -> memref<1x128xi32, #tpu.memory_space<vmem>>
    %dma_start3A_204 = tpu.memref_squeeze %dma_start3A_203 : memref<1x128xi32, #tpu.memory_space<vmem>> -> memref<128xi32, #tpu.memory_space<vmem>>
    %dma_start3A_205 = arith.constant 0 : i32
    %dma_start3A_206 = arith.constant 0 : i32
    %dma_start3A_207 = tpu.memref_slice %arg20[%dma_start3A_205, %dma_start3A_206] : memref<1024x128xf32, #tpu.memory_space<vmem_shared>> -> memref<1024x128xf32, #tpu.memory_space<vmem_shared>>
    tpu.enqueue_indirect_dma source(%arg15 : memref<128x128xf32, #tpu.memory_space<vmem>>) target(%dma_start3A_207 : memref<1024x128xf32, #tpu.memory_space<vmem_shared>>) offsets(%dma_start3A_204 : memref<128xi32, #tpu.memory_space<vmem>>) semaphore(%arg23 : memref<!tpu.dma_semaphore, #tpu.memory_space<semaphore_mem>>) {add = true}
    %dma_wait3A_208 = arith.constant 3 : i32
    %dma_wait3A_209 = arith.constant 0 : i32
    %dma_wait3A_210 = tpu.memref_slice %arg11[%dma_wait3A_208, %dma_wait3A_209] : memref<4x128xi32, #tpu.memory_space<vmem>> -> memref<1x128xi32, #tpu.memory_space<vmem>>
    %dma_wait3A_211 = tpu.memref_squeeze %dma_wait3A_210 : memref<1x128xi32, #tpu.memory_space<vmem>> -> memref<128xi32, #tpu.memory_space<vmem>>
    %dma_wait3A_212 = arith.constant 0 : i32
    %dma_wait3A_213 = arith.constant 0 : i32
    %dma_wait3A_214 = tpu.memref_slice %arg19[%dma_wait3A_212, %dma_wait3A_213] : memref<1024x128xf32, #tpu.memory_space<vmem_shared>> -> memref<1024x128xf32, #tpu.memory_space<vmem_shared>>
    tpu.wait_indirect_dma semaphore(%arg23 : memref<!tpu.dma_semaphore, #tpu.memory_space<semaphore_mem>>) src(%arg13 : memref<128x128xf32, #tpu.memory_space<vmem>>) dst(%dma_wait3A_214 : memref<1024x128xf32, #tpu.memory_space<vmem_shared>>)
    %dma_wait3A_215 = arith.constant 3 : i32
    %dma_wait3A_216 = arith.constant 0 : i32
    %dma_wait3A_217 = tpu.memref_slice %arg11[%dma_wait3A_215, %dma_wait3A_216] : memref<4x128xi32, #tpu.memory_space<vmem>> -> memref<1x128xi32, #tpu.memory_space<vmem>>
    %dma_wait3A_218 = tpu.memref_squeeze %dma_wait3A_217 : memref<1x128xi32, #tpu.memory_space<vmem>> -> memref<128xi32, #tpu.memory_space<vmem>>
    %dma_wait3A_219 = arith.constant 0 : i32
    %dma_wait3A_220 = arith.constant 0 : i32
    %dma_wait3A_221 = tpu.memref_slice %arg20[%dma_wait3A_219, %dma_wait3A_220] : memref<1024x128xf32, #tpu.memory_space<vmem_shared>> -> memref<1024x128xf32, #tpu.memory_space<vmem_shared>>
    tpu.wait_indirect_dma semaphore(%arg23 : memref<!tpu.dma_semaphore, #tpu.memory_space<semaphore_mem>>) src(%arg15 : memref<128x128xf32, #tpu.memory_space<vmem>>) dst(%dma_wait3A_221 : memref<1024x128xf32, #tpu.memory_space<vmem_shared>>)
    %barrier3A_222 = arith.constant 0 : index
    tpu.barrier barrier_id(%barrier3A_222)
    %mul3A_223 = arith.constant 64 : i32
    %mul3A_224 = arith.muli %arg1, %mul3A_223 : i32
    "tpu.region"() ({
      %run_scoped3A_244 = tpu.sem_alloc : memref<!tpu.dma_semaphore, #tpu.memory_space<semaphore_mem>>
      %dma_start3A_245 = arith.constant 0 : i32
      %dma_start3A_246 = tpu.memref_slice %arg19[%mul3A_224, %dma_start3A_245] : memref<1024x128xf32, #tpu.memory_space<vmem_shared>> -> memref<64x128xf32, #tpu.memory_space<vmem_shared>>
      %dma_start3A_247 = arith.constant 0 : i32
      %dma_start3A_248 = tpu.memref_slice %arg19[%mul3A_224, %dma_start3A_247] : memref<1024x128xf32, #tpu.memory_space<vmem_shared>> -> memref<64x128xf32, #tpu.memory_space<vmem_shared>>
      tpu.enqueue_dma source(%dma_start3A_248 : memref<64x128xf32, #tpu.memory_space<vmem_shared>>) target(%arg17 : memref<64x128xf32, #tpu.memory_space<vmem>>) target_semaphore(%run_scoped3A_244 : memref<!tpu.dma_semaphore, #tpu.memory_space<semaphore_mem>>)
      %dma_wait3A_249 = arith.constant 0 : i32
      %dma_wait3A_250 = tpu.memref_slice %arg19[%mul3A_224, %dma_wait3A_249] : memref<1024x128xf32, #tpu.memory_space<vmem_shared>> -> memref<64x128xf32, #tpu.memory_space<vmem_shared>>
      %dma_wait3A_251 = arith.constant 0 : i32
      %dma_wait3A_252 = tpu.memref_slice %arg19[%mul3A_224, %dma_wait3A_251] : memref<1024x128xf32, #tpu.memory_space<vmem_shared>> -> memref<64x128xf32, #tpu.memory_space<vmem_shared>>
      tpu.wait_dma2 semaphore(%run_scoped3A_244 : memref<!tpu.dma_semaphore, #tpu.memory_space<semaphore_mem>>) src(%dma_wait3A_252 : memref<64x128xf32, #tpu.memory_space<vmem_shared>>) dst(%arg17 : memref<64x128xf32, #tpu.memory_space<vmem>>)
      tpu.yield
    }) : () -> ()
    %mul3A_225 = arith.constant 1024 : i32
    %mul3A_226 = arith.muli %arg0, %mul3A_225 : i32
    %mul3A_227 = arith.constant 64 : i32
    %mul3A_228 = arith.muli %arg1, %mul3A_227 : i32
    %add3A_229 = arith.addi %mul3A_226, %mul3A_228 : i32
    "tpu.region"() ({
      %run_scoped3A_244 = tpu.sem_alloc : memref<!tpu.dma_semaphore, #tpu.memory_space<semaphore_mem>>
      %dma_start3A_245 = arith.constant 0 : i32
      %dma_start3A_246 = tpu.memref_slice %arg8[%add3A_229, %dma_start3A_245] : memref<2048x128xf32, #tpu.memory_space<hbm>> -> memref<64x128xf32, #tpu.memory_space<hbm>>
      %dma_start3A_247 = arith.constant 0 : i32
      %dma_start3A_248 = tpu.memref_slice %arg8[%add3A_229, %dma_start3A_247] : memref<2048x128xf32, #tpu.memory_space<hbm>> -> memref<64x128xf32, #tpu.memory_space<hbm>>
      tpu.enqueue_dma source(%arg17 : memref<64x128xf32, #tpu.memory_space<vmem>>) target(%dma_start3A_248 : memref<64x128xf32, #tpu.memory_space<hbm>>) target_semaphore(%run_scoped3A_244 : memref<!tpu.dma_semaphore, #tpu.memory_space<semaphore_mem>>)
      %dma_wait3A_249 = arith.constant 0 : i32
      %dma_wait3A_250 = tpu.memref_slice %arg8[%add3A_229, %dma_wait3A_249] : memref<2048x128xf32, #tpu.memory_space<hbm>> -> memref<64x128xf32, #tpu.memory_space<hbm>>
      %dma_wait3A_251 = arith.constant 0 : i32
      %dma_wait3A_252 = tpu.memref_slice %arg8[%add3A_229, %dma_wait3A_251] : memref<2048x128xf32, #tpu.memory_space<hbm>> -> memref<64x128xf32, #tpu.memory_space<hbm>>
      tpu.wait_dma2 semaphore(%run_scoped3A_244 : memref<!tpu.dma_semaphore, #tpu.memory_space<semaphore_mem>>) src(%arg17 : memref<64x128xf32, #tpu.memory_space<vmem>>) dst(%dma_wait3A_252 : memref<64x128xf32, #tpu.memory_space<hbm>>)
      tpu.yield
    }) : () -> ()
    %mul3A_230 = arith.constant 64 : i32
    %mul3A_231 = arith.muli %arg1, %mul3A_230 : i32
    "tpu.region"() ({
      %run_scoped3A_244 = tpu.sem_alloc : memref<!tpu.dma_semaphore, #tpu.memory_space<semaphore_mem>>
      %dma_start3A_245 = arith.constant 0 : i32
      %dma_start3A_246 = tpu.memref_slice %arg20[%mul3A_231, %dma_start3A_245] : memref<1024x128xf32, #tpu.memory_space<vmem_shared>> -> memref<64x128xf32, #tpu.memory_space<vmem_shared>>
      %dma_start3A_247 = arith.constant 0 : i32
      %dma_start3A_248 = tpu.memref_slice %arg20[%mul3A_231, %dma_start3A_247] : memref<1024x128xf32, #tpu.memory_space<vmem_shared>> -> memref<64x128xf32, #tpu.memory_space<vmem_shared>>
      tpu.enqueue_dma source(%dma_start3A_248 : memref<64x128xf32, #tpu.memory_space<vmem_shared>>) target(%arg17 : memref<64x128xf32, #tpu.memory_space<vmem>>) target_semaphore(%run_scoped3A_244 : memref<!tpu.dma_semaphore, #tpu.memory_space<semaphore_mem>>)
      %dma_wait3A_249 = arith.constant 0 : i32
      %dma_wait3A_250 = tpu.memref_slice %arg20[%mul3A_231, %dma_wait3A_249] : memref<1024x128xf32, #tpu.memory_space<vmem_shared>> -> memref<64x128xf32, #tpu.memory_space<vmem_shared>>
      %dma_wait3A_251 = arith.constant 0 : i32
      %dma_wait3A_252 = tpu.memref_slice %arg20[%mul3A_231, %dma_wait3A_251] : memref<1024x128xf32, #tpu.memory_space<vmem_shared>> -> memref<64x128xf32, #tpu.memory_space<vmem_shared>>
      tpu.wait_dma2 semaphore(%run_scoped3A_244 : memref<!tpu.dma_semaphore, #tpu.memory_space<semaphore_mem>>) src(%dma_wait3A_252 : memref<64x128xf32, #tpu.memory_space<vmem_shared>>) dst(%arg17 : memref<64x128xf32, #tpu.memory_space<vmem>>)
      tpu.yield
    }) : () -> ()
    %mul3A_232 = arith.constant 1024 : i32
    %mul3A_233 = arith.muli %arg0, %mul3A_232 : i32
    %mul3A_234 = arith.constant 64 : i32
    %mul3A_235 = arith.muli %arg1, %mul3A_234 : i32
    %add3A_236 = arith.addi %mul3A_233, %mul3A_235 : i32
    "tpu.region"() ({
      %run_scoped3A_244 = tpu.sem_alloc : memref<!tpu.dma_semaphore, #tpu.memory_space<semaphore_mem>>
      %dma_start3A_245 = arith.constant 0 : i32
      %dma_start3A_246 = tpu.memref_slice %arg9[%add3A_236, %dma_start3A_245] : memref<2048x128xf32, #tpu.memory_space<hbm>> -> memref<64x128xf32, #tpu.memory_space<hbm>>
      %dma_start3A_247 = arith.constant 0 : i32
      %dma_start3A_248 = tpu.memref_slice %arg9[%add3A_236, %dma_start3A_247] : memref<2048x128xf32, #tpu.memory_space<hbm>> -> memref<64x128xf32, #tpu.memory_space<hbm>>
      tpu.enqueue_dma source(%arg17 : memref<64x128xf32, #tpu.memory_space<vmem>>) target(%dma_start3A_248 : memref<64x128xf32, #tpu.memory_space<hbm>>) target_semaphore(%run_scoped3A_244 : memref<!tpu.dma_semaphore, #tpu.memory_space<semaphore_mem>>)
      %dma_wait3A_249 = arith.constant 0 : i32
      %dma_wait3A_250 = tpu.memref_slice %arg9[%add3A_236, %dma_wait3A_249] : memref<2048x128xf32, #tpu.memory_space<hbm>> -> memref<64x128xf32, #tpu.memory_space<hbm>>
      %dma_wait3A_251 = arith.constant 0 : i32
      %dma_wait3A_252 = tpu.memref_slice %arg9[%add3A_236, %dma_wait3A_251] : memref<2048x128xf32, #tpu.memory_space<hbm>> -> memref<64x128xf32, #tpu.memory_space<hbm>>
      tpu.wait_dma2 semaphore(%run_scoped3A_244 : memref<!tpu.dma_semaphore, #tpu.memory_space<semaphore_mem>>) src(%arg17 : memref<64x128xf32, #tpu.memory_space<vmem>>) dst(%dma_wait3A_252 : memref<64x128xf32, #tpu.memory_space<hbm>>)
      tpu.yield
    }) : () -> ()
    %mul3A_237 = arith.constant 64 : i32
    %mul3A_238 = arith.muli %arg1, %mul3A_237 : i32
    "tpu.region"() ({
      %run_scoped3A_244 = tpu.sem_alloc : memref<!tpu.dma_semaphore, #tpu.memory_space<semaphore_mem>>
      %dma_start3A_245 = arith.constant 0 : i32
      %dma_start3A_246 = tpu.memref_slice %arg21[%mul3A_238, %dma_start3A_245] : memref<1024x16xf32, #tpu.memory_space<vmem_shared>> -> memref<64x16xf32, #tpu.memory_space<vmem_shared>>
      %dma_start3A_247 = arith.constant 0 : i32
      %dma_start3A_248 = tpu.memref_slice %arg21[%mul3A_238, %dma_start3A_247] : memref<1024x16xf32, #tpu.memory_space<vmem_shared>> -> memref<64x16xf32, #tpu.memory_space<vmem_shared>>
      tpu.enqueue_dma source(%dma_start3A_248 : memref<64x16xf32, #tpu.memory_space<vmem_shared>>) target(%arg18 : memref<64x16xf32, #tpu.memory_space<vmem>>) target_semaphore(%run_scoped3A_244 : memref<!tpu.dma_semaphore, #tpu.memory_space<semaphore_mem>>)
      %dma_wait3A_249 = arith.constant 0 : i32
      %dma_wait3A_250 = tpu.memref_slice %arg21[%mul3A_238, %dma_wait3A_249] : memref<1024x16xf32, #tpu.memory_space<vmem_shared>> -> memref<64x16xf32, #tpu.memory_space<vmem_shared>>
      %dma_wait3A_251 = arith.constant 0 : i32
      %dma_wait3A_252 = tpu.memref_slice %arg21[%mul3A_238, %dma_wait3A_251] : memref<1024x16xf32, #tpu.memory_space<vmem_shared>> -> memref<64x16xf32, #tpu.memory_space<vmem_shared>>
      tpu.wait_dma2 semaphore(%run_scoped3A_244 : memref<!tpu.dma_semaphore, #tpu.memory_space<semaphore_mem>>) src(%dma_wait3A_252 : memref<64x16xf32, #tpu.memory_space<vmem_shared>>) dst(%arg18 : memref<64x16xf32, #tpu.memory_space<vmem>>)
      tpu.yield
    }) : () -> ()
    %mul3A_239 = arith.constant 1024 : i32
    %mul3A_240 = arith.muli %arg0, %mul3A_239 : i32
    %mul3A_241 = arith.constant 64 : i32
    %mul3A_242 = arith.muli %arg1, %mul3A_241 : i32
    %add3A_243 = arith.addi %mul3A_240, %mul3A_242 : i32
    "tpu.region"() ({
      %run_scoped3A_244 = tpu.sem_alloc : memref<!tpu.dma_semaphore, #tpu.memory_space<semaphore_mem>>
      %dma_start3A_245 = arith.constant 0 : i32
      %dma_start3A_246 = tpu.memref_slice %arg10[%add3A_243, %dma_start3A_245] : memref<2048x16xf32, #tpu.memory_space<hbm>> -> memref<64x16xf32, #tpu.memory_space<hbm>>
      %dma_start3A_247 = arith.constant 0 : i32
      %dma_start3A_248 = tpu.memref_slice %arg10[%add3A_243, %dma_start3A_247] : memref<2048x16xf32, #tpu.memory_space<hbm>> -> memref<64x16xf32, #tpu.memory_space<hbm>>
      tpu.enqueue_dma source(%arg18 : memref<64x16xf32, #tpu.memory_space<vmem>>) target(%dma_start3A_248 : memref<64x16xf32, #tpu.memory_space<hbm>>) target_semaphore(%run_scoped3A_244 : memref<!tpu.dma_semaphore, #tpu.memory_space<semaphore_mem>>)
      %dma_wait3A_249 = arith.constant 0 : i32
      %dma_wait3A_250 = tpu.memref_slice %arg10[%add3A_243, %dma_wait3A_249] : memref<2048x16xf32, #tpu.memory_space<hbm>> -> memref<64x16xf32, #tpu.memory_space<hbm>>
      %dma_wait3A_251 = arith.constant 0 : i32
      %dma_wait3A_252 = tpu.memref_slice %arg10[%add3A_243, %dma_wait3A_251] : memref<2048x16xf32, #tpu.memory_space<hbm>> -> memref<64x16xf32, #tpu.memory_space<hbm>>
      tpu.wait_dma2 semaphore(%run_scoped3A_244 : memref<!tpu.dma_semaphore, #tpu.memory_space<semaphore_mem>>) src(%arg18 : memref<64x16xf32, #tpu.memory_space<vmem>>) dst(%dma_wait3A_252 : memref<64x16xf32, #tpu.memory_space<hbm>>)
      tpu.yield
    }) : () -> ()
    return
  }
}

#map = affine_map<(d0, d1) -> (0, 0)>
module attributes {stable_mosaic.version = 14 : i64} {
  func.func @_sc_gather1_body(%arg0: i32, %arg1: i32, %arg2: memref<1024x128xi32, #tpu.memory_space<hbm>>, %arg3: memref<256x128xi32, #tpu.memory_space<hbm>>, %arg4: memref<32768x128xi32, #tpu.memory_space<hbm>>, %arg5: memref<8x128xi32, #tpu.memory_space<vmem>>, %arg6: memref<128x128xi32, #tpu.memory_space<vmem>>, %arg7: memref<128x128xi32, #tpu.memory_space<vmem>>, %arg8: memref<!tpu.dma_semaphore, #tpu.memory_space<semaphore_mem>>, %arg9: memref<!tpu.dma_semaphore, #tpu.memory_space<semaphore_mem>>) attributes {dimension_semantics = [#tpu.dimension_semantics<core_parallel>, #tpu.dimension_semantics<subcore_parallel>], iteration_bounds = array<i64: 2, 16>, scalar_prefetch = 0 : i64, scratch_operands = 5 : i64, tpu.core_type = #tpu.core_type<sc_vector_subcore>, window_params = [{transform_indices = #map}, {transform_indices = #map}, {transform_indices = #map}]} {
    %mul3A = arith.constant 2 : i32
    %mul3A_0 = arith.muli %arg1, %mul3A : i32
    %add3A = arith.addi %mul3A_0, %arg0 : i32
    %mul3A_1 = arith.constant 1024 : i32
    %mul3A_2 = arith.muli %add3A, %mul3A_1 : i32
    %mul3A_3 = arith.constant 8 : i32
    %mul3A_4 = arith.muli %add3A, %mul3A_3 : i32
    "tpu.region"() ({
      %run_scoped3A = tpu.sem_alloc : memref<!tpu.dma_semaphore, #tpu.memory_space<semaphore_mem>>
      %dma_start3A_211 = arith.constant 0 : i32
      %dma_start3A_212 = tpu.memref_slice %arg3[%mul3A_4, %dma_start3A_211] : memref<256x128xi32, #tpu.memory_space<hbm>> -> memref<8x128xi32, #tpu.memory_space<hbm>>
      %dma_start3A_213 = arith.constant 0 : i32
      %dma_start3A_214 = tpu.memref_slice %arg3[%mul3A_4, %dma_start3A_213] : memref<256x128xi32, #tpu.memory_space<hbm>> -> memref<8x128xi32, #tpu.memory_space<hbm>>
      tpu.enqueue_dma source(%dma_start3A_214 : memref<8x128xi32, #tpu.memory_space<hbm>>) target(%arg5 : memref<8x128xi32, #tpu.memory_space<vmem>>) target_semaphore(%run_scoped3A : memref<!tpu.dma_semaphore, #tpu.memory_space<semaphore_mem>>)
      %dma_wait3A_215 = arith.constant 0 : i32
      %dma_wait3A_216 = tpu.memref_slice %arg3[%mul3A_4, %dma_wait3A_215] : memref<256x128xi32, #tpu.memory_space<hbm>> -> memref<8x128xi32, #tpu.memory_space<hbm>>
      %dma_wait3A_217 = arith.constant 0 : i32
      %dma_wait3A_218 = tpu.memref_slice %arg3[%mul3A_4, %dma_wait3A_217] : memref<256x128xi32, #tpu.memory_space<hbm>> -> memref<8x128xi32, #tpu.memory_space<hbm>>
      tpu.wait_dma2 semaphore(%run_scoped3A : memref<!tpu.dma_semaphore, #tpu.memory_space<semaphore_mem>>) src(%dma_wait3A_218 : memref<8x128xi32, #tpu.memory_space<hbm>>) dst(%arg5 : memref<8x128xi32, #tpu.memory_space<vmem>>)
      tpu.yield
    }) : () -> ()
    %dma_start3A = arith.constant 0 : i32
    %dma_start3A_5 = arith.constant 0 : i32
    %dma_start3A_6 = tpu.memref_slice %arg5[%dma_start3A, %dma_start3A_5] : memref<8x128xi32, #tpu.memory_space<vmem>> -> memref<1x128xi32, #tpu.memory_space<vmem>>
    %dma_start3A_7 = tpu.memref_squeeze %dma_start3A_6 : memref<1x128xi32, #tpu.memory_space<vmem>> -> memref<128xi32, #tpu.memory_space<vmem>>
    %dma_start3A_8 = arith.constant 0 : i32
    %dma_start3A_9 = arith.constant 0 : i32
    %dma_start3A_10 = tpu.memref_slice %arg2[%dma_start3A_8, %dma_start3A_9] : memref<1024x128xi32, #tpu.memory_space<hbm>> -> memref<1024x128xi32, #tpu.memory_space<hbm>>
    tpu.enqueue_indirect_dma source(%dma_start3A_10 : memref<1024x128xi32, #tpu.memory_space<hbm>>) target(%arg6 : memref<128x128xi32, #tpu.memory_space<vmem>>) offsets(%dma_start3A_7 : memref<128xi32, #tpu.memory_space<vmem>>) semaphore(%arg8 : memref<!tpu.dma_semaphore, #tpu.memory_space<semaphore_mem>>)
    %dma_start3A_11 = arith.constant 1 : i32
    %dma_start3A_12 = arith.constant 0 : i32
    %dma_start3A_13 = tpu.memref_slice %arg5[%dma_start3A_11, %dma_start3A_12] : memref<8x128xi32, #tpu.memory_space<vmem>> -> memref<1x128xi32, #tpu.memory_space<vmem>>
    %dma_start3A_14 = tpu.memref_squeeze %dma_start3A_13 : memref<1x128xi32, #tpu.memory_space<vmem>> -> memref<128xi32, #tpu.memory_space<vmem>>
    %dma_start3A_15 = arith.constant 0 : i32
    %dma_start3A_16 = arith.constant 0 : i32
    %dma_start3A_17 = tpu.memref_slice %arg2[%dma_start3A_15, %dma_start3A_16] : memref<1024x128xi32, #tpu.memory_space<hbm>> -> memref<1024x128xi32, #tpu.memory_space<hbm>>
    tpu.enqueue_indirect_dma source(%dma_start3A_17 : memref<1024x128xi32, #tpu.memory_space<hbm>>) target(%arg7 : memref<128x128xi32, #tpu.memory_space<vmem>>) offsets(%dma_start3A_14 : memref<128xi32, #tpu.memory_space<vmem>>) semaphore(%arg8 : memref<!tpu.dma_semaphore, #tpu.memory_space<semaphore_mem>>)
    %dma_wait3A = arith.constant 0 : i32
    %dma_wait3A_18 = arith.constant 0 : i32
    %dma_wait3A_19 = tpu.memref_slice %arg5[%dma_wait3A, %dma_wait3A_18] : memref<8x128xi32, #tpu.memory_space<vmem>> -> memref<1x128xi32, #tpu.memory_space<vmem>>
    %dma_wait3A_20 = tpu.memref_squeeze %dma_wait3A_19 : memref<1x128xi32, #tpu.memory_space<vmem>> -> memref<128xi32, #tpu.memory_space<vmem>>
    %dma_wait3A_21 = arith.constant 0 : i32
    %dma_wait3A_22 = arith.constant 0 : i32
    %dma_wait3A_23 = tpu.memref_slice %arg2[%dma_wait3A_21, %dma_wait3A_22] : memref<1024x128xi32, #tpu.memory_space<hbm>> -> memref<1024x128xi32, #tpu.memory_space<hbm>>
    tpu.wait_indirect_dma semaphore(%arg8 : memref<!tpu.dma_semaphore, #tpu.memory_space<semaphore_mem>>) src(%dma_wait3A_23 : memref<1024x128xi32, #tpu.memory_space<hbm>>) dst(%arg6 : memref<128x128xi32, #tpu.memory_space<vmem>>)
    %add3A_24 = arith.constant 0 : i32
    %add3A_25 = arith.addi %mul3A_2, %add3A_24 : i32
    %dma_start3A_26 = arith.constant 0 : i32
    %dma_start3A_27 = tpu.memref_slice %arg4[%add3A_25, %dma_start3A_26] : memref<32768x128xi32, #tpu.memory_space<hbm>> -> memref<128x128xi32, #tpu.memory_space<hbm>>
    %dma_start3A_28 = arith.constant 0 : i32
    %dma_start3A_29 = tpu.memref_slice %arg4[%add3A_25, %dma_start3A_28] : memref<32768x128xi32, #tpu.memory_space<hbm>> -> memref<128x128xi32, #tpu.memory_space<hbm>>
    tpu.enqueue_dma source(%arg6 : memref<128x128xi32, #tpu.memory_space<vmem>>) target(%dma_start3A_29 : memref<128x128xi32, #tpu.memory_space<hbm>>) target_semaphore(%arg9 : memref<!tpu.dma_semaphore, #tpu.memory_space<semaphore_mem>>)
    %add3A_30 = arith.constant 0 : i32
    %add3A_31 = arith.addi %mul3A_2, %add3A_30 : i32
    %dma_wait3A_32 = arith.constant 0 : i32
    %dma_wait3A_33 = tpu.memref_slice %arg4[%add3A_31, %dma_wait3A_32] : memref<32768x128xi32, #tpu.memory_space<hbm>> -> memref<128x128xi32, #tpu.memory_space<hbm>>
    %dma_wait3A_34 = arith.constant 0 : i32
    %dma_wait3A_35 = tpu.memref_slice %arg4[%add3A_31, %dma_wait3A_34] : memref<32768x128xi32, #tpu.memory_space<hbm>> -> memref<128x128xi32, #tpu.memory_space<hbm>>
    tpu.wait_dma2 semaphore(%arg9 : memref<!tpu.dma_semaphore, #tpu.memory_space<semaphore_mem>>) src(%arg6 : memref<128x128xi32, #tpu.memory_space<vmem>>) dst(%dma_wait3A_35 : memref<128x128xi32, #tpu.memory_space<hbm>>)
    %dma_start3A_36 = arith.constant 2 : i32
    %dma_start3A_37 = arith.constant 0 : i32
    %dma_start3A_38 = tpu.memref_slice %arg5[%dma_start3A_36, %dma_start3A_37] : memref<8x128xi32, #tpu.memory_space<vmem>> -> memref<1x128xi32, #tpu.memory_space<vmem>>
    %dma_start3A_39 = tpu.memref_squeeze %dma_start3A_38 : memref<1x128xi32, #tpu.memory_space<vmem>> -> memref<128xi32, #tpu.memory_space<vmem>>
    %dma_start3A_40 = arith.constant 0 : i32
    %dma_start3A_41 = arith.constant 0 : i32
    %dma_start3A_42 = tpu.memref_slice %arg2[%dma_start3A_40, %dma_start3A_41] : memref<1024x128xi32, #tpu.memory_space<hbm>> -> memref<1024x128xi32, #tpu.memory_space<hbm>>
    tpu.enqueue_indirect_dma source(%dma_start3A_42 : memref<1024x128xi32, #tpu.memory_space<hbm>>) target(%arg6 : memref<128x128xi32, #tpu.memory_space<vmem>>) offsets(%dma_start3A_39 : memref<128xi32, #tpu.memory_space<vmem>>) semaphore(%arg8 : memref<!tpu.dma_semaphore, #tpu.memory_space<semaphore_mem>>)
    %dma_wait3A_43 = arith.constant 1 : i32
    %dma_wait3A_44 = arith.constant 0 : i32
    %dma_wait3A_45 = tpu.memref_slice %arg5[%dma_wait3A_43, %dma_wait3A_44] : memref<8x128xi32, #tpu.memory_space<vmem>> -> memref<1x128xi32, #tpu.memory_space<vmem>>
    %dma_wait3A_46 = tpu.memref_squeeze %dma_wait3A_45 : memref<1x128xi32, #tpu.memory_space<vmem>> -> memref<128xi32, #tpu.memory_space<vmem>>
    %dma_wait3A_47 = arith.constant 0 : i32
    %dma_wait3A_48 = arith.constant 0 : i32
    %dma_wait3A_49 = tpu.memref_slice %arg2[%dma_wait3A_47, %dma_wait3A_48] : memref<1024x128xi32, #tpu.memory_space<hbm>> -> memref<1024x128xi32, #tpu.memory_space<hbm>>
    tpu.wait_indirect_dma semaphore(%arg8 : memref<!tpu.dma_semaphore, #tpu.memory_space<semaphore_mem>>) src(%dma_wait3A_49 : memref<1024x128xi32, #tpu.memory_space<hbm>>) dst(%arg7 : memref<128x128xi32, #tpu.memory_space<vmem>>)
    %add3A_50 = arith.constant 128 : i32
    %add3A_51 = arith.addi %mul3A_2, %add3A_50 : i32
    %dma_start3A_52 = arith.constant 0 : i32
    %dma_start3A_53 = tpu.memref_slice %arg4[%add3A_51, %dma_start3A_52] : memref<32768x128xi32, #tpu.memory_space<hbm>> -> memref<128x128xi32, #tpu.memory_space<hbm>>
    %dma_start3A_54 = arith.constant 0 : i32
    %dma_start3A_55 = tpu.memref_slice %arg4[%add3A_51, %dma_start3A_54] : memref<32768x128xi32, #tpu.memory_space<hbm>> -> memref<128x128xi32, #tpu.memory_space<hbm>>
    tpu.enqueue_dma source(%arg7 : memref<128x128xi32, #tpu.memory_space<vmem>>) target(%dma_start3A_55 : memref<128x128xi32, #tpu.memory_space<hbm>>) target_semaphore(%arg9 : memref<!tpu.dma_semaphore, #tpu.memory_space<semaphore_mem>>)
    %add3A_56 = arith.constant 128 : i32
    %add3A_57 = arith.addi %mul3A_2, %add3A_56 : i32
    %dma_wait3A_58 = arith.constant 0 : i32
    %dma_wait3A_59 = tpu.memref_slice %arg4[%add3A_57, %dma_wait3A_58] : memref<32768x128xi32, #tpu.memory_space<hbm>> -> memref<128x128xi32, #tpu.memory_space<hbm>>
    %dma_wait3A_60 = arith.constant 0 : i32
    %dma_wait3A_61 = tpu.memref_slice %arg4[%add3A_57, %dma_wait3A_60] : memref<32768x128xi32, #tpu.memory_space<hbm>> -> memref<128x128xi32, #tpu.memory_space<hbm>>
    tpu.wait_dma2 semaphore(%arg9 : memref<!tpu.dma_semaphore, #tpu.memory_space<semaphore_mem>>) src(%arg7 : memref<128x128xi32, #tpu.memory_space<vmem>>) dst(%dma_wait3A_61 : memref<128x128xi32, #tpu.memory_space<hbm>>)
    %dma_start3A_62 = arith.constant 3 : i32
    %dma_start3A_63 = arith.constant 0 : i32
    %dma_start3A_64 = tpu.memref_slice %arg5[%dma_start3A_62, %dma_start3A_63] : memref<8x128xi32, #tpu.memory_space<vmem>> -> memref<1x128xi32, #tpu.memory_space<vmem>>
    %dma_start3A_65 = tpu.memref_squeeze %dma_start3A_64 : memref<1x128xi32, #tpu.memory_space<vmem>> -> memref<128xi32, #tpu.memory_space<vmem>>
    %dma_start3A_66 = arith.constant 0 : i32
    %dma_start3A_67 = arith.constant 0 : i32
    %dma_start3A_68 = tpu.memref_slice %arg2[%dma_start3A_66, %dma_start3A_67] : memref<1024x128xi32, #tpu.memory_space<hbm>> -> memref<1024x128xi32, #tpu.memory_space<hbm>>
    tpu.enqueue_indirect_dma source(%dma_start3A_68 : memref<1024x128xi32, #tpu.memory_space<hbm>>) target(%arg7 : memref<128x128xi32, #tpu.memory_space<vmem>>) offsets(%dma_start3A_65 : memref<128xi32, #tpu.memory_space<vmem>>) semaphore(%arg8 : memref<!tpu.dma_semaphore, #tpu.memory_space<semaphore_mem>>)
    %dma_wait3A_69 = arith.constant 2 : i32
    %dma_wait3A_70 = arith.constant 0 : i32
    %dma_wait3A_71 = tpu.memref_slice %arg5[%dma_wait3A_69, %dma_wait3A_70] : memref<8x128xi32, #tpu.memory_space<vmem>> -> memref<1x128xi32, #tpu.memory_space<vmem>>
    %dma_wait3A_72 = tpu.memref_squeeze %dma_wait3A_71 : memref<1x128xi32, #tpu.memory_space<vmem>> -> memref<128xi32, #tpu.memory_space<vmem>>
    %dma_wait3A_73 = arith.constant 0 : i32
    %dma_wait3A_74 = arith.constant 0 : i32
    %dma_wait3A_75 = tpu.memref_slice %arg2[%dma_wait3A_73, %dma_wait3A_74] : memref<1024x128xi32, #tpu.memory_space<hbm>> -> memref<1024x128xi32, #tpu.memory_space<hbm>>
    tpu.wait_indirect_dma semaphore(%arg8 : memref<!tpu.dma_semaphore, #tpu.memory_space<semaphore_mem>>) src(%dma_wait3A_75 : memref<1024x128xi32, #tpu.memory_space<hbm>>) dst(%arg6 : memref<128x128xi32, #tpu.memory_space<vmem>>)
    %add3A_76 = arith.constant 256 : i32
    %add3A_77 = arith.addi %mul3A_2, %add3A_76 : i32
    %dma_start3A_78 = arith.constant 0 : i32
    %dma_start3A_79 = tpu.memref_slice %arg4[%add3A_77, %dma_start3A_78] : memref<32768x128xi32, #tpu.memory_space<hbm>> -> memref<128x128xi32, #tpu.memory_space<hbm>>
    %dma_start3A_80 = arith.constant 0 : i32
    %dma_start3A_81 = tpu.memref_slice %arg4[%add3A_77, %dma_start3A_80] : memref<32768x128xi32, #tpu.memory_space<hbm>> -> memref<128x128xi32, #tpu.memory_space<hbm>>
    tpu.enqueue_dma source(%arg6 : memref<128x128xi32, #tpu.memory_space<vmem>>) target(%dma_start3A_81 : memref<128x128xi32, #tpu.memory_space<hbm>>) target_semaphore(%arg9 : memref<!tpu.dma_semaphore, #tpu.memory_space<semaphore_mem>>)
    %add3A_82 = arith.constant 256 : i32
    %add3A_83 = arith.addi %mul3A_2, %add3A_82 : i32
    %dma_wait3A_84 = arith.constant 0 : i32
    %dma_wait3A_85 = tpu.memref_slice %arg4[%add3A_83, %dma_wait3A_84] : memref<32768x128xi32, #tpu.memory_space<hbm>> -> memref<128x128xi32, #tpu.memory_space<hbm>>
    %dma_wait3A_86 = arith.constant 0 : i32
    %dma_wait3A_87 = tpu.memref_slice %arg4[%add3A_83, %dma_wait3A_86] : memref<32768x128xi32, #tpu.memory_space<hbm>> -> memref<128x128xi32, #tpu.memory_space<hbm>>
    tpu.wait_dma2 semaphore(%arg9 : memref<!tpu.dma_semaphore, #tpu.memory_space<semaphore_mem>>) src(%arg6 : memref<128x128xi32, #tpu.memory_space<vmem>>) dst(%dma_wait3A_87 : memref<128x128xi32, #tpu.memory_space<hbm>>)
    %dma_start3A_88 = arith.constant 4 : i32
    %dma_start3A_89 = arith.constant 0 : i32
    %dma_start3A_90 = tpu.memref_slice %arg5[%dma_start3A_88, %dma_start3A_89] : memref<8x128xi32, #tpu.memory_space<vmem>> -> memref<1x128xi32, #tpu.memory_space<vmem>>
    %dma_start3A_91 = tpu.memref_squeeze %dma_start3A_90 : memref<1x128xi32, #tpu.memory_space<vmem>> -> memref<128xi32, #tpu.memory_space<vmem>>
    %dma_start3A_92 = arith.constant 0 : i32
    %dma_start3A_93 = arith.constant 0 : i32
    %dma_start3A_94 = tpu.memref_slice %arg2[%dma_start3A_92, %dma_start3A_93] : memref<1024x128xi32, #tpu.memory_space<hbm>> -> memref<1024x128xi32, #tpu.memory_space<hbm>>
    tpu.enqueue_indirect_dma source(%dma_start3A_94 : memref<1024x128xi32, #tpu.memory_space<hbm>>) target(%arg6 : memref<128x128xi32, #tpu.memory_space<vmem>>) offsets(%dma_start3A_91 : memref<128xi32, #tpu.memory_space<vmem>>) semaphore(%arg8 : memref<!tpu.dma_semaphore, #tpu.memory_space<semaphore_mem>>)
    %dma_wait3A_95 = arith.constant 3 : i32
    %dma_wait3A_96 = arith.constant 0 : i32
    %dma_wait3A_97 = tpu.memref_slice %arg5[%dma_wait3A_95, %dma_wait3A_96] : memref<8x128xi32, #tpu.memory_space<vmem>> -> memref<1x128xi32, #tpu.memory_space<vmem>>
    %dma_wait3A_98 = tpu.memref_squeeze %dma_wait3A_97 : memref<1x128xi32, #tpu.memory_space<vmem>> -> memref<128xi32, #tpu.memory_space<vmem>>
    %dma_wait3A_99 = arith.constant 0 : i32
    %dma_wait3A_100 = arith.constant 0 : i32
    %dma_wait3A_101 = tpu.memref_slice %arg2[%dma_wait3A_99, %dma_wait3A_100] : memref<1024x128xi32, #tpu.memory_space<hbm>> -> memref<1024x128xi32, #tpu.memory_space<hbm>>
    tpu.wait_indirect_dma semaphore(%arg8 : memref<!tpu.dma_semaphore, #tpu.memory_space<semaphore_mem>>) src(%dma_wait3A_101 : memref<1024x128xi32, #tpu.memory_space<hbm>>) dst(%arg7 : memref<128x128xi32, #tpu.memory_space<vmem>>)
    %add3A_102 = arith.constant 384 : i32
    %add3A_103 = arith.addi %mul3A_2, %add3A_102 : i32
    %dma_start3A_104 = arith.constant 0 : i32
    %dma_start3A_105 = tpu.memref_slice %arg4[%add3A_103, %dma_start3A_104] : memref<32768x128xi32, #tpu.memory_space<hbm>> -> memref<128x128xi32, #tpu.memory_space<hbm>>
    %dma_start3A_106 = arith.constant 0 : i32
    %dma_start3A_107 = tpu.memref_slice %arg4[%add3A_103, %dma_start3A_106] : memref<32768x128xi32, #tpu.memory_space<hbm>> -> memref<128x128xi32, #tpu.memory_space<hbm>>
    tpu.enqueue_dma source(%arg7 : memref<128x128xi32, #tpu.memory_space<vmem>>) target(%dma_start3A_107 : memref<128x128xi32, #tpu.memory_space<hbm>>) target_semaphore(%arg9 : memref<!tpu.dma_semaphore, #tpu.memory_space<semaphore_mem>>)
    %add3A_108 = arith.constant 384 : i32
    %add3A_109 = arith.addi %mul3A_2, %add3A_108 : i32
    %dma_wait3A_110 = arith.constant 0 : i32
    %dma_wait3A_111 = tpu.memref_slice %arg4[%add3A_109, %dma_wait3A_110] : memref<32768x128xi32, #tpu.memory_space<hbm>> -> memref<128x128xi32, #tpu.memory_space<hbm>>
    %dma_wait3A_112 = arith.constant 0 : i32
    %dma_wait3A_113 = tpu.memref_slice %arg4[%add3A_109, %dma_wait3A_112] : memref<32768x128xi32, #tpu.memory_space<hbm>> -> memref<128x128xi32, #tpu.memory_space<hbm>>
    tpu.wait_dma2 semaphore(%arg9 : memref<!tpu.dma_semaphore, #tpu.memory_space<semaphore_mem>>) src(%arg7 : memref<128x128xi32, #tpu.memory_space<vmem>>) dst(%dma_wait3A_113 : memref<128x128xi32, #tpu.memory_space<hbm>>)
    %dma_start3A_114 = arith.constant 5 : i32
    %dma_start3A_115 = arith.constant 0 : i32
    %dma_start3A_116 = tpu.memref_slice %arg5[%dma_start3A_114, %dma_start3A_115] : memref<8x128xi32, #tpu.memory_space<vmem>> -> memref<1x128xi32, #tpu.memory_space<vmem>>
    %dma_start3A_117 = tpu.memref_squeeze %dma_start3A_116 : memref<1x128xi32, #tpu.memory_space<vmem>> -> memref<128xi32, #tpu.memory_space<vmem>>
    %dma_start3A_118 = arith.constant 0 : i32
    %dma_start3A_119 = arith.constant 0 : i32
    %dma_start3A_120 = tpu.memref_slice %arg2[%dma_start3A_118, %dma_start3A_119] : memref<1024x128xi32, #tpu.memory_space<hbm>> -> memref<1024x128xi32, #tpu.memory_space<hbm>>
    tpu.enqueue_indirect_dma source(%dma_start3A_120 : memref<1024x128xi32, #tpu.memory_space<hbm>>) target(%arg7 : memref<128x128xi32, #tpu.memory_space<vmem>>) offsets(%dma_start3A_117 : memref<128xi32, #tpu.memory_space<vmem>>) semaphore(%arg8 : memref<!tpu.dma_semaphore, #tpu.memory_space<semaphore_mem>>)
    %dma_wait3A_121 = arith.constant 4 : i32
    %dma_wait3A_122 = arith.constant 0 : i32
    %dma_wait3A_123 = tpu.memref_slice %arg5[%dma_wait3A_121, %dma_wait3A_122] : memref<8x128xi32, #tpu.memory_space<vmem>> -> memref<1x128xi32, #tpu.memory_space<vmem>>
    %dma_wait3A_124 = tpu.memref_squeeze %dma_wait3A_123 : memref<1x128xi32, #tpu.memory_space<vmem>> -> memref<128xi32, #tpu.memory_space<vmem>>
    %dma_wait3A_125 = arith.constant 0 : i32
    %dma_wait3A_126 = arith.constant 0 : i32
    %dma_wait3A_127 = tpu.memref_slice %arg2[%dma_wait3A_125, %dma_wait3A_126] : memref<1024x128xi32, #tpu.memory_space<hbm>> -> memref<1024x128xi32, #tpu.memory_space<hbm>>
    tpu.wait_indirect_dma semaphore(%arg8 : memref<!tpu.dma_semaphore, #tpu.memory_space<semaphore_mem>>) src(%dma_wait3A_127 : memref<1024x128xi32, #tpu.memory_space<hbm>>) dst(%arg6 : memref<128x128xi32, #tpu.memory_space<vmem>>)
    %add3A_128 = arith.constant 512 : i32
    %add3A_129 = arith.addi %mul3A_2, %add3A_128 : i32
    %dma_start3A_130 = arith.constant 0 : i32
    %dma_start3A_131 = tpu.memref_slice %arg4[%add3A_129, %dma_start3A_130] : memref<32768x128xi32, #tpu.memory_space<hbm>> -> memref<128x128xi32, #tpu.memory_space<hbm>>
    %dma_start3A_132 = arith.constant 0 : i32
    %dma_start3A_133 = tpu.memref_slice %arg4[%add3A_129, %dma_start3A_132] : memref<32768x128xi32, #tpu.memory_space<hbm>> -> memref<128x128xi32, #tpu.memory_space<hbm>>
    tpu.enqueue_dma source(%arg6 : memref<128x128xi32, #tpu.memory_space<vmem>>) target(%dma_start3A_133 : memref<128x128xi32, #tpu.memory_space<hbm>>) target_semaphore(%arg9 : memref<!tpu.dma_semaphore, #tpu.memory_space<semaphore_mem>>)
    %add3A_134 = arith.constant 512 : i32
    %add3A_135 = arith.addi %mul3A_2, %add3A_134 : i32
    %dma_wait3A_136 = arith.constant 0 : i32
    %dma_wait3A_137 = tpu.memref_slice %arg4[%add3A_135, %dma_wait3A_136] : memref<32768x128xi32, #tpu.memory_space<hbm>> -> memref<128x128xi32, #tpu.memory_space<hbm>>
    %dma_wait3A_138 = arith.constant 0 : i32
    %dma_wait3A_139 = tpu.memref_slice %arg4[%add3A_135, %dma_wait3A_138] : memref<32768x128xi32, #tpu.memory_space<hbm>> -> memref<128x128xi32, #tpu.memory_space<hbm>>
    tpu.wait_dma2 semaphore(%arg9 : memref<!tpu.dma_semaphore, #tpu.memory_space<semaphore_mem>>) src(%arg6 : memref<128x128xi32, #tpu.memory_space<vmem>>) dst(%dma_wait3A_139 : memref<128x128xi32, #tpu.memory_space<hbm>>)
    %dma_start3A_140 = arith.constant 6 : i32
    %dma_start3A_141 = arith.constant 0 : i32
    %dma_start3A_142 = tpu.memref_slice %arg5[%dma_start3A_140, %dma_start3A_141] : memref<8x128xi32, #tpu.memory_space<vmem>> -> memref<1x128xi32, #tpu.memory_space<vmem>>
    %dma_start3A_143 = tpu.memref_squeeze %dma_start3A_142 : memref<1x128xi32, #tpu.memory_space<vmem>> -> memref<128xi32, #tpu.memory_space<vmem>>
    %dma_start3A_144 = arith.constant 0 : i32
    %dma_start3A_145 = arith.constant 0 : i32
    %dma_start3A_146 = tpu.memref_slice %arg2[%dma_start3A_144, %dma_start3A_145] : memref<1024x128xi32, #tpu.memory_space<hbm>> -> memref<1024x128xi32, #tpu.memory_space<hbm>>
    tpu.enqueue_indirect_dma source(%dma_start3A_146 : memref<1024x128xi32, #tpu.memory_space<hbm>>) target(%arg6 : memref<128x128xi32, #tpu.memory_space<vmem>>) offsets(%dma_start3A_143 : memref<128xi32, #tpu.memory_space<vmem>>) semaphore(%arg8 : memref<!tpu.dma_semaphore, #tpu.memory_space<semaphore_mem>>)
    %dma_wait3A_147 = arith.constant 5 : i32
    %dma_wait3A_148 = arith.constant 0 : i32
    %dma_wait3A_149 = tpu.memref_slice %arg5[%dma_wait3A_147, %dma_wait3A_148] : memref<8x128xi32, #tpu.memory_space<vmem>> -> memref<1x128xi32, #tpu.memory_space<vmem>>
    %dma_wait3A_150 = tpu.memref_squeeze %dma_wait3A_149 : memref<1x128xi32, #tpu.memory_space<vmem>> -> memref<128xi32, #tpu.memory_space<vmem>>
    %dma_wait3A_151 = arith.constant 0 : i32
    %dma_wait3A_152 = arith.constant 0 : i32
    %dma_wait3A_153 = tpu.memref_slice %arg2[%dma_wait3A_151, %dma_wait3A_152] : memref<1024x128xi32, #tpu.memory_space<hbm>> -> memref<1024x128xi32, #tpu.memory_space<hbm>>
    tpu.wait_indirect_dma semaphore(%arg8 : memref<!tpu.dma_semaphore, #tpu.memory_space<semaphore_mem>>) src(%dma_wait3A_153 : memref<1024x128xi32, #tpu.memory_space<hbm>>) dst(%arg7 : memref<128x128xi32, #tpu.memory_space<vmem>>)
    %add3A_154 = arith.constant 640 : i32
    %add3A_155 = arith.addi %mul3A_2, %add3A_154 : i32
    %dma_start3A_156 = arith.constant 0 : i32
    %dma_start3A_157 = tpu.memref_slice %arg4[%add3A_155, %dma_start3A_156] : memref<32768x128xi32, #tpu.memory_space<hbm>> -> memref<128x128xi32, #tpu.memory_space<hbm>>
    %dma_start3A_158 = arith.constant 0 : i32
    %dma_start3A_159 = tpu.memref_slice %arg4[%add3A_155, %dma_start3A_158] : memref<32768x128xi32, #tpu.memory_space<hbm>> -> memref<128x128xi32, #tpu.memory_space<hbm>>
    tpu.enqueue_dma source(%arg7 : memref<128x128xi32, #tpu.memory_space<vmem>>) target(%dma_start3A_159 : memref<128x128xi32, #tpu.memory_space<hbm>>) target_semaphore(%arg9 : memref<!tpu.dma_semaphore, #tpu.memory_space<semaphore_mem>>)
    %add3A_160 = arith.constant 640 : i32
    %add3A_161 = arith.addi %mul3A_2, %add3A_160 : i32
    %dma_wait3A_162 = arith.constant 0 : i32
    %dma_wait3A_163 = tpu.memref_slice %arg4[%add3A_161, %dma_wait3A_162] : memref<32768x128xi32, #tpu.memory_space<hbm>> -> memref<128x128xi32, #tpu.memory_space<hbm>>
    %dma_wait3A_164 = arith.constant 0 : i32
    %dma_wait3A_165 = tpu.memref_slice %arg4[%add3A_161, %dma_wait3A_164] : memref<32768x128xi32, #tpu.memory_space<hbm>> -> memref<128x128xi32, #tpu.memory_space<hbm>>
    tpu.wait_dma2 semaphore(%arg9 : memref<!tpu.dma_semaphore, #tpu.memory_space<semaphore_mem>>) src(%arg7 : memref<128x128xi32, #tpu.memory_space<vmem>>) dst(%dma_wait3A_165 : memref<128x128xi32, #tpu.memory_space<hbm>>)
    %dma_start3A_166 = arith.constant 7 : i32
    %dma_start3A_167 = arith.constant 0 : i32
    %dma_start3A_168 = tpu.memref_slice %arg5[%dma_start3A_166, %dma_start3A_167] : memref<8x128xi32, #tpu.memory_space<vmem>> -> memref<1x128xi32, #tpu.memory_space<vmem>>
    %dma_start3A_169 = tpu.memref_squeeze %dma_start3A_168 : memref<1x128xi32, #tpu.memory_space<vmem>> -> memref<128xi32, #tpu.memory_space<vmem>>
    %dma_start3A_170 = arith.constant 0 : i32
    %dma_start3A_171 = arith.constant 0 : i32
    %dma_start3A_172 = tpu.memref_slice %arg2[%dma_start3A_170, %dma_start3A_171] : memref<1024x128xi32, #tpu.memory_space<hbm>> -> memref<1024x128xi32, #tpu.memory_space<hbm>>
    tpu.enqueue_indirect_dma source(%dma_start3A_172 : memref<1024x128xi32, #tpu.memory_space<hbm>>) target(%arg7 : memref<128x128xi32, #tpu.memory_space<vmem>>) offsets(%dma_start3A_169 : memref<128xi32, #tpu.memory_space<vmem>>) semaphore(%arg8 : memref<!tpu.dma_semaphore, #tpu.memory_space<semaphore_mem>>)
    %dma_wait3A_173 = arith.constant 6 : i32
    %dma_wait3A_174 = arith.constant 0 : i32
    %dma_wait3A_175 = tpu.memref_slice %arg5[%dma_wait3A_173, %dma_wait3A_174] : memref<8x128xi32, #tpu.memory_space<vmem>> -> memref<1x128xi32, #tpu.memory_space<vmem>>
    %dma_wait3A_176 = tpu.memref_squeeze %dma_wait3A_175 : memref<1x128xi32, #tpu.memory_space<vmem>> -> memref<128xi32, #tpu.memory_space<vmem>>
    %dma_wait3A_177 = arith.constant 0 : i32
    %dma_wait3A_178 = arith.constant 0 : i32
    %dma_wait3A_179 = tpu.memref_slice %arg2[%dma_wait3A_177, %dma_wait3A_178] : memref<1024x128xi32, #tpu.memory_space<hbm>> -> memref<1024x128xi32, #tpu.memory_space<hbm>>
    tpu.wait_indirect_dma semaphore(%arg8 : memref<!tpu.dma_semaphore, #tpu.memory_space<semaphore_mem>>) src(%dma_wait3A_179 : memref<1024x128xi32, #tpu.memory_space<hbm>>) dst(%arg6 : memref<128x128xi32, #tpu.memory_space<vmem>>)
    %add3A_180 = arith.constant 768 : i32
    %add3A_181 = arith.addi %mul3A_2, %add3A_180 : i32
    %dma_start3A_182 = arith.constant 0 : i32
    %dma_start3A_183 = tpu.memref_slice %arg4[%add3A_181, %dma_start3A_182] : memref<32768x128xi32, #tpu.memory_space<hbm>> -> memref<128x128xi32, #tpu.memory_space<hbm>>
    %dma_start3A_184 = arith.constant 0 : i32
    %dma_start3A_185 = tpu.memref_slice %arg4[%add3A_181, %dma_start3A_184] : memref<32768x128xi32, #tpu.memory_space<hbm>> -> memref<128x128xi32, #tpu.memory_space<hbm>>
    tpu.enqueue_dma source(%arg6 : memref<128x128xi32, #tpu.memory_space<vmem>>) target(%dma_start3A_185 : memref<128x128xi32, #tpu.memory_space<hbm>>) target_semaphore(%arg9 : memref<!tpu.dma_semaphore, #tpu.memory_space<semaphore_mem>>)
    %add3A_186 = arith.constant 768 : i32
    %add3A_187 = arith.addi %mul3A_2, %add3A_186 : i32
    %dma_wait3A_188 = arith.constant 0 : i32
    %dma_wait3A_189 = tpu.memref_slice %arg4[%add3A_187, %dma_wait3A_188] : memref<32768x128xi32, #tpu.memory_space<hbm>> -> memref<128x128xi32, #tpu.memory_space<hbm>>
    %dma_wait3A_190 = arith.constant 0 : i32
    %dma_wait3A_191 = tpu.memref_slice %arg4[%add3A_187, %dma_wait3A_190] : memref<32768x128xi32, #tpu.memory_space<hbm>> -> memref<128x128xi32, #tpu.memory_space<hbm>>
    tpu.wait_dma2 semaphore(%arg9 : memref<!tpu.dma_semaphore, #tpu.memory_space<semaphore_mem>>) src(%arg6 : memref<128x128xi32, #tpu.memory_space<vmem>>) dst(%dma_wait3A_191 : memref<128x128xi32, #tpu.memory_space<hbm>>)
    %dma_wait3A_192 = arith.constant 7 : i32
    %dma_wait3A_193 = arith.constant 0 : i32
    %dma_wait3A_194 = tpu.memref_slice %arg5[%dma_wait3A_192, %dma_wait3A_193] : memref<8x128xi32, #tpu.memory_space<vmem>> -> memref<1x128xi32, #tpu.memory_space<vmem>>
    %dma_wait3A_195 = tpu.memref_squeeze %dma_wait3A_194 : memref<1x128xi32, #tpu.memory_space<vmem>> -> memref<128xi32, #tpu.memory_space<vmem>>
    %dma_wait3A_196 = arith.constant 0 : i32
    %dma_wait3A_197 = arith.constant 0 : i32
    %dma_wait3A_198 = tpu.memref_slice %arg2[%dma_wait3A_196, %dma_wait3A_197] : memref<1024x128xi32, #tpu.memory_space<hbm>> -> memref<1024x128xi32, #tpu.memory_space<hbm>>
    tpu.wait_indirect_dma semaphore(%arg8 : memref<!tpu.dma_semaphore, #tpu.memory_space<semaphore_mem>>) src(%dma_wait3A_198 : memref<1024x128xi32, #tpu.memory_space<hbm>>) dst(%arg7 : memref<128x128xi32, #tpu.memory_space<vmem>>)
    %add3A_199 = arith.constant 896 : i32
    %add3A_200 = arith.addi %mul3A_2, %add3A_199 : i32
    %dma_start3A_201 = arith.constant 0 : i32
    %dma_start3A_202 = tpu.memref_slice %arg4[%add3A_200, %dma_start3A_201] : memref<32768x128xi32, #tpu.memory_space<hbm>> -> memref<128x128xi32, #tpu.memory_space<hbm>>
    %dma_start3A_203 = arith.constant 0 : i32
    %dma_start3A_204 = tpu.memref_slice %arg4[%add3A_200, %dma_start3A_203] : memref<32768x128xi32, #tpu.memory_space<hbm>> -> memref<128x128xi32, #tpu.memory_space<hbm>>
    tpu.enqueue_dma source(%arg7 : memref<128x128xi32, #tpu.memory_space<vmem>>) target(%dma_start3A_204 : memref<128x128xi32, #tpu.memory_space<hbm>>) target_semaphore(%arg9 : memref<!tpu.dma_semaphore, #tpu.memory_space<semaphore_mem>>)
    %add3A_205 = arith.constant 896 : i32
    %add3A_206 = arith.addi %mul3A_2, %add3A_205 : i32
    %dma_wait3A_207 = arith.constant 0 : i32
    %dma_wait3A_208 = tpu.memref_slice %arg4[%add3A_206, %dma_wait3A_207] : memref<32768x128xi32, #tpu.memory_space<hbm>> -> memref<128x128xi32, #tpu.memory_space<hbm>>
    %dma_wait3A_209 = arith.constant 0 : i32
    %dma_wait3A_210 = tpu.memref_slice %arg4[%add3A_206, %dma_wait3A_209] : memref<32768x128xi32, #tpu.memory_space<hbm>> -> memref<128x128xi32, #tpu.memory_space<hbm>>
    tpu.wait_dma2 semaphore(%arg9 : memref<!tpu.dma_semaphore, #tpu.memory_space<semaphore_mem>>) src(%arg7 : memref<128x128xi32, #tpu.memory_space<vmem>>) dst(%dma_wait3A_210 : memref<128x128xi32, #tpu.memory_space<hbm>>)
    return
  }
}

module attributes {stable_mosaic.version = 14 : i64} {
  func.func @_centq_body(%arg0: memref<2048x16xf32, #tpu.memory_space<vmem>>, %arg1: memref<1024x256xf32, #tpu.memory_space<vmem>>, %arg2: memref<256x256xf32, #tpu.memory_space<vmem>>, %arg3: memref<256xf32, #tpu.memory_space<vmem>>, %arg4: memref<1024x16xf32, #tpu.memory_space<vmem>>, %arg5: memref<1024x128xi32, #tpu.memory_space<vmem>>) attributes {dimension_semantics = [], scalar_prefetch = 0 : i64, scratch_operands = 0 : i64, tpu.core_type = #tpu.core_type<tc>} {
    %get3A = arith.constant 0 : index
    %get3A_0 = arith.constant 0 : index
    %get3A_1 = vector.load %arg0[%get3A, %get3A_0] : memref<2048x16xf32, #tpu.memory_space<vmem>>, vector<1024x16xf32>
    %get3A_2 = arith.constant 1024 : index
    %get3A_3 = arith.constant 0 : index
    %get3A_4 = vector.load %arg0[%get3A_2, %get3A_3] : memref<2048x16xf32, #tpu.memory_space<vmem>>, vector<1024x16xf32>
    %add3A = arith.addf %get3A_1, %get3A_4 : vector<1024x16xf32>
    %slice3A = vector.extract_strided_slice %add3A {offsets = [0, 0], sizes = [1024, 1], strides = [1, 1]} : vector<1024x16xf32> to vector<1024x1xf32>
    %max3A = arith.constant 1.000000e+00 : f32
    %max3A_5 = vector.broadcast %max3A : f32 to vector<1024x1xf32>
    %max3A_6 = arith.maximumf %slice3A, %max3A_5 : vector<1024x1xf32>
    %iota3A = tpu.iota {dimensions = array<i32: 1>} : vector<1024x16xi32>
    %ge3A = arith.constant 1 : i32
    %ge3A_7 = vector.broadcast %ge3A : i32 to vector<1024x16xi32>
    %ge3A_8 = arith.cmpi sge, %iota3A, %ge3A_7 : vector<1024x16xi32>
    %le3A = arith.constant 3 : i32
    %le3A_9 = vector.broadcast %le3A : i32 to vector<1024x16xi32>
    %le3A_10 = arith.cmpi sle, %iota3A, %le3A_9 : vector<1024x16xi32>
    %and3A = arith.andi %ge3A_8, %le3A_10 : vector<1024x16xi1>
    %div3A = vector.broadcast %max3A_6 : vector<1024x1xf32> to vector<1024x16xf32>
    %div3A_11 = arith.divf %add3A, %div3A : vector<1024x16xf32>
    %jit3A = arith.constant 0.000000e+00 : f32
    %broadcast_in_dim3A = vector.broadcast %jit3A : f32 to vector<1024x16xf32>
    %select_n3A = arith.select %and3A, %div3A_11, %broadcast_in_dim3A : vector<1024x16xi1>, vector<1024x16xf32>
    %swap3A = arith.constant 0 : index
    %swap3A_12 = arith.constant 0 : index
    %swap3A_13 = vector.load %arg4[%swap3A, %swap3A_12] : memref<1024x16xf32, #tpu.memory_space<vmem>>, vector<1024x16xf32>
    tpu.vector_store %arg4[%swap3A, %swap3A_12], %select_n3A {strides = array<i32>} : memref<1024x16xf32, #tpu.memory_space<vmem>>, vector<1024x16xf32>,
    %get3A_14 = arith.constant 0 : index
    %get3A_15 = arith.constant 0 : index
    %get3A_16 = vector.load %arg1[%get3A_14, %get3A_15] : memref<1024x256xf32, #tpu.memory_space<vmem>>, vector<1024x256xf32>
    %get3A_17 = arith.constant 0 : index
    %get3A_18 = arith.constant 0 : index
    %get3A_19 = vector.load %arg2[%get3A_17, %get3A_18] : memref<256x256xf32, #tpu.memory_space<vmem>>, vector<256x256xf32>
    %dot_general3A = arith.constant dense<0.000000e+00> : vector<1024x256xf32>
    %dot_general3A_20 = tpu.matmul %get3A_16, %get3A_19, %dot_general3A {dimension_numbers = #tpu.dot_dimension_numbers<[1], [0], [0], [1], [0, 0, 1, 1], [], []>, transpose_lhs_hint = false} : vector<1024x256xf32>, vector<256x256xf32>, vector<1024x256xf32> -> vector<1024x256xf32>
    %get3A_21 = arith.constant 0 : index
    %get3A_22 = vector.load %arg3[%get3A_21] : memref<256xf32, #tpu.memory_space<vmem>>, vector<256xf32>
    %broadcast_in_dim3A_23 = vector.shape_cast %get3A_22 : vector<256xf32> to vector<1x256xf32>
    %add3A_24 = vector.broadcast %broadcast_in_dim3A_23 : vector<1x256xf32> to vector<1024x256xf32>
    %add3A_25 = arith.addf %dot_general3A_20, %add3A_24 : vector<1024x256xf32>
    %slice3A_26 = vector.extract_strided_slice %add3A_25 {offsets = [0, 0], sizes = [1024, 128], strides = [1, 1]} : vector<1024x256xf32> to vector<1024x128xf32>
    %slice3A_27 = vector.extract_strided_slice %add3A_25 {offsets = [0, 128], sizes = [1024, 128], strides = [1, 1]} : vector<1024x256xf32> to vector<1024x128xf32>
    %convert_element_type3A = arith.truncf %slice3A_26 : vector<1024x128xf32> to vector<1024x128xbf16>
    %bitcast_convert_type3A = tpu.bitcast %convert_element_type3A : vector<1024x128xbf16> -> vector<1024x128xi16>
    %convert_element_type3A_28 = arith.truncf %slice3A_27 : vector<1024x128xf32> to vector<1024x128xbf16>
    %bitcast_convert_type3A_29 = tpu.bitcast %convert_element_type3A_28 : vector<1024x128xbf16> -> vector<1024x128xi16>
    %convert_element_type3A_30 = arith.extui %bitcast_convert_type3A : vector<1024x128xi16> to vector<1024x128xi32>
    %convert_element_type3A_31 = arith.extui %bitcast_convert_type3A_29 : vector<1024x128xi16> to vector<1024x128xi32>
    %shift_left3A = arith.constant 16 : i32
    %shift_left3A_32 = vector.broadcast %shift_left3A : i32 to vector<1024x128xi32>
    %shift_left3A_33 = arith.shli %convert_element_type3A_31, %shift_left3A_32 : vector<1024x128xi32>
    %or3A = arith.ori %convert_element_type3A_30, %shift_left3A_33 : vector<1024x128xi32>
    %swap3A_34 = arith.constant 0 : index
    %swap3A_35 = arith.constant 0 : index
    %swap3A_36 = vector.load %arg5[%swap3A_34, %swap3A_35] : memref<1024x128xi32, #tpu.memory_space<vmem>>, vector<1024x128xi32>
    tpu.vector_store %arg5[%swap3A_34, %swap3A_35], %or3A {strides = array<i32>} : memref<1024x128xi32, #tpu.memory_space<vmem>>, vector<1024x128xi32>,
    return
  }
}

module attributes {stable_mosaic.version = 14 : i64} {
  func.func @_atoms_body(%arg0: i32, %arg1: memref<2048x256xf32, #tpu.memory_space<vmem>>, %arg2: memref<2048x3xf32, #tpu.memory_space<vmem>>, %arg3: memref<2048x16xf32, #tpu.memory_space<vmem>>, %arg4: memref<2048x128xi32, #tpu.memory_space<vmem>>, %arg5: memref<128xf32, #tpu.memory_space<vmem>>, %arg6: memref<128xf32, #tpu.memory_space<vmem>>, %arg7: memref<128x128xf32, #tpu.memory_space<vmem>>, %arg8: memref<128xf32, #tpu.memory_space<vmem>>, %arg9: memref<256x256xf32, #tpu.memory_space<vmem>>, %arg10: memref<128x256xf32, #tpu.memory_space<vmem>>, %arg11: memref<256xf32, #tpu.memory_space<vmem>>, %arg12: memref<256x256xf32, #tpu.memory_space<vmem>>, %arg13: memref<128x256xf32, #tpu.memory_space<vmem>>, %arg14: memref<256xf32, #tpu.memory_space<vmem>>, %arg15: memref<2048x128xf32, #tpu.memory_space<vmem>>, %arg16: memref<2048x128xf32, #tpu.memory_space<vmem>>, %arg17: memref<256x128xf32, #tpu.memory_space<vmem>>) attributes {dimension_semantics = [#tpu.dimension_semantics<arbitrary>], iteration_bounds = array<i64: 8>, scalar_prefetch = 0 : i64, scratch_operands = 0 : i64, tpu.core_type = #tpu.core_type<tc>, window_params = [{transform_indices = @transform_0, window_bounds = array<i64: 2048, 256>}, {transform_indices = @transform_1, window_bounds = array<i64: 2048, 3>}, {transform_indices = @transform_2, window_bounds = array<i64: 2048, 16>}, {transform_indices = @transform_3, window_bounds = array<i64: 2048, 128>}, {pipeline_mode = #tpu.pipeline_mode<synchronous>, transform_indices = @transform_4, window_bounds = array<i64: 128>}, {pipeline_mode = #tpu.pipeline_mode<synchronous>, transform_indices = @transform_5, window_bounds = array<i64: 128>}, {pipeline_mode = #tpu.pipeline_mode<synchronous>, transform_indices = @transform_6, window_bounds = array<i64: 128, 128>}, {pipeline_mode = #tpu.pipeline_mode<synchronous>, transform_indices = @transform_7, window_bounds = array<i64: 128>}, {pipeline_mode = #tpu.pipeline_mode<synchronous>, transform_indices = @transform_8, window_bounds = array<i64: 256, 256>}, {pipeline_mode = #tpu.pipeline_mode<synchronous>, transform_indices = @transform_9, window_bounds = array<i64: 128, 256>}, {pipeline_mode = #tpu.pipeline_mode<synchronous>, transform_indices = @transform_10, window_bounds = array<i64: 256>}, {pipeline_mode = #tpu.pipeline_mode<synchronous>, transform_indices = @transform_11, window_bounds = array<i64: 256, 256>}, {pipeline_mode = #tpu.pipeline_mode<synchronous>, transform_indices = @transform_12, window_bounds = array<i64: 128, 256>}, {pipeline_mode = #tpu.pipeline_mode<synchronous>, transform_indices = @transform_13, window_bounds = array<i64: 256>}, {transform_indices = @transform_14, window_bounds = array<i64: 2048, 128>}, {transform_indices = @transform_15, window_bounds = array<i64: 2048, 128>}, {transform_indices = @transform_16, window_bounds = array<i64: 256, 128>}]} {
    %get3A = arith.constant 0 : index
    %get3A_0 = arith.constant 0 : index
    %get3A_1 = vector.load %arg2[%get3A, %get3A_0] : memref<2048x3xf32, #tpu.memory_space<vmem>>, vector<2048x3xf32>
    %get3A_2 = arith.constant 0 : index
    %get3A_3 = arith.constant 0 : index
    %get3A_4 = vector.load %arg3[%get3A_2, %get3A_3] : memref<2048x16xf32, #tpu.memory_space<vmem>>, vector<2048x16xf32>
    %slice3A = vector.extract_strided_slice %get3A_1 {offsets = [0, 0], sizes = [2048, 1], strides = [1, 1]} : vector<2048x3xf32> to vector<2048x1xf32>
    %slice3A_5 = vector.extract_strided_slice %get3A_4 {offsets = [0, 1], sizes = [2048, 1], strides = [1, 1]} : vector<2048x16xf32> to vector<2048x1xf32>
    %sub3A = arith.subf %slice3A, %slice3A_5 : vector<2048x1xf32>
    %slice3A_6 = vector.extract_strided_slice %get3A_1 {offsets = [0, 1], sizes = [2048, 1], strides = [1, 1]} : vector<2048x3xf32> to vector<2048x1xf32>
    %slice3A_7 = vector.extract_strided_slice %get3A_4 {offsets = [0, 2], sizes = [2048, 1], strides = [1, 1]} : vector<2048x16xf32> to vector<2048x1xf32>
    %sub3A_8 = arith.subf %slice3A_6, %slice3A_7 : vector<2048x1xf32>
    %slice3A_9 = vector.extract_strided_slice %get3A_1 {offsets = [0, 2], sizes = [2048, 1], strides = [1, 1]} : vector<2048x3xf32> to vector<2048x1xf32>
    %slice3A_10 = vector.extract_strided_slice %get3A_4 {offsets = [0, 3], sizes = [2048, 1], strides = [1, 1]} : vector<2048x16xf32> to vector<2048x1xf32>
    %sub3A_11 = arith.subf %slice3A_9, %slice3A_10 : vector<2048x1xf32>
    %mul3A = arith.mulf %sub3A, %sub3A : vector<2048x1xf32>
    %mul3A_12 = arith.mulf %sub3A_8, %sub3A_8 : vector<2048x1xf32>
    %add3A = arith.addf %mul3A, %mul3A_12 : vector<2048x1xf32>
    %mul3A_13 = arith.mulf %sub3A_11, %sub3A_11 : vector<2048x1xf32>
    %add3A_14 = arith.addf %add3A, %mul3A_13 : vector<2048x1xf32>
    %sqrt3A = math.sqrt %add3A_14 : vector<2048x1xf32>
    %get3A_15 = arith.constant 0 : index
    %get3A_16 = vector.load %arg5[%get3A_15] : memref<128xf32, #tpu.memory_space<vmem>>, vector<128xf32>
    %broadcast_in_dim3A = vector.shape_cast %get3A_16 : vector<128xf32> to vector<1x128xf32>
    %sub3A_17 = vector.broadcast %sqrt3A : vector<2048x1xf32> to vector<2048x128xf32>
    %sub3A_18 = vector.broadcast %broadcast_in_dim3A : vector<1x128xf32> to vector<2048x128xf32>
    %sub3A_19 = arith.subf %sub3A_17, %sub3A_18 : vector<2048x128xf32>
    %mul3A_20 = arith.mulf %sub3A_19, %sub3A_19 : vector<2048x128xf32>
    %neg3A = arith.constant 0.000000e+00 : f32
    %neg3A_21 = vector.broadcast %neg3A : f32 to vector<2048x128xf32>
    %neg3A_22 = arith.subf %neg3A_21, %mul3A_20 : vector<2048x128xf32>
    %get3A_23 = arith.constant 0 : index
    %get3A_24 = vector.load %arg6[%get3A_23] : memref<128xf32, #tpu.memory_space<vmem>>, vector<128xf32>
    %mul3A_25 = arith.constant 2.000000e+00 : f32
    %mul3A_26 = vector.broadcast %mul3A_25 : f32 to vector<128xf32>
    %mul3A_27 = arith.mulf %mul3A_26, %get3A_24 : vector<128xf32>
    %get3A_28 = arith.constant 0 : index
    %get3A_29 = vector.load %arg6[%get3A_28] : memref<128xf32, #tpu.memory_space<vmem>>, vector<128xf32>
    %mul3A_30 = arith.mulf %mul3A_27, %get3A_29 : vector<128xf32>
    %broadcast_in_dim3A_31 = vector.shape_cast %mul3A_30 : vector<128xf32> to vector<1x128xf32>
    %div3A = vector.broadcast %broadcast_in_dim3A_31 : vector<1x128xf32> to vector<2048x128xf32>
    %div3A_32 = arith.divf %neg3A_22, %div3A : vector<2048x128xf32>
    %exp3A = math.exp %div3A_32 : vector<2048x128xf32>
    %get3A_33 = arith.constant 0 : index
    %get3A_34 = arith.constant 0 : index
    %get3A_35 = vector.load %arg7[%get3A_33, %get3A_34] : memref<128x128xf32, #tpu.memory_space<vmem>>, vector<128x128xf32>
    %dot_general3A = arith.constant dense<0.000000e+00> : vector<2048x128xf32>
    %dot_general3A_36 = tpu.matmul %exp3A, %get3A_35, %dot_general3A {dimension_numbers = #tpu.dot_dimension_numbers<[1], [0], [0], [1], [0, 0, 1, 1], [], []>, transpose_lhs_hint = false} : vector<2048x128xf32>, vector<128x128xf32>, vector<2048x128xf32> -> vector<2048x128xf32>
    %get3A_37 = arith.constant 0 : index
    %get3A_38 = vector.load %arg8[%get3A_37] : memref<128xf32, #tpu.memory_space<vmem>>, vector<128xf32>
    %broadcast_in_dim3A_39 = vector.shape_cast %get3A_38 : vector<128xf32> to vector<1x128xf32>
    %add3A_40 = vector.broadcast %broadcast_in_dim3A_39 : vector<1x128xf32> to vector<2048x128xf32>
    %add3A_41 = arith.addf %dot_general3A_36, %add3A_40 : vector<2048x128xf32>
    %get3A_42 = arith.constant 0 : index
    %get3A_43 = arith.constant 0 : index
    %get3A_44 = vector.load %arg1[%get3A_42, %get3A_43] : memref<2048x256xf32, #tpu.memory_space<vmem>>, vector<2048x256xf32>
    %get3A_45 = arith.constant 0 : index
    %get3A_46 = arith.constant 0 : index
    %get3A_47 = vector.load %arg9[%get3A_45, %get3A_46] : memref<256x256xf32, #tpu.memory_space<vmem>>, vector<256x256xf32>
    %dot_general3A_48 = arith.constant dense<0.000000e+00> : vector<2048x256xf32>
    %dot_general3A_49 = tpu.matmul %get3A_44, %get3A_47, %dot_general3A_48 {dimension_numbers = #tpu.dot_dimension_numbers<[1], [0], [0], [1], [0, 0, 1, 1], [], []>, transpose_lhs_hint = false} : vector<2048x256xf32>, vector<256x256xf32>, vector<2048x256xf32> -> vector<2048x256xf32>
    %get3A_50 = arith.constant 0 : index
    %get3A_51 = arith.constant 0 : index
    %get3A_52 = vector.load %arg10[%get3A_50, %get3A_51] : memref<128x256xf32, #tpu.memory_space<vmem>>, vector<128x256xf32>
    %dot_general3A_53 = arith.constant dense<0.000000e+00> : vector<2048x256xf32>
    %dot_general3A_54 = tpu.matmul %add3A_41, %get3A_52, %dot_general3A_53 {dimension_numbers = #tpu.dot_dimension_numbers<[1], [0], [0], [1], [0, 0, 1, 1], [], []>, transpose_lhs_hint = false} : vector<2048x128xf32>, vector<128x256xf32>, vector<2048x256xf32> -> vector<2048x256xf32>
    %add3A_55 = arith.addf %dot_general3A_49, %dot_general3A_54 : vector<2048x256xf32>
    %get3A_56 = arith.constant 0 : index
    %get3A_57 = vector.load %arg11[%get3A_56] : memref<256xf32, #tpu.memory_space<vmem>>, vector<256xf32>
    %broadcast_in_dim3A_58 = vector.shape_cast %get3A_57 : vector<256xf32> to vector<1x256xf32>
    %add3A_59 = vector.broadcast %broadcast_in_dim3A_58 : vector<1x256xf32> to vector<2048x256xf32>
    %add3A_60 = arith.addf %add3A_55, %add3A_59 : vector<2048x256xf32>
    %get3A_61 = arith.constant 0 : index
    %get3A_62 = arith.constant 0 : index
    %get3A_63 = vector.load %arg12[%get3A_61, %get3A_62] : memref<256x256xf32, #tpu.memory_space<vmem>>, vector<256x256xf32>
    %dot_general3A_64 = arith.constant dense<0.000000e+00> : vector<2048x256xf32>
    %dot_general3A_65 = tpu.matmul %get3A_44, %get3A_63, %dot_general3A_64 {dimension_numbers = #tpu.dot_dimension_numbers<[1], [0], [0], [1], [0, 0, 1, 1], [], []>, transpose_lhs_hint = false} : vector<2048x256xf32>, vector<256x256xf32>, vector<2048x256xf32> -> vector<2048x256xf32>
    %get3A_66 = arith.constant 0 : index
    %get3A_67 = arith.constant 0 : index
    %get3A_68 = vector.load %arg13[%get3A_66, %get3A_67] : memref<128x256xf32, #tpu.memory_space<vmem>>, vector<128x256xf32>
    %dot_general3A_69 = arith.constant dense<0.000000e+00> : vector<2048x256xf32>
    %dot_general3A_70 = tpu.matmul %add3A_41, %get3A_68, %dot_general3A_69 {dimension_numbers = #tpu.dot_dimension_numbers<[1], [0], [0], [1], [0, 0, 1, 1], [], []>, transpose_lhs_hint = false} : vector<2048x128xf32>, vector<128x256xf32>, vector<2048x256xf32> -> vector<2048x256xf32>
    %add3A_71 = arith.addf %dot_general3A_65, %dot_general3A_70 : vector<2048x256xf32>
    %get3A_72 = arith.constant 0 : index
    %get3A_73 = vector.load %arg14[%get3A_72] : memref<256xf32, #tpu.memory_space<vmem>>, vector<256xf32>
    %broadcast_in_dim3A_74 = vector.shape_cast %get3A_73 : vector<256xf32> to vector<1x256xf32>
    %add3A_75 = vector.broadcast %broadcast_in_dim3A_74 : vector<1x256xf32> to vector<2048x256xf32>
    %add3A_76 = arith.addf %add3A_71, %add3A_75 : vector<2048x256xf32>
    %get3A_77 = arith.constant 0 : index
    %get3A_78 = arith.constant 0 : index
    %get3A_79 = vector.load %arg4[%get3A_77, %get3A_78] : memref<2048x128xi32, #tpu.memory_space<vmem>>, vector<2048x128xi32>
    %shift_left3A = arith.constant 16 : i32
    %shift_left3A_80 = vector.broadcast %shift_left3A : i32 to vector<2048x128xi32>
    %shift_left3A_81 = arith.shli %get3A_79, %shift_left3A_80 : vector<2048x128xi32>
    %bitcast_convert_type3A = tpu.bitcast %shift_left3A_81 : vector<2048x128xi32> -> vector<2048x128xf32>
    %and3A = arith.constant -65536 : i32
    %and3A_82 = vector.broadcast %and3A : i32 to vector<2048x128xi32>
    %and3A_83 = arith.andi %get3A_79, %and3A_82 : vector<2048x128xi32>
    %bitcast_convert_type3A_84 = tpu.bitcast %and3A_83 : vector<2048x128xi32> -> vector<2048x128xf32>
    %slice3A_85 = vector.extract_strided_slice %add3A_60 {offsets = [0, 0], sizes = [2048, 128], strides = [1, 1]} : vector<2048x256xf32> to vector<2048x128xf32>
    %mul3A_86 = arith.mulf %bitcast_convert_type3A, %slice3A_85 : vector<2048x128xf32>
    %reduce_sum3A = arith.constant dense<0.000000e+00> : vector<2048xf32>
    %reduce_sum3A_87 = vector.multi_reduction <add>, %mul3A_86, %reduce_sum3A [1] : vector<2048x128xf32> to vector<2048xf32>
    %slice3A_88 = vector.extract_strided_slice %add3A_60 {offsets = [0, 128], sizes = [2048, 128], strides = [1, 1]} : vector<2048x256xf32> to vector<2048x128xf32>
    %mul3A_89 = arith.mulf %bitcast_convert_type3A_84, %slice3A_88 : vector<2048x128xf32>
    %reduce_sum3A_90 = arith.constant dense<0.000000e+00> : vector<2048xf32>
    %reduce_sum3A_91 = vector.multi_reduction <add>, %mul3A_89, %reduce_sum3A_90 [1] : vector<2048x128xf32> to vector<2048xf32>
    %add3A_92 = arith.addf %reduce_sum3A_87, %reduce_sum3A_91 : vector<2048xf32>
    %mul3A_93 = arith.constant 6.250000e-02 : f32
    %mul3A_94 = vector.broadcast %mul3A_93 : f32 to vector<2048xf32>
    %mul3A_95 = arith.mulf %add3A_92, %mul3A_94 : vector<2048xf32>
    %exp3A_96 = math.exp %mul3A_95 : vector<2048xf32>
    %broadcast_in_dim3A_97 = vector.shape_cast %exp3A_96 : vector<2048xf32> to vector<2048x1xf32>
    %slice3A_98 = vector.extract_strided_slice %add3A_76 {offsets = [0, 0], sizes = [2048, 128], strides = [1, 1]} : vector<2048x256xf32> to vector<2048x128xf32>
    %mul3A_99 = vector.broadcast %broadcast_in_dim3A_97 : vector<2048x1xf32> to vector<2048x128xf32>
    %mul3A_100 = arith.mulf %mul3A_99, %slice3A_98 : vector<2048x128xf32>
    %swap3A = arith.constant 0 : index
    %swap3A_101 = arith.constant 0 : index
    %swap3A_102 = vector.load %arg15[%swap3A, %swap3A_101] : memref<2048x128xf32, #tpu.memory_space<vmem>>, vector<2048x128xf32>
    tpu.vector_store %arg15[%swap3A, %swap3A_101], %mul3A_100 {strides = array<i32>} : memref<2048x128xf32, #tpu.memory_space<vmem>>, vector<2048x128xf32>,
    %slice3A_103 = vector.extract_strided_slice %add3A_76 {offsets = [0, 128], sizes = [2048, 128], strides = [1, 1]} : vector<2048x256xf32> to vector<2048x128xf32>
    %mul3A_104 = vector.broadcast %broadcast_in_dim3A_97 : vector<2048x1xf32> to vector<2048x128xf32>
    %mul3A_105 = arith.mulf %mul3A_104, %slice3A_103 : vector<2048x128xf32>
    %swap3A_106 = arith.constant 0 : index
    %swap3A_107 = arith.constant 0 : index
    %swap3A_108 = vector.load %arg16[%swap3A_106, %swap3A_107] : memref<2048x128xf32, #tpu.memory_space<vmem>>, vector<2048x128xf32>
    tpu.vector_store %arg16[%swap3A_106, %swap3A_107], %mul3A_105 {strides = array<i32>} : memref<2048x128xf32, #tpu.memory_space<vmem>>, vector<2048x128xf32>,
    %reshape3A = vector.shape_cast %exp3A_96 : vector<2048xf32> to vector<256x8xf32>
    %iota3A = tpu.iota {dimensions = array<i32: 1>} : vector<8x128xi32>
    %jit3A = arith.constant 16 : i32
    %div3A_109 = vector.broadcast %jit3A : i32 to vector<8x128xi32>
    %div3A_110 = arith.divsi %iota3A, %div3A_109 : vector<8x128xi32>
    %sign3A = arith.constant 0 : i32
    %sign3A_111 = vector.broadcast %sign3A : i32 to vector<8x128xi32>
    %sign3A_112 = arith.cmpi sgt, %iota3A, %sign3A_111 : vector<8x128xi32>
    %sign3A_113 = arith.extui %sign3A_112 : vector<8x128xi1> to vector<8x128xi32>
    %sign3A_114 = arith.constant 0 : i32
    %sign3A_115 = vector.broadcast %sign3A_114 : i32 to vector<8x128xi32>
    %sign3A_116 = arith.cmpi slt, %iota3A, %sign3A_115 : vector<8x128xi32>
    %sign3A_117 = arith.extui %sign3A_116 : vector<8x128xi1> to vector<8x128xi32>
    %sign3A_118 = arith.subi %sign3A_113, %sign3A_117 : vector<8x128xi32>
    %sign3A_119 = arith.constant 0 : i32
    %sign3A_120 = arith.cmpi sgt, %jit3A, %sign3A_119 : i32
    %sign3A_121 = arith.extui %sign3A_120 : i1 to i32
    %sign3A_122 = arith.constant 0 : i32
    %sign3A_123 = arith.cmpi slt, %jit3A, %sign3A_122 : i32
    %sign3A_124 = arith.extui %sign3A_123 : i1 to i32
    %sign3A_125 = arith.subi %sign3A_121, %sign3A_124 : i32
    %ne3A = vector.broadcast %sign3A_125 : i32 to vector<8x128xi32>
    %ne3A_126 = arith.cmpi ne, %sign3A_118, %ne3A : vector<8x128xi32>
    %rem3A = vector.broadcast %jit3A : i32 to vector<8x128xi32>
    %rem3A_127 = arith.remsi %iota3A, %rem3A : vector<8x128xi32>
    %ne3A_128 = arith.constant 0 : i32
    %ne3A_129 = vector.broadcast %ne3A_128 : i32 to vector<8x128xi32>
    %ne3A_130 = arith.cmpi ne, %rem3A_127, %ne3A_129 : vector<8x128xi32>
    %and3A_131 = arith.andi %ne3A_126, %ne3A_130 : vector<8x128xi1>
    %sub3A_132 = arith.constant 1 : i32
    %sub3A_133 = vector.broadcast %sub3A_132 : i32 to vector<8x128xi32>
    %sub3A_134 = arith.subi %div3A_110, %sub3A_133 : vector<8x128xi32>
    %select_n3A = arith.select %and3A_131, %sub3A_134, %div3A_110 : vector<8x128xi1>, vector<8x128xi32>
    %iota3A_135 = tpu.iota {dimensions = array<i32: 0>} : vector<8x128xi32>
    %eq3A = arith.cmpi eq, %select_n3A, %iota3A_135 : vector<8x128xi32>
    %jit3A_136 = arith.constant 1.000000e+00 : f32
    %jit3A_137 = arith.constant 0.000000e+00 : f32
    %broadcast_in_dim3A_138 = vector.broadcast %jit3A_136 : f32 to vector<8x128xf32>
    %broadcast_in_dim3A_139 = vector.broadcast %jit3A_137 : f32 to vector<8x128xf32>
    %select_n3A_140 = arith.select %eq3A, %broadcast_in_dim3A_138, %broadcast_in_dim3A_139 : vector<8x128xi1>, vector<8x128xf32>
    %dot_general3A_141 = arith.constant dense<0.000000e+00> : vector<256x128xf32>
    %dot_general3A_142 = tpu.matmul %reshape3A, %select_n3A_140, %dot_general3A_141 {dimension_numbers = #tpu.dot_dimension_numbers<[1], [0], [0], [1], [0, 0, 1, 1], [], []>, transpose_lhs_hint = false} : vector<256x8xf32>, vector<8x128xf32>, vector<256x128xf32> -> vector<256x128xf32>
    %swap3A_143 = arith.constant 0 : index
    %swap3A_144 = arith.constant 0 : index
    %swap3A_145 = vector.load %arg17[%swap3A_143, %swap3A_144] : memref<256x128xf32, #tpu.memory_space<vmem>>, vector<256x128xf32>
    tpu.vector_store %arg17[%swap3A_143, %swap3A_144], %dot_general3A_142 {strides = array<i32>} : memref<256x128xf32, #tpu.memory_space<vmem>>, vector<256x128xf32>,
    return
  }
  func.func @transform_0(%arg0: i32) -> (i32, i32) {
    %add3A = arith.constant 8 : i32
    %add3A_0 = arith.addi %arg0, %add3A : i32
    %c0_i32 = arith.constant 0 : i32
    %c0_i32_1 = arith.constant 0 : i32
    return %add3A_0, %c0_i32 : i32, i32
  }
  func.func @transform_1(%arg0: i32) -> (i32, i32) {
    %add3A = arith.constant 8 : i32
    %add3A_0 = arith.addi %arg0, %add3A : i32
    %c0_i32 = arith.constant 0 : i32
    %c0_i32_1 = arith.constant 0 : i32
    return %add3A_0, %c0_i32 : i32, i32
  }
  func.func @transform_2(%arg0: i32) -> (i32, i32) {
    %c0_i32 = arith.constant 0 : i32
    %c0_i32_0 = arith.constant 0 : i32
    return %arg0, %c0_i32 : i32, i32
  }
  func.func @transform_3(%arg0: i32) -> (i32, i32) {
    %c0_i32 = arith.constant 0 : i32
    %c0_i32_0 = arith.constant 0 : i32
    return %arg0, %c0_i32 : i32, i32
  }
  func.func @transform_4(%arg0: i32) -> i32 {
    %c0_i32 = arith.constant 0 : i32
    %c0_i32_0 = arith.constant 0 : i32
    return %c0_i32 : i32
  }
  func.func @transform_5(%arg0: i32) -> i32 {
    %c0_i32 = arith.constant 0 : i32
    %c0_i32_0 = arith.constant 0 : i32
    return %c0_i32 : i32
  }
  func.func @transform_6(%arg0: i32) -> (i32, i32) {
    %c0_i32 = arith.constant 0 : i32
    %c0_i32_0 = arith.constant 0 : i32
    %c0_i32_1 = arith.constant 0 : i32
    return %c0_i32, %c0_i32_0 : i32, i32
  }
  func.func @transform_7(%arg0: i32) -> i32 {
    %c0_i32 = arith.constant 0 : i32
    %c0_i32_0 = arith.constant 0 : i32
    return %c0_i32 : i32
  }
  func.func @transform_8(%arg0: i32) -> (i32, i32) {
    %c0_i32 = arith.constant 0 : i32
    %c0_i32_0 = arith.constant 0 : i32
    %c0_i32_1 = arith.constant 0 : i32
    return %c0_i32, %c0_i32_0 : i32, i32
  }
  func.func @transform_9(%arg0: i32) -> (i32, i32) {
    %c0_i32 = arith.constant 0 : i32
    %c0_i32_0 = arith.constant 0 : i32
    %c0_i32_1 = arith.constant 0 : i32
    return %c0_i32, %c0_i32_0 : i32, i32
  }
  func.func @transform_10(%arg0: i32) -> i32 {
    %c0_i32 = arith.constant 0 : i32
    %c0_i32_0 = arith.constant 0 : i32
    return %c0_i32 : i32
  }
  func.func @transform_11(%arg0: i32) -> (i32, i32) {
    %c0_i32 = arith.constant 0 : i32
    %c0_i32_0 = arith.constant 0 : i32
    %c0_i32_1 = arith.constant 0 : i32
    return %c0_i32, %c0_i32_0 : i32, i32
  }
  func.func @transform_12(%arg0: i32) -> (i32, i32) {
    %c0_i32 = arith.constant 0 : i32
    %c0_i32_0 = arith.constant 0 : i32
    %c0_i32_1 = arith.constant 0 : i32
    return %c0_i32, %c0_i32_0 : i32, i32
  }
  func.func @transform_13(%arg0: i32) -> i32 {
    %c0_i32 = arith.constant 0 : i32
    %c0_i32_0 = arith.constant 0 : i32
    return %c0_i32 : i32
  }
  func.func @transform_14(%arg0: i32) -> (i32, i32) {
    %c0_i32 = arith.constant 0 : i32
    %c0_i32_0 = arith.constant 0 : i32
    return %arg0, %c0_i32 : i32, i32
  }
  func.func @transform_15(%arg0: i32) -> (i32, i32) {
    %c0_i32 = arith.constant 0 : i32
    %c0_i32_0 = arith.constant 0 : i32
    return %arg0, %c0_i32 : i32, i32
  }
  func.func @transform_16(%arg0: i32) -> (i32, i32) {
    %c0_i32 = arith.constant 0 : i32
    %c0_i32_0 = arith.constant 0 : i32
    return %arg0, %c0_i32 : i32, i32
  }
}

module attributes {stable_mosaic.version = 14 : i64} {
  func.func @_atoms_body(%arg0: i32, %arg1: memref<2048x256xf32, #tpu.memory_space<vmem>>, %arg2: memref<2048x3xf32, #tpu.memory_space<vmem>>, %arg3: memref<2048x16xf32, #tpu.memory_space<vmem>>, %arg4: memref<2048x128xi32, #tpu.memory_space<vmem>>, %arg5: memref<128xf32, #tpu.memory_space<vmem>>, %arg6: memref<128xf32, #tpu.memory_space<vmem>>, %arg7: memref<128x128xf32, #tpu.memory_space<vmem>>, %arg8: memref<128xf32, #tpu.memory_space<vmem>>, %arg9: memref<256x256xf32, #tpu.memory_space<vmem>>, %arg10: memref<128x256xf32, #tpu.memory_space<vmem>>, %arg11: memref<256xf32, #tpu.memory_space<vmem>>, %arg12: memref<256x256xf32, #tpu.memory_space<vmem>>, %arg13: memref<128x256xf32, #tpu.memory_space<vmem>>, %arg14: memref<256xf32, #tpu.memory_space<vmem>>, %arg15: memref<2048x128xf32, #tpu.memory_space<vmem>>, %arg16: memref<2048x128xf32, #tpu.memory_space<vmem>>, %arg17: memref<256x128xf32, #tpu.memory_space<vmem>>) attributes {dimension_semantics = [#tpu.dimension_semantics<arbitrary>], iteration_bounds = array<i64: 8>, scalar_prefetch = 0 : i64, scratch_operands = 0 : i64, tpu.core_type = #tpu.core_type<tc>, window_params = [{transform_indices = @transform_0, window_bounds = array<i64: 2048, 256>}, {transform_indices = @transform_1, window_bounds = array<i64: 2048, 3>}, {transform_indices = @transform_2, window_bounds = array<i64: 2048, 16>}, {transform_indices = @transform_3, window_bounds = array<i64: 2048, 128>}, {pipeline_mode = #tpu.pipeline_mode<synchronous>, transform_indices = @transform_4, window_bounds = array<i64: 128>}, {pipeline_mode = #tpu.pipeline_mode<synchronous>, transform_indices = @transform_5, window_bounds = array<i64: 128>}, {pipeline_mode = #tpu.pipeline_mode<synchronous>, transform_indices = @transform_6, window_bounds = array<i64: 128, 128>}, {pipeline_mode = #tpu.pipeline_mode<synchronous>, transform_indices = @transform_7, window_bounds = array<i64: 128>}, {pipeline_mode = #tpu.pipeline_mode<synchronous>, transform_indices = @transform_8, window_bounds = array<i64: 256, 256>}, {pipeline_mode = #tpu.pipeline_mode<synchronous>, transform_indices = @transform_9, window_bounds = array<i64: 128, 256>}, {pipeline_mode = #tpu.pipeline_mode<synchronous>, transform_indices = @transform_10, window_bounds = array<i64: 256>}, {pipeline_mode = #tpu.pipeline_mode<synchronous>, transform_indices = @transform_11, window_bounds = array<i64: 256, 256>}, {pipeline_mode = #tpu.pipeline_mode<synchronous>, transform_indices = @transform_12, window_bounds = array<i64: 128, 256>}, {pipeline_mode = #tpu.pipeline_mode<synchronous>, transform_indices = @transform_13, window_bounds = array<i64: 256>}, {transform_indices = @transform_14, window_bounds = array<i64: 2048, 128>}, {transform_indices = @transform_15, window_bounds = array<i64: 2048, 128>}, {transform_indices = @transform_16, window_bounds = array<i64: 256, 128>}]} {
    %get3A = arith.constant 0 : index
    %get3A_0 = arith.constant 0 : index
    %get3A_1 = vector.load %arg2[%get3A, %get3A_0] : memref<2048x3xf32, #tpu.memory_space<vmem>>, vector<2048x3xf32>
    %get3A_2 = arith.constant 0 : index
    %get3A_3 = arith.constant 0 : index
    %get3A_4 = vector.load %arg3[%get3A_2, %get3A_3] : memref<2048x16xf32, #tpu.memory_space<vmem>>, vector<2048x16xf32>
    %slice3A = vector.extract_strided_slice %get3A_1 {offsets = [0, 0], sizes = [2048, 1], strides = [1, 1]} : vector<2048x3xf32> to vector<2048x1xf32>
    %slice3A_5 = vector.extract_strided_slice %get3A_4 {offsets = [0, 1], sizes = [2048, 1], strides = [1, 1]} : vector<2048x16xf32> to vector<2048x1xf32>
    %sub3A = arith.subf %slice3A, %slice3A_5 : vector<2048x1xf32>
    %slice3A_6 = vector.extract_strided_slice %get3A_1 {offsets = [0, 1], sizes = [2048, 1], strides = [1, 1]} : vector<2048x3xf32> to vector<2048x1xf32>
    %slice3A_7 = vector.extract_strided_slice %get3A_4 {offsets = [0, 2], sizes = [2048, 1], strides = [1, 1]} : vector<2048x16xf32> to vector<2048x1xf32>
    %sub3A_8 = arith.subf %slice3A_6, %slice3A_7 : vector<2048x1xf32>
    %slice3A_9 = vector.extract_strided_slice %get3A_1 {offsets = [0, 2], sizes = [2048, 1], strides = [1, 1]} : vector<2048x3xf32> to vector<2048x1xf32>
    %slice3A_10 = vector.extract_strided_slice %get3A_4 {offsets = [0, 3], sizes = [2048, 1], strides = [1, 1]} : vector<2048x16xf32> to vector<2048x1xf32>
    %sub3A_11 = arith.subf %slice3A_9, %slice3A_10 : vector<2048x1xf32>
    %mul3A = arith.mulf %sub3A, %sub3A : vector<2048x1xf32>
    %mul3A_12 = arith.mulf %sub3A_8, %sub3A_8 : vector<2048x1xf32>
    %add3A = arith.addf %mul3A, %mul3A_12 : vector<2048x1xf32>
    %mul3A_13 = arith.mulf %sub3A_11, %sub3A_11 : vector<2048x1xf32>
    %add3A_14 = arith.addf %add3A, %mul3A_13 : vector<2048x1xf32>
    %sqrt3A = math.sqrt %add3A_14 : vector<2048x1xf32>
    %get3A_15 = arith.constant 0 : index
    %get3A_16 = vector.load %arg5[%get3A_15] : memref<128xf32, #tpu.memory_space<vmem>>, vector<128xf32>
    %broadcast_in_dim3A = vector.shape_cast %get3A_16 : vector<128xf32> to vector<1x128xf32>
    %sub3A_17 = vector.broadcast %sqrt3A : vector<2048x1xf32> to vector<2048x128xf32>
    %sub3A_18 = vector.broadcast %broadcast_in_dim3A : vector<1x128xf32> to vector<2048x128xf32>
    %sub3A_19 = arith.subf %sub3A_17, %sub3A_18 : vector<2048x128xf32>
    %mul3A_20 = arith.mulf %sub3A_19, %sub3A_19 : vector<2048x128xf32>
    %neg3A = arith.constant 0.000000e+00 : f32
    %neg3A_21 = vector.broadcast %neg3A : f32 to vector<2048x128xf32>
    %neg3A_22 = arith.subf %neg3A_21, %mul3A_20 : vector<2048x128xf32>
    %get3A_23 = arith.constant 0 : index
    %get3A_24 = vector.load %arg6[%get3A_23] : memref<128xf32, #tpu.memory_space<vmem>>, vector<128xf32>
    %mul3A_25 = arith.constant 2.000000e+00 : f32
    %mul3A_26 = vector.broadcast %mul3A_25 : f32 to vector<128xf32>
    %mul3A_27 = arith.mulf %mul3A_26, %get3A_24 : vector<128xf32>
    %get3A_28 = arith.constant 0 : index
    %get3A_29 = vector.load %arg6[%get3A_28] : memref<128xf32, #tpu.memory_space<vmem>>, vector<128xf32>
    %mul3A_30 = arith.mulf %mul3A_27, %get3A_29 : vector<128xf32>
    %broadcast_in_dim3A_31 = vector.shape_cast %mul3A_30 : vector<128xf32> to vector<1x128xf32>
    %div3A = vector.broadcast %broadcast_in_dim3A_31 : vector<1x128xf32> to vector<2048x128xf32>
    %div3A_32 = arith.divf %neg3A_22, %div3A : vector<2048x128xf32>
    %exp3A = math.exp %div3A_32 : vector<2048x128xf32>
    %get3A_33 = arith.constant 0 : index
    %get3A_34 = arith.constant 0 : index
    %get3A_35 = vector.load %arg7[%get3A_33, %get3A_34] : memref<128x128xf32, #tpu.memory_space<vmem>>, vector<128x128xf32>
    %dot_general3A = arith.constant dense<0.000000e+00> : vector<2048x128xf32>
    %dot_general3A_36 = tpu.matmul %exp3A, %get3A_35, %dot_general3A {dimension_numbers = #tpu.dot_dimension_numbers<[1], [0], [0], [1], [0, 0, 1, 1], [], []>, transpose_lhs_hint = false} : vector<2048x128xf32>, vector<128x128xf32>, vector<2048x128xf32> -> vector<2048x128xf32>
    %get3A_37 = arith.constant 0 : index
    %get3A_38 = vector.load %arg8[%get3A_37] : memref<128xf32, #tpu.memory_space<vmem>>, vector<128xf32>
    %broadcast_in_dim3A_39 = vector.shape_cast %get3A_38 : vector<128xf32> to vector<1x128xf32>
    %add3A_40 = vector.broadcast %broadcast_in_dim3A_39 : vector<1x128xf32> to vector<2048x128xf32>
    %add3A_41 = arith.addf %dot_general3A_36, %add3A_40 : vector<2048x128xf32>
    %get3A_42 = arith.constant 0 : index
    %get3A_43 = arith.constant 0 : index
    %get3A_44 = vector.load %arg1[%get3A_42, %get3A_43] : memref<2048x256xf32, #tpu.memory_space<vmem>>, vector<2048x256xf32>
    %get3A_45 = arith.constant 0 : index
    %get3A_46 = arith.constant 0 : index
    %get3A_47 = vector.load %arg9[%get3A_45, %get3A_46] : memref<256x256xf32, #tpu.memory_space<vmem>>, vector<256x256xf32>
    %dot_general3A_48 = arith.constant dense<0.000000e+00> : vector<2048x256xf32>
    %dot_general3A_49 = tpu.matmul %get3A_44, %get3A_47, %dot_general3A_48 {dimension_numbers = #tpu.dot_dimension_numbers<[1], [0], [0], [1], [0, 0, 1, 1], [], []>, transpose_lhs_hint = false} : vector<2048x256xf32>, vector<256x256xf32>, vector<2048x256xf32> -> vector<2048x256xf32>
    %get3A_50 = arith.constant 0 : index
    %get3A_51 = arith.constant 0 : index
    %get3A_52 = vector.load %arg10[%get3A_50, %get3A_51] : memref<128x256xf32, #tpu.memory_space<vmem>>, vector<128x256xf32>
    %dot_general3A_53 = arith.constant dense<0.000000e+00> : vector<2048x256xf32>
    %dot_general3A_54 = tpu.matmul %add3A_41, %get3A_52, %dot_general3A_53 {dimension_numbers = #tpu.dot_dimension_numbers<[1], [0], [0], [1], [0, 0, 1, 1], [], []>, transpose_lhs_hint = false} : vector<2048x128xf32>, vector<128x256xf32>, vector<2048x256xf32> -> vector<2048x256xf32>
    %add3A_55 = arith.addf %dot_general3A_49, %dot_general3A_54 : vector<2048x256xf32>
    %get3A_56 = arith.constant 0 : index
    %get3A_57 = vector.load %arg11[%get3A_56] : memref<256xf32, #tpu.memory_space<vmem>>, vector<256xf32>
    %broadcast_in_dim3A_58 = vector.shape_cast %get3A_57 : vector<256xf32> to vector<1x256xf32>
    %add3A_59 = vector.broadcast %broadcast_in_dim3A_58 : vector<1x256xf32> to vector<2048x256xf32>
    %add3A_60 = arith.addf %add3A_55, %add3A_59 : vector<2048x256xf32>
    %get3A_61 = arith.constant 0 : index
    %get3A_62 = arith.constant 0 : index
    %get3A_63 = vector.load %arg12[%get3A_61, %get3A_62] : memref<256x256xf32, #tpu.memory_space<vmem>>, vector<256x256xf32>
    %dot_general3A_64 = arith.constant dense<0.000000e+00> : vector<2048x256xf32>
    %dot_general3A_65 = tpu.matmul %get3A_44, %get3A_63, %dot_general3A_64 {dimension_numbers = #tpu.dot_dimension_numbers<[1], [0], [0], [1], [0, 0, 1, 1], [], []>, transpose_lhs_hint = false} : vector<2048x256xf32>, vector<256x256xf32>, vector<2048x256xf32> -> vector<2048x256xf32>
    %get3A_66 = arith.constant 0 : index
    %get3A_67 = arith.constant 0 : index
    %get3A_68 = vector.load %arg13[%get3A_66, %get3A_67] : memref<128x256xf32, #tpu.memory_space<vmem>>, vector<128x256xf32>
    %dot_general3A_69 = arith.constant dense<0.000000e+00> : vector<2048x256xf32>
    %dot_general3A_70 = tpu.matmul %add3A_41, %get3A_68, %dot_general3A_69 {dimension_numbers = #tpu.dot_dimension_numbers<[1], [0], [0], [1], [0, 0, 1, 1], [], []>, transpose_lhs_hint = false} : vector<2048x128xf32>, vector<128x256xf32>, vector<2048x256xf32> -> vector<2048x256xf32>
    %add3A_71 = arith.addf %dot_general3A_65, %dot_general3A_70 : vector<2048x256xf32>
    %get3A_72 = arith.constant 0 : index
    %get3A_73 = vector.load %arg14[%get3A_72] : memref<256xf32, #tpu.memory_space<vmem>>, vector<256xf32>
    %broadcast_in_dim3A_74 = vector.shape_cast %get3A_73 : vector<256xf32> to vector<1x256xf32>
    %add3A_75 = vector.broadcast %broadcast_in_dim3A_74 : vector<1x256xf32> to vector<2048x256xf32>
    %add3A_76 = arith.addf %add3A_71, %add3A_75 : vector<2048x256xf32>
    %get3A_77 = arith.constant 0 : index
    %get3A_78 = arith.constant 0 : index
    %get3A_79 = vector.load %arg4[%get3A_77, %get3A_78] : memref<2048x128xi32, #tpu.memory_space<vmem>>, vector<2048x128xi32>
    %shift_left3A = arith.constant 16 : i32
    %shift_left3A_80 = vector.broadcast %shift_left3A : i32 to vector<2048x128xi32>
    %shift_left3A_81 = arith.shli %get3A_79, %shift_left3A_80 : vector<2048x128xi32>
    %bitcast_convert_type3A = tpu.bitcast %shift_left3A_81 : vector<2048x128xi32> -> vector<2048x128xf32>
    %and3A = arith.constant -65536 : i32
    %and3A_82 = vector.broadcast %and3A : i32 to vector<2048x128xi32>
    %and3A_83 = arith.andi %get3A_79, %and3A_82 : vector<2048x128xi32>
    %bitcast_convert_type3A_84 = tpu.bitcast %and3A_83 : vector<2048x128xi32> -> vector<2048x128xf32>
    %slice3A_85 = vector.extract_strided_slice %add3A_60 {offsets = [0, 0], sizes = [2048, 128], strides = [1, 1]} : vector<2048x256xf32> to vector<2048x128xf32>
    %mul3A_86 = arith.mulf %bitcast_convert_type3A, %slice3A_85 : vector<2048x128xf32>
    %reduce_sum3A = arith.constant dense<0.000000e+00> : vector<2048xf32>
    %reduce_sum3A_87 = vector.multi_reduction <add>, %mul3A_86, %reduce_sum3A [1] : vector<2048x128xf32> to vector<2048xf32>
    %slice3A_88 = vector.extract_strided_slice %add3A_60 {offsets = [0, 128], sizes = [2048, 128], strides = [1, 1]} : vector<2048x256xf32> to vector<2048x128xf32>
    %mul3A_89 = arith.mulf %bitcast_convert_type3A_84, %slice3A_88 : vector<2048x128xf32>
    %reduce_sum3A_90 = arith.constant dense<0.000000e+00> : vector<2048xf32>
    %reduce_sum3A_91 = vector.multi_reduction <add>, %mul3A_89, %reduce_sum3A_90 [1] : vector<2048x128xf32> to vector<2048xf32>
    %add3A_92 = arith.addf %reduce_sum3A_87, %reduce_sum3A_91 : vector<2048xf32>
    %mul3A_93 = arith.constant 6.250000e-02 : f32
    %mul3A_94 = vector.broadcast %mul3A_93 : f32 to vector<2048xf32>
    %mul3A_95 = arith.mulf %add3A_92, %mul3A_94 : vector<2048xf32>
    %exp3A_96 = math.exp %mul3A_95 : vector<2048xf32>
    %broadcast_in_dim3A_97 = vector.shape_cast %exp3A_96 : vector<2048xf32> to vector<2048x1xf32>
    %slice3A_98 = vector.extract_strided_slice %add3A_76 {offsets = [0, 0], sizes = [2048, 128], strides = [1, 1]} : vector<2048x256xf32> to vector<2048x128xf32>
    %mul3A_99 = vector.broadcast %broadcast_in_dim3A_97 : vector<2048x1xf32> to vector<2048x128xf32>
    %mul3A_100 = arith.mulf %mul3A_99, %slice3A_98 : vector<2048x128xf32>
    %swap3A = arith.constant 0 : index
    %swap3A_101 = arith.constant 0 : index
    %swap3A_102 = vector.load %arg15[%swap3A, %swap3A_101] : memref<2048x128xf32, #tpu.memory_space<vmem>>, vector<2048x128xf32>
    tpu.vector_store %arg15[%swap3A, %swap3A_101], %mul3A_100 {strides = array<i32>} : memref<2048x128xf32, #tpu.memory_space<vmem>>, vector<2048x128xf32>,
    %slice3A_103 = vector.extract_strided_slice %add3A_76 {offsets = [0, 128], sizes = [2048, 128], strides = [1, 1]} : vector<2048x256xf32> to vector<2048x128xf32>
    %mul3A_104 = vector.broadcast %broadcast_in_dim3A_97 : vector<2048x1xf32> to vector<2048x128xf32>
    %mul3A_105 = arith.mulf %mul3A_104, %slice3A_103 : vector<2048x128xf32>
    %swap3A_106 = arith.constant 0 : index
    %swap3A_107 = arith.constant 0 : index
    %swap3A_108 = vector.load %arg16[%swap3A_106, %swap3A_107] : memref<2048x128xf32, #tpu.memory_space<vmem>>, vector<2048x128xf32>
    tpu.vector_store %arg16[%swap3A_106, %swap3A_107], %mul3A_105 {strides = array<i32>} : memref<2048x128xf32, #tpu.memory_space<vmem>>, vector<2048x128xf32>,
    %reshape3A = vector.shape_cast %exp3A_96 : vector<2048xf32> to vector<256x8xf32>
    %iota3A = tpu.iota {dimensions = array<i32: 1>} : vector<8x128xi32>
    %jit3A = arith.constant 16 : i32
    %div3A_109 = vector.broadcast %jit3A : i32 to vector<8x128xi32>
    %div3A_110 = arith.divsi %iota3A, %div3A_109 : vector<8x128xi32>
    %sign3A = arith.constant 0 : i32
    %sign3A_111 = vector.broadcast %sign3A : i32 to vector<8x128xi32>
    %sign3A_112 = arith.cmpi sgt, %iota3A, %sign3A_111 : vector<8x128xi32>
    %sign3A_113 = arith.extui %sign3A_112 : vector<8x128xi1> to vector<8x128xi32>
    %sign3A_114 = arith.constant 0 : i32
    %sign3A_115 = vector.broadcast %sign3A_114 : i32 to vector<8x128xi32>
    %sign3A_116 = arith.cmpi slt, %iota3A, %sign3A_115 : vector<8x128xi32>
    %sign3A_117 = arith.extui %sign3A_116 : vector<8x128xi1> to vector<8x128xi32>
    %sign3A_118 = arith.subi %sign3A_113, %sign3A_117 : vector<8x128xi32>
    %sign3A_119 = arith.constant 0 : i32
    %sign3A_120 = arith.cmpi sgt, %jit3A, %sign3A_119 : i32
    %sign3A_121 = arith.extui %sign3A_120 : i1 to i32
    %sign3A_122 = arith.constant 0 : i32
    %sign3A_123 = arith.cmpi slt, %jit3A, %sign3A_122 : i32
    %sign3A_124 = arith.extui %sign3A_123 : i1 to i32
    %sign3A_125 = arith.subi %sign3A_121, %sign3A_124 : i32
    %ne3A = vector.broadcast %sign3A_125 : i32 to vector<8x128xi32>
    %ne3A_126 = arith.cmpi ne, %sign3A_118, %ne3A : vector<8x128xi32>
    %rem3A = vector.broadcast %jit3A : i32 to vector<8x128xi32>
    %rem3A_127 = arith.remsi %iota3A, %rem3A : vector<8x128xi32>
    %ne3A_128 = arith.constant 0 : i32
    %ne3A_129 = vector.broadcast %ne3A_128 : i32 to vector<8x128xi32>
    %ne3A_130 = arith.cmpi ne, %rem3A_127, %ne3A_129 : vector<8x128xi32>
    %and3A_131 = arith.andi %ne3A_126, %ne3A_130 : vector<8x128xi1>
    %sub3A_132 = arith.constant 1 : i32
    %sub3A_133 = vector.broadcast %sub3A_132 : i32 to vector<8x128xi32>
    %sub3A_134 = arith.subi %div3A_110, %sub3A_133 : vector<8x128xi32>
    %select_n3A = arith.select %and3A_131, %sub3A_134, %div3A_110 : vector<8x128xi1>, vector<8x128xi32>
    %iota3A_135 = tpu.iota {dimensions = array<i32: 0>} : vector<8x128xi32>
    %eq3A = arith.cmpi eq, %select_n3A, %iota3A_135 : vector<8x128xi32>
    %jit3A_136 = arith.constant 1.000000e+00 : f32
    %jit3A_137 = arith.constant 0.000000e+00 : f32
    %broadcast_in_dim3A_138 = vector.broadcast %jit3A_136 : f32 to vector<8x128xf32>
    %broadcast_in_dim3A_139 = vector.broadcast %jit3A_137 : f32 to vector<8x128xf32>
    %select_n3A_140 = arith.select %eq3A, %broadcast_in_dim3A_138, %broadcast_in_dim3A_139 : vector<8x128xi1>, vector<8x128xf32>
    %dot_general3A_141 = arith.constant dense<0.000000e+00> : vector<256x128xf32>
    %dot_general3A_142 = tpu.matmul %reshape3A, %select_n3A_140, %dot_general3A_141 {dimension_numbers = #tpu.dot_dimension_numbers<[1], [0], [0], [1], [0, 0, 1, 1], [], []>, transpose_lhs_hint = false} : vector<256x8xf32>, vector<8x128xf32>, vector<256x128xf32> -> vector<256x128xf32>
    %swap3A_143 = arith.constant 0 : index
    %swap3A_144 = arith.constant 0 : index
    %swap3A_145 = vector.load %arg17[%swap3A_143, %swap3A_144] : memref<256x128xf32, #tpu.memory_space<vmem>>, vector<256x128xf32>
    tpu.vector_store %arg17[%swap3A_143, %swap3A_144], %dot_general3A_142 {strides = array<i32>} : memref<256x128xf32, #tpu.memory_space<vmem>>, vector<256x128xf32>,
    return
  }
  func.func @transform_0(%arg0: i32) -> (i32, i32) {
    %add3A = arith.constant 0 : i32
    %add3A_0 = arith.addi %arg0, %add3A : i32
    %c0_i32 = arith.constant 0 : i32
    %c0_i32_1 = arith.constant 0 : i32
    return %add3A_0, %c0_i32 : i32, i32
  }
  func.func @transform_1(%arg0: i32) -> (i32, i32) {
    %add3A = arith.constant 0 : i32
    %add3A_0 = arith.addi %arg0, %add3A : i32
    %c0_i32 = arith.constant 0 : i32
    %c0_i32_1 = arith.constant 0 : i32
    return %add3A_0, %c0_i32 : i32, i32
  }
  func.func @transform_2(%arg0: i32) -> (i32, i32) {
    %c0_i32 = arith.constant 0 : i32
    %c0_i32_0 = arith.constant 0 : i32
    return %arg0, %c0_i32 : i32, i32
  }
  func.func @transform_3(%arg0: i32) -> (i32, i32) {
    %c0_i32 = arith.constant 0 : i32
    %c0_i32_0 = arith.constant 0 : i32
    return %arg0, %c0_i32 : i32, i32
  }
  func.func @transform_4(%arg0: i32) -> i32 {
    %c0_i32 = arith.constant 0 : i32
    %c0_i32_0 = arith.constant 0 : i32
    return %c0_i32 : i32
  }
  func.func @transform_5(%arg0: i32) -> i32 {
    %c0_i32 = arith.constant 0 : i32
    %c0_i32_0 = arith.constant 0 : i32
    return %c0_i32 : i32
  }
  func.func @transform_6(%arg0: i32) -> (i32, i32) {
    %c0_i32 = arith.constant 0 : i32
    %c0_i32_0 = arith.constant 0 : i32
    %c0_i32_1 = arith.constant 0 : i32
    return %c0_i32, %c0_i32_0 : i32, i32
  }
  func.func @transform_7(%arg0: i32) -> i32 {
    %c0_i32 = arith.constant 0 : i32
    %c0_i32_0 = arith.constant 0 : i32
    return %c0_i32 : i32
  }
  func.func @transform_8(%arg0: i32) -> (i32, i32) {
    %c0_i32 = arith.constant 0 : i32
    %c0_i32_0 = arith.constant 0 : i32
    %c0_i32_1 = arith.constant 0 : i32
    return %c0_i32, %c0_i32_0 : i32, i32
  }
  func.func @transform_9(%arg0: i32) -> (i32, i32) {
    %c0_i32 = arith.constant 0 : i32
    %c0_i32_0 = arith.constant 0 : i32
    %c0_i32_1 = arith.constant 0 : i32
    return %c0_i32, %c0_i32_0 : i32, i32
  }
  func.func @transform_10(%arg0: i32) -> i32 {
    %c0_i32 = arith.constant 0 : i32
    %c0_i32_0 = arith.constant 0 : i32
    return %c0_i32 : i32
  }
  func.func @transform_11(%arg0: i32) -> (i32, i32) {
    %c0_i32 = arith.constant 0 : i32
    %c0_i32_0 = arith.constant 0 : i32
    %c0_i32_1 = arith.constant 0 : i32
    return %c0_i32, %c0_i32_0 : i32, i32
  }
  func.func @transform_12(%arg0: i32) -> (i32, i32) {
    %c0_i32 = arith.constant 0 : i32
    %c0_i32_0 = arith.constant 0 : i32
    %c0_i32_1 = arith.constant 0 : i32
    return %c0_i32, %c0_i32_0 : i32, i32
  }
  func.func @transform_13(%arg0: i32) -> i32 {
    %c0_i32 = arith.constant 0 : i32
    %c0_i32_0 = arith.constant 0 : i32
    return %c0_i32 : i32
  }
  func.func @transform_14(%arg0: i32) -> (i32, i32) {
    %c0_i32 = arith.constant 0 : i32
    %c0_i32_0 = arith.constant 0 : i32
    return %arg0, %c0_i32 : i32, i32
  }
  func.func @transform_15(%arg0: i32) -> (i32, i32) {
    %c0_i32 = arith.constant 0 : i32
    %c0_i32_0 = arith.constant 0 : i32
    return %arg0, %c0_i32 : i32, i32
  }
  func.func @transform_16(%arg0: i32) -> (i32, i32) {
    %c0_i32 = arith.constant 0 : i32
    %c0_i32_0 = arith.constant 0 : i32
    return %arg0, %c0_i32 : i32, i32
  }
}

module attributes {stable_mosaic.version = 14 : i64} {
  func.func @_upd_body(%arg0: memref<2048x128xf32, #tpu.memory_space<vmem>>, %arg1: memref<2048x128xf32, #tpu.memory_space<vmem>>, %arg2: memref<2048x16xf32, #tpu.memory_space<vmem>>, %arg3: memref<2048x128xf32, #tpu.memory_space<vmem>>, %arg4: memref<2048x128xf32, #tpu.memory_space<vmem>>, %arg5: memref<2048x16xf32, #tpu.memory_space<vmem>>, %arg6: memref<256x256xf32, #tpu.memory_space<vmem>>, %arg7: memref<256xf32, #tpu.memory_space<vmem>>, %arg8: memref<256x256xf32, #tpu.memory_space<vmem>>, %arg9: memref<256xf32, #tpu.memory_space<vmem>>, %arg10: memref<1024x128xi32, #tpu.memory_space<vmem>>) attributes {dimension_semantics = [], scalar_prefetch = 0 : i64, scratch_operands = 0 : i64, tpu.core_type = #tpu.core_type<tc>} {
    %get3A = arith.constant 0 : index
    %get3A_0 = arith.constant 0 : index
    %get3A_1 = vector.load %arg2[%get3A, %get3A_0] : memref<2048x16xf32, #tpu.memory_space<vmem>>, vector<1024x1xf32>
    %get3A_2 = arith.constant 1024 : index
    %get3A_3 = arith.constant 0 : index
    %get3A_4 = vector.load %arg2[%get3A_2, %get3A_3] : memref<2048x16xf32, #tpu.memory_space<vmem>>, vector<1024x1xf32>
    %add3A = arith.addf %get3A_1, %get3A_4 : vector<1024x1xf32>
    %get3A_5 = arith.constant 0 : index
    %get3A_6 = arith.constant 0 : index
    %get3A_7 = vector.load %arg5[%get3A_5, %get3A_6] : memref<2048x16xf32, #tpu.memory_space<vmem>>, vector<1024x1xf32>
    %add3A_8 = arith.addf %add3A, %get3A_7 : vector<1024x1xf32>
    %get3A_9 = arith.constant 1024 : index
    %get3A_10 = arith.constant 0 : index
    %get3A_11 = vector.load %arg5[%get3A_9, %get3A_10] : memref<2048x16xf32, #tpu.memory_space<vmem>>, vector<1024x1xf32>
    %add3A_12 = arith.addf %add3A_8, %get3A_11 : vector<1024x1xf32>
    %max3A = arith.constant 1.000000e-30 : f32
    %max3A_13 = vector.broadcast %max3A : f32 to vector<1024x1xf32>
    %max3A_14 = arith.maximumf %add3A_12, %max3A_13 : vector<1024x1xf32>
    %get3A_15 = arith.constant 0 : index
    %get3A_16 = arith.constant 0 : index
    %get3A_17 = vector.load %arg0[%get3A_15, %get3A_16] : memref<2048x128xf32, #tpu.memory_space<vmem>>, vector<1024x128xf32>
    %get3A_18 = arith.constant 1024 : index
    %get3A_19 = arith.constant 0 : index
    %get3A_20 = vector.load %arg0[%get3A_18, %get3A_19] : memref<2048x128xf32, #tpu.memory_space<vmem>>, vector<1024x128xf32>
    %add3A_21 = arith.addf %get3A_17, %get3A_20 : vector<1024x128xf32>
    %get3A_22 = arith.constant 0 : index
    %get3A_23 = arith.constant 0 : index
    %get3A_24 = vector.load %arg3[%get3A_22, %get3A_23] : memref<2048x128xf32, #tpu.memory_space<vmem>>, vector<1024x128xf32>
    %add3A_25 = arith.addf %add3A_21, %get3A_24 : vector<1024x128xf32>
    %get3A_26 = arith.constant 1024 : index
    %get3A_27 = arith.constant 0 : index
    %get3A_28 = vector.load %arg3[%get3A_26, %get3A_27] : memref<2048x128xf32, #tpu.memory_space<vmem>>, vector<1024x128xf32>
    %add3A_29 = arith.addf %add3A_25, %get3A_28 : vector<1024x128xf32>
    %get3A_30 = arith.constant 0 : index
    %get3A_31 = arith.constant 0 : index
    %get3A_32 = vector.load %arg1[%get3A_30, %get3A_31] : memref<2048x128xf32, #tpu.memory_space<vmem>>, vector<1024x128xf32>
    %get3A_33 = arith.constant 1024 : index
    %get3A_34 = arith.constant 0 : index
    %get3A_35 = vector.load %arg1[%get3A_33, %get3A_34] : memref<2048x128xf32, #tpu.memory_space<vmem>>, vector<1024x128xf32>
    %add3A_36 = arith.addf %get3A_32, %get3A_35 : vector<1024x128xf32>
    %get3A_37 = arith.constant 0 : index
    %get3A_38 = arith.constant 0 : index
    %get3A_39 = vector.load %arg4[%get3A_37, %get3A_38] : memref<2048x128xf32, #tpu.memory_space<vmem>>, vector<1024x128xf32>
    %add3A_40 = arith.addf %add3A_36, %get3A_39 : vector<1024x128xf32>
    %get3A_41 = arith.constant 1024 : index
    %get3A_42 = arith.constant 0 : index
    %get3A_43 = vector.load %arg4[%get3A_41, %get3A_42] : memref<2048x128xf32, #tpu.memory_space<vmem>>, vector<1024x128xf32>
    %add3A_44 = arith.addf %add3A_40, %get3A_43 : vector<1024x128xf32>
    %concatenate3A = tpu.concatenate %add3A_29, %add3A_44 in 1 : vector<1024x128xf32>, vector<1024x128xf32> -> vector<1024x256xf32>
    %div3A = vector.broadcast %max3A_14 : vector<1024x1xf32> to vector<1024x256xf32>
    %div3A_45 = arith.divf %concatenate3A, %div3A : vector<1024x256xf32>
    %get3A_46 = arith.constant 0 : index
    %get3A_47 = arith.constant 0 : index
    %get3A_48 = vector.load %arg6[%get3A_46, %get3A_47] : memref<256x256xf32, #tpu.memory_space<vmem>>, vector<256x256xf32>
    %dot_general3A = arith.constant dense<0.000000e+00> : vector<1024x256xf32>
    %dot_general3A_49 = tpu.matmul %div3A_45, %get3A_48, %dot_general3A {dimension_numbers = #tpu.dot_dimension_numbers<[1], [0], [0], [1], [0, 0, 1, 1], [], []>, transpose_lhs_hint = false} : vector<1024x256xf32>, vector<256x256xf32>, vector<1024x256xf32> -> vector<1024x256xf32>
    %get3A_50 = arith.constant 0 : index
    %get3A_51 = vector.load %arg7[%get3A_50] : memref<256xf32, #tpu.memory_space<vmem>>, vector<256xf32>
    %broadcast_in_dim3A = vector.shape_cast %get3A_51 : vector<256xf32> to vector<1x256xf32>
    %add3A_52 = vector.broadcast %broadcast_in_dim3A : vector<1x256xf32> to vector<1024x256xf32>
    %add3A_53 = arith.addf %dot_general3A_49, %add3A_52 : vector<1024x256xf32>
    %max3A_54 = arith.constant 0.000000e+00 : f32
    %max3A_55 = vector.broadcast %max3A_54 : f32 to vector<1024x256xf32>
    %max3A_56 = arith.maximumf %add3A_53, %max3A_55 : vector<1024x256xf32>
    %get3A_57 = arith.constant 0 : index
    %get3A_58 = arith.constant 0 : index
    %get3A_59 = vector.load %arg8[%get3A_57, %get3A_58] : memref<256x256xf32, #tpu.memory_space<vmem>>, vector<256x256xf32>
    %dot_general3A_60 = arith.constant dense<0.000000e+00> : vector<1024x256xf32>
    %dot_general3A_61 = tpu.matmul %max3A_56, %get3A_59, %dot_general3A_60 {dimension_numbers = #tpu.dot_dimension_numbers<[1], [0], [0], [1], [0, 0, 1, 1], [], []>, transpose_lhs_hint = false} : vector<1024x256xf32>, vector<256x256xf32>, vector<1024x256xf32> -> vector<1024x256xf32>
    %get3A_62 = arith.constant 0 : index
    %get3A_63 = vector.load %arg9[%get3A_62] : memref<256xf32, #tpu.memory_space<vmem>>, vector<256xf32>
    %broadcast_in_dim3A_64 = vector.shape_cast %get3A_63 : vector<256xf32> to vector<1x256xf32>
    %add3A_65 = vector.broadcast %broadcast_in_dim3A_64 : vector<1x256xf32> to vector<1024x256xf32>
    %add3A_66 = arith.addf %dot_general3A_61, %add3A_65 : vector<1024x256xf32>
    %slice3A = vector.extract_strided_slice %add3A_66 {offsets = [0, 0], sizes = [1024, 128], strides = [1, 1]} : vector<1024x256xf32> to vector<1024x128xf32>
    %slice3A_67 = vector.extract_strided_slice %add3A_66 {offsets = [0, 128], sizes = [1024, 128], strides = [1, 1]} : vector<1024x256xf32> to vector<1024x128xf32>
    %convert_element_type3A = arith.truncf %slice3A : vector<1024x128xf32> to vector<1024x128xbf16>
    %bitcast_convert_type3A = tpu.bitcast %convert_element_type3A : vector<1024x128xbf16> -> vector<1024x128xi16>
    %convert_element_type3A_68 = arith.truncf %slice3A_67 : vector<1024x128xf32> to vector<1024x128xbf16>
    %bitcast_convert_type3A_69 = tpu.bitcast %convert_element_type3A_68 : vector<1024x128xbf16> -> vector<1024x128xi16>
    %convert_element_type3A_70 = arith.extui %bitcast_convert_type3A : vector<1024x128xi16> to vector<1024x128xi32>
    %convert_element_type3A_71 = arith.extui %bitcast_convert_type3A_69 : vector<1024x128xi16> to vector<1024x128xi32>
    %shift_left3A = arith.constant 16 : i32
    %shift_left3A_72 = vector.broadcast %shift_left3A : i32 to vector<1024x128xi32>
    %shift_left3A_73 = arith.shli %convert_element_type3A_71, %shift_left3A_72 : vector<1024x128xi32>
    %or3A = arith.ori %convert_element_type3A_70, %shift_left3A_73 : vector<1024x128xi32>
    %swap3A = arith.constant 0 : index
    %swap3A_74 = arith.constant 0 : index
    %swap3A_75 = vector.load %arg10[%swap3A, %swap3A_74] : memref<1024x128xi32, #tpu.memory_space<vmem>>, vector<1024x128xi32>
    tpu.vector_store %arg10[%swap3A, %swap3A_74], %or3A {strides = array<i32>} : memref<1024x128xi32, #tpu.memory_space<vmem>>, vector<1024x128xi32>,
    return
  }
}

module attributes {stable_mosaic.version = 14 : i64} {
  func.func @_final_body(%arg0: i32, %arg1: memref<2048x256xf32, #tpu.memory_space<vmem>>, %arg2: memref<2048x128xi32, #tpu.memory_space<vmem>>, %arg3: memref<256x512xf32, #tpu.memory_space<vmem>>, %arg4: memref<512xf32, #tpu.memory_space<vmem>>, %arg5: memref<512x256xf32, #tpu.memory_space<vmem>>, %arg6: memref<256xf32, #tpu.memory_space<vmem>>, %arg7: memref<256xf32, #tpu.memory_space<vmem>>, %arg8: memref<256xf32, #tpu.memory_space<vmem>>, %arg9: memref<256xf32, #tpu.memory_space<vmem>>, %arg10: memref<256xf32, #tpu.memory_space<vmem>>, %arg11: memref<2048x256xf32, #tpu.memory_space<vmem>>) attributes {dimension_semantics = [#tpu.dimension_semantics<arbitrary>], iteration_bounds = array<i64: 16>, scalar_prefetch = 0 : i64, scratch_operands = 0 : i64, tpu.core_type = #tpu.core_type<tc>, window_params = [{transform_indices = @transform_0, window_bounds = array<i64: 2048, 256>}, {transform_indices = @transform_1, window_bounds = array<i64: 2048, 128>}, {pipeline_mode = #tpu.pipeline_mode<synchronous>, transform_indices = @transform_2, window_bounds = array<i64: 256, 512>}, {pipeline_mode = #tpu.pipeline_mode<synchronous>, transform_indices = @transform_3, window_bounds = array<i64: 512>}, {pipeline_mode = #tpu.pipeline_mode<synchronous>, transform_indices = @transform_4, window_bounds = array<i64: 512, 256>}, {pipeline_mode = #tpu.pipeline_mode<synchronous>, transform_indices = @transform_5, window_bounds = array<i64: 256>}, {pipeline_mode = #tpu.pipeline_mode<synchronous>, transform_indices = @transform_6, window_bounds = array<i64: 256>}, {pipeline_mode = #tpu.pipeline_mode<synchronous>, transform_indices = @transform_7, window_bounds = array<i64: 256>}, {pipeline_mode = #tpu.pipeline_mode<synchronous>, transform_indices = @transform_8, window_bounds = array<i64: 256>}, {pipeline_mode = #tpu.pipeline_mode<synchronous>, transform_indices = @transform_9, window_bounds = array<i64: 256>}, {transform_indices = @transform_10, window_bounds = array<i64: 2048, 256>}]} {
    %get3A = arith.constant 0 : index
    %get3A_0 = arith.constant 0 : index
    %get3A_1 = vector.load %arg2[%get3A, %get3A_0] : memref<2048x128xi32, #tpu.memory_space<vmem>>, vector<2048x128xi32>
    %shift_left3A = arith.constant 16 : i32
    %shift_left3A_2 = vector.broadcast %shift_left3A : i32 to vector<2048x128xi32>
    %shift_left3A_3 = arith.shli %get3A_1, %shift_left3A_2 : vector<2048x128xi32>
    %bitcast_convert_type3A = tpu.bitcast %shift_left3A_3 : vector<2048x128xi32> -> vector<2048x128xf32>
    %and3A = arith.constant -65536 : i32
    %and3A_4 = vector.broadcast %and3A : i32 to vector<2048x128xi32>
    %and3A_5 = arith.andi %get3A_1, %and3A_4 : vector<2048x128xi32>
    %bitcast_convert_type3A_6 = tpu.bitcast %and3A_5 : vector<2048x128xi32> -> vector<2048x128xf32>
    %concatenate3A = tpu.concatenate %bitcast_convert_type3A, %bitcast_convert_type3A_6 in 1 : vector<2048x128xf32>, vector<2048x128xf32> -> vector<2048x256xf32>
    %get3A_7 = arith.constant 0 : index
    %get3A_8 = arith.constant 0 : index
    %get3A_9 = vector.load %arg1[%get3A_7, %get3A_8] : memref<2048x256xf32, #tpu.memory_space<vmem>>, vector<2048x256xf32>
    %add3A = arith.addf %get3A_9, %concatenate3A : vector<2048x256xf32>
    %get3A_10 = arith.constant 0 : index
    %get3A_11 = vector.load %arg7[%get3A_10] : memref<256xf32, #tpu.memory_space<vmem>>, vector<256xf32>
    %get3A_12 = arith.constant 0 : index
    %get3A_13 = vector.load %arg8[%get3A_12] : memref<256xf32, #tpu.memory_space<vmem>>, vector<256xf32>
    %reduce_sum3A = arith.constant dense<0.000000e+00> : vector<2048xf32>
    %reduce_sum3A_14 = vector.multi_reduction <add>, %add3A, %reduce_sum3A [1] : vector<2048x256xf32> to vector<2048xf32>
    %broadcast_in_dim3A = vector.shape_cast %reduce_sum3A_14 : vector<2048xf32> to vector<2048x1xf32>
    %div3A = arith.constant 2.560000e+02 : f32
    %div3A_15 = vector.broadcast %div3A : f32 to vector<2048x1xf32>
    %div3A_16 = arith.divf %broadcast_in_dim3A, %div3A_15 : vector<2048x1xf32>
    %sub3A = vector.broadcast %div3A_16 : vector<2048x1xf32> to vector<2048x256xf32>
    %sub3A_17 = arith.subf %add3A, %sub3A : vector<2048x256xf32>
    %integer_pow3A = arith.mulf %sub3A_17, %sub3A_17 : vector<2048x256xf32>
    %reduce_sum3A_18 = arith.constant dense<0.000000e+00> : vector<2048xf32>
    %reduce_sum3A_19 = vector.multi_reduction <add>, %integer_pow3A, %reduce_sum3A_18 [1] : vector<2048x256xf32> to vector<2048xf32>
    %broadcast_in_dim3A_20 = vector.shape_cast %reduce_sum3A_19 : vector<2048xf32> to vector<2048x1xf32>
    %div3A_21 = arith.constant 2.560000e+02 : f32
    %div3A_22 = vector.broadcast %div3A_21 : f32 to vector<2048x1xf32>
    %div3A_23 = arith.divf %broadcast_in_dim3A_20, %div3A_22 : vector<2048x1xf32>
    %sub3A_24 = vector.broadcast %div3A_16 : vector<2048x1xf32> to vector<2048x256xf32>
    %sub3A_25 = arith.subf %add3A, %sub3A_24 : vector<2048x256xf32>
    %add3A_26 = arith.constant 9.99999974E-6 : f32
    %add3A_27 = vector.broadcast %add3A_26 : f32 to vector<2048x1xf32>
    %add3A_28 = arith.addf %div3A_23, %add3A_27 : vector<2048x1xf32>
    %rsqrt3A = math.rsqrt %add3A_28 : vector<2048x1xf32>
    %mul3A = vector.broadcast %rsqrt3A : vector<2048x1xf32> to vector<2048x256xf32>
    %mul3A_29 = arith.mulf %sub3A_25, %mul3A : vector<2048x256xf32>
    %broadcast_in_dim3A_30 = vector.shape_cast %get3A_11 : vector<256xf32> to vector<1x256xf32>
    %mul3A_31 = vector.broadcast %broadcast_in_dim3A_30 : vector<1x256xf32> to vector<2048x256xf32>
    %mul3A_32 = arith.mulf %mul3A_29, %mul3A_31 : vector<2048x256xf32>
    %broadcast_in_dim3A_33 = vector.shape_cast %get3A_13 : vector<256xf32> to vector<1x256xf32>
    %add3A_34 = vector.broadcast %broadcast_in_dim3A_33 : vector<1x256xf32> to vector<2048x256xf32>
    %add3A_35 = arith.addf %mul3A_32, %add3A_34 : vector<2048x256xf32>
    %get3A_36 = arith.constant 0 : index
    %get3A_37 = arith.constant 0 : index
    %get3A_38 = vector.load %arg3[%get3A_36, %get3A_37] : memref<256x512xf32, #tpu.memory_space<vmem>>, vector<256x512xf32>
    %dot_general3A = arith.constant dense<0.000000e+00> : vector<2048x512xf32>
    %dot_general3A_39 = tpu.matmul %add3A_35, %get3A_38, %dot_general3A {dimension_numbers = #tpu.dot_dimension_numbers<[1], [0], [0], [1], [0, 0, 1, 1], [], []>, transpose_lhs_hint = false} : vector<2048x256xf32>, vector<256x512xf32>, vector<2048x512xf32> -> vector<2048x512xf32>
    %get3A_40 = arith.constant 0 : index
    %get3A_41 = vector.load %arg4[%get3A_40] : memref<512xf32, #tpu.memory_space<vmem>>, vector<512xf32>
    %broadcast_in_dim3A_42 = vector.shape_cast %get3A_41 : vector<512xf32> to vector<1x512xf32>
    %add3A_43 = vector.broadcast %broadcast_in_dim3A_42 : vector<1x512xf32> to vector<2048x512xf32>
    %add3A_44 = arith.addf %dot_general3A_39, %add3A_43 : vector<2048x512xf32>
    %max3A = arith.constant 0.000000e+00 : f32
    %max3A_45 = vector.broadcast %max3A : f32 to vector<2048x512xf32>
    %max3A_46 = arith.maximumf %add3A_44, %max3A_45 : vector<2048x512xf32>
    %get3A_47 = arith.constant 0 : index
    %get3A_48 = arith.constant 0 : index
    %get3A_49 = vector.load %arg5[%get3A_47, %get3A_48] : memref<512x256xf32, #tpu.memory_space<vmem>>, vector<512x256xf32>
    %dot_general3A_50 = arith.constant dense<0.000000e+00> : vector<2048x256xf32>
    %dot_general3A_51 = tpu.matmul %max3A_46, %get3A_49, %dot_general3A_50 {dimension_numbers = #tpu.dot_dimension_numbers<[1], [0], [0], [1], [0, 0, 1, 1], [], []>, transpose_lhs_hint = false} : vector<2048x512xf32>, vector<512x256xf32>, vector<2048x256xf32> -> vector<2048x256xf32>
    %get3A_52 = arith.constant 0 : index
    %get3A_53 = vector.load %arg6[%get3A_52] : memref<256xf32, #tpu.memory_space<vmem>>, vector<256xf32>
    %broadcast_in_dim3A_54 = vector.shape_cast %get3A_53 : vector<256xf32> to vector<1x256xf32>
    %add3A_55 = vector.broadcast %broadcast_in_dim3A_54 : vector<1x256xf32> to vector<2048x256xf32>
    %add3A_56 = arith.addf %dot_general3A_51, %add3A_55 : vector<2048x256xf32>
    %add3A_57 = arith.addf %add3A_35, %add3A_56 : vector<2048x256xf32>
    %get3A_58 = arith.constant 0 : index
    %get3A_59 = vector.load %arg9[%get3A_58] : memref<256xf32, #tpu.memory_space<vmem>>, vector<256xf32>
    %get3A_60 = arith.constant 0 : index
    %get3A_61 = vector.load %arg10[%get3A_60] : memref<256xf32, #tpu.memory_space<vmem>>, vector<256xf32>
    %reduce_sum3A_62 = arith.constant dense<0.000000e+00> : vector<2048xf32>
    %reduce_sum3A_63 = vector.multi_reduction <add>, %add3A_57, %reduce_sum3A_62 [1] : vector<2048x256xf32> to vector<2048xf32>
    %broadcast_in_dim3A_64 = vector.shape_cast %reduce_sum3A_63 : vector<2048xf32> to vector<2048x1xf32>
    %div3A_65 = arith.constant 2.560000e+02 : f32
    %div3A_66 = vector.broadcast %div3A_65 : f32 to vector<2048x1xf32>
    %div3A_67 = arith.divf %broadcast_in_dim3A_64, %div3A_66 : vector<2048x1xf32>
    %sub3A_68 = vector.broadcast %div3A_67 : vector<2048x1xf32> to vector<2048x256xf32>
    %sub3A_69 = arith.subf %add3A_57, %sub3A_68 : vector<2048x256xf32>
    %integer_pow3A_70 = arith.mulf %sub3A_69, %sub3A_69 : vector<2048x256xf32>
    %reduce_sum3A_71 = arith.constant dense<0.000000e+00> : vector<2048xf32>
    %reduce_sum3A_72 = vector.multi_reduction <add>, %integer_pow3A_70, %reduce_sum3A_71 [1] : vector<2048x256xf32> to vector<2048xf32>
    %broadcast_in_dim3A_73 = vector.shape_cast %reduce_sum3A_72 : vector<2048xf32> to vector<2048x1xf32>
    %div3A_74 = arith.constant 2.560000e+02 : f32
    %div3A_75 = vector.broadcast %div3A_74 : f32 to vector<2048x1xf32>
    %div3A_76 = arith.divf %broadcast_in_dim3A_73, %div3A_75 : vector<2048x1xf32>
    %sub3A_77 = vector.broadcast %div3A_67 : vector<2048x1xf32> to vector<2048x256xf32>
    %sub3A_78 = arith.subf %add3A_57, %sub3A_77 : vector<2048x256xf32>
    %add3A_79 = arith.constant 9.99999974E-6 : f32
    %add3A_80 = vector.broadcast %add3A_79 : f32 to vector<2048x1xf32>
    %add3A_81 = arith.addf %div3A_76, %add3A_80 : vector<2048x1xf32>
    %rsqrt3A_82 = math.rsqrt %add3A_81 : vector<2048x1xf32>
    %mul3A_83 = vector.broadcast %rsqrt3A_82 : vector<2048x1xf32> to vector<2048x256xf32>
    %mul3A_84 = arith.mulf %sub3A_78, %mul3A_83 : vector<2048x256xf32>
    %broadcast_in_dim3A_85 = vector.shape_cast %get3A_59 : vector<256xf32> to vector<1x256xf32>
    %mul3A_86 = vector.broadcast %broadcast_in_dim3A_85 : vector<1x256xf32> to vector<2048x256xf32>
    %mul3A_87 = arith.mulf %mul3A_84, %mul3A_86 : vector<2048x256xf32>
    %broadcast_in_dim3A_88 = vector.shape_cast %get3A_61 : vector<256xf32> to vector<1x256xf32>
    %add3A_89 = vector.broadcast %broadcast_in_dim3A_88 : vector<1x256xf32> to vector<2048x256xf32>
    %add3A_90 = arith.addf %mul3A_87, %add3A_89 : vector<2048x256xf32>
    %swap3A = arith.constant 0 : index
    %swap3A_91 = arith.constant 0 : index
    %swap3A_92 = vector.load %arg11[%swap3A, %swap3A_91] : memref<2048x256xf32, #tpu.memory_space<vmem>>, vector<2048x256xf32>
    tpu.vector_store %arg11[%swap3A, %swap3A_91], %add3A_90 {strides = array<i32>} : memref<2048x256xf32, #tpu.memory_space<vmem>>, vector<2048x256xf32>,
    return
  }
  func.func @transform_0(%arg0: i32) -> (i32, i32) {
    %c0_i32 = arith.constant 0 : i32
    %c0_i32_0 = arith.constant 0 : i32
    return %arg0, %c0_i32 : i32, i32
  }
  func.func @transform_1(%arg0: i32) -> (i32, i32) {
    %c0_i32 = arith.constant 0 : i32
    %c0_i32_0 = arith.constant 0 : i32
    return %arg0, %c0_i32 : i32, i32
  }
  func.func @transform_2(%arg0: i32) -> (i32, i32) {
    %c0_i32 = arith.constant 0 : i32
    %c0_i32_0 = arith.constant 0 : i32
    %c0_i32_1 = arith.constant 0 : i32
    return %c0_i32, %c0_i32_0 : i32, i32
  }
  func.func @transform_3(%arg0: i32) -> i32 {
    %c0_i32 = arith.constant 0 : i32
    %c0_i32_0 = arith.constant 0 : i32
    return %c0_i32 : i32
  }
  func.func @transform_4(%arg0: i32) -> (i32, i32) {
    %c0_i32 = arith.constant 0 : i32
    %c0_i32_0 = arith.constant 0 : i32
    %c0_i32_1 = arith.constant 0 : i32
    return %c0_i32, %c0_i32_0 : i32, i32
  }
  func.func @transform_5(%arg0: i32) -> i32 {
    %c0_i32 = arith.constant 0 : i32
    %c0_i32_0 = arith.constant 0 : i32
    return %c0_i32 : i32
  }
  func.func @transform_6(%arg0: i32) -> i32 {
    %c0_i32 = arith.constant 0 : i32
    %c0_i32_0 = arith.constant 0 : i32
    return %c0_i32 : i32
  }
  func.func @transform_7(%arg0: i32) -> i32 {
    %c0_i32 = arith.constant 0 : i32
    %c0_i32_0 = arith.constant 0 : i32
    return %c0_i32 : i32
  }
  func.func @transform_8(%arg0: i32) -> i32 {
    %c0_i32 = arith.constant 0 : i32
    %c0_i32_0 = arith.constant 0 : i32
    return %c0_i32 : i32
  }
  func.func @transform_9(%arg0: i32) -> i32 {
    %c0_i32 = arith.constant 0 : i32
    %c0_i32_0 = arith.constant 0 : i32
    return %c0_i32 : i32
  }
  func.func @transform_10(%arg0: i32) -> (i32, i32) {
    %c0_i32 = arith.constant 0 : i32
    %c0_i32_0 = arith.constant 0 : i32
    return %arg0, %c0_i32 : i32, i32
  }
}

</mosaic_0001>

<sc_bundles>
// kernel: kernel.13.cloned.1.call-start
scs
__scs_entry_jumppad:
0x0: {  	(pc) =	sbr.rel $0x88, $3  }
0x1: {  	(tag) =	ssettag $0x0;
	lr =	simm.s32 $0x1  }
0x2: {  	[smem:$0x3F87] =	sst lr;
	_ =	strace $0xD0000000  }
0x3: {  	_ = 	snop  }
0x4: {  	_ = 	snop  }
0x5: {  	_ = 	snop  }
0x6: {  	_ = 	snop  }
0x7: {  	_ = 	snop  }
__scs_overlays_trampoline_lowered:
0x8: {  	[smem:$0x3F96] =	sst s0  }
0x9: {  	[smem:$0x3F97] =	sst s1  }
0xa: {  	[smem:$0x3F98] =	sst s2  }
0xb: {  	[smem:$0x3F99] =	sst s3  }
0xc: {  	[smem:$0x3F9A] =	sst s4  }
0xd: {  	[smem:$0x3F9B] =	sst s5  }
0xe: {  	[smem:$0x3F9C] =	sst s6  }
0xf: {  	[smem:$0x3F9D] =	sst s7  }
0x10: {  	[smem:$0x3F9E] =	sst s8  }
0x11: {  	[smem:$0x3F9F] =	sst s9;
	s0 =	simm.s32 @!p0 $0x0  }
0x12: {  	s1 =	sld [smem:$0x3F85];
	s0 =	simm.s32 @p0 $0x1  }
0x13: {  	[smem:$0x3FA0] =	sst s0;
	s0 =	simm.s32 @!p1 $0x0  }
0x14: {  	s2 =	sld [smem:$0x3F84];
	s0 =	simm.s32 @p1 $0x1  }
0x15: {  	[smem:$0x3FA1] =	sst s0;
	s0 =	simm.s32 @!p2 $0x0  }
0x16: {  	s3 =	sld [smem:$0x3FDB];
	s0 =	simm.s32 @p2 $0x1  }
0x17: {  	s4 =	simm.s32 $0x1BF5;
	[smem:$0x3FA3] =	sst s0  }
0x18: {  	s0 =	sld [smem:$0x3F86];
	_ =	swait.ge [sflag:s4], $0x0  }
0x19: {  	s7 =	sld [smem:$0x3F87]  }
0x1a: {  	s8 =	sadd.s32 $0xFFFFE003, lr  }
0x1b: {  	s9 =	sadd.s32 $0xFFFFFEF7, lr;
	s5 =	simm.s32 $0xFFFFFFFF;
	p2 =	slt.u32 s8, $0xFFFFF086  }
0x1c: {  	p1 =	slt.u32 s9, $0xF7A;
	s5 =	simm.s32 @!p2 $0x0  }
0x1d: {  	s5 =	simm.s32 @p1 $0x1;
	p0 =	seq.s32 s7, s2  }
0x1e: {  	s7 =	smul.u32 @!p0 $0xF7A, s2;
	p2 =	seq.s32 @!p0 s5, $0x0  }
0x1f: {  	s9 =	smul.u32 $0xF7A, s1;
	s8 =	simm.s32 @!p0 $0x1BF5;
	p2 =	por !p2, p0  }
0x20: {  	[sflag:s8] =	ssyncset.s32 @!p0 $0xFFFFF086;
	s6 =	sadd.s32 @!p0 s3, s7;
	s7 =	simm.s32 @!p0 $0x108  }
0x21: {  	s3 =	sadd.s32 s3, s9;
	s6 =	sadd.s32 @!p0 $0x88, s6;
	s7 =	simm.s32 @p2 $0x1082  }
0x22: {  	[simem:s7], [sflag:s8] =	dma.local @!p0 [hbm:s6], $0xF7A  }
0x23: {  	s9 =	sor.u32 $0xD0000000, s2;
	s6 =	simm.s32 $0x108;
	_ =	swait.ge @!p0 [sflag:s8], $0x0  }
0x24: {  	s3 =	sadd.s32 $0x88, s3;
	s6 =	simm.s32 @!p1 $0x1082;
	[sflag:s4] =	ssyncset.s32 $0xFFFFF086  }
0x25: {  	[simem:s6], [sflag:s4] =	dma.local [hbm:s3], $0xF7A  }
0x26: {  	[smem:$0x3F87] =	sst s1;
	(tag) =	ssettag s2;
	_ =	strace s9  }
0x27: {  	s1 =	sld [smem:$0x3F97]  }
0x28: {  	s2 =	sld [smem:$0x3F98]  }
0x29: {  	s4 =	sld [smem:$0x3F9A]  }
0x2a: {  	p0 =	seq.s32 s5, $0x0;
	s5 =	sld [smem:$0x3F9B]  }
0x2b: {  	s6 =	sld [smem:$0x3F9C]  }
0x2c: {  	s7 =	sld [smem:$0x3F9D]  }
0x2d: {  	s3 =	simm.s32 $0x108;
	s8 =	sld [smem:$0x3F9E]  }
0x2e: {  	s3 =	simm.s32 @!p0 $0x1082;
	s9 =	sld [smem:$0x3F9F]  }
0x2f: {  	lr =	sadd.s32 s0, s3;
	s0 =	sld [smem:$0x3F96]  }
0x30: {  	s3 =	sld [smem:$0x3F99]  }
0x31: {  	[smem:$0x3FA2] =	sst s10  }
0x32: {  	s10 =	sld [smem:$0x3FA0];
	_ =	sdelay $0x3  }
0x33: {  	p0 =	seq.s32 s10, $0x1;
	s10 =	sld [smem:$0x3FA2];
	_ =	sdelay $0x3  }
0x34: {  	[smem:$0x3FA2] =	sst s10  }
0x35: {  	s10 =	sld [smem:$0x3FA1];
	_ =	sdelay $0x3  }
0x36: {  	p1 =	seq.s32 s10, $0x1;
	s10 =	sld [smem:$0x3FA2];
	_ =	sdelay $0x3  }
0x37: {  	[smem:$0x3FA2] =	sst s10  }
0x38: {  	s10 =	sld [smem:$0x3FA3]  }
0x39: {  	_ = 	snop;
	(pc) =	sbr.ind lr, $3  }
0x3a: {  	_ = 	snop  }
0x3b: {  	_ = 	snop  }
0x3c: {  	p2 =	seq.s32 s10, $0x1;
	s10 =	sld [smem:$0x3FA2]  }
0x3d: {  	_ =	shalt  }
0x3e: {  	_ =	shalt  }
0x3f: {  	_ =	shalt  }
0x40: {  	_ =	shalt  }
0x41: {  	_ =	shalt  }
0x42: {  	_ =	shalt  }
0x43: {  	_ =	shalt  }
0x44: {  	_ =	shalt  }
0x45: {  	_ =	shalt  }
0x46: {  	_ =	shalt  }
0x47: {  	_ =	shalt  }
0x48: {  	_ =	shalt  }
0x49: {  	_ =	shalt  }
0x4a: {  	_ =	shalt  }
0x4b: {  	_ =	shalt  }
0x4c: {  	_ =	shalt  }
0x4d: {  	_ =	shalt  }
0x4e: {  	_ =	shalt  }
0x4f: {  	_ =	shalt  }
0x50: {  	_ =	shalt  }
0x51: {  	_ =	shalt  }
0x52: {  	_ =	shalt  }
0x53: {  	_ =	shalt  }
0x54: {  	_ =	shalt  }
0x55: {  	_ =	shalt  }
0x56: {  	_ =	shalt  }
0x57: {  	_ =	shalt  }
0x58: {  	_ =	shalt  }
0x59: {  	_ =	shalt  }
0x5a: {  	_ =	shalt  }
0x5b: {  	_ =	shalt  }
0x5c: {  	_ =	shalt  }
0x5d: {  	_ =	shalt  }
0x5e: {  	_ =	shalt  }
0x5f: {  	_ =	shalt  }
0x60: {  	_ =	shalt  }
0x61: {  	_ =	shalt  }
0x62: {  	_ =	shalt  }
0x63: {  	_ =	shalt  }
0x64: {  	_ =	shalt  }
0x65: {  	_ =	shalt  }
0x66: {  	_ =	shalt  }
0x67: {  	_ =	shalt  }
0x68: {  	_ =	shalt  }
0x69: {  	_ =	shalt  }
0x6a: {  	_ =	shalt  }
0x6b: {  	_ =	shalt  }
0x6c: {  	_ =	shalt  }
0x6d: {  	_ =	shalt  }
0x6e: {  	_ =	shalt  }
0x6f: {  	_ =	shalt  }
0x70: {  	_ =	shalt  }
0x71: {  	_ =	shalt  }
0x72: {  	_ =	shalt  }
0x73: {  	_ =	shalt  }
0x74: {  	_ =	shalt  }
0x75: {  	_ =	shalt  }
0x76: {  	_ =	shalt  }
0x77: {  	_ =	shalt  }
0x78: {  	_ =	shalt  }
0x79: {  	_ =	shalt  }
0x7a: {  	_ =	shalt  }
0x7b: {  	_ =	shalt  }
0x7c: {  	_ =	shalt  }
0x7d: {  	_ =	shalt  }
0x7e: {  	_ =	shalt  }
0x7f: {  	_ =	shalt  }
0x80: {  	_ =	shalt  }
0x81: {  	_ =	shalt  }
0x82: {  	_ =	shalt  }
0x83: {  	_ =	shalt  }
0x84: {  	_ =	shalt  }
0x85: {  	_ =	shalt  }
0x86: {  	_ =	shalt  }
0x87: {  	_ =	shalt  }
.Lfunc_end0:
.L_simem_size_0:
called_computation_lowered:
.L_overlay_start_0:
0x88: {  	s2 =	sld [smem:$0x3FD9]  }
0x89: {  	s3 =	sld [smem:$0x3FFE];
	_ =	sdelay $0x1  }
0x8a: {  	s1 =	srdreg.scid  }
0x8b: {  	s0 =	sand.u32 $0x1, s1  }
0x8c: {  	s17 =	sshll.u32 s0, $0xA;
	s2 =	sadd.s32 s3, s2  }
0x8d: {  	s2 =	sadd.s32 s2, s17  }
0x8e: {  	[smem:$0x3FAE] =	sst s2  }
0x8f: {  	_ = 	snop  }
0x90: {  	s2 =	sld [smem:$0x3FB0]  }
0x91: {  	s18 =	sld [smem:$0x3FD0];
	(tm) =	ssettm $0x1  }
0x92: {  	s4 =	sld [smem:$0x3FFB];
	_ =	sdelay $0x3  }
0x93: {  	_ =	strace s4  }
0x94: {  	s4 =	sld [smem:$0x3FFC];
	_ =	sdelay $0x3  }
0x95: {  	_ =	strace s4  }
0x96: {  	s4 =	sld [smem:$0x3FFD];
	_ =	sdelay $0x3  }
0x97: {  	_ =	strace s4  }
0x98: {  	_ =	strace $0x8FFFFFFF  }
0x99: {  	s19 =	sld [smem:$0x3FDB];
	_ =	sdelay $0x1  }
0x9a: {  	s5 =	simm.s32 $_scs_section_size  }
0x9b: {  	s6 =	simm.s32 $_size__tile_overlayer_lowered;
	s7 =	simm.s32 $_tile_overlayer_lowered  }
0x9c: {  	s22 =	simm.s32 $0x1BFF;
	s21 =	sshll.u32 s7, $0x1;
	s4 =	sadd.s32 s5, s19  }
0x9d: {  	s8 =	simm.s32 $0x0;
	s20 =	sshll.u32 s6, $0x1;
	s6 =	sadd.s32 s21, s4  }
0x9e: {  	[timem:s8], [sflag:s22] =	dma.local [hbm:s6], s20  }
0x9f: {  	_ =	swait.ge [sflag:s22], s20  }
0xa0: {  	s5 =	ssub.s32 $0x0, s20;
	[sflag:s22] =	ssyncset.done $0x0  }
0xa1: {  	[sflag:s22] =	ssyncadd.s32 s5;
	_ =	sdelay $0x1  }
0xa2: {  	s23 =	simm.s32 $0x1B8B  }
0xa3: {  	_ =	swait.ge [sflag:s23], $0x1  }
0xa4: {  	[sflag:s23] =	ssyncset.done $0x0  }
0xa5: {  	s25 =	simm.s32 $0x1B8E;
	s24 =	sld [smem:$0x3FFE];
	[sflag:s23] =	ssyncadd.s32 $0xFFFFFFFF  }
0xa6: {  	s26 =	simm.s32 $execute0_lowered;
	[smem:$0x3FD2] =	sst s25  }
0xa7: {  	s6 =	sshll.u32 s26, $0x1;
	_ =	strace $0x80000046;
	[dreg:$0x1] =	wrdreg $0xFFFFFFFF  }
0xa8: {  	s28 =	simm.s32 $_size_execute0_lowered;
	s4 =	sadd.s32 s4, s6;
	[dreg:$0x0] =	wrdreg $0x0  }
0xa9: {  	s6 =	sshll.u32 s28, $0x1;
	[dreg:$0x2] =	wrdreg s4  }
0xaa: {  	[dreg:$0x3] =	wrdreg s6  }
0xab: {  	[dreg:$0x4] =	wrdreg $0xC0  }
0xac: {  	_ =	task [dreg:s8], $0x5FFFF  }
0xad: {  	[dreg:$0x1] =	wrdreg $0xFFFFFFFF  }
0xae: {  	[dreg:$0x0] =	wrdreg $0x60  }
0xaf: {  	[dreg:$0x2] =	wrdreg s18  }
0xb0: {  	[dreg:$0x3] =	wrdreg s2  }
0xb1: {  	[dreg:$0x4] =	wrdreg s24  }
0xb2: {  	[dreg:$0x5] =	wrdreg $0x48000  }
0xb3: {  	[dreg:$0x6] =	wrdreg $0x9  }
0xb4: {  	_ =	task.clear_ibuf [dreg:s8], $0x7FFFF;
	_ =	strace $0x90000046  }
0xb5: {  	s29 =	simm.s32 $0x9;
	_ =	strace $0x80000048  }
0xb6: {  	_ =	swait.ge [sflag:s29], $0x1  }
0xb7: {  	[sflag:s29] =	ssyncadd.s32 $0xFFFFFFFF  }
0xb8: {  	_ =	strace $0x90000048  }
0xb9: {  	_ =	sfence  }
0xba: {  	s30 =	sld [smem:$0x0];
	_ =	sdelay $0x2  }
0xbb: {  	s31 =	sshll.u32 s1, $0xD;
	s1 =	sshrl.u32 s1, $0x2  }
0xbc: {  	s3 =	sand.u32 $0x4000, s31;
	s1 =	sadd.s32 s1, s30  }
0xbd: {  	s0 =	sor.u32 s3, s0;
	s1 =	sshll.u32 s1, $0x11  }
0xbe: {  	s0 =	sor.u32 s1, s0  }
0xbf: {  	s0 =	sadd.s32 $0x8F2B, s0  }
0xc0: {  	[sflag:s0] =	ssyncadd.remote.s32 $0x1  }
0xc1: {  	_ =	sfence.sel $0xFFFF  }
0xc2: {  	[dreg:$0x0] =	wrdreg $0xFFFFFFFF;
	(pc) =	sbr.abs _section_cstart, $3  }
0xc3: {  	[dreg:$0x1] =	wrdreg $0xFFFFFFFF  }
0xc4: {  	_ =	task.clear_ibuf [dreg:s8], $0x2FFFF;
	_ =	strace $0x9FFFFFFF  }
0xc5: {  	(tm) =	ssettm $0x7FFFFFFF  }
tec
execute0_lowered:
.L_overlay_start_1:
0x0: {  	(tag) =	ssettag $0x1  }
0x1: {  	s9 =	rddreg [dreg:$0x0]  }
0x2: {  	s8 =	rddreg [dreg:$0x1]  }
0x3: {  	s4 =	rddreg [dreg:$0x2]  }
0x4: {  	s2 =	rddreg [dreg:$0x3];
	s1 =	stileid.u32  }
0x5: {  	s0 =	rddreg [dreg:$0x4];
	s3 =	simm.s32 $0x0;
	s5 =	sshll.u32 s1, $0x7  }
0x6: {  	s6 =	simm.s32 $0x4400;
	[smem:$0x7FF] =	sst s3;
	s25 =	sadd.s32 s5, s4  }
0x7: {  	_ =	strace $0x80000047;
	s5 =	simm.s32 $0x1;
	s4 =	sadd.s32 $0x8000, s25  }
0x8: {  	[tilespmem:s6], [sflag:$0x1] =	stream.linear.gather [hbm4b:s4+s3], $0x400, $0x38;
	[tilespmem:$0x4C00] =	vst v63  }
0x9: {  	_ =	swait.ge [sflag:s5], $0x400  }
0xa: {  	s7 =	sshll.u32 s1, $0xA;
	[sflag:s5] =	ssyncset.done $0x0  }
0xb: {  	s10 =	srdreg.scid;
	s7 =	sadd.s32 s7, s2;
	[sflag:s5] =	ssyncadd.s32 $0xFFFFFC00  }
0xc: {  	[spmem:s7] =	stream.linear.scatter [tilespmem:s6], [sflag:$0x1], $0x400, $0x38;
	[tilespmem:$0x4C00] =	vst v63  }
0xd: {  	s26 =	sand.u32 $0x1, s10;
	s30 =	sshll.u32 s1, $0x1;
	_ =	swait.ge [sflag:s5], $0x400  }
0xe: {  	s10 =	sor.u32 s26, s30;
	[sflag:s5] =	ssyncset.done $0x0  }
0xf: {  	s11 =	sshll.u32 s10, $0x7;
	[sflag:s5] =	ssyncadd.s32 $0xFFFFFC00  }
0x10: {  	s8 =	sadd.s32 s8, s11;
	[bflag:$0x0] =	sbarrier.arrive $0xFFFF  }
0x11: {  	[tilespmem:s3], [sflag:$0x1] =	stream.linear.gather [hbm4b:s8+s3], $0x400, $0x38;
	[tilespmem:$0x4C00] =	vst v63  }
0x12: {  	_ =	swait.ge [sflag:s5], $0x400  }
0x13: {  	s10 =	sshll.u32 s10, $0xB;
	[sflag:s5] =	ssyncset.done $0x0  }
0x14: {  	s9 =	sadd.s32 s9, s10;
	s10 =	simm.s32 $0x400;
	[sflag:s5] =	ssyncadd.s32 $0xFFFFFC00  }
0x15: {  	[tilespmem:s10], [sflag:$0x1] =	stream.linear.gather [hbm4b:s9+s3], $0x4000, $0x38;
	[tilespmem:$0x4C00] =	vst v63  }
0x16: {  	_ =	swait.ge [sflag:s5], $0x4000  }
0x17: {  	[sflag:s5] =	ssyncset.done $0x0  }
0x18: {  	s11 =	simm.s32 $0x80;
	[sflag:s5] =	ssyncadd.s32 $0xFFFFC000  }
0x19: {  	[spmem:s2] =	stream.indirect.scatter.add.f32 [tilespmem:s10], [sflag:$0x1], $0x10, s3, s11, $0xb8;
	[tilespmem:$0x4C00] =	vst v63  }
0x1a: {  	_ =	swait.ge [sflag:s5], $0x800  }
0x1b: {  	[sflag:s5] =	ssyncset.done $0x0  }
0x1c: {  	s12 =	simm.s32 $0xC00;
	[sflag:s5] =	ssyncadd.s32 $0xFFFFF800  }
0x1d: {  	[spmem:s2] =	stream.indirect.scatter.add.f32 [tilespmem:s12], [sflag:$0x1], $0x10, s11, s11, $0xb8;
	[tilespmem:$0x4C00] =	vst v63  }
0x1e: {  	_ =	swait.ge [sflag:s5], $0x800  }
0x1f: {  	[sflag:s5] =	ssyncset.done $0x0  }
0x20: {  	s13 =	simm.s32 $0x100;
	s14 =	simm.s32 $0x1400;
	[sflag:s5] =	ssyncadd.s32 $0xFFFFF800  }
0x21: {  	[spmem:s2] =	stream.indirect.scatter.add.f32 [tilespmem:s14], [sflag:$0x1], $0x10, s13, s11, $0xb8;
	[tilespmem:$0x4C00] =	vst v63  }
0x22: {  	_ =	swait.ge [sflag:s5], $0x800  }
0x23: {  	[sflag:s5] =	ssyncset.done $0x0  }
0x24: {  	s15 =	simm.s32 $0x180;
	s16 =	simm.s32 $0x1C00;
	[sflag:s5] =	ssyncadd.s32 $0xFFFFF800  }
0x25: {  	[spmem:s2] =	stream.indirect.scatter.add.f32 [tilespmem:s16], [sflag:$0x1], $0x10, s15, s11, $0xb8;
	[tilespmem:$0x4C00] =	vst v63  }
0x26: {  	_ =	swait.ge [sflag:s5], $0x800  }
0x27: {  	[sflag:s5] =	ssyncset.done $0x0  }
0x28: {  	s17 =	simm.s32 $0x200;
	s18 =	simm.s32 $0x2400;
	[sflag:s5] =	ssyncadd.s32 $0xFFFFF800  }
0x29: {  	[spmem:s2] =	stream.indirect.scatter.add.f32 [tilespmem:s18], [sflag:$0x1], $0x10, s17, s11, $0xb8;
	[tilespmem:$0x4C00] =	vst v63  }
0x2a: {  	_ =	swait.ge [sflag:s5], $0x800  }
0x2b: {  	[sflag:s5] =	ssyncset.done $0x0  }
0x2c: {  	s19 =	simm.s32 $0x280;
	s20 =	simm.s32 $0x2C00;
	[sflag:s5] =	ssyncadd.s32 $0xFFFFF800  }
0x2d: {  	[spmem:s2] =	stream.indirect.scatter.add.f32 [tilespmem:s20], [sflag:$0x1], $0x10, s19, s11, $0xb8;
	[tilespmem:$0x4C00] =	vst v63  }
0x2e: {  	_ =	swait.ge [sflag:s5], $0x800  }
0x2f: {  	[sflag:s5] =	ssyncset.done $0x0  }
0x30: {  	s21 =	simm.s32 $0x300;
	s22 =	simm.s32 $0x3400;
	[sflag:s5] =	ssyncadd.s32 $0xFFFFF800  }
0x31: {  	[spmem:s2] =	stream.indirect.scatter.add.f32 [tilespmem:s22], [sflag:$0x1], $0x10, s21, s11, $0xb8;
	[tilespmem:$0x4C00] =	vst v63  }
0x32: {  	_ =	swait.ge [sflag:s5], $0x800  }
0x33: {  	[sflag:s5] =	ssyncset.done $0x0  }
0x34: {  	s23 =	simm.s32 $0x380;
	s24 =	simm.s32 $0x3C00;
	[sflag:s5] =	ssyncadd.s32 $0xFFFFF800  }
0x35: {  	[spmem:s2] =	stream.indirect.scatter.add.f32 [tilespmem:s24], [sflag:$0x1], $0x10, s23, s11, $0xb8;
	[tilespmem:$0x4C00] =	vst v63  }
0x36: {  	s28 =	ssub.s32 $0x2, s26;
	_ =	swait.ge [sflag:s5], $0x800  }
0x37: {  	s29 =	sshrl.u32 s28, $0x1;
	[sflag:s5] =	ssyncset.done $0x0  }
0x38: {  	s28 =	ssub.s32 s28, s29;
	[sflag:s5] =	ssyncadd.s32 $0xFFFFF800  }
0x39: {  	s31 =	smax.u32 s28, $0x1;
	[bflag:$0x0] =	sbarrier.arrive $0xFFFF  }
0x3a: {  	[tilespmem:s6], [sflag:$0x1] =	stream.linear.gather [spmem:s7], $0x400, $0x38;
	[tilespmem:$0x4C00] =	vst v63  }
0x3b: {  	s26 =	sshll.u32 s26, $0xB;
	p0 =	sne.s32 s31, $0x1;
	_ =	swait.ge [sflag:s5], $0x400  }
.Ltmp0:
0x3c: {  	s25 =	sadd.s32 s26, s25;
	[sflag:s5] =	ssyncset.done $0x0;
	(pc) =	sbr.rel @!p0 .LBB2_2-.Ltmp0, $4  }
0x3d: {  	s25 =	sadd.s32 $0x8800, s25;
	[sflag:s5] =	ssyncadd.s32 $0xFFFFFC00  }
0x3e: {  	[hbm4b:s25+s3] =	stream.linear.scatter [tilespmem:s6], [sflag:$0x1], $0x400, $0x38;
	[tilespmem:$0x4C00] =	vst v63  }
0x3f: {  	_ =	swait.ge [sflag:s5], $0x400  }
0x40: {  	s26 =	sadd.s32 $0xFFFFFFFF, s31;
	[sflag:s5] =	ssyncset.done $0x0  }
.LBB2_1:
0x41: {  	p0 =	sne.s32 s26, $0x1;
	s26 =	sadd.s32 $0xFFFFFFFF, s26;
	[sflag:s5] =	ssyncadd.s32 $0xFFFFFC00  }
0x42: {  	[tilespmem:s6], [sflag:$0x1] =	stream.linear.gather [hbm4b:s4+s3], $0x400, $0x38;
	[tilespmem:$0x4C00] =	vst v63  }
0x43: {  	_ =	swait.ge [sflag:s5], $0x400  }
0x44: {  	[sflag:s5] =	ssyncset.done $0x0  }
0x45: {  	[sflag:s5] =	ssyncadd.s32 $0xFFFFFC00  }
0x46: {  	[spmem:s7] =	stream.linear.scatter [tilespmem:s6], [sflag:$0x1], $0x400, $0x38;
	[tilespmem:$0x4C00] =	vst v63  }
0x47: {  	_ =	swait.ge [sflag:s5], $0x400  }
0x48: {  	[sflag:s5] =	ssyncset.done $0x0  }
0x49: {  	[sflag:s5] =	ssyncadd.s32 $0xFFFFFC00  }
0x4a: {  	[bflag:$0x0] =	sbarrier.arrive $0xFFFF  }
0x4b: {  	[tilespmem:s3], [sflag:$0x1] =	stream.linear.gather [hbm4b:s8+s3], $0x400, $0x38;
	[tilespmem:$0x4C00] =	vst v63  }
0x4c: {  	_ =	swait.ge [sflag:s5], $0x400  }
0x4d: {  	[sflag:s5] =	ssyncset.done $0x0  }
0x4e: {  	[sflag:s5] =	ssyncadd.s32 $0xFFFFFC00  }
0x4f: {  	[tilespmem:s10], [sflag:$0x1] =	stream.linear.gather [hbm4b:s9+s3], $0x4000, $0x38;
	[tilespmem:$0x4C00] =	vst v63  }
0x50: {  	_ =	swait.ge [sflag:s5], $0x4000  }
0x51: {  	[sflag:s5] =	ssyncset.done $0x0  }
0x52: {  	[sflag:s5] =	ssyncadd.s32 $0xFFFFC000  }
0x53: {  	[spmem:s2] =	stream.indirect.scatter.add.f32 [tilespmem:s10], [sflag:$0x1], $0x10, s3, s11, $0xb8;
	[tilespmem:$0x4C00] =	vst v63  }
0x54: {  	_ =	swait.ge [sflag:s5], $0x800  }
0x55: {  	[sflag:s5] =	ssyncset.done $0x0  }
0x56: {  	[sflag:s5] =	ssyncadd.s32 $0xFFFFF800  }
0x57: {  	[spmem:s2] =	stream.indirect.scatter.add.f32 [tilespmem:s12], [sflag:$0x1], $0x10, s11, s11, $0xb8;
	[tilespmem:$0x4C00] =	vst v63  }
0x58: {  	_ =	swait.ge [sflag:s5], $0x800  }
0x59: {  	[sflag:s5] =	ssyncset.done $0x0  }
0x5a: {  	[sflag:s5] =	ssyncadd.s32 $0xFFFFF800  }
0x5b: {  	[spmem:s2] =	stream.indirect.scatter.add.f32 [tilespmem:s14], [sflag:$0x1], $0x10, s13, s11, $0xb8;
	[tilespmem:$0x4C00] =	vst v63  }
0x5c: {  	_ =	swait.ge [sflag:s5], $0x800  }
0x5d: {  	[sflag:s5] =	ssyncset.done $0x0  }
0x5e: {  	[sflag:s5] =	ssyncadd.s32 $0xFFFFF800  }
0x5f: {  	[spmem:s2] =	stream.indirect.scatter.add.f32 [tilespmem:s16], [sflag:$0x1], $0x10, s15, s11, $0xb8;
	[tilespmem:$0x4C00] =	vst v63  }
0x60: {  	_ =	swait.ge [sflag:s5], $0x800  }
0x61: {  	[sflag:s5] =	ssyncset.done $0x0  }
0x62: {  	[sflag:s5] =	ssyncadd.s32 $0xFFFFF800  }
0x63: {  	[spmem:s2] =	stream.indirect.scatter.add.f32 [tilespmem:s18], [sflag:$0x1], $0x10, s17, s11, $0xb8;
	[tilespmem:$0x4C00] =	vst v63  }
0x64: {  	_ =	swait.ge [sflag:s5], $0x800  }
0x65: {  	[sflag:s5] =	ssyncset.done $0x0  }
0x66: {  	[sflag:s5] =	ssyncadd.s32 $0xFFFFF800  }
0x67: {  	[spmem:s2] =	stream.indirect.scatter.add.f32 [tilespmem:s20], [sflag:$0x1], $0x10, s19, s11, $0xb8;
	[tilespmem:$0x4C00] =	vst v63  }
0x68: {  	_ =	swait.ge [sflag:s5], $0x800  }
0x69: {  	[sflag:s5] =	ssyncset.done $0x0  }
0x6a: {  	[sflag:s5] =	ssyncadd.s32 $0xFFFFF800  }
0x6b: {  	[spmem:s2] =	stream.indirect.scatter.add.f32 [tilespmem:s22], [sflag:$0x1], $0x10, s21, s11, $0xb8;
	[tilespmem:$0x4C00] =	vst v63  }
0x6c: {  	_ =	swait.ge [sflag:s5], $0x800  }
0x6d: {  	[sflag:s5] =	ssyncset.done $0x0  }
0x6e: {  	[sflag:s5] =	ssyncadd.s32 $0xFFFFF800  }
0x6f: {  	[spmem:s2] =	stream.indirect.scatter.add.f32 [tilespmem:s24], [sflag:$0x1], $0x10, s23, s11, $0xb8;
	[tilespmem:$0x4C00] =	vst v63  }
0x70: {  	_ =	swait.ge [sflag:s5], $0x800  }
0x71: {  	[sflag:s5] =	ssyncset.done $0x0  }
0x72: {  	[sflag:s5] =	ssyncadd.s32 $0xFFFFF800  }
0x73: {  	[bflag:$0x0] =	sbarrier.arrive $0xFFFF  }
0x74: {  	[tilespmem:s6], [sflag:$0x1] =	stream.linear.gather [spmem:s7], $0x400, $0x38;
	[tilespmem:$0x4C00] =	vst v63  }
0x75: {  	_ =	swait.ge [sflag:s5], $0x400  }
.Ltmp1:
0x76: {  	[sflag:s5] =	ssyncset.done $0x0;
	(pc) =	sbr.rel @p0 .LBB2_1-.Ltmp1, $4  }
0x77: {  	[sflag:s5] =	ssyncadd.s32 $0xFFFFFC00  }
0x78: {  	[hbm4b:s25+s3] =	stream.linear.scatter [tilespmem:s6], [sflag:$0x1], $0x400, $0x38;
	[tilespmem:$0x4C00] =	vst v63  }
0x79: {  	_ =	swait.ge [sflag:s5], $0x400  }
0x7a: {  	[sflag:s5] =	ssyncset.done $0x0  }
.LBB2_2:
0x7b: {  	[sflag:s5] =	ssyncadd.s32 $0xFFFFFC00  }
0x7c: {  	_ =	sfence.sel $0x180000  }
0x7d: {  	[bflag:$0x0] =	sbarrier.arrive $0xFFFF  }
0x7e: {  	p0 =	sne.s32 s1, $0x0;
	_ =	strace $0x90000047  }
0x7f: {  	s0 =	sadd.s32 @!p0 $0x100000, s0;
	[bflag:$0x2] =	sbarrier.arrive $0xFFFF  }
0x80: {  	[sflag:s0] =	ssyncadd.tile.s32 @!p0 $0x1;
	_ =	shalt  }
.Lfunc_end2:
_tile_overlayer_lowered:
.L_overlay_start_2:
0x81: {  	(tag) =	ssettag $0x2  }
0x82: {  	s0 =	rddreg [dreg:$0x0];
	s2 =	stileid.u32  }
0x83: {  	s1 =	rddreg [dreg:$0x1];
	p0 =	sne.s32 s2, $0x0  }
0x84: {  	s3 =	rddreg [dreg:$0x2];
	[bflag:$0x3] =	sbarrier.arrive $0xFFFF;
	s2 =	simm.s32 @!p0 $0x1C01  }
0x85: {  	[timem:s3], [sflag:s2] =	dma.local @!p0 [hbm:s0], s1  }
0x86: {  	s0 =	simm.s32 @!p0 $0x1  }
0x87: {  	_ =	swait.ge @!p0 [sflag:s0], s1  }
0x88: {  	s1 =	ssub.s32 @!p0 $0x0, s1;
	[sflag:s0] =	ssyncset.done @!p0 $0x0  }
0x89: {  	[sflag:s0] =	ssyncadd.s32 @!p0 s1  }
0x8a: {  	[bflag:$0x3] =	sbarrier.arrive $0xFFFF  }
0x8b: {  	_ =	shalt  }

// kernel: kernel.16.cloned.1.call-start
scs
__scs_entry_jumppad:
0x0: {  	(pc) =	sbr.rel $0x88, $3  }
0x1: {  	(tag) =	ssettag $0x0;
	lr =	simm.s32 $0x1  }
0x2: {  	[smem:$0x3F87] =	sst lr;
	_ =	strace $0xD0000000  }
0x3: {  	_ = 	snop  }
0x4: {  	_ = 	snop  }
0x5: {  	_ = 	snop  }
0x6: {  	_ = 	snop  }
0x7: {  	_ = 	snop  }
__scs_overlays_trampoline_lowered:
0x8: {  	[smem:$0x3F96] =	sst s0  }
0x9: {  	[smem:$0x3F97] =	sst s1  }
0xa: {  	[smem:$0x3F98] =	sst s2  }
0xb: {  	[smem:$0x3F99] =	sst s3  }
0xc: {  	[smem:$0x3F9A] =	sst s4  }
0xd: {  	[smem:$0x3F9B] =	sst s5  }
0xe: {  	[smem:$0x3F9C] =	sst s6  }
0xf: {  	[smem:$0x3F9D] =	sst s7  }
0x10: {  	[smem:$0x3F9E] =	sst s8  }
0x11: {  	[smem:$0x3F9F] =	sst s9;
	s0 =	simm.s32 @!p0 $0x0  }
0x12: {  	s1 =	sld [smem:$0x3F85];
	s0 =	simm.s32 @p0 $0x1  }
0x13: {  	[smem:$0x3FA0] =	sst s0;
	s0 =	simm.s32 @!p1 $0x0  }
0x14: {  	s2 =	sld [smem:$0x3F84];
	s0 =	simm.s32 @p1 $0x1  }
0x15: {  	[smem:$0x3FA1] =	sst s0;
	s0 =	simm.s32 @!p2 $0x0  }
0x16: {  	s3 =	sld [smem:$0x3FDB];
	s0 =	simm.s32 @p2 $0x1  }
0x17: {  	s4 =	simm.s32 $0x1BF5;
	[smem:$0x3FA3] =	sst s0  }
0x18: {  	s0 =	sld [smem:$0x3F86];
	_ =	swait.ge [sflag:s4], $0x0  }
0x19: {  	s7 =	sld [smem:$0x3F87]  }
0x1a: {  	s8 =	sadd.s32 $0xFFFFE003, lr  }
0x1b: {  	s9 =	sadd.s32 $0xFFFFFEF7, lr;
	s5 =	simm.s32 $0xFFFFFFFF;
	p2 =	slt.u32 s8, $0xFFFFF086  }
0x1c: {  	p1 =	slt.u32 s9, $0xF7A;
	s5 =	simm.s32 @!p2 $0x0  }
0x1d: {  	s5 =	simm.s32 @p1 $0x1;
	p0 =	seq.s32 s7, s2  }
0x1e: {  	s7 =	smul.u32 @!p0 $0xF7A, s2;
	p2 =	seq.s32 @!p0 s5, $0x0  }
0x1f: {  	s9 =	smul.u32 $0xF7A, s1;
	s8 =	simm.s32 @!p0 $0x1BF5;
	p2 =	por !p2, p0  }
0x20: {  	[sflag:s8] =	ssyncset.s32 @!p0 $0xFFFFF086;
	s6 =	sadd.s32 @!p0 s3, s7;
	s7 =	simm.s32 @!p0 $0x108  }
0x21: {  	s3 =	sadd.s32 s3, s9;
	s6 =	sadd.s32 @!p0 $0x88, s6;
	s7 =	simm.s32 @p2 $0x1082  }
0x22: {  	[simem:s7], [sflag:s8] =	dma.local @!p0 [hbm:s6], $0xF7A  }
0x23: {  	s9 =	sor.u32 $0xD0000000, s2;
	s6 =	simm.s32 $0x108;
	_ =	swait.ge @!p0 [sflag:s8], $0x0  }
0x24: {  	s3 =	sadd.s32 $0x88, s3;
	s6 =	simm.s32 @!p1 $0x1082;
	[sflag:s4] =	ssyncset.s32 $0xFFFFF086  }
0x25: {  	[simem:s6], [sflag:s4] =	dma.local [hbm:s3], $0xF7A  }
0x26: {  	[smem:$0x3F87] =	sst s1;
	(tag) =	ssettag s2;
	_ =	strace s9  }
0x27: {  	s1 =	sld [smem:$0x3F97]  }
0x28: {  	s2 =	sld [smem:$0x3F98]  }
0x29: {  	s4 =	sld [smem:$0x3F9A]  }
0x2a: {  	p0 =	seq.s32 s5, $0x0;
	s5 =	sld [smem:$0x3F9B]  }
0x2b: {  	s6 =	sld [smem:$0x3F9C]  }
0x2c: {  	s7 =	sld [smem:$0x3F9D]  }
0x2d: {  	s3 =	simm.s32 $0x108;
	s8 =	sld [smem:$0x3F9E]  }
0x2e: {  	s3 =	simm.s32 @!p0 $0x1082;
	s9 =	sld [smem:$0x3F9F]  }
0x2f: {  	lr =	sadd.s32 s0, s3;
	s0 =	sld [smem:$0x3F96]  }
0x30: {  	s3 =	sld [smem:$0x3F99]  }
0x31: {  	[smem:$0x3FA2] =	sst s10  }
0x32: {  	s10 =	sld [smem:$0x3FA0];
	_ =	sdelay $0x3  }
0x33: {  	p0 =	seq.s32 s10, $0x1;
	s10 =	sld [smem:$0x3FA2];
	_ =	sdelay $0x3  }
0x34: {  	[smem:$0x3FA2] =	sst s10  }
0x35: {  	s10 =	sld [smem:$0x3FA1];
	_ =	sdelay $0x3  }
0x36: {  	p1 =	seq.s32 s10, $0x1;
	s10 =	sld [smem:$0x3FA2];
	_ =	sdelay $0x3  }
0x37: {  	[smem:$0x3FA2] =	sst s10  }
0x38: {  	s10 =	sld [smem:$0x3FA3]  }
0x39: {  	_ = 	snop;
	(pc) =	sbr.ind lr, $3  }
0x3a: {  	_ = 	snop  }
0x3b: {  	_ = 	snop  }
0x3c: {  	p2 =	seq.s32 s10, $0x1;
	s10 =	sld [smem:$0x3FA2]  }
0x3d: {  	_ =	shalt  }
0x3e: {  	_ =	shalt  }
0x3f: {  	_ =	shalt  }
0x40: {  	_ =	shalt  }
0x41: {  	_ =	shalt  }
0x42: {  	_ =	shalt  }
0x43: {  	_ =	shalt  }
0x44: {  	_ =	shalt  }
0x45: {  	_ =	shalt  }
0x46: {  	_ =	shalt  }
0x47: {  	_ =	shalt  }
0x48: {  	_ =	shalt  }
0x49: {  	_ =	shalt  }
0x4a: {  	_ =	shalt  }
0x4b: {  	_ =	shalt  }
0x4c: {  	_ =	shalt  }
0x4d: {  	_ =	shalt  }
0x4e: {  	_ =	shalt  }
0x4f: {  	_ =	shalt  }
0x50: {  	_ =	shalt  }
0x51: {  	_ =	shalt  }
0x52: {  	_ =	shalt  }
0x53: {  	_ =	shalt  }
0x54: {  	_ =	shalt  }
0x55: {  	_ =	shalt  }
0x56: {  	_ =	shalt  }
0x57: {  	_ =	shalt  }
0x58: {  	_ =	shalt  }
0x59: {  	_ =	shalt  }
0x5a: {  	_ =	shalt  }
0x5b: {  	_ =	shalt  }
0x5c: {  	_ =	shalt  }
0x5d: {  	_ =	shalt  }
0x5e: {  	_ =	shalt  }
0x5f: {  	_ =	shalt  }
0x60: {  	_ =	shalt  }
0x61: {  	_ =	shalt  }
0x62: {  	_ =	shalt  }
0x63: {  	_ =	shalt  }
0x64: {  	_ =	shalt  }
0x65: {  	_ =	shalt  }
0x66: {  	_ =	shalt  }
0x67: {  	_ =	shalt  }
0x68: {  	_ =	shalt  }
0x69: {  	_ =	shalt  }
0x6a: {  	_ =	shalt  }
0x6b: {  	_ =	shalt  }
0x6c: {  	_ =	shalt  }
0x6d: {  	_ =	shalt  }
0x6e: {  	_ =	shalt  }
0x6f: {  	_ =	shalt  }
0x70: {  	_ =	shalt  }
0x71: {  	_ =	shalt  }
0x72: {  	_ =	shalt  }
0x73: {  	_ =	shalt  }
0x74: {  	_ =	shalt  }
0x75: {  	_ =	shalt  }
0x76: {  	_ =	shalt  }
0x77: {  	_ =	shalt  }
0x78: {  	_ =	shalt  }
0x79: {  	_ =	shalt  }
0x7a: {  	_ =	shalt  }
0x7b: {  	_ =	shalt  }
0x7c: {  	_ =	shalt  }
0x7d: {  	_ =	shalt  }
0x7e: {  	_ =	shalt  }
0x7f: {  	_ =	shalt  }
0x80: {  	_ =	shalt  }
0x81: {  	_ =	shalt  }
0x82: {  	_ =	shalt  }
0x83: {  	_ =	shalt  }
0x84: {  	_ =	shalt  }
0x85: {  	_ =	shalt  }
0x86: {  	_ =	shalt  }
0x87: {  	_ =	shalt  }
.Lfunc_end0:
.L_simem_size_0:
called_computation.1_lowered:
.L_overlay_start_0:
0x88: {  	s2 =	sld [smem:$0x3FD9]  }
0x89: {  	s3 =	sld [smem:$0x3FFE];
	_ =	sdelay $0x1  }
0x8a: {  	s1 =	srdreg.scid  }
0x8b: {  	s0 =	sand.u32 $0x1, s1  }
0x8c: {  	s17 =	sshll.u32 s0, $0xA;
	s2 =	sadd.s32 s3, s2  }
0x8d: {  	s2 =	sadd.s32 s2, s17  }
0x8e: {  	[smem:$0x3FAE] =	sst s2  }
0x8f: {  	_ = 	snop  }
0x90: {  	s18 =	sld [smem:$0x3FB0];
	(tm) =	ssettm $0x1  }
0x91: {  	s19 =	sld [smem:$0x3FFB];
	_ =	sdelay $0x3  }
0x92: {  	_ =	strace s19  }
0x93: {  	s2 =	sld [smem:$0x3FFC];
	_ =	sdelay $0x3  }
0x94: {  	_ =	strace s2  }
0x95: {  	s2 =	sld [smem:$0x3FFD];
	_ =	sdelay $0x3  }
0x96: {  	_ =	strace s2  }
0x97: {  	_ =	strace $0x8FFFFFFF  }
0x98: {  	s20 =	sld [smem:$0x3FDB];
	_ =	sdelay $0x1  }
0x99: {  	s4 =	simm.s32 $_scs_section_size  }
0x9a: {  	s5 =	simm.s32 $_size__tile_overlayer_lowered;
	s6 =	simm.s32 $_tile_overlayer_lowered  }
0x9b: {  	s7 =	simm.s32 $0x1BFF;
	s21 =	sshll.u32 s6, $0x1;
	s4 =	sadd.s32 s4, s20  }
0x9c: {  	s22 =	simm.s32 $0x0;
	s5 =	sshll.u32 s5, $0x1;
	s6 =	sadd.s32 s21, s4  }
0x9d: {  	[timem:s22], [sflag:s7] =	dma.local [hbm:s6], s5  }
0x9e: {  	_ =	swait.ge [sflag:s7], s5  }
0x9f: {  	s5 =	ssub.s32 $0x0, s5;
	[sflag:s7] =	ssyncset.done $0x0  }
0xa0: {  	[sflag:s7] =	ssyncadd.s32 s5;
	_ =	sdelay $0x1  }
0xa1: {  	s23 =	simm.s32 $0x1B8B  }
0xa2: {  	_ =	swait.ge [sflag:s23], $0x1  }
0xa3: {  	[sflag:s23] =	ssyncset.done $0x0  }
0xa4: {  	[sflag:s23] =	ssyncadd.s32 $0xFFFFFFFF  }
0xa5: {  	s5 =	sld [smem:$0x0]  }
0xa6: {  	s6 =	sand.u32 $0xFFFFFFFE, s1  }
0xa7: {  	p0 =	sne.s32 s1, s6  }
0xa8: {  	s6 =	sshll.u32 @p0 s6, $0xE  }
0xa9: {  	s6 =	sadd.s32 @p0 $0x11B8D, s6;
	s7 =	sshll.u32 @p0 s5, $0x11  }
0xaa: {  	s6 =	sor.u32 @p0 s7, s6  }
0xab: {  	[sflag:s6] =	ssyncadd.remote.s32 @p0 $0x1;
	_ =	sdelay $0x1  }
0xac: {  	s6 =	simm.s32 @p0 $0x1B8D  }
0xad: {  	_ =	swait.eq @p0 [sflag:s6], $0x1  }
0xae: {  	[sflag:s6] =	ssyncadd.s32 @p0 $0xFFFFFFFF  }
0xaf: {  	s7 =	sshll.u32 @!p0 s1, $0xE  }
0xb0: {  	s7 =	sor.u32 @!p0 $0x4000, s7;
	s6 =	simm.s32 @!p0 $0x1B8D  }
0xb1: {  	s5 =	sshll.u32 @!p0 s5, $0x11;
	s7 =	sadd.s32 @!p0 $0x11B8D, s7;
	_ =	swait.eq @!p0 [sflag:s6], $0x1  }
0xb2: {  	s5 =	sor.u32 @!p0 s5, s7;
	[sflag:s6] =	ssyncadd.s32 @!p0 $0xFFFFFFFF  }
0xb3: {  	s25 =	simm.s32 $0x1B8E;
	s24 =	sld [smem:$0x3FFE];
	[sflag:s5] =	ssyncadd.remote.s32 @!p0 $0x1  }
0xb4: {  	s26 =	simm.s32 $execute0_lowered;
	[smem:$0x3FD2] =	sst s25  }
0xb5: {  	s6 =	sshll.u32 s26, $0x1;
	_ =	strace $0x8000004C;
	[dreg:$0x1] =	wrdreg $0xFFFFFFFF  }
0xb6: {  	s28 =	simm.s32 $_size_execute0_lowered;
	s4 =	sadd.s32 s4, s6;
	[dreg:$0x0] =	wrdreg $0x0  }
0xb7: {  	s6 =	sshll.u32 s28, $0x1;
	[dreg:$0x2] =	wrdreg s4  }
0xb8: {  	[dreg:$0x3] =	wrdreg s6  }
0xb9: {  	[dreg:$0x4] =	wrdreg $0xC0  }
0xba: {  	_ =	task [dreg:s22], $0x5FFFF  }
0xbb: {  	[dreg:$0x1] =	wrdreg $0xFFFFFFFF  }
0xbc: {  	[dreg:$0x0] =	wrdreg $0x60  }
0xbd: {  	[dreg:$0x2] =	wrdreg s24  }
0xbe: {  	[dreg:$0x3] =	wrdreg s18  }
0xbf: {  	[dreg:$0x4] =	wrdreg $0x9  }
0xc0: {  	_ =	task.clear_ibuf [dreg:s22], $0x5FFFF;
	_ =	strace $0x9000004C  }
0xc1: {  	s29 =	simm.s32 $0x9;
	_ =	strace $0x8000004E  }
0xc2: {  	_ =	swait.ge [sflag:s29], $0x1  }
0xc3: {  	[sflag:s29] =	ssyncadd.s32 $0xFFFFFFFF  }
0xc4: {  	_ =	strace $0x9000004E  }
0xc5: {  	_ =	sfence  }
0xc6: {  	s30 =	sld [smem:$0x0];
	_ =	sdelay $0x2  }
0xc7: {  	s31 =	sshll.u32 s1, $0xD;
	s1 =	sshrl.u32 s1, $0x2  }
0xc8: {  	s4 =	sand.u32 $0x4000, s31;
	s1 =	sadd.s32 s1, s30  }
0xc9: {  	s0 =	sor.u32 s4, s0;
	s1 =	sshll.u32 s1, $0x11  }
0xca: {  	s0 =	sor.u32 s1, s0  }
0xcb: {  	s0 =	sadd.s32 $0x8F2B, s0  }
0xcc: {  	[sflag:s0] =	ssyncadd.remote.s32 $0x1  }
0xcd: {  	_ =	sfence.sel $0xFFFF  }
0xce: {  	[dreg:$0x0] =	wrdreg $0xFFFFFFFF;
	(pc) =	sbr.abs _section_cstart, $3  }
0xcf: {  	[dreg:$0x1] =	wrdreg $0xFFFFFFFF  }
0xd0: {  	_ =	task.clear_ibuf [dreg:s22], $0x2FFFF;
	_ =	strace $0x9FFFFFFF  }
0xd1: {  	(tm) =	ssettm $0x7FFFFFFF  }
tec
execute0_lowered:
.L_overlay_start_1:
0x0: {  	(tag) =	ssettag $0x1  }
0x1: {  	s23 =	rddreg [dreg:$0x0]  }
0x2: {  	s1 =	srdreg.scid;
	s0 =	stileid.u32  }
0x3: {  	s3 =	rddreg [dreg:$0x1];
	s24 =	sand.u32 $0x1, s1;
	s4 =	sshll.u32 s0, $0x1  }
0x4: {  	s2 =	simm.s32 $0x0;
	s1 =	rddreg [dreg:$0x2];
	s25 =	sor.u32 s24, s4  }
0x5: {  	[smem:$0x7FF] =	sst s2;
	s4 =	sshll.u32 s25, $0x6  }
0x6: {  	_ =	strace $0x8000004D;
	s3 =	sadd.s32 s3, s4;
	s4 =	simm.s32 $0x4  }
0x7: {  	[tilespmem:s2], [sflag:$0x4] =	stream.linear.gather [hbm4b:s3+s2], $0x200, $0x38;
	[tilespmem:$0xA200] =	vst v63  }
0x8: {  	_ =	swait.ge [sflag:s4], $0x200  }
0x9: {  	s6 =	simm.s32 $0x80;
	[sflag:s4] =	ssyncset.done $0x0  }
0xa: {  	s7 =	simm.s32 $0x200;
	s5 =	sadd.s32 $0xC800, s23;
	[sflag:s4] =	ssyncadd.s32 $0xFFFFFE00  }
0xb: {  	[tilespmem:s7], [sflag:$0x1] =	stream.indirect.gather [hbm4b:s5+s6], $0x10, s2, s6, $0xb8;
	[tilespmem:$0xA200] =	vst v63  }
0xc: {  	s8 =	simm.s32 $0xA00  }
0xd: {  	[tilespmem:s8], [sflag:$0x1] =	stream.indirect.gather [hbm4b:s5+s6], $0x10, s6, s6, $0xb8;
	[tilespmem:$0xA200] =	vst v63  }
0xe: {  	s9 =	simm.s32 $0x100;
	s10 =	simm.s32 $0x1200  }
0xf: {  	[tilespmem:s10], [sflag:$0x1] =	stream.indirect.gather [hbm4b:s5+s6], $0x10, s9, s6, $0xb8;
	[tilespmem:$0xA200] =	vst v63  }
0x10: {  	s11 =	simm.s32 $0x180;
	s12 =	simm.s32 $0x1A00  }
0x11: {  	[tilespmem:s12], [sflag:$0x1] =	stream.indirect.gather [hbm4b:s5+s6], $0x10, s11, s6, $0xb8;
	[tilespmem:$0xA200] =	vst v63  }
0x12: {  	s14 =	simm.s32 $0x2200;
	s13 =	sadd.s32 $0x8800, s23  }
0x13: {  	[tilespmem:s14], [sflag:$0x2] =	stream.indirect.gather [hbm4b:s13+s6], $0x80, s2, s6, $0xb8;
	[tilespmem:$0xA200] =	vst v63  }
0x14: {  	s15 =	simm.s32 $0x6200;
	s16 =	simm.s32 $0x2  }
0x15: {  	[tilespmem:s15], [sflag:$0x2] =	stream.indirect.gather [hbm4b:s13+s6], $0x80, s6, s6, $0xb8;
	[tilespmem:$0xA200] =	vst v63  }
0x16: {  	s17 =	sshll.u32 s25, $0xD;
	_ =	swait.ge [sflag:s16], $0x4000  }
0x17: {  	s21 =	sadd.s32 s17, s23;
	[sflag:s16] =	ssyncset.done $0x0  }
0x18: {  	s17 =	simm.s32 $0x3;
	s18 =	sadd.s32 $0x5D000, s21;
	[sflag:s16] =	ssyncadd.s32 $0xFFFFC000  }
0x19: {  	[hbm4b:s18+s2] =	stream.linear.scatter [tilespmem:s14], [sflag:$0x3], $0x4000, $0x38;
	[tilespmem:$0xA200] =	vst v63  }
0x1a: {  	_ =	swait.ge [sflag:s17], $0x4000  }
0x1b: {  	[sflag:s17] =	ssyncset.done $0x0  }
0x1c: {  	[sflag:s17] =	ssyncadd.s32 $0xFFFFC000  }
0x1d: {  	[tilespmem:s14], [sflag:$0x2] =	stream.indirect.gather [hbm4b:s13+s6], $0x80, s9, s6, $0xb8;
	[tilespmem:$0xA200] =	vst v63  }
0x1e: {  	_ =	swait.ge [sflag:s16], $0x4000  }
0x1f: {  	[sflag:s16] =	ssyncset.done $0x0  }
0x20: {  	s19 =	sadd.s32 $0x5D800, s21;
	[sflag:s16] =	ssyncadd.s32 $0xFFFFC000  }
0x21: {  	[hbm4b:s19+s2] =	stream.linear.scatter [tilespmem:s15], [sflag:$0x3], $0x4000, $0x38;
	[tilespmem:$0xA200] =	vst v63  }
0x22: {  	_ =	swait.ge [sflag:s17], $0x4000  }
0x23: {  	[sflag:s17] =	ssyncset.done $0x0  }
0x24: {  	[sflag:s17] =	ssyncadd.s32 $0xFFFFC000  }
0x25: {  	[tilespmem:s15], [sflag:$0x2] =	stream.indirect.gather [hbm4b:s13+s6], $0x80, s11, s6, $0xb8;
	[tilespmem:$0xA200] =	vst v63  }
0x26: {  	_ =	swait.ge [sflag:s16], $0x4000  }
0x27: {  	[sflag:s16] =	ssyncset.done $0x0  }
0x28: {  	s20 =	sadd.s32 $0x5E000, s21;
	[sflag:s16] =	ssyncadd.s32 $0xFFFFC000  }
0x29: {  	[hbm4b:s20+s2] =	stream.linear.scatter [tilespmem:s14], [sflag:$0x3], $0x4000, $0x38;
	[tilespmem:$0xA200] =	vst v63  }
0x2a: {  	_ =	swait.ge [sflag:s17], $0x4000  }
0x2b: {  	[sflag:s17] =	ssyncset.done $0x0  }
0x2c: {  	[sflag:s17] =	ssyncadd.s32 $0xFFFFC000  }
0x2d: {  	_ =	swait.ge [sflag:s16], $0x4000  }
0x2e: {  	[sflag:s16] =	ssyncset.done $0x0  }
0x2f: {  	s22 =	simm.s32 $0x1;
	s21 =	sadd.s32 $0x5E800, s21;
	[sflag:s16] =	ssyncadd.s32 $0xFFFFC000  }
0x30: {  	[hbm4b:s21+s2] =	stream.linear.scatter [tilespmem:s15], [sflag:$0x3], $0x4000, $0x38;
	[tilespmem:$0xA200] =	vst v63  }
0x31: {  	_ =	swait.ge [sflag:s22], $0x800  }
0x32: {  	[sflag:s22] =	ssyncset.done $0x0  }
0x33: {  	[sflag:s22] =	ssyncadd.s32 $0xFFFFF800  }
0x34: {  	_ =	swait.ge [sflag:s22], $0x800  }
0x35: {  	[sflag:s22] =	ssyncset.done $0x0  }
0x36: {  	[sflag:s22] =	ssyncadd.s32 $0xFFFFF800  }
0x37: {  	_ =	swait.ge [sflag:s22], $0x800  }
0x38: {  	s24 =	ssub.s32 $0x2, s24;
	[sflag:s22] =	ssyncset.done $0x0  }
0x39: {  	s31 =	sshrl.u32 s24, $0x1;
	[sflag:s22] =	ssyncadd.s32 $0xFFFFF800  }
0x3a: {  	s25 =	sshll.u32 s25, $0xA;
	s24 =	ssub.s32 s24, s31;
	_ =	swait.ge [sflag:s22], $0x800  }
0x3b: {  	s23 =	sadd.s32 s25, s23;
	s24 =	smax.u32 s24, $0x1;
	[sflag:s22] =	ssyncset.done $0x0  }
0x3c: {  	s23 =	sadd.s32 $0x55000, s23;
	p0 =	sne.s32 s24, $0x1;
	[sflag:s22] =	ssyncadd.s32 $0xFFFFF800  }
0x3d: {  	[hbm4b:s23+s2] =	stream.linear.scatter [tilespmem:s7], [sflag:$0x4], $0x2000, $0x38;
	[tilespmem:$0xA200] =	vst v63  }
.Ltmp0:
0x3e: {  	_ =	swait.ge [sflag:s4], $0x2000;
	(pc) =	sbr.rel @!p0 .LBB2_2-.Ltmp0, $4  }
0x3f: {  	[sflag:s4] =	ssyncset.done $0x0  }
0x40: {  	[sflag:s4] =	ssyncadd.s32 $0xFFFFE000  }
0x41: {  	_ =	swait.ge [sflag:s17], $0x4000  }
0x42: {  	s24 =	sadd.s32 $0xFFFFFFFF, s24;
	[sflag:s17] =	ssyncset.done $0x0  }
.LBB2_1:
0x43: {  	p0 =	sne.s32 s24, $0x1;
	s24 =	sadd.s32 $0xFFFFFFFF, s24;
	[sflag:s17] =	ssyncadd.s32 $0xFFFFC000  }
0x44: {  	[tilespmem:s2], [sflag:$0x4] =	stream.linear.gather [hbm4b:s3+s2], $0x200, $0x38;
	[tilespmem:$0xA200] =	vst v63  }
0x45: {  	_ =	swait.ge [sflag:s4], $0x200  }
0x46: {  	[sflag:s4] =	ssyncset.done $0x0  }
0x47: {  	[sflag:s4] =	ssyncadd.s32 $0xFFFFFE00  }
0x48: {  	[tilespmem:s7], [sflag:$0x1] =	stream.indirect.gather [hbm4b:s5+s6], $0x10, s2, s6, $0xb8;
	[tilespmem:$0xA200] =	vst v63  }
0x49: {  	_ = 	snop  }
0x4a: {  	[tilespmem:s8], [sflag:$0x1] =	stream.indirect.gather [hbm4b:s5+s6], $0x10, s6, s6, $0xb8;
	[tilespmem:$0xA200] =	vst v63  }
0x4b: {  	_ = 	snop  }
0x4c: {  	[tilespmem:s10], [sflag:$0x1] =	stream.indirect.gather [hbm4b:s5+s6], $0x10, s9, s6, $0xb8;
	[tilespmem:$0xA200] =	vst v63  }
0x4d: {  	_ = 	snop  }
0x4e: {  	[tilespmem:s12], [sflag:$0x1] =	stream.indirect.gather [hbm4b:s5+s6], $0x10, s11, s6, $0xb8;
	[tilespmem:$0xA200] =	vst v63  }
0x4f: {  	_ = 	snop  }
0x50: {  	[tilespmem:s14], [sflag:$0x2] =	stream.indirect.gather [hbm4b:s13+s6], $0x80, s2, s6, $0xb8;
	[tilespmem:$0xA200] =	vst v63  }
0x51: {  	_ = 	snop  }
0x52: {  	[tilespmem:s15], [sflag:$0x2] =	stream.indirect.gather [hbm4b:s13+s6], $0x80, s6, s6, $0xb8;
	[tilespmem:$0xA200] =	vst v63  }
0x53: {  	_ =	swait.ge [sflag:s16], $0x4000  }
0x54: {  	[sflag:s16] =	ssyncset.done $0x0  }
0x55: {  	[sflag:s16] =	ssyncadd.s32 $0xFFFFC000  }
0x56: {  	[hbm4b:s18+s2] =	stream.linear.scatter [tilespmem:s14], [sflag:$0x3], $0x4000, $0x38;
	[tilespmem:$0xA200] =	vst v63  }
0x57: {  	_ =	swait.ge [sflag:s17], $0x4000  }
0x58: {  	[sflag:s17] =	ssyncset.done $0x0  }
0x59: {  	[sflag:s17] =	ssyncadd.s32 $0xFFFFC000  }
0x5a: {  	[tilespmem:s14], [sflag:$0x2] =	stream.indirect.gather [hbm4b:s13+s6], $0x80, s9, s6, $0xb8;
	[tilespmem:$0xA200] =	vst v63  }
0x5b: {  	_ =	swait.ge [sflag:s16], $0x4000  }
0x5c: {  	[sflag:s16] =	ssyncset.done $0x0  }
0x5d: {  	[sflag:s16] =	ssyncadd.s32 $0xFFFFC000  }
0x5e: {  	[hbm4b:s19+s2] =	stream.linear.scatter [tilespmem:s15], [sflag:$0x3], $0x4000, $0x38;
	[tilespmem:$0xA200] =	vst v63  }
0x5f: {  	_ =	swait.ge [sflag:s17], $0x4000  }
0x60: {  	[sflag:s17] =	ssyncset.done $0x0  }
0x61: {  	[sflag:s17] =	ssyncadd.s32 $0xFFFFC000  }
0x62: {  	[tilespmem:s15], [sflag:$0x2] =	stream.indirect.gather [hbm4b:s13+s6], $0x80, s11, s6, $0xb8;
	[tilespmem:$0xA200] =	vst v63  }
0x63: {  	_ =	swait.ge [sflag:s16], $0x4000  }
0x64: {  	[sflag:s16] =	ssyncset.done $0x0  }
0x65: {  	[sflag:s16] =	ssyncadd.s32 $0xFFFFC000  }
0x66: {  	[hbm4b:s20+s2] =	stream.linear.scatter [tilespmem:s14], [sflag:$0x3], $0x4000, $0x38;
	[tilespmem:$0xA200] =	vst v63  }
0x67: {  	_ =	swait.ge [sflag:s17], $0x4000  }
0x68: {  	[sflag:s17] =	ssyncset.done $0x0  }
0x69: {  	[sflag:s17] =	ssyncadd.s32 $0xFFFFC000  }
0x6a: {  	_ =	swait.ge [sflag:s16], $0x4000  }
0x6b: {  	[sflag:s16] =	ssyncset.done $0x0  }
0x6c: {  	[sflag:s16] =	ssyncadd.s32 $0xFFFFC000  }
0x6d: {  	[hbm4b:s21+s2] =	stream.linear.scatter [tilespmem:s15], [sflag:$0x3], $0x4000, $0x38;
	[tilespmem:$0xA200] =	vst v63  }
0x6e: {  	_ =	swait.ge [sflag:s22], $0x800  }
0x6f: {  	[sflag:s22] =	ssyncset.done $0x0  }
0x70: {  	[sflag:s22] =	ssyncadd.s32 $0xFFFFF800  }
0x71: {  	_ =	swait.ge [sflag:s22], $0x800  }
0x72: {  	[sflag:s22] =	ssyncset.done $0x0  }
0x73: {  	[sflag:s22] =	ssyncadd.s32 $0xFFFFF800  }
0x74: {  	_ =	swait.ge [sflag:s22], $0x800  }
0x75: {  	[sflag:s22] =	ssyncset.done $0x0  }
0x76: {  	[sflag:s22] =	ssyncadd.s32 $0xFFFFF800  }
0x77: {  	_ =	swait.ge [sflag:s22], $0x800  }
0x78: {  	[sflag:s22] =	ssyncset.done $0x0  }
0x79: {  	[sflag:s22] =	ssyncadd.s32 $0xFFFFF800  }
0x7a: {  	[hbm4b:s23+s2] =	stream.linear.scatter [tilespmem:s7], [sflag:$0x4], $0x2000, $0x38;
	[tilespmem:$0xA200] =	vst v63  }
.Ltmp1:
0x7b: {  	_ =	swait.ge [sflag:s4], $0x2000;
	(pc) =	sbr.rel @p0 .LBB2_1-.Ltmp1, $4  }
0x7c: {  	[sflag:s4] =	ssyncset.done $0x0  }
0x7d: {  	[sflag:s4] =	ssyncadd.s32 $0xFFFFE000  }
0x7e: {  	_ =	swait.ge [sflag:s17], $0x4000  }
0x7f: {  	[sflag:s17] =	ssyncset.done $0x0  }
.LBB2_2:
0x80: {  	[sflag:s17] =	ssyncadd.s32 $0xFFFFC000  }
0x81: {  	_ =	sfence.sel $0x180000  }
0x82: {  	[bflag:$0x0] =	sbarrier.arrive $0xFFFF  }
0x83: {  	p0 =	sne.s32 s0, $0x0;
	_ =	strace $0x9000004D  }
0x84: {  	s0 =	sadd.s32 @!p0 $0x100000, s1;
	[bflag:$0x2] =	sbarrier.arrive $0xFFFF  }
0x85: {  	[sflag:s0] =	ssyncadd.tile.s32 @!p0 $0x1;
	_ =	shalt  }
.Lfunc_end2:
_tile_overlayer_lowered:
.L_overlay_start_2:
0x86: {  	(tag) =	ssettag $0x2  }
0x87: {  	s0 =	rddreg [dreg:$0x0];
	s2 =	stileid.u32  }
0x88: {  	s1 =	rddreg [dreg:$0x1];
	p0 =	sne.s32 s2, $0x0  }
0x89: {  	s3 =	rddreg [dreg:$0x2];
	[bflag:$0x3] =	sbarrier.arrive $0xFFFF;
	s2 =	simm.s32 @!p0 $0x1C04  }
0x8a: {  	[timem:s3], [sflag:s2] =	dma.local @!p0 [hbm:s0], s1  }
0x8b: {  	s0 =	simm.s32 @!p0 $0x4  }
0x8c: {  	_ =	swait.ge @!p0 [sflag:s0], s1  }
0x8d: {  	s1 =	ssub.s32 @!p0 $0x0, s1;
	[sflag:s0] =	ssyncset.done @!p0 $0x0  }
0x8e: {  	[sflag:s0] =	ssyncadd.s32 @!p0 s1  }
0x8f: {  	[bflag:$0x3] =	sbarrier.arrive $0xFFFF  }
0x90: {  	_ =	shalt  }

// kernel: kernel.19.cloned.1.call-start
scs
__scs_entry_jumppad:
0x0: {  	(pc) =	sbr.rel $0x88, $3  }
0x1: {  	(tag) =	ssettag $0x0;
	lr =	simm.s32 $0x1  }
0x2: {  	[smem:$0x3F87] =	sst lr;
	_ =	strace $0xD0000000  }
0x3: {  	_ = 	snop  }
0x4: {  	_ = 	snop  }
0x5: {  	_ = 	snop  }
0x6: {  	_ = 	snop  }
0x7: {  	_ = 	snop  }
__scs_overlays_trampoline_lowered:
0x8: {  	[smem:$0x3F96] =	sst s0  }
0x9: {  	[smem:$0x3F97] =	sst s1  }
0xa: {  	[smem:$0x3F98] =	sst s2  }
0xb: {  	[smem:$0x3F99] =	sst s3  }
0xc: {  	[smem:$0x3F9A] =	sst s4  }
0xd: {  	[smem:$0x3F9B] =	sst s5  }
0xe: {  	[smem:$0x3F9C] =	sst s6  }
0xf: {  	[smem:$0x3F9D] =	sst s7  }
0x10: {  	[smem:$0x3F9E] =	sst s8  }
0x11: {  	[smem:$0x3F9F] =	sst s9;
	s0 =	simm.s32 @!p0 $0x0  }
0x12: {  	s1 =	sld [smem:$0x3F85];
	s0 =	simm.s32 @p0 $0x1  }
0x13: {  	[smem:$0x3FA0] =	sst s0;
	s0 =	simm.s32 @!p1 $0x0  }
0x14: {  	s2 =	sld [smem:$0x3F84];
	s0 =	simm.s32 @p1 $0x1  }
0x15: {  	[smem:$0x3FA1] =	sst s0;
	s0 =	simm.s32 @!p2 $0x0  }
0x16: {  	s3 =	sld [smem:$0x3FDB];
	s0 =	simm.s32 @p2 $0x1  }
0x17: {  	s4 =	simm.s32 $0x1BF5;
	[smem:$0x3FA3] =	sst s0  }
0x18: {  	s0 =	sld [smem:$0x3F86];
	_ =	swait.ge [sflag:s4], $0x0  }
0x19: {  	s7 =	sld [smem:$0x3F87]  }
0x1a: {  	s8 =	sadd.s32 $0xFFFFE003, lr  }
0x1b: {  	s9 =	sadd.s32 $0xFFFFFEF7, lr;
	s5 =	simm.s32 $0xFFFFFFFF;
	p2 =	slt.u32 s8, $0xFFFFF086  }
0x1c: {  	p1 =	slt.u32 s9, $0xF7A;
	s5 =	simm.s32 @!p2 $0x0  }
0x1d: {  	s5 =	simm.s32 @p1 $0x1;
	p0 =	seq.s32 s7, s2  }
0x1e: {  	s7 =	smul.u32 @!p0 $0xF7A, s2;
	p2 =	seq.s32 @!p0 s5, $0x0  }
0x1f: {  	s9 =	smul.u32 $0xF7A, s1;
	s8 =	simm.s32 @!p0 $0x1BF5;
	p2 =	por !p2, p0  }
0x20: {  	[sflag:s8] =	ssyncset.s32 @!p0 $0xFFFFF086;
	s6 =	sadd.s32 @!p0 s3, s7;
	s7 =	simm.s32 @!p0 $0x108  }
0x21: {  	s3 =	sadd.s32 s3, s9;
	s6 =	sadd.s32 @!p0 $0x88, s6;
	s7 =	simm.s32 @p2 $0x1082  }
0x22: {  	[simem:s7], [sflag:s8] =	dma.local @!p0 [hbm:s6], $0xF7A  }
0x23: {  	s9 =	sor.u32 $0xD0000000, s2;
	s6 =	simm.s32 $0x108;
	_ =	swait.ge @!p0 [sflag:s8], $0x0  }
0x24: {  	s3 =	sadd.s32 $0x88, s3;
	s6 =	simm.s32 @!p1 $0x1082;
	[sflag:s4] =	ssyncset.s32 $0xFFFFF086  }
0x25: {  	[simem:s6], [sflag:s4] =	dma.local [hbm:s3], $0xF7A  }
0x26: {  	[smem:$0x3F87] =	sst s1;
	(tag) =	ssettag s2;
	_ =	strace s9  }
0x27: {  	s1 =	sld [smem:$0x3F97]  }
0x28: {  	s2 =	sld [smem:$0x3F98]  }
0x29: {  	s4 =	sld [smem:$0x3F9A]  }
0x2a: {  	p0 =	seq.s32 s5, $0x0;
	s5 =	sld [smem:$0x3F9B]  }
0x2b: {  	s6 =	sld [smem:$0x3F9C]  }
0x2c: {  	s7 =	sld [smem:$0x3F9D]  }
0x2d: {  	s3 =	simm.s32 $0x108;
	s8 =	sld [smem:$0x3F9E]  }
0x2e: {  	s3 =	simm.s32 @!p0 $0x1082;
	s9 =	sld [smem:$0x3F9F]  }
0x2f: {  	lr =	sadd.s32 s0, s3;
	s0 =	sld [smem:$0x3F96]  }
0x30: {  	s3 =	sld [smem:$0x3F99]  }
0x31: {  	[smem:$0x3FA2] =	sst s10  }
0x32: {  	s10 =	sld [smem:$0x3FA0];
	_ =	sdelay $0x3  }
0x33: {  	p0 =	seq.s32 s10, $0x1;
	s10 =	sld [smem:$0x3FA2];
	_ =	sdelay $0x3  }
0x34: {  	[smem:$0x3FA2] =	sst s10  }
0x35: {  	s10 =	sld [smem:$0x3FA1];
	_ =	sdelay $0x3  }
0x36: {  	p1 =	seq.s32 s10, $0x1;
	s10 =	sld [smem:$0x3FA2];
	_ =	sdelay $0x3  }
0x37: {  	[smem:$0x3FA2] =	sst s10  }
0x38: {  	s10 =	sld [smem:$0x3FA3]  }
0x39: {  	_ = 	snop;
	(pc) =	sbr.ind lr, $3  }
0x3a: {  	_ = 	snop  }
0x3b: {  	_ = 	snop  }
0x3c: {  	p2 =	seq.s32 s10, $0x1;
	s10 =	sld [smem:$0x3FA2]  }
0x3d: {  	_ =	shalt  }
0x3e: {  	_ =	shalt  }
0x3f: {  	_ =	shalt  }
0x40: {  	_ =	shalt  }
0x41: {  	_ =	shalt  }
0x42: {  	_ =	shalt  }
0x43: {  	_ =	shalt  }
0x44: {  	_ =	shalt  }
0x45: {  	_ =	shalt  }
0x46: {  	_ =	shalt  }
0x47: {  	_ =	shalt  }
0x48: {  	_ =	shalt  }
0x49: {  	_ =	shalt  }
0x4a: {  	_ =	shalt  }
0x4b: {  	_ =	shalt  }
0x4c: {  	_ =	shalt  }
0x4d: {  	_ =	shalt  }
0x4e: {  	_ =	shalt  }
0x4f: {  	_ =	shalt  }
0x50: {  	_ =	shalt  }
0x51: {  	_ =	shalt  }
0x52: {  	_ =	shalt  }
0x53: {  	_ =	shalt  }
0x54: {  	_ =	shalt  }
0x55: {  	_ =	shalt  }
0x56: {  	_ =	shalt  }
0x57: {  	_ =	shalt  }
0x58: {  	_ =	shalt  }
0x59: {  	_ =	shalt  }
0x5a: {  	_ =	shalt  }
0x5b: {  	_ =	shalt  }
0x5c: {  	_ =	shalt  }
0x5d: {  	_ =	shalt  }
0x5e: {  	_ =	shalt  }
0x5f: {  	_ =	shalt  }
0x60: {  	_ =	shalt  }
0x61: {  	_ =	shalt  }
0x62: {  	_ =	shalt  }
0x63: {  	_ =	shalt  }
0x64: {  	_ =	shalt  }
0x65: {  	_ =	shalt  }
0x66: {  	_ =	shalt  }
0x67: {  	_ =	shalt  }
0x68: {  	_ =	shalt  }
0x69: {  	_ =	shalt  }
0x6a: {  	_ =	shalt  }
0x6b: {  	_ =	shalt  }
0x6c: {  	_ =	shalt  }
0x6d: {  	_ =	shalt  }
0x6e: {  	_ =	shalt  }
0x6f: {  	_ =	shalt  }
0x70: {  	_ =	shalt  }
0x71: {  	_ =	shalt  }
0x72: {  	_ =	shalt  }
0x73: {  	_ =	shalt  }
0x74: {  	_ =	shalt  }
0x75: {  	_ =	shalt  }
0x76: {  	_ =	shalt  }
0x77: {  	_ =	shalt  }
0x78: {  	_ =	shalt  }
0x79: {  	_ =	shalt  }
0x7a: {  	_ =	shalt  }
0x7b: {  	_ =	shalt  }
0x7c: {  	_ =	shalt  }
0x7d: {  	_ =	shalt  }
0x7e: {  	_ =	shalt  }
0x7f: {  	_ =	shalt  }
0x80: {  	_ =	shalt  }
0x81: {  	_ =	shalt  }
0x82: {  	_ =	shalt  }
0x83: {  	_ =	shalt  }
0x84: {  	_ =	shalt  }
0x85: {  	_ =	shalt  }
0x86: {  	_ =	shalt  }
0x87: {  	_ =	shalt  }
.Lfunc_end0:
.L_simem_size_0:
called_computation.2_lowered:
.L_overlay_start_0:
0x88: {  	s2 =	sld [smem:$0x3FD9]  }
0x89: {  	s3 =	sld [smem:$0x3FFE];
	_ =	sdelay $0x1  }
0x8a: {  	s1 =	srdreg.scid  }
0x8b: {  	s0 =	sand.u32 $0x1, s1  }
0x8c: {  	s17 =	sshll.u32 s0, $0xA;
	s2 =	sadd.s32 s3, s2  }
0x8d: {  	s2 =	sadd.s32 s2, s17  }
0x8e: {  	[smem:$0x3FAE] =	sst s2  }
0x8f: {  	_ = 	snop  }
0x90: {  	s18 =	sld [smem:$0x3FB0]  }
0x91: {  	s4 =	sld [smem:$0x3FD0];
	(tm) =	ssettm $0x1  }
0x92: {  	s19 =	sld [smem:$0x3FFB];
	_ =	sdelay $0x3  }
0x93: {  	_ =	strace s19  }
0x94: {  	s2 =	sld [smem:$0x3FFC];
	_ =	sdelay $0x3  }
0x95: {  	_ =	strace s2  }
0x96: {  	s2 =	sld [smem:$0x3FFD];
	_ =	sdelay $0x3  }
0x97: {  	_ =	strace s2  }
0x98: {  	_ =	strace $0x8FFFFFFF  }
0x99: {  	s20 =	sld [smem:$0x3FDB];
	_ =	sdelay $0x1  }
0x9a: {  	s5 =	simm.s32 $_scs_section_size  }
0x9b: {  	s6 =	simm.s32 $_size__tile_overlayer_lowered;
	s7 =	simm.s32 $_tile_overlayer_lowered  }
0x9c: {  	s8 =	simm.s32 $0x1BFF;
	s21 =	sshll.u32 s7, $0x1;
	s5 =	sadd.s32 s5, s20  }
0x9d: {  	s22 =	simm.s32 $0x0;
	s6 =	sshll.u32 s6, $0x1;
	s7 =	sadd.s32 s21, s5  }
0x9e: {  	[timem:s22], [sflag:s8] =	dma.local [hbm:s7], s6  }
0x9f: {  	_ =	swait.ge [sflag:s8], s6  }
0xa0: {  	s6 =	ssub.s32 $0x0, s6;
	[sflag:s8] =	ssyncset.done $0x0  }
0xa1: {  	[sflag:s8] =	ssyncadd.s32 s6;
	_ =	sdelay $0x1  }
0xa2: {  	s23 =	simm.s32 $0x1B8B  }
0xa3: {  	_ =	swait.ge [sflag:s23], $0x1  }
0xa4: {  	[sflag:s23] =	ssyncset.done $0x0  }
0xa5: {  	[sflag:s23] =	ssyncadd.s32 $0xFFFFFFFF  }
0xa6: {  	s6 =	sld [smem:$0x0]  }
0xa7: {  	s7 =	sand.u32 $0xFFFFFFFE, s1  }
0xa8: {  	p0 =	sne.s32 s1, s7  }
0xa9: {  	s7 =	sshll.u32 @p0 s7, $0xE  }
0xaa: {  	s7 =	sadd.s32 @p0 $0x11B8D, s7;
	s8 =	sshll.u32 @p0 s6, $0x11  }
0xab: {  	s7 =	sor.u32 @p0 s8, s7  }
0xac: {  	[sflag:s7] =	ssyncadd.remote.s32 @p0 $0x1;
	_ =	sdelay $0x1  }
0xad: {  	s7 =	simm.s32 @p0 $0x1B8D  }
0xae: {  	_ =	swait.eq @p0 [sflag:s7], $0x1  }
0xaf: {  	[sflag:s7] =	ssyncadd.s32 @p0 $0xFFFFFFFF  }
0xb0: {  	s8 =	sshll.u32 @!p0 s1, $0xE  }
0xb1: {  	s8 =	sor.u32 @!p0 $0x4000, s8;
	s7 =	simm.s32 @!p0 $0x1B8D  }
0xb2: {  	s6 =	sshll.u32 @!p0 s6, $0x11;
	s8 =	sadd.s32 @!p0 $0x11B8D, s8;
	_ =	swait.eq @!p0 [sflag:s7], $0x1  }
0xb3: {  	s6 =	sor.u32 @!p0 s6, s8;
	[sflag:s7] =	ssyncadd.s32 @!p0 $0xFFFFFFFF  }
0xb4: {  	s25 =	simm.s32 $0x1B8E;
	s24 =	sld [smem:$0x3FFE];
	[sflag:s6] =	ssyncadd.remote.s32 @!p0 $0x1  }
0xb5: {  	s26 =	simm.s32 $execute0_lowered;
	[smem:$0x3FD2] =	sst s25  }
0xb6: {  	s7 =	sshll.u32 s26, $0x1;
	_ =	strace $0x80000052;
	[dreg:$0x1] =	wrdreg $0xFFFFFFFF  }
0xb7: {  	s28 =	simm.s32 $_size_execute0_lowered;
	s5 =	sadd.s32 s5, s7;
	[dreg:$0x0] =	wrdreg $0x0  }
0xb8: {  	s7 =	sshll.u32 s28, $0x1;
	[dreg:$0x2] =	wrdreg s5  }
0xb9: {  	[dreg:$0x3] =	wrdreg s7  }
0xba: {  	[dreg:$0x4] =	wrdreg $0xC0  }
0xbb: {  	_ =	task [dreg:s22], $0x5FFFF  }
0xbc: {  	[dreg:$0x1] =	wrdreg $0xFFFFFFFF  }
0xbd: {  	[dreg:$0x0] =	wrdreg $0x60  }
0xbe: {  	[dreg:$0x2] =	wrdreg s4  }
0xbf: {  	[dreg:$0x3] =	wrdreg s24  }
0xc0: {  	[dreg:$0x4] =	wrdreg s18  }
0xc1: {  	[dreg:$0x5] =	wrdreg $0x146000  }
0xc2: {  	[dreg:$0x6] =	wrdreg $0x166000  }
0xc3: {  	[dreg:$0x7] =	wrdreg $0x186000  }
0xc4: {  	[dreg:$0x8] =	wrdreg $0x9  }
0xc5: {  	_ =	task.clear_ibuf [dreg:s22], $0x9FFFF;
	_ =	strace $0x90000052  }
0xc6: {  	s29 =	simm.s32 $0x9;
	_ =	strace $0x80000054  }
0xc7: {  	_ =	swait.ge [sflag:s29], $0x1  }
0xc8: {  	[sflag:s29] =	ssyncadd.s32 $0xFFFFFFFF  }
0xc9: {  	_ =	strace $0x90000054  }
0xca: {  	_ =	sfence  }
0xcb: {  	s30 =	sld [smem:$0x0];
	_ =	sdelay $0x2  }
0xcc: {  	s31 =	sshll.u32 s1, $0xD;
	s1 =	sshrl.u32 s1, $0x2  }
0xcd: {  	s4 =	sand.u32 $0x4000, s31;
	s1 =	sadd.s32 s1, s30  }
0xce: {  	s0 =	sor.u32 s4, s0;
	s1 =	sshll.u32 s1, $0x11  }
0xcf: {  	s0 =	sor.u32 s1, s0  }
0xd0: {  	s0 =	sadd.s32 $0x8F2B, s0  }
0xd1: {  	[sflag:s0] =	ssyncadd.remote.s32 $0x1  }
0xd2: {  	_ =	sfence.sel $0xFFFF  }
0xd3: {  	[dreg:$0x0] =	wrdreg $0xFFFFFFFF;
	(pc) =	sbr.abs _section_cstart, $3  }
0xd4: {  	[dreg:$0x1] =	wrdreg $0xFFFFFFFF  }
0xd5: {  	_ =	task.clear_ibuf [dreg:s22], $0x2FFFF;
	_ =	strace $0x9FFFFFFF  }
0xd6: {  	(tm) =	ssettm $0x7FFFFFFF  }
0xd7: {  	_ =	shalt  }
tec
execute0_lowered:
.L_overlay_start_1:
0x0: {  	(tag) =	ssettag $0x1  }
0x1: {  	s0 =	rddreg [dreg:$0x0]  }
0x2: {  	s1 =	rddreg [dreg:$0x1]  }
0x3: {  	s6 =	rddreg [dreg:$0x2]  }
0x4: {  	s3 =	rddreg [dreg:$0x3]  }
0x5: {  	s4 =	rddreg [dreg:$0x4]  }
0x6: {  	s5 =	rddreg [dreg:$0x5]  }
0x7: {  	s26 =	rddreg [dreg:$0x6];
	s7 =	srdreg.scid  }
0x8: {  	s17 =	stileid.u32;
	s2 =	simm.s32 $0x0;
	s31 =	simm.s32 $0x10200  }
0x9: {  	p0 =	por $0x0, $0x0;
	s30 =	simm.s32 $0x11200;
	s29 =	simm.s32 $0x11A00  }
0xa: {  	s7 =	sand.u32 $0x1, s7;
	s8 =	sshll.u32 s17, $0x1;
	[smem:$0x7FF] =	sst s2  }
0xb: {  	s11 =	sadd.s32 $0x55000, s1;
	s10 =	sshll.u32 s17, $0x6;
	s13 =	sshll.u32 s17, $0xA  }
0xc: {  	s14 =	sshll.u32 s17, $0x7;
	s17 =	sshll.u32 s17, $0xD;
	s8 =	sor.u32 s7, s8  }
0xd: {  	_ =	strace $0x80000053;
	s12 =	sshll.u32 s7, $0xA;
	s22 =	sadd.s32 s13, s1  }
0xe: {  	s14 =	sadd.s32 s14, s1;
	s7 =	ssub.s32 $0x2, s7;
	s9 =	sshll.u32 s8, $0xA  }
0xf: {  	s10 =	sor.u32 s10, s12;
	s23 =	sshrl.u32 s7, $0x1;
	s12 =	sadd.s32 $0xDD000, s22  }
0x10: {  	s24 =	sadd.s32 $0x8000, s14;
	s25 =	sshll.u32 s8, $0x6;
	s14 =	sshll.u32 s8, $0xD  }
0x11: {  	s8 =	simm.s32 $0x3;
	s9 =	sadd.s32 s9, s1;
	s15 =	sshll.u32 s10, $0x4  }
0x12: {  	s10 =	sshll.u32 s10, $0x1;
	[dreg:$0x7] =	wrdreg s12;
	s16 =	ssub.s32 s7, s23  }
0x13: {  	[dreg:$0x8] =	wrdreg s24;
	s6 =	sadd.s32 s6, s25;
	s18 =	sadd.s32 s0, s14  }
0x14: {  	s19 =	sadd.s32 s11, s14;
	s20 =	sor.u32 $0x800, s14;
	s23 =	sor.u32 $0x1000, s14  }
0x15: {  	s7 =	sor.u32 $0x1800, s14;
	s15 =	sadd.s32 s15, s1;
	[dreg:$0x9] =	wrdreg s6  }
0x16: {  	s1 =	sadd.s32 s10, s1;
	s12 =	sadd.s32 $0x95000, s9;
	[dreg:$0xb] =	wrdreg s18  }
0x17: {  	s10 =	sadd.s32 s17, s3;
	[dreg:$0xc] =	wrdreg s19;
	s21 =	sadd.s32 s0, s20  }
0x18: {  	s22 =	sadd.s32 s11, s20;
	s9 =	sadd.s32 s17, s4;
	s24 =	sadd.s32 s0, s23  }
0x19: {  	s6 =	sadd.s32 s13, s5;
	s28 =	sadd.s32 s11, s23;
	s25 =	smax.u32 s16, $0x1  }
0x1a: {  	s13 =	simm.s32 $0x12200;
	s23 =	simm.s32 $0x200;
	s16 =	simm.s32 $0x4200  }
0x1b: {  	s17 =	simm.s32 $0xC200;
	s19 =	simm.s32 $0x1;
	[dreg:$0xa] =	wrdreg s12  }
0x1c: {  	s18 =	simm.s32 $0x2;
	[dreg:$0xd] =	wrdreg s21;
	p1 =	sne.s32 s25, $0x1  }
.Ltmp0:
0x1d: {  	s20 =	simm.s32 $0x180;
	[dreg:$0xe] =	wrdreg s22;
	(pc) =	sbr.rel @!p1 .LBB2_1-.Ltmp0, $4  }
0x1e: {  	[dreg:$0xf] =	wrdreg s24;
	s21 =	sadd.s32 s0, s7;
	s22 =	sadd.s32 s11, s7  }
0x1f: {  	s14 =	sadd.s32 $0xF2000, s15;
	s12 =	sadd.s32 $0xFA000, s15;
	s7 =	sadd.s32 $0x8800, s1  }
0x20: {  	s11 =	simm.s32 $0x14200;
	s24 =	simm.s32 $0x8200;
	s15 =	simm.s32 $0x80  }
0x21: {  	s0 =	sadd.s32 $0xFFFFFFFF, s25;
	s25 =	simm.s32 $0x100;
	s1 =	rddreg [dreg:$0x7]  }
0x22: {  	[tilespmem:s13], [sflag:$0x3] =	stream.linear.gather [hbm4b:s1+s2], $0x2000, $0x38;
	[tilespmem:$0x18A00] =	vst v63  }
0x23: {  	_ =	swait.ge [sflag:s8], $0x2000  }
0x24: {  	[sflag:s8] =	ssyncset.done $0x0  }
0x25: {  	[sflag:s8] =	ssyncadd.s32 $0xFFFFE000  }
0x26: {  	[spmem:s10] =	stream.linear.scatter [tilespmem:s13], [sflag:$0x3], $0x2000, $0x38;
	[tilespmem:$0x18A00] =	vst v63  }
0x27: {  	_ =	swait.ge [sflag:s8], $0x2000  }
0x28: {  	[sflag:s8] =	ssyncset.done $0x0  }
0x29: {  	[sflag:s8] =	ssyncadd.s32 $0xFFFFE000  }
0x2a: {  	[spmem:s9] =	stream.linear.scatter [tilespmem:s13], [sflag:$0x3], $0x2000, $0x38;
	[tilespmem:$0x18A00] =	vst v63  }
0x2b: {  	_ =	swait.ge [sflag:s8], $0x2000  }
0x2c: {  	[sflag:s8] =	ssyncset.done $0x0  }
0x2d: {  	s26 =	rddreg [dreg:$0x8];
	[sflag:s8] =	ssyncadd.s32 $0xFFFFE000  }
0x2e: {  	[tilespmem:s11], [sflag:$0x3] =	stream.linear.gather [hbm4b:s26+s2], $0x400, $0x38;
	[tilespmem:$0x18A00] =	vst v63  }
0x2f: {  	_ =	swait.ge [sflag:s8], $0x400  }
0x30: {  	[sflag:s8] =	ssyncset.done $0x0  }
0x31: {  	[sflag:s8] =	ssyncadd.s32 $0xFFFFFC00  }
0x32: {  	[spmem:s6] =	stream.linear.scatter [tilespmem:s11], [sflag:$0x3], $0x400, $0x38;
	[tilespmem:$0x18A00] =	vst v63  }
0x33: {  	_ =	swait.ge [sflag:s8], $0x400  }
0x34: {  	[sflag:s8] =	ssyncset.done $0x0  }
0x35: {  	s26 =	rddreg [dreg:$0x9];
	[sflag:s8] =	ssyncadd.s32 $0xFFFFFC00  }
0x36: {  	[tilespmem:s2], [sflag:$0x3] =	stream.linear.gather [hbm4b:s26+s2], $0x200, $0x38;
	[tilespmem:$0x18A00] =	vst v63  }
0x37: {  	_ =	swait.ge [sflag:s8], $0x200  }
0x38: {  	[sflag:s8] =	ssyncset.done $0x0  }
0x39: {  	s26 =	rddreg [dreg:$0xa];
	[sflag:s8] =	ssyncadd.s32 $0xFFFFFE00  }
0x3a: {  	[tilespmem:s31], [sflag:$0x3] =	stream.linear.gather [hbm4b:s26+s2], $0x2000, $0x38;
	[tilespmem:$0x18A00] =	vst v63  }
0x3b: {  	_ =	swait.ge [sflag:s8], $0x2000  }
0x3c: {  	[sflag:s8] =	ssyncset.done $0x0  }
0x3d: {  	[sflag:s8] =	ssyncadd.s32 $0xFFFFE000  }
0x3e: {  	[bflag:$0x0] =	sbarrier.arrive $0xFFFF  }
0x3f: {  	s1 =	rddreg [dreg:$0xb]  }
0x40: {  	[tilespmem:s23], [sflag:$0x1] =	stream.linear.gather [hbm4b:s1+s2], $0x4000, $0x38;
	[tilespmem:$0x18A00] =	vst v63  }
0x41: {  	s26 =	smov.u32 s0;
	s0 =	rddreg [dreg:$0xc]  }
0x42: {  	[tilespmem:s24], [sflag:$0x1] =	stream.linear.gather [hbm4b:s0+s2], $0x4000, $0x38;
	[tilespmem:$0x18A00] =	vst v63  }
0x43: {  	_ = 	snop  }
0x44: {  	[spmem:s5] =	stream.indirect.scatter.add.f32 [tilespmem:s31], [sflag:$0x3], $0x10, s2, s15, $0xb8;
	[tilespmem:$0x18A00] =	vst v63  }
0x45: {  	_ =	swait.ge [sflag:s8], $0x800  }
0x46: {  	[sflag:s8] =	ssyncset.done $0x0  }
0x47: {  	s0 =	rddreg [dreg:$0xd];
	[sflag:s8] =	ssyncadd.s32 $0xFFFFF800  }
0x48: {  	[tilespmem:s16], [sflag:$0x1] =	stream.linear.gather [hbm4b:s0+s2], $0x4000, $0x38;
	[tilespmem:$0x18A00] =	vst v63  }
0x49: {  	s1 =	rddreg [dreg:$0xe]  }
0x4a: {  	[tilespmem:s17], [sflag:$0x1] =	stream.linear.gather [hbm4b:s1+s2], $0x4000, $0x38;
	[tilespmem:$0x18A00] =	vst v63  }
0x4b: {  	_ =	swait.ge [sflag:s19], $0x4000  }
0x4c: {  	[sflag:s19] =	ssyncset.done $0x0  }
0x4d: {  	[sflag:s19] =	ssyncadd.s32 $0xFFFFC000  }
0x4e: {  	_ =	swait.ge [sflag:s19], $0x4000  }
0x4f: {  	[sflag:s19] =	ssyncset.done $0x0  }
0x50: {  	[sflag:s19] =	ssyncadd.s32 $0xFFFFC000  }
0x51: {  	[spmem:s3] =	stream.indirect.scatter.add.f32 [tilespmem:s23], [sflag:$0x2], $0x80, s2, s15, $0xb8;
	[tilespmem:$0x18A00] =	vst v63  }
0x52: {  	_ = 	snop  }
0x53: {  	[spmem:s4] =	stream.indirect.scatter.add.f32 [tilespmem:s24], [sflag:$0x2], $0x80, s2, s15, $0xb8;
	[tilespmem:$0x18A00] =	vst v63  }
0x54: {  	s1 =	simm.s32 $0x10A00  }
0x55: {  	[spmem:s5] =	stream.indirect.scatter.add.f32 [tilespmem:s1], [sflag:$0x3], $0x10, s15, s15, $0xb8;
	[tilespmem:$0x18A00] =	vst v63  }
0x56: {  	_ =	swait.ge [sflag:s8], $0x800  }
0x57: {  	[sflag:s8] =	ssyncset.done $0x0  }
0x58: {  	[sflag:s8] =	ssyncadd.s32 $0xFFFFF800  }
0x59: {  	_ =	swait.ge [sflag:s18], $0x4000  }
0x5a: {  	[sflag:s18] =	ssyncset.done $0x0  }
0x5b: {  	[sflag:s18] =	ssyncadd.s32 $0xFFFFC000  }
0x5c: {  	_ =	swait.ge [sflag:s18], $0x4000  }
0x5d: {  	[sflag:s18] =	ssyncset.done $0x0  }
0x5e: {  	s1 =	rddreg [dreg:$0xf];
	[sflag:s18] =	ssyncadd.s32 $0xFFFFC000  }
0x5f: {  	[tilespmem:s23], [sflag:$0x1] =	stream.linear.gather [hbm4b:s1+s2], $0x4000, $0x38;
	[tilespmem:$0x18A00] =	vst v63  }
0x60: {  	_ = 	snop  }
0x61: {  	[tilespmem:s24], [sflag:$0x1] =	stream.linear.gather [hbm4b:s28+s2], $0x4000, $0x38;
	[tilespmem:$0x18A00] =	vst v63  }
0x62: {  	_ =	swait.ge [sflag:s19], $0x4000  }
0x63: {  	[sflag:s19] =	ssyncset.done $0x0  }
0x64: {  	[sflag:s19] =	ssyncadd.s32 $0xFFFFC000  }
0x65: {  	_ =	swait.ge [sflag:s19], $0x4000  }
0x66: {  	[sflag:s19] =	ssyncset.done $0x0  }
0x67: {  	[sflag:s19] =	ssyncadd.s32 $0xFFFFC000  }
0x68: {  	[spmem:s3] =	stream.indirect.scatter.add.f32 [tilespmem:s16], [sflag:$0x2], $0x80, s15, s15, $0xb8;
	[tilespmem:$0x18A00] =	vst v63  }
0x69: {  	_ = 	snop  }
0x6a: {  	[spmem:s4] =	stream.indirect.scatter.add.f32 [tilespmem:s17], [sflag:$0x2], $0x80, s15, s15, $0xb8;
	[tilespmem:$0x18A00] =	vst v63  }
0x6b: {  	_ = 	snop  }
0x6c: {  	[spmem:s5] =	stream.indirect.scatter.add.f32 [tilespmem:s30], [sflag:$0x3], $0x10, s25, s15, $0xb8;
	[tilespmem:$0x18A00] =	vst v63  }
0x6d: {  	_ =	swait.ge [sflag:s8], $0x800  }
0x6e: {  	[sflag:s8] =	ssyncset.done $0x0  }
0x6f: {  	[sflag:s8] =	ssyncadd.s32 $0xFFFFF800  }
0x70: {  	_ =	swait.ge [sflag:s18], $0x4000  }
0x71: {  	[sflag:s18] =	ssyncset.done $0x0  }
0x72: {  	[sflag:s18] =	ssyncadd.s32 $0xFFFFC000  }
0x73: {  	_ =	swait.ge [sflag:s18], $0x4000  }
0x74: {  	[sflag:s18] =	ssyncset.done $0x0  }
0x75: {  	[sflag:s18] =	ssyncadd.s32 $0xFFFFC000  }
0x76: {  	[tilespmem:s16], [sflag:$0x1] =	stream.linear.gather [hbm4b:s21+s2], $0x4000, $0x38;
	[tilespmem:$0x18A00] =	vst v63  }
0x77: {  	_ = 	snop  }
0x78: {  	[tilespmem:s17], [sflag:$0x1] =	stream.linear.gather [hbm4b:s22+s2], $0x4000, $0x38;
	[tilespmem:$0x18A00] =	vst v63  }
0x79: {  	_ =	swait.ge [sflag:s19], $0x4000  }
0x7a: {  	[sflag:s19] =	ssyncset.done $0x0  }
0x7b: {  	[sflag:s19] =	ssyncadd.s32 $0xFFFFC000  }
0x7c: {  	_ =	swait.ge [sflag:s19], $0x4000  }
0x7d: {  	[sflag:s19] =	ssyncset.done $0x0  }
0x7e: {  	[sflag:s19] =	ssyncadd.s32 $0xFFFFC000  }
0x7f: {  	[spmem:s3] =	stream.indirect.scatter.add.f32 [tilespmem:s23], [sflag:$0x2], $0x80, s25, s15, $0xb8;
	[tilespmem:$0x18A00] =	vst v63  }
0x80: {  	_ = 	snop  }
0x81: {  	[spmem:s4] =	stream.indirect.scatter.add.f32 [tilespmem:s24], [sflag:$0x2], $0x80, s25, s15, $0xb8;
	[tilespmem:$0x18A00] =	vst v63  }
0x82: {  	_ = 	snop  }
0x83: {  	[spmem:s5] =	stream.indirect.scatter.add.f32 [tilespmem:s29], [sflag:$0x3], $0x10, s20, s15, $0xb8;
	[tilespmem:$0x18A00] =	vst v63  }
0x84: {  	_ =	swait.ge [sflag:s8], $0x800  }
0x85: {  	[sflag:s8] =	ssyncset.done $0x0  }
0x86: {  	[sflag:s8] =	ssyncadd.s32 $0xFFFFF800  }
0x87: {  	_ =	swait.ge [sflag:s18], $0x4000  }
0x88: {  	[sflag:s18] =	ssyncset.done $0x0  }
0x89: {  	[sflag:s18] =	ssyncadd.s32 $0xFFFFC000  }
0x8a: {  	_ =	swait.ge [sflag:s18], $0x4000  }
0x8b: {  	[sflag:s18] =	ssyncset.done $0x0  }
0x8c: {  	[sflag:s18] =	ssyncadd.s32 $0xFFFFC000  }
0x8d: {  	_ =	swait.ge [sflag:s19], $0x4000  }
0x8e: {  	[sflag:s19] =	ssyncset.done $0x0  }
0x8f: {  	[sflag:s19] =	ssyncadd.s32 $0xFFFFC000  }
0x90: {  	_ =	swait.ge [sflag:s19], $0x4000  }
0x91: {  	[sflag:s19] =	ssyncset.done $0x0  }
0x92: {  	[sflag:s19] =	ssyncadd.s32 $0xFFFFC000  }
0x93: {  	[spmem:s3] =	stream.indirect.scatter.add.f32 [tilespmem:s16], [sflag:$0x2], $0x80, s20, s15, $0xb8;
	[tilespmem:$0x18A00] =	vst v63  }
0x94: {  	_ = 	snop  }
0x95: {  	[spmem:s4] =	stream.indirect.scatter.add.f32 [tilespmem:s17], [sflag:$0x2], $0x80, s20, s15, $0xb8;
	[tilespmem:$0x18A00] =	vst v63  }
0x96: {  	_ =	swait.ge [sflag:s18], $0x4000  }
0x97: {  	[sflag:s18] =	ssyncset.done $0x0  }
0x98: {  	[sflag:s18] =	ssyncadd.s32 $0xFFFFC000  }
0x99: {  	_ =	swait.ge [sflag:s18], $0x4000  }
0x9a: {  	[sflag:s18] =	ssyncset.done $0x0  }
0x9b: {  	[sflag:s18] =	ssyncadd.s32 $0xFFFFC000  }
0x9c: {  	[bflag:$0x0] =	sbarrier.arrive $0xFFFF  }
0x9d: {  	[tilespmem:s13], [sflag:$0x3] =	stream.linear.gather [spmem:s10], $0x2000, $0x38;
	[tilespmem:$0x18A00] =	vst v63  }
0x9e: {  	_ =	swait.ge [sflag:s8], $0x2000  }
0x9f: {  	[sflag:s8] =	ssyncset.done $0x0  }
0xa0: {  	[sflag:s8] =	ssyncadd.s32 $0xFFFFE000  }
0xa1: {  	[hbm4b:s14+s2] =	stream.linear.scatter [tilespmem:s13], [sflag:$0x3], $0x2000, $0x38;
	[tilespmem:$0x18A00] =	vst v63  }
0xa2: {  	_ =	swait.ge [sflag:s8], $0x2000  }
0xa3: {  	[sflag:s8] =	ssyncset.done $0x0  }
0xa4: {  	[sflag:s8] =	ssyncadd.s32 $0xFFFFE000  }
0xa5: {  	[tilespmem:s13], [sflag:$0x3] =	stream.linear.gather [spmem:s9], $0x2000, $0x38;
	[tilespmem:$0x18A00] =	vst v63  }
0xa6: {  	_ =	swait.ge [sflag:s8], $0x2000  }
0xa7: {  	[sflag:s8] =	ssyncset.done $0x0  }
0xa8: {  	[sflag:s8] =	ssyncadd.s32 $0xFFFFE000  }
0xa9: {  	[hbm4b:s12+s2] =	stream.linear.scatter [tilespmem:s13], [sflag:$0x3], $0x2000, $0x38;
	[tilespmem:$0x18A00] =	vst v63  }
0xaa: {  	_ =	swait.ge [sflag:s8], $0x2000  }
0xab: {  	[sflag:s8] =	ssyncset.done $0x0  }
0xac: {  	[sflag:s8] =	ssyncadd.s32 $0xFFFFE000  }
0xad: {  	[tilespmem:s11], [sflag:$0x3] =	stream.linear.gather [spmem:s6], $0x400, $0x38;
	[tilespmem:$0x18A00] =	vst v63  }
0xae: {  	p1 =	sne.s32 s26, $0x1;
	_ =	swait.ge [sflag:s8], $0x400  }
.Ltmp1:
0xaf: {  	[sflag:s8] =	ssyncset.done $0x0;
	(pc) =	sbr.rel @!p1 .LBB2_3-.Ltmp1, $4  }
0xb0: {  	[sflag:s8] =	ssyncadd.s32 $0xFFFFFC00  }
0xb1: {  	[hbm4b:s7+s2] =	stream.linear.scatter [tilespmem:s11], [sflag:$0x3], $0x400, $0x38;
	[tilespmem:$0x18A00] =	vst v63  }
0xb2: {  	p0 =	por $0x1, $0x1;
	_ =	swait.ge [sflag:s8], $0x400  }
0xb3: {  	s0 =	sadd.s32 $0xFFFFFFFF, s26;
	s1 =	rddreg [dreg:$0x7];
	[sflag:s8] =	ssyncset.done $0x0  }
.LBB2_4:
0xb4: {  	[sflag:s8] =	ssyncadd.s32 $0xFFFFFC00  }
0xb5: {  	[tilespmem:s13], [sflag:$0x3] =	stream.linear.gather [hbm4b:s1+s2], $0x2000, $0x38;
	[tilespmem:$0x18A00] =	vst v63  }
0xb6: {  	_ =	swait.ge [sflag:s8], $0x2000  }
0xb7: {  	[sflag:s8] =	ssyncset.done $0x0  }
0xb8: {  	[sflag:s8] =	ssyncadd.s32 $0xFFFFE000  }
0xb9: {  	[spmem:s10] =	stream.linear.scatter [tilespmem:s13], [sflag:$0x3], $0x2000, $0x38;
	[tilespmem:$0x18A00] =	vst v63  }
0xba: {  	_ =	swait.ge [sflag:s8], $0x2000  }
0xbb: {  	[sflag:s8] =	ssyncset.done $0x0  }
0xbc: {  	[sflag:s8] =	ssyncadd.s32 $0xFFFFE000  }
0xbd: {  	[spmem:s9] =	stream.linear.scatter [tilespmem:s13], [sflag:$0x3], $0x2000, $0x38;
	[tilespmem:$0x18A00] =	vst v63  }
0xbe: {  	_ =	swait.ge [sflag:s8], $0x2000  }
0xbf: {  	[sflag:s8] =	ssyncset.done $0x0  }
0xc0: {  	s26 =	rddreg [dreg:$0x8];
	[sflag:s8] =	ssyncadd.s32 $0xFFFFE000  }
0xc1: {  	[tilespmem:s11], [sflag:$0x3] =	stream.linear.gather [hbm4b:s26+s2], $0x400, $0x38;
	[tilespmem:$0x18A00] =	vst v63  }
0xc2: {  	_ =	swait.ge [sflag:s8], $0x400  }
0xc3: {  	[sflag:s8] =	ssyncset.done $0x0  }
0xc4: {  	[sflag:s8] =	ssyncadd.s32 $0xFFFFFC00  }
0xc5: {  	[spmem:s6] =	stream.linear.scatter [tilespmem:s11], [sflag:$0x3], $0x400, $0x38;
	[tilespmem:$0x18A00] =	vst v63  }
0xc6: {  	_ =	swait.ge [sflag:s8], $0x400  }
0xc7: {  	[sflag:s8] =	ssyncset.done $0x0  }
0xc8: {  	s26 =	rddreg [dreg:$0x9];
	[sflag:s8] =	ssyncadd.s32 $0xFFFFFC00  }
0xc9: {  	[tilespmem:s2], [sflag:$0x3] =	stream.linear.gather [hbm4b:s26+s2], $0x200, $0x38;
	[tilespmem:$0x18A00] =	vst v63  }
0xca: {  	_ =	swait.ge [sflag:s8], $0x200  }
0xcb: {  	[sflag:s8] =	ssyncset.done $0x0  }
0xcc: {  	s26 =	rddreg [dreg:$0xa];
	[sflag:s8] =	ssyncadd.s32 $0xFFFFFE00  }
0xcd: {  	[tilespmem:s31], [sflag:$0x3] =	stream.linear.gather [hbm4b:s26+s2], $0x2000, $0x38;
	[tilespmem:$0x18A00] =	vst v63  }
0xce: {  	_ =	swait.ge [sflag:s8], $0x2000  }
0xcf: {  	[sflag:s8] =	ssyncset.done $0x0  }
0xd0: {  	[sflag:s8] =	ssyncadd.s32 $0xFFFFE000  }
0xd1: {  	[bflag:$0x0] =	sbarrier.arrive $0xFFFF  }
0xd2: {  	s1 =	rddreg [dreg:$0xb]  }
0xd3: {  	[tilespmem:s23], [sflag:$0x1] =	stream.linear.gather [hbm4b:s1+s2], $0x4000, $0x38;
	[tilespmem:$0x18A00] =	vst v63  }
0xd4: {  	s26 =	rddreg [dreg:$0xc]  }
0xd5: {  	[tilespmem:s24], [sflag:$0x1] =	stream.linear.gather [hbm4b:s26+s2], $0x4000, $0x38;
	[tilespmem:$0x18A00] =	vst v63  }
0xd6: {  	_ = 	snop  }
0xd7: {  	[spmem:s5] =	stream.indirect.scatter.add.f32 [tilespmem:s31], [sflag:$0x3], $0x10, s2, s15, $0xb8;
	[tilespmem:$0x18A00] =	vst v63  }
0xd8: {  	_ =	swait.ge [sflag:s8], $0x800  }
0xd9: {  	[sflag:s8] =	ssyncset.done $0x0  }
0xda: {  	s1 =	rddreg [dreg:$0xd];
	[sflag:s8] =	ssyncadd.s32 $0xFFFFF800  }
0xdb: {  	[tilespmem:s16], [sflag:$0x1] =	stream.linear.gather [hbm4b:s1+s2], $0x4000, $0x38;
	[tilespmem:$0x18A00] =	vst v63  }
0xdc: {  	s26 =	rddreg [dreg:$0xe]  }
0xdd: {  	[tilespmem:s17], [sflag:$0x1] =	stream.linear.gather [hbm4b:s26+s2], $0x4000, $0x38;
	[tilespmem:$0x18A00] =	vst v63  }
0xde: {  	_ =	swait.ge [sflag:s19], $0x4000  }
0xdf: {  	[sflag:s19] =	ssyncset.done $0x0  }
0xe0: {  	[sflag:s19] =	ssyncadd.s32 $0xFFFFC000  }
0xe1: {  	_ =	swait.ge [sflag:s19], $0x4000  }
0xe2: {  	[sflag:s19] =	ssyncset.done $0x0  }
0xe3: {  	[sflag:s19] =	ssyncadd.s32 $0xFFFFC000  }
0xe4: {  	[spmem:s3] =	stream.indirect.scatter.add.f32 [tilespmem:s23], [sflag:$0x2], $0x80, s2, s15, $0xb8;
	[tilespmem:$0x18A00] =	vst v63  }
0xe5: {  	_ = 	snop  }
0xe6: {  	[spmem:s4] =	stream.indirect.scatter.add.f32 [tilespmem:s24], [sflag:$0x2], $0x80, s2, s15, $0xb8;
	[tilespmem:$0x18A00] =	vst v63  }
0xe7: {  	s26 =	simm.s32 $0x10A00  }
0xe8: {  	[spmem:s5] =	stream.indirect.scatter.add.f32 [tilespmem:s26], [sflag:$0x3], $0x10, s15, s15, $0xb8;
	[tilespmem:$0x18A00] =	vst v63  }
0xe9: {  	_ =	swait.ge [sflag:s8], $0x800  }
0xea: {  	[sflag:s8] =	ssyncset.done $0x0  }
0xeb: {  	[sflag:s8] =	ssyncadd.s32 $0xFFFFF800  }
0xec: {  	_ =	swait.ge [sflag:s18], $0x4000  }
0xed: {  	[sflag:s18] =	ssyncset.done $0x0  }
0xee: {  	[sflag:s18] =	ssyncadd.s32 $0xFFFFC000  }
0xef: {  	_ =	swait.ge [sflag:s18], $0x4000  }
0xf0: {  	[sflag:s18] =	ssyncset.done $0x0  }
0xf1: {  	s26 =	rddreg [dreg:$0xf];
	[sflag:s18] =	ssyncadd.s32 $0xFFFFC000  }
0xf2: {  	[tilespmem:s23], [sflag:$0x1] =	stream.linear.gather [hbm4b:s26+s2], $0x4000, $0x38;
	[tilespmem:$0x18A00] =	vst v63  }
0xf3: {  	_ = 	snop  }
0xf4: {  	[tilespmem:s24], [sflag:$0x1] =	stream.linear.gather [hbm4b:s28+s2], $0x4000, $0x38;
	[tilespmem:$0x18A00] =	vst v63  }
0xf5: {  	_ =	swait.ge [sflag:s19], $0x4000  }
0xf6: {  	[sflag:s19] =	ssyncset.done $0x0  }
0xf7: {  	[sflag:s19] =	ssyncadd.s32 $0xFFFFC000  }
0xf8: {  	_ =	swait.ge [sflag:s19], $0x4000  }
0xf9: {  	[sflag:s19] =	ssyncset.done $0x0  }
0xfa: {  	[sflag:s19] =	ssyncadd.s32 $0xFFFFC000  }
0xfb: {  	[spmem:s3] =	stream.indirect.scatter.add.f32 [tilespmem:s16], [sflag:$0x2], $0x80, s15, s15, $0xb8;
	[tilespmem:$0x18A00] =	vst v63  }
0xfc: {  	_ = 	snop  }
0xfd: {  	[spmem:s4] =	stream.indirect.scatter.add.f32 [tilespmem:s17], [sflag:$0x2], $0x80, s15, s15, $0xb8;
	[tilespmem:$0x18A00] =	vst v63  }
0xfe: {  	_ = 	snop  }
0xff: {  	[spmem:s5] =	stream.indirect.scatter.add.f32 [tilespmem:s30], [sflag:$0x3], $0x10, s25, s15, $0xb8;
	[tilespmem:$0x18A00] =	vst v63  }
0x100: {  	_ =	swait.ge [sflag:s8], $0x800  }
0x101: {  	[sflag:s8] =	ssyncset.done $0x0  }
0x102: {  	[sflag:s8] =	ssyncadd.s32 $0xFFFFF800  }
0x103: {  	_ =	swait.ge [sflag:s18], $0x4000  }
0x104: {  	[sflag:s18] =	ssyncset.done $0x0  }
0x105: {  	[sflag:s18] =	ssyncadd.s32 $0xFFFFC000  }
0x106: {  	_ =	swait.ge [sflag:s18], $0x4000  }
0x107: {  	[sflag:s18] =	ssyncset.done $0x0  }
0x108: {  	[sflag:s18] =	ssyncadd.s32 $0xFFFFC000  }
0x109: {  	[tilespmem:s16], [sflag:$0x1] =	stream.linear.gather [hbm4b:s21+s2], $0x4000, $0x38;
	[tilespmem:$0x18A00] =	vst v63  }
0x10a: {  	_ = 	snop  }
0x10b: {  	[tilespmem:s17], [sflag:$0x1] =	stream.linear.gather [hbm4b:s22+s2], $0x4000, $0x38;
	[tilespmem:$0x18A00] =	vst v63  }
0x10c: {  	_ =	swait.ge [sflag:s19], $0x4000  }
0x10d: {  	[sflag:s19] =	ssyncset.done $0x0  }
0x10e: {  	[sflag:s19] =	ssyncadd.s32 $0xFFFFC000  }
0x10f: {  	_ =	swait.ge [sflag:s19], $0x4000  }
0x110: {  	[sflag:s19] =	ssyncset.done $0x0  }
0x111: {  	[sflag:s19] =	ssyncadd.s32 $0xFFFFC000  }
0x112: {  	[spmem:s3] =	stream.indirect.scatter.add.f32 [tilespmem:s23], [sflag:$0x2], $0x80, s25, s15, $0xb8;
	[tilespmem:$0x18A00] =	vst v63  }
0x113: {  	_ = 	snop  }
0x114: {  	[spmem:s4] =	stream.indirect.scatter.add.f32 [tilespmem:s24], [sflag:$0x2], $0x80, s25, s15, $0xb8;
	[tilespmem:$0x18A00] =	vst v63  }
0x115: {  	_ = 	snop  }
0x116: {  	[spmem:s5] =	stream.indirect.scatter.add.f32 [tilespmem:s29], [sflag:$0x3], $0x10, s20, s15, $0xb8;
	[tilespmem:$0x18A00] =	vst v63  }
0x117: {  	_ =	swait.ge [sflag:s8], $0x800  }
0x118: {  	[sflag:s8] =	ssyncset.done $0x0  }
0x119: {  	[sflag:s8] =	ssyncadd.s32 $0xFFFFF800  }
0x11a: {  	_ =	swait.ge [sflag:s18], $0x4000  }
0x11b: {  	[sflag:s18] =	ssyncset.done $0x0  }
0x11c: {  	[sflag:s18] =	ssyncadd.s32 $0xFFFFC000  }
0x11d: {  	_ =	swait.ge [sflag:s18], $0x4000  }
0x11e: {  	[sflag:s18] =	ssyncset.done $0x0  }
0x11f: {  	[sflag:s18] =	ssyncadd.s32 $0xFFFFC000  }
0x120: {  	_ =	swait.ge [sflag:s19], $0x4000  }
0x121: {  	[sflag:s19] =	ssyncset.done $0x0  }
0x122: {  	[sflag:s19] =	ssyncadd.s32 $0xFFFFC000  }
0x123: {  	_ =	swait.ge [sflag:s19], $0x4000  }
0x124: {  	[sflag:s19] =	ssyncset.done $0x0  }
0x125: {  	[sflag:s19] =	ssyncadd.s32 $0xFFFFC000  }
0x126: {  	[spmem:s3] =	stream.indirect.scatter.add.f32 [tilespmem:s16], [sflag:$0x2], $0x80, s20, s15, $0xb8;
	[tilespmem:$0x18A00] =	vst v63  }
0x127: {  	_ = 	snop  }
0x128: {  	[spmem:s4] =	stream.indirect.scatter.add.f32 [tilespmem:s17], [sflag:$0x2], $0x80, s20, s15, $0xb8;
	[tilespmem:$0x18A00] =	vst v63  }
0x129: {  	_ =	swait.ge [sflag:s18], $0x4000  }
0x12a: {  	[sflag:s18] =	ssyncset.done $0x0  }
0x12b: {  	[sflag:s18] =	ssyncadd.s32 $0xFFFFC000  }
0x12c: {  	_ =	swait.ge [sflag:s18], $0x4000  }
0x12d: {  	[sflag:s18] =	ssyncset.done $0x0  }
0x12e: {  	[sflag:s18] =	ssyncadd.s32 $0xFFFFC000  }
0x12f: {  	[bflag:$0x0] =	sbarrier.arrive $0xFFFF  }
0x130: {  	[tilespmem:s13], [sflag:$0x3] =	stream.linear.gather [spmem:s10], $0x2000, $0x38;
	[tilespmem:$0x18A00] =	vst v63  }
0x131: {  	_ =	swait.ge [sflag:s8], $0x2000  }
0x132: {  	[sflag:s8] =	ssyncset.done $0x0  }
0x133: {  	[sflag:s8] =	ssyncadd.s32 $0xFFFFE000  }
0x134: {  	[hbm4b:s14+s2] =	stream.linear.scatter [tilespmem:s13], [sflag:$0x3], $0x2000, $0x38;
	[tilespmem:$0x18A00] =	vst v63  }
0x135: {  	_ =	swait.ge [sflag:s8], $0x2000  }
0x136: {  	[sflag:s8] =	ssyncset.done $0x0  }
0x137: {  	[sflag:s8] =	ssyncadd.s32 $0xFFFFE000  }
0x138: {  	[tilespmem:s13], [sflag:$0x3] =	stream.linear.gather [spmem:s9], $0x2000, $0x38;
	[tilespmem:$0x18A00] =	vst v63  }
0x139: {  	_ =	swait.ge [sflag:s8], $0x2000  }
0x13a: {  	[sflag:s8] =	ssyncset.done $0x0  }
0x13b: {  	[sflag:s8] =	ssyncadd.s32 $0xFFFFE000  }
0x13c: {  	[hbm4b:s12+s2] =	stream.linear.scatter [tilespmem:s13], [sflag:$0x3], $0x2000, $0x38;
	[tilespmem:$0x18A00] =	vst v63  }
0x13d: {  	_ =	swait.ge [sflag:s8], $0x2000  }
0x13e: {  	[sflag:s8] =	ssyncset.done $0x0  }
0x13f: {  	[sflag:s8] =	ssyncadd.s32 $0xFFFFE000  }
0x140: {  	[tilespmem:s11], [sflag:$0x3] =	stream.linear.gather [spmem:s6], $0x400, $0x38;
	[tilespmem:$0x18A00] =	vst v63  }
0x141: {  	p1 =	sne.s32 s0, $0x1;
	_ =	swait.ge [sflag:s8], $0x400  }
.Ltmp2:
0x142: {  	[sflag:s8] =	ssyncset.done $0x0;
	(pc) =	sbr.rel @p1 .LBB2_4-.Ltmp2, $4  }
0x143: {  	[sflag:s8] =	ssyncadd.s32 $0xFFFFFC00  }
0x144: {  	[hbm4b:s7+s2] =	stream.linear.scatter [tilespmem:s11], [sflag:$0x3], $0x400, $0x38;
	[tilespmem:$0x18A00] =	vst v63  }
0x145: {  	_ =	swait.ge [sflag:s8], $0x400  }
0x146: {  	s0 =	sadd.s32 $0xFFFFFFFF, s0;
	s1 =	rddreg [dreg:$0x7];
	[sflag:s8] =	ssyncset.done $0x0  }
0x147: {  	s29 =	simm.s32 $0x10A00;
	s30 =	simm.s32 $0x11200;
	s26 =	rddreg [dreg:$0x6]  }
.LBB2_6:
0x148: {  	[sflag:s8] =	ssyncadd.s32 @p0 $0xFFFFFC00  }
0x149: {  	[tilespmem:s13], [sflag:$0x3] =	stream.linear.gather [hbm4b:s1+s2], $0x2000, $0x38;
	[tilespmem:$0x18A00] =	vst v63  }
0x14a: {  	_ =	swait.ge [sflag:s8], $0x2000  }
0x14b: {  	[sflag:s8] =	ssyncset.done $0x0  }
0x14c: {  	[sflag:s8] =	ssyncadd.s32 $0xFFFFE000  }
0x14d: {  	[spmem:s10] =	stream.linear.scatter [tilespmem:s13], [sflag:$0x3], $0x2000, $0x38;
	[tilespmem:$0x18A00] =	vst v63  }
0x14e: {  	_ =	swait.ge [sflag:s8], $0x2000  }
0x14f: {  	[sflag:s8] =	ssyncset.done $0x0  }
0x150: {  	[sflag:s8] =	ssyncadd.s32 $0xFFFFE000  }
0x151: {  	[spmem:s9] =	stream.linear.scatter [tilespmem:s13], [sflag:$0x3], $0x2000, $0x38;
	[tilespmem:$0x18A00] =	vst v63  }
0x152: {  	_ =	swait.ge [sflag:s8], $0x2000  }
0x153: {  	[sflag:s8] =	ssyncset.done $0x0  }
0x154: {  	s0 =	rddreg [dreg:$0x8];
	[sflag:s8] =	ssyncadd.s32 $0xFFFFE000  }
0x155: {  	[tilespmem:s11], [sflag:$0x3] =	stream.linear.gather [hbm4b:s0+s2], $0x400, $0x38;
	[tilespmem:$0x18A00] =	vst v63  }
0x156: {  	_ =	swait.ge [sflag:s8], $0x400  }
0x157: {  	[sflag:s8] =	ssyncset.done $0x0  }
0x158: {  	[sflag:s8] =	ssyncadd.s32 $0xFFFFFC00  }
0x159: {  	[spmem:s6] =	stream.linear.scatter [tilespmem:s11], [sflag:$0x3], $0x400, $0x38;
	[tilespmem:$0x18A00] =	vst v63  }
0x15a: {  	_ =	swait.ge [sflag:s8], $0x400  }
0x15b: {  	[sflag:s8] =	ssyncset.done $0x0  }
0x15c: {  	s1 =	rddreg [dreg:$0x9];
	[sflag:s8] =	ssyncadd.s32 $0xFFFFFC00  }
0x15d: {  	[tilespmem:s2], [sflag:$0x3] =	stream.linear.gather [hbm4b:s1+s2], $0x200, $0x38;
	[tilespmem:$0x18A00] =	vst v63  }
0x15e: {  	_ =	swait.ge [sflag:s8], $0x200  }
0x15f: {  	[sflag:s8] =	ssyncset.done $0x0  }
0x160: {  	s1 =	rddreg [dreg:$0xa];
	[sflag:s8] =	ssyncadd.s32 $0xFFFFFE00  }
0x161: {  	[tilespmem:s31], [sflag:$0x3] =	stream.linear.gather [hbm4b:s1+s2], $0x2000, $0x38;
	[tilespmem:$0x18A00] =	vst v63  }
0x162: {  	_ =	swait.ge [sflag:s8], $0x2000  }
0x163: {  	[sflag:s8] =	ssyncset.done $0x0  }
0x164: {  	[sflag:s8] =	ssyncadd.s32 $0xFFFFE000  }
0x165: {  	[bflag:$0x0] =	sbarrier.arrive $0xFFFF  }
0x166: {  	s0 =	rddreg [dreg:$0xb]  }
0x167: {  	[tilespmem:s23], [sflag:$0x1] =	stream.linear.gather [hbm4b:s0+s2], $0x4000, $0x38;
	[tilespmem:$0x18A00] =	vst v63  }
0x168: {  	s1 =	rddreg [dreg:$0xc]  }
0x169: {  	[tilespmem:s24], [sflag:$0x1] =	stream.linear.gather [hbm4b:s1+s2], $0x4000, $0x38;
	[tilespmem:$0x18A00] =	vst v63  }
0x16a: {  	_ = 	snop  }
0x16b: {  	[spmem:s5] =	stream.indirect.scatter.add.f32 [tilespmem:s31], [sflag:$0x3], $0x10, s2, s15, $0xb8;
	[tilespmem:$0x18A00] =	vst v63  }
0x16c: {  	_ =	swait.ge [sflag:s8], $0x800  }
0x16d: {  	[sflag:s8] =	ssyncset.done $0x0  }
0x16e: {  	s1 =	rddreg [dreg:$0xd];
	[sflag:s8] =	ssyncadd.s32 $0xFFFFF800  }
0x16f: {  	[tilespmem:s16], [sflag:$0x1] =	stream.linear.gather [hbm4b:s1+s2], $0x4000, $0x38;
	[tilespmem:$0x18A00] =	vst v63  }
0x170: {  	s31 =	rddreg [dreg:$0xe]  }
0x171: {  	[tilespmem:s17], [sflag:$0x1] =	stream.linear.gather [hbm4b:s31+s2], $0x4000, $0x38;
	[tilespmem:$0x18A00] =	vst v63  }
0x172: {  	_ =	swait.ge [sflag:s19], $0x4000  }
0x173: {  	[sflag:s19] =	ssyncset.done $0x0  }
0x174: {  	[sflag:s19] =	ssyncadd.s32 $0xFFFFC000  }
0x175: {  	_ =	swait.ge [sflag:s19], $0x4000  }
0x176: {  	[sflag:s19] =	ssyncset.done $0x0  }
0x177: {  	[sflag:s19] =	ssyncadd.s32 $0xFFFFC000  }
0x178: {  	[spmem:s3] =	stream.indirect.scatter.add.f32 [tilespmem:s23], [sflag:$0x2], $0x80, s2, s15, $0xb8;
	[tilespmem:$0x18A00] =	vst v63  }
0x179: {  	_ = 	snop  }
0x17a: {  	[spmem:s4] =	stream.indirect.scatter.add.f32 [tilespmem:s24], [sflag:$0x2], $0x80, s2, s15, $0xb8;
	[tilespmem:$0x18A00] =	vst v63  }
0x17b: {  	_ = 	snop  }
0x17c: {  	[spmem:s5] =	stream.indirect.scatter.add.f32 [tilespmem:s29], [sflag:$0x3], $0x10, s15, s15, $0xb8;
	[tilespmem:$0x18A00] =	vst v63  }
0x17d: {  	_ =	swait.ge [sflag:s8], $0x800  }
0x17e: {  	[sflag:s8] =	ssyncset.done $0x0  }
0x17f: {  	[sflag:s8] =	ssyncadd.s32 $0xFFFFF800  }
0x180: {  	_ =	swait.ge [sflag:s18], $0x4000  }
0x181: {  	[sflag:s18] =	ssyncset.done $0x0  }
0x182: {  	[sflag:s18] =	ssyncadd.s32 $0xFFFFC000  }
0x183: {  	_ =	swait.ge [sflag:s18], $0x4000  }
0x184: {  	[sflag:s18] =	ssyncset.done $0x0  }
0x185: {  	s29 =	rddreg [dreg:$0xf];
	[sflag:s18] =	ssyncadd.s32 $0xFFFFC000  }
0x186: {  	[tilespmem:s23], [sflag:$0x1] =	stream.linear.gather [hbm4b:s29+s2], $0x4000, $0x38;
	[tilespmem:$0x18A00] =	vst v63  }
0x187: {  	_ = 	snop  }
0x188: {  	[tilespmem:s24], [sflag:$0x1] =	stream.linear.gather [hbm4b:s28+s2], $0x4000, $0x38;
	[tilespmem:$0x18A00] =	vst v63  }
0x189: {  	_ =	swait.ge [sflag:s19], $0x4000  }
0x18a: {  	[sflag:s19] =	ssyncset.done $0x0  }
0x18b: {  	[sflag:s19] =	ssyncadd.s32 $0xFFFFC000  }
0x18c: {  	_ =	swait.ge [sflag:s19], $0x4000  }
0x18d: {  	[sflag:s19] =	ssyncset.done $0x0  }
0x18e: {  	[sflag:s19] =	ssyncadd.s32 $0xFFFFC000  }
0x18f: {  	[spmem:s3] =	stream.indirect.scatter.add.f32 [tilespmem:s16], [sflag:$0x2], $0x80, s15, s15, $0xb8;
	[tilespmem:$0x18A00] =	vst v63  }
0x190: {  	_ = 	snop  }
0x191: {  	[spmem:s4] =	stream.indirect.scatter.add.f32 [tilespmem:s17], [sflag:$0x2], $0x80, s15, s15, $0xb8;
	[tilespmem:$0x18A00] =	vst v63  }
0x192: {  	_ = 	snop  }
0x193: {  	[spmem:s5] =	stream.indirect.scatter.add.f32 [tilespmem:s30], [sflag:$0x3], $0x10, s25, s15, $0xb8;
	[tilespmem:$0x18A00] =	vst v63  }
0x194: {  	_ =	swait.ge [sflag:s8], $0x800  }
0x195: {  	[sflag:s8] =	ssyncset.done $0x0  }
0x196: {  	[sflag:s8] =	ssyncadd.s32 $0xFFFFF800  }
0x197: {  	_ =	swait.ge [sflag:s18], $0x4000  }
0x198: {  	[sflag:s18] =	ssyncset.done $0x0  }
0x199: {  	[sflag:s18] =	ssyncadd.s32 $0xFFFFC000  }
0x19a: {  	_ =	swait.ge [sflag:s18], $0x4000  }
0x19b: {  	[sflag:s18] =	ssyncset.done $0x0  }
0x19c: {  	[sflag:s18] =	ssyncadd.s32 $0xFFFFC000  }
0x19d: {  	[tilespmem:s16], [sflag:$0x1] =	stream.linear.gather [hbm4b:s21+s2], $0x4000, $0x38;
	[tilespmem:$0x18A00] =	vst v63  }
0x19e: {  	_ = 	snop  }
0x19f: {  	[tilespmem:s17], [sflag:$0x1] =	stream.linear.gather [hbm4b:s22+s2], $0x4000, $0x38;
	[tilespmem:$0x18A00] =	vst v63  }
0x1a0: {  	_ =	swait.ge [sflag:s19], $0x4000  }
0x1a1: {  	[sflag:s19] =	ssyncset.done $0x0  }
0x1a2: {  	[sflag:s19] =	ssyncadd.s32 $0xFFFFC000  }
0x1a3: {  	_ =	swait.ge [sflag:s19], $0x4000  }
0x1a4: {  	[sflag:s19] =	ssyncset.done $0x0  }
0x1a5: {  	[sflag:s19] =	ssyncadd.s32 $0xFFFFC000  }
0x1a6: {  	[spmem:s3] =	stream.indirect.scatter.add.f32 [tilespmem:s23], [sflag:$0x2], $0x80, s25, s15, $0xb8;
	[tilespmem:$0x18A00] =	vst v63  }
0x1a7: {  	_ = 	snop  }
0x1a8: {  	[spmem:s4] =	stream.indirect.scatter.add.f32 [tilespmem:s24], [sflag:$0x2], $0x80, s25, s15, $0xb8;
	[tilespmem:$0x18A00] =	vst v63  }
0x1a9: {  	s30 =	simm.s32 $0x11A00  }
0x1aa: {  	[spmem:s5] =	stream.indirect.scatter.add.f32 [tilespmem:s30], [sflag:$0x3], $0x10, s20, s15, $0xb8;
	[tilespmem:$0x18A00] =	vst v63  }
0x1ab: {  	_ =	swait.ge [sflag:s8], $0x800  }
0x1ac: {  	[sflag:s8] =	ssyncset.done $0x0  }
0x1ad: {  	[sflag:s8] =	ssyncadd.s32 $0xFFFFF800  }
0x1ae: {  	_ =	swait.ge [sflag:s18], $0x4000  }
0x1af: {  	[sflag:s18] =	ssyncset.done $0x0  }
0x1b0: {  	[sflag:s18] =	ssyncadd.s32 $0xFFFFC000  }
0x1b1: {  	_ =	swait.ge [sflag:s18], $0x4000  }
0x1b2: {  	[sflag:s18] =	ssyncset.done $0x0  }
0x1b3: {  	[sflag:s18] =	ssyncadd.s32 $0xFFFFC000  }
0x1b4: {  	_ =	swait.ge [sflag:s19], $0x4000  }
0x1b5: {  	[sflag:s19] =	ssyncset.done $0x0  }
0x1b6: {  	[sflag:s19] =	ssyncadd.s32 $0xFFFFC000  }
0x1b7: {  	_ =	swait.ge [sflag:s19], $0x4000  }
0x1b8: {  	[sflag:s19] =	ssyncset.done $0x0  }
0x1b9: {  	[sflag:s19] =	ssyncadd.s32 $0xFFFFC000  }
0x1ba: {  	[spmem:s3] =	stream.indirect.scatter.add.f32 [tilespmem:s16], [sflag:$0x2], $0x80, s20, s15, $0xb8;
	[tilespmem:$0x18A00] =	vst v63  }
0x1bb: {  	_ = 	snop  }
0x1bc: {  	[spmem:s4] =	stream.indirect.scatter.add.f32 [tilespmem:s17], [sflag:$0x2], $0x80, s20, s15, $0xb8;
	[tilespmem:$0x18A00] =	vst v63  }
0x1bd: {  	_ =	swait.ge [sflag:s18], $0x4000  }
0x1be: {  	[sflag:s18] =	ssyncset.done $0x0  }
0x1bf: {  	[sflag:s18] =	ssyncadd.s32 $0xFFFFC000  }
0x1c0: {  	_ =	swait.ge [sflag:s18], $0x4000  }
0x1c1: {  	[sflag:s18] =	ssyncset.done $0x0  }
0x1c2: {  	[sflag:s18] =	ssyncadd.s32 $0xFFFFC000  }
0x1c3: {  	[bflag:$0x0] =	sbarrier.arrive $0xFFFF  }
0x1c4: {  	[tilespmem:s13], [sflag:$0x3] =	stream.linear.gather [spmem:s10], $0x2000, $0x38;
	[tilespmem:$0x18A00] =	vst v63  }
0x1c5: {  	_ =	swait.ge [sflag:s8], $0x2000  }
0x1c6: {  	[sflag:s8] =	ssyncset.done $0x0  }
0x1c7: {  	[sflag:s8] =	ssyncadd.s32 $0xFFFFE000  }
0x1c8: {  	[hbm4b:s14+s2] =	stream.linear.scatter [tilespmem:s13], [sflag:$0x3], $0x2000, $0x38;
	[tilespmem:$0x18A00] =	vst v63  }
0x1c9: {  	_ =	swait.ge [sflag:s8], $0x2000  }
0x1ca: {  	[sflag:s8] =	ssyncset.done $0x0  }
0x1cb: {  	[sflag:s8] =	ssyncadd.s32 $0xFFFFE000  }
0x1cc: {  	[tilespmem:s13], [sflag:$0x3] =	stream.linear.gather [spmem:s9], $0x2000, $0x38;
	[tilespmem:$0x18A00] =	vst v63  }
0x1cd: {  	_ =	swait.ge [sflag:s8], $0x2000  }
0x1ce: {  	[sflag:s8] =	ssyncset.done $0x0  }
0x1cf: {  	[sflag:s8] =	ssyncadd.s32 $0xFFFFE000  }
0x1d0: {  	[hbm4b:s12+s2] =	stream.linear.scatter [tilespmem:s13], [sflag:$0x3], $0x2000, $0x38;
	[tilespmem:$0x18A00] =	vst v63  }
0x1d1: {  	_ =	swait.ge [sflag:s8], $0x2000  }
0x1d2: {  	[sflag:s8] =	ssyncset.done $0x0  }
0x1d3: {  	[sflag:s8] =	ssyncadd.s32 $0xFFFFE000  }
0x1d4: {  	[tilespmem:s11], [sflag:$0x3] =	stream.linear.gather [spmem:s6], $0x400, $0x38;
	[tilespmem:$0x18A00] =	vst v63  }
0x1d5: {  	_ =	swait.ge [sflag:s8], $0x400  }
0x1d6: {  	[sflag:s8] =	ssyncset.done $0x0  }
0x1d7: {  	[sflag:s8] =	ssyncadd.s32 $0xFFFFFC00  }
0x1d8: {  	[hbm4b:s7+s2] =	stream.linear.scatter [tilespmem:s11], [sflag:$0x3], $0x400, $0x38;
	[tilespmem:$0x18A00] =	vst v63  }
0x1d9: {  	_ =	swait.ge [sflag:s8], $0x400  }
0x1da: {  	[sflag:s8] =	ssyncset.done $0x0  }
0x1db: {  	[sflag:s8] =	ssyncadd.s32 $0xFFFFFC00  }
0x1dc: {  	_ =	sfence.sel $0x180000  }
0x1dd: {  	s31 =	stileid.u32;
	[bflag:$0x0] =	sbarrier.arrive $0xFFFF  }
0x1de: {  	p0 =	sne.s32 s31, $0x0;
	_ =	strace $0x90000053  }
0x1df: {  	s0 =	sadd.s32 @!p0 $0x100000, s26;
	[bflag:$0x2] =	sbarrier.arrive $0xFFFF  }
0x1e0: {  	[sflag:s0] =	ssyncadd.tile.s32 @!p0 $0x1;
	_ =	shalt  }
.LBB2_1:
.Ltmp3:
0x1e1: {  	(pc) =	sbr.rel .LBB2_6-.Ltmp3, $2  }
0x1e2: {  	_ =	sdelay $0x2  }
0x1e3: {  	s29 =	simm.s32 $0x10A00;
	s30 =	simm.s32 $0x11200  }
.LBB2_3:
.Ltmp4:
0x1e4: {  	(pc) =	sbr.rel .LBB2_6-.Ltmp4, $2  }
0x1e5: {  	_ =	sdelay $0x2  }
0x1e6: {  	s29 =	simm.s32 $0x10A00;
	s30 =	simm.s32 $0x11200;
	s26 =	rddreg [dreg:$0x6]  }
.Lfunc_end2:
_tile_overlayer_lowered:
.L_overlay_start_2:
0x1e7: {  	(tag) =	ssettag $0x2  }
0x1e8: {  	s0 =	rddreg [dreg:$0x0];
	s2 =	stileid.u32  }
0x1e9: {  	s1 =	rddreg [dreg:$0x1];
	p0 =	sne.s32 s2, $0x0  }
0x1ea: {  	s3 =	rddreg [dreg:$0x2];
	[bflag:$0x3] =	sbarrier.arrive $0xFFFF;
	s2 =	simm.s32 @!p0 $0x1C03  }
0x1eb: {  	[timem:s3], [sflag:s2] =	dma.local @!p0 [hbm:s0], s1  }
0x1ec: {  	s0 =	simm.s32 @!p0 $0x3  }
0x1ed: {  	_ =	swait.ge @!p0 [sflag:s0], s1  }
0x1ee: {  	s1 =	ssub.s32 @!p0 $0x0, s1;
	[sflag:s0] =	ssyncset.done @!p0 $0x0  }
0x1ef: {  	[sflag:s0] =	ssyncadd.s32 @!p0 s1  }
0x1f0: {  	[bflag:$0x3] =	sbarrier.arrive $0xFFFF  }
0x1f1: {  	_ =	shalt  }

// kernel: kernel.22.cloned.1.call-start
scs
__scs_entry_jumppad:
0x0: {  	(pc) =	sbr.rel $0x88, $3  }
0x1: {  	(tag) =	ssettag $0x0;
	lr =	simm.s32 $0x1  }
0x2: {  	[smem:$0x3F87] =	sst lr;
	_ =	strace $0xD0000000  }
0x3: {  	_ = 	snop  }
0x4: {  	_ = 	snop  }
0x5: {  	_ = 	snop  }
0x6: {  	_ = 	snop  }
0x7: {  	_ = 	snop  }
__scs_overlays_trampoline_lowered:
0x8: {  	[smem:$0x3F96] =	sst s0  }
0x9: {  	[smem:$0x3F97] =	sst s1  }
0xa: {  	[smem:$0x3F98] =	sst s2  }
0xb: {  	[smem:$0x3F99] =	sst s3  }
0xc: {  	[smem:$0x3F9A] =	sst s4  }
0xd: {  	[smem:$0x3F9B] =	sst s5  }
0xe: {  	[smem:$0x3F9C] =	sst s6  }
0xf: {  	[smem:$0x3F9D] =	sst s7  }
0x10: {  	[smem:$0x3F9E] =	sst s8  }
0x11: {  	[smem:$0x3F9F] =	sst s9;
	s0 =	simm.s32 @!p0 $0x0  }
0x12: {  	s1 =	sld [smem:$0x3F85];
	s0 =	simm.s32 @p0 $0x1  }
0x13: {  	[smem:$0x3FA0] =	sst s0;
	s0 =	simm.s32 @!p1 $0x0  }
0x14: {  	s2 =	sld [smem:$0x3F84];
	s0 =	simm.s32 @p1 $0x1  }
0x15: {  	[smem:$0x3FA1] =	sst s0;
	s0 =	simm.s32 @!p2 $0x0  }
0x16: {  	s3 =	sld [smem:$0x3FDB];
	s0 =	simm.s32 @p2 $0x1  }
0x17: {  	s4 =	simm.s32 $0x1BF5;
	[smem:$0x3FA3] =	sst s0  }
0x18: {  	s0 =	sld [smem:$0x3F86];
	_ =	swait.ge [sflag:s4], $0x0  }
0x19: {  	s7 =	sld [smem:$0x3F87]  }
0x1a: {  	s8 =	sadd.s32 $0xFFFFE003, lr  }
0x1b: {  	s9 =	sadd.s32 $0xFFFFFEF7, lr;
	s5 =	simm.s32 $0xFFFFFFFF;
	p2 =	slt.u32 s8, $0xFFFFF086  }
0x1c: {  	p1 =	slt.u32 s9, $0xF7A;
	s5 =	simm.s32 @!p2 $0x0  }
0x1d: {  	s5 =	simm.s32 @p1 $0x1;
	p0 =	seq.s32 s7, s2  }
0x1e: {  	s7 =	smul.u32 @!p0 $0xF7A, s2;
	p2 =	seq.s32 @!p0 s5, $0x0  }
0x1f: {  	s9 =	smul.u32 $0xF7A, s1;
	s8 =	simm.s32 @!p0 $0x1BF5;
	p2 =	por !p2, p0  }
0x20: {  	[sflag:s8] =	ssyncset.s32 @!p0 $0xFFFFF086;
	s6 =	sadd.s32 @!p0 s3, s7;
	s7 =	simm.s32 @!p0 $0x108  }
0x21: {  	s3 =	sadd.s32 s3, s9;
	s6 =	sadd.s32 @!p0 $0x88, s6;
	s7 =	simm.s32 @p2 $0x1082  }
0x22: {  	[simem:s7], [sflag:s8] =	dma.local @!p0 [hbm:s6], $0xF7A  }
0x23: {  	s9 =	sor.u32 $0xD0000000, s2;
	s6 =	simm.s32 $0x108;
	_ =	swait.ge @!p0 [sflag:s8], $0x0  }
0x24: {  	s3 =	sadd.s32 $0x88, s3;
	s6 =	simm.s32 @!p1 $0x1082;
	[sflag:s4] =	ssyncset.s32 $0xFFFFF086  }
0x25: {  	[simem:s6], [sflag:s4] =	dma.local [hbm:s3], $0xF7A  }
0x26: {  	[smem:$0x3F87] =	sst s1;
	(tag) =	ssettag s2;
	_ =	strace s9  }
0x27: {  	s1 =	sld [smem:$0x3F97]  }
0x28: {  	s2 =	sld [smem:$0x3F98]  }
0x29: {  	s4 =	sld [smem:$0x3F9A]  }
0x2a: {  	p0 =	seq.s32 s5, $0x0;
	s5 =	sld [smem:$0x3F9B]  }
0x2b: {  	s6 =	sld [smem:$0x3F9C]  }
0x2c: {  	s7 =	sld [smem:$0x3F9D]  }
0x2d: {  	s3 =	simm.s32 $0x108;
	s8 =	sld [smem:$0x3F9E]  }
0x2e: {  	s3 =	simm.s32 @!p0 $0x1082;
	s9 =	sld [smem:$0x3F9F]  }
0x2f: {  	lr =	sadd.s32 s0, s3;
	s0 =	sld [smem:$0x3F96]  }
0x30: {  	s3 =	sld [smem:$0x3F99]  }
0x31: {  	[smem:$0x3FA2] =	sst s10  }
0x32: {  	s10 =	sld [smem:$0x3FA0];
	_ =	sdelay $0x3  }
0x33: {  	p0 =	seq.s32 s10, $0x1;
	s10 =	sld [smem:$0x3FA2];
	_ =	sdelay $0x3  }
0x34: {  	[smem:$0x3FA2] =	sst s10  }
0x35: {  	s10 =	sld [smem:$0x3FA1];
	_ =	sdelay $0x3  }
0x36: {  	p1 =	seq.s32 s10, $0x1;
	s10 =	sld [smem:$0x3FA2];
	_ =	sdelay $0x3  }
0x37: {  	[smem:$0x3FA2] =	sst s10  }
0x38: {  	s10 =	sld [smem:$0x3FA3]  }
0x39: {  	_ = 	snop;
	(pc) =	sbr.ind lr, $3  }
0x3a: {  	_ = 	snop  }
0x3b: {  	_ = 	snop  }
0x3c: {  	p2 =	seq.s32 s10, $0x1;
	s10 =	sld [smem:$0x3FA2]  }
0x3d: {  	_ =	shalt  }
0x3e: {  	_ =	shalt  }
0x3f: {  	_ =	shalt  }
0x40: {  	_ =	shalt  }
0x41: {  	_ =	shalt  }
0x42: {  	_ =	shalt  }
0x43: {  	_ =	shalt  }
0x44: {  	_ =	shalt  }
0x45: {  	_ =	shalt  }
0x46: {  	_ =	shalt  }
0x47: {  	_ =	shalt  }
0x48: {  	_ =	shalt  }
0x49: {  	_ =	shalt  }
0x4a: {  	_ =	shalt  }
0x4b: {  	_ =	shalt  }
0x4c: {  	_ =	shalt  }
0x4d: {  	_ =	shalt  }
0x4e: {  	_ =	shalt  }
0x4f: {  	_ =	shalt  }
0x50: {  	_ =	shalt  }
0x51: {  	_ =	shalt  }
0x52: {  	_ =	shalt  }
0x53: {  	_ =	shalt  }
0x54: {  	_ =	shalt  }
0x55: {  	_ =	shalt  }
0x56: {  	_ =	shalt  }
0x57: {  	_ =	shalt  }
0x58: {  	_ =	shalt  }
0x59: {  	_ =	shalt  }
0x5a: {  	_ =	shalt  }
0x5b: {  	_ =	shalt  }
0x5c: {  	_ =	shalt  }
0x5d: {  	_ =	shalt  }
0x5e: {  	_ =	shalt  }
0x5f: {  	_ =	shalt  }
0x60: {  	_ =	shalt  }
0x61: {  	_ =	shalt  }
0x62: {  	_ =	shalt  }
0x63: {  	_ =	shalt  }
0x64: {  	_ =	shalt  }
0x65: {  	_ =	shalt  }
0x66: {  	_ =	shalt  }
0x67: {  	_ =	shalt  }
0x68: {  	_ =	shalt  }
0x69: {  	_ =	shalt  }
0x6a: {  	_ =	shalt  }
0x6b: {  	_ =	shalt  }
0x6c: {  	_ =	shalt  }
0x6d: {  	_ =	shalt  }
0x6e: {  	_ =	shalt  }
0x6f: {  	_ =	shalt  }
0x70: {  	_ =	shalt  }
0x71: {  	_ =	shalt  }
0x72: {  	_ =	shalt  }
0x73: {  	_ =	shalt  }
0x74: {  	_ =	shalt  }
0x75: {  	_ =	shalt  }
0x76: {  	_ =	shalt  }
0x77: {  	_ =	shalt  }
0x78: {  	_ =	shalt  }
0x79: {  	_ =	shalt  }
0x7a: {  	_ =	shalt  }
0x7b: {  	_ =	shalt  }
0x7c: {  	_ =	shalt  }
0x7d: {  	_ =	shalt  }
0x7e: {  	_ =	shalt  }
0x7f: {  	_ =	shalt  }
0x80: {  	_ =	shalt  }
0x81: {  	_ =	shalt  }
0x82: {  	_ =	shalt  }
0x83: {  	_ =	shalt  }
0x84: {  	_ =	shalt  }
0x85: {  	_ =	shalt  }
0x86: {  	_ =	shalt  }
0x87: {  	_ =	shalt  }
.Lfunc_end0:
.L_simem_size_0:
called_computation.3_lowered:
.L_overlay_start_0:
0x88: {  	s2 =	sld [smem:$0x3FD9]  }
0x89: {  	s3 =	sld [smem:$0x3FFE];
	_ =	sdelay $0x1  }
0x8a: {  	s1 =	srdreg.scid  }
0x8b: {  	s0 =	sand.u32 $0x1, s1  }
0x8c: {  	s17 =	sshll.u32 s0, $0xA;
	s2 =	sadd.s32 s3, s2  }
0x8d: {  	s2 =	sadd.s32 s2, s17  }
0x8e: {  	[smem:$0x3FAE] =	sst s2  }
0x8f: {  	_ = 	snop  }
0x90: {  	s2 =	sld [smem:$0x3FB0];
	(tm) =	ssettm $0x1  }
0x91: {  	s18 =	sld [smem:$0x3FFB];
	_ =	sdelay $0x3  }
0x92: {  	_ =	strace s18  }
0x93: {  	s3 =	sld [smem:$0x3FFC];
	_ =	sdelay $0x3  }
0x94: {  	_ =	strace s3  }
0x95: {  	s3 =	sld [smem:$0x3FFD];
	_ =	sdelay $0x3  }
0x96: {  	_ =	strace s3  }
0x97: {  	_ =	strace $0x8FFFFFFF  }
0x98: {  	s19 =	sld [smem:$0x3FDB];
	_ =	sdelay $0x1  }
0x99: {  	s4 =	simm.s32 $_scs_section_size  }
0x9a: {  	s5 =	simm.s32 $_size__tile_overlayer_lowered;
	s6 =	simm.s32 $_tile_overlayer_lowered  }
0x9b: {  	s22 =	simm.s32 $0x1BFF;
	s21 =	sshll.u32 s6, $0x1;
	s3 =	sadd.s32 s4, s19  }
0x9c: {  	s7 =	simm.s32 $0x0;
	s20 =	sshll.u32 s5, $0x1;
	s5 =	sadd.s32 s21, s3  }
0x9d: {  	[timem:s7], [sflag:s22] =	dma.local [hbm:s5], s20  }
0x9e: {  	_ =	swait.ge [sflag:s22], s20  }
0x9f: {  	s4 =	ssub.s32 $0x0, s20;
	[sflag:s22] =	ssyncset.done $0x0  }
0xa0: {  	[sflag:s22] =	ssyncadd.s32 s4;
	_ =	sdelay $0x1  }
0xa1: {  	s23 =	simm.s32 $0x1B8B  }
0xa2: {  	_ =	swait.ge [sflag:s23], $0x1  }
0xa3: {  	[sflag:s23] =	ssyncset.done $0x0  }
0xa4: {  	s25 =	simm.s32 $0x1B8E;
	s24 =	sld [smem:$0x3FFE];
	[sflag:s23] =	ssyncadd.s32 $0xFFFFFFFF  }
0xa5: {  	s26 =	simm.s32 $execute0_lowered;
	[smem:$0x3FD2] =	sst s25  }
0xa6: {  	s5 =	sshll.u32 s26, $0x1;
	_ =	strace $0x80000049;
	[dreg:$0x1] =	wrdreg $0xFFFFFFFF  }
0xa7: {  	s28 =	simm.s32 $_size_execute0_lowered;
	s3 =	sadd.s32 s3, s5;
	[dreg:$0x0] =	wrdreg $0x0  }
0xa8: {  	s5 =	sshll.u32 s28, $0x1;
	[dreg:$0x2] =	wrdreg s3  }
0xa9: {  	[dreg:$0x3] =	wrdreg s5  }
0xaa: {  	[dreg:$0x4] =	wrdreg $0xC0  }
0xab: {  	_ =	task [dreg:s7], $0x5FFFF  }
0xac: {  	[dreg:$0x1] =	wrdreg $0xFFFFFFFF  }
0xad: {  	[dreg:$0x0] =	wrdreg $0x60  }
0xae: {  	[dreg:$0x2] =	wrdreg s24  }
0xaf: {  	[dreg:$0x3] =	wrdreg s2  }
0xb0: {  	[dreg:$0x4] =	wrdreg $0xA  }
0xb1: {  	_ =	task.clear_ibuf [dreg:s7], $0x5FFFF;
	_ =	strace $0x90000049  }
0xb2: {  	s29 =	simm.s32 $0xA;
	_ =	strace $0x8000004B  }
0xb3: {  	_ =	swait.ge [sflag:s29], $0x1  }
0xb4: {  	[sflag:s29] =	ssyncadd.s32 $0xFFFFFFFF  }
0xb5: {  	_ =	strace $0x9000004B  }
0xb6: {  	_ =	sfence  }
0xb7: {  	s30 =	sld [smem:$0x0];
	_ =	sdelay $0x2  }
0xb8: {  	s31 =	sshll.u32 s1, $0xD;
	s1 =	sshrl.u32 s1, $0x2  }
0xb9: {  	s3 =	sand.u32 $0x4000, s31;
	s1 =	sadd.s32 s1, s30  }
0xba: {  	s0 =	sor.u32 s3, s0;
	s1 =	sshll.u32 s1, $0x11  }
0xbb: {  	s0 =	sor.u32 s1, s0  }
0xbc: {  	s0 =	sadd.s32 $0x8F2B, s0  }
0xbd: {  	[sflag:s0] =	ssyncadd.remote.s32 $0x1  }
0xbe: {  	_ =	sfence.sel $0xFFFF  }
0xbf: {  	[dreg:$0x0] =	wrdreg $0xFFFFFFFF;
	(pc) =	sbr.abs _section_cstart, $3  }
0xc0: {  	[dreg:$0x1] =	wrdreg $0xFFFFFFFF  }
0xc1: {  	_ =	task.clear_ibuf [dreg:s7], $0x2FFFF;
	_ =	strace $0x9FFFFFFF  }
0xc2: {  	(tm) =	ssettm $0x7FFFFFFF  }
0xc3: {  	_ =	shalt  }
tec
execute0_lowered:
.L_overlay_start_1:
0x0: {  	(tag) =	ssettag $0x1  }
0x1: {  	s1 =	srdreg.scid;
	s0 =	stileid.u32  }
0x2: {  	s24 =	rddreg [dreg:$0x0];
	s23 =	sand.u32 $0x1, s1;
	s29 =	sshll.u32 s0, $0x1  }
0x3: {  	s3 =	rddreg [dreg:$0x1];
	s25 =	sor.u32 s23, s29  }
0x4: {  	s2 =	simm.s32 $0x0;
	s1 =	rddreg [dreg:$0x2];
	s4 =	sshll.u32 s25, $0x6  }
0x5: {  	[smem:$0x7FF] =	sst s2;
	s3 =	sadd.s32 s4, s3  }
0x6: {  	_ =	strace $0x8000004A;
	s4 =	simm.s32 $0x4;
	s3 =	sadd.s32 $0x800, s3  }
0x7: {  	[tilespmem:s2], [sflag:$0x4] =	stream.linear.gather [hbm4b:s3+s2], $0x200, $0x38;
	[tilespmem:$0xA200] =	vst v63  }
0x8: {  	_ =	swait.ge [sflag:s4], $0x200  }
0x9: {  	s6 =	simm.s32 $0x80;
	[sflag:s4] =	ssyncset.done $0x0  }
0xa: {  	s7 =	simm.s32 $0x200;
	s5 =	sadd.s32 $0xC800, s24;
	[sflag:s4] =	ssyncadd.s32 $0xFFFFFE00  }
0xb: {  	[tilespmem:s7], [sflag:$0x1] =	stream.indirect.gather [hbm4b:s5+s6], $0x10, s2, s6, $0xb8;
	[tilespmem:$0xA200] =	vst v63  }
0xc: {  	s8 =	simm.s32 $0xA00  }
0xd: {  	[tilespmem:s8], [sflag:$0x1] =	stream.indirect.gather [hbm4b:s5+s6], $0x10, s6, s6, $0xb8;
	[tilespmem:$0xA200] =	vst v63  }
0xe: {  	s9 =	simm.s32 $0x100;
	s10 =	simm.s32 $0x1200  }
0xf: {  	[tilespmem:s10], [sflag:$0x1] =	stream.indirect.gather [hbm4b:s5+s6], $0x10, s9, s6, $0xb8;
	[tilespmem:$0xA200] =	vst v63  }
0x10: {  	s11 =	simm.s32 $0x180;
	s12 =	simm.s32 $0x1A00  }
0x11: {  	[tilespmem:s12], [sflag:$0x1] =	stream.indirect.gather [hbm4b:s5+s6], $0x10, s11, s6, $0xb8;
	[tilespmem:$0xA200] =	vst v63  }
0x12: {  	s14 =	simm.s32 $0x2200;
	s13 =	sadd.s32 $0x8800, s24  }
0x13: {  	[tilespmem:s14], [sflag:$0x2] =	stream.indirect.gather [hbm4b:s13+s6], $0x80, s2, s6, $0xb8;
	[tilespmem:$0xA200] =	vst v63  }
0x14: {  	s15 =	simm.s32 $0x6200;
	s16 =	simm.s32 $0x2  }
0x15: {  	[tilespmem:s15], [sflag:$0x2] =	stream.indirect.gather [hbm4b:s13+s6], $0x80, s6, s6, $0xb8;
	[tilespmem:$0xA200] =	vst v63  }
0x16: {  	s17 =	sshll.u32 s25, $0xD;
	_ =	swait.ge [sflag:s16], $0x4000  }
0x17: {  	s21 =	sadd.s32 s17, s24;
	[sflag:s16] =	ssyncset.done $0x0  }
0x18: {  	s17 =	simm.s32 $0x3;
	s18 =	sadd.s32 $0x15000, s21;
	[sflag:s16] =	ssyncadd.s32 $0xFFFFC000  }
0x19: {  	[hbm4b:s18+s2] =	stream.linear.scatter [tilespmem:s14], [sflag:$0x3], $0x4000, $0x38;
	[tilespmem:$0xA200] =	vst v63  }
0x1a: {  	_ =	swait.ge [sflag:s17], $0x4000  }
0x1b: {  	[sflag:s17] =	ssyncset.done $0x0  }
0x1c: {  	[sflag:s17] =	ssyncadd.s32 $0xFFFFC000  }
0x1d: {  	[tilespmem:s14], [sflag:$0x2] =	stream.indirect.gather [hbm4b:s13+s6], $0x80, s9, s6, $0xb8;
	[tilespmem:$0xA200] =	vst v63  }
0x1e: {  	_ =	swait.ge [sflag:s16], $0x4000  }
0x1f: {  	[sflag:s16] =	ssyncset.done $0x0  }
0x20: {  	s19 =	sadd.s32 $0x15800, s21;
	[sflag:s16] =	ssyncadd.s32 $0xFFFFC000  }
0x21: {  	[hbm4b:s19+s2] =	stream.linear.scatter [tilespmem:s15], [sflag:$0x3], $0x4000, $0x38;
	[tilespmem:$0xA200] =	vst v63  }
0x22: {  	_ =	swait.ge [sflag:s17], $0x4000  }
0x23: {  	[sflag:s17] =	ssyncset.done $0x0  }
0x24: {  	[sflag:s17] =	ssyncadd.s32 $0xFFFFC000  }
0x25: {  	[tilespmem:s15], [sflag:$0x2] =	stream.indirect.gather [hbm4b:s13+s6], $0x80, s11, s6, $0xb8;
	[tilespmem:$0xA200] =	vst v63  }
0x26: {  	_ =	swait.ge [sflag:s16], $0x4000  }
0x27: {  	[sflag:s16] =	ssyncset.done $0x0  }
0x28: {  	s20 =	sadd.s32 $0x16000, s21;
	[sflag:s16] =	ssyncadd.s32 $0xFFFFC000  }
0x29: {  	[hbm4b:s20+s2] =	stream.linear.scatter [tilespmem:s14], [sflag:$0x3], $0x4000, $0x38;
	[tilespmem:$0xA200] =	vst v63  }
0x2a: {  	_ =	swait.ge [sflag:s17], $0x4000  }
0x2b: {  	[sflag:s17] =	ssyncset.done $0x0  }
0x2c: {  	[sflag:s17] =	ssyncadd.s32 $0xFFFFC000  }
0x2d: {  	_ =	swait.ge [sflag:s16], $0x4000  }
0x2e: {  	[sflag:s16] =	ssyncset.done $0x0  }
0x2f: {  	s22 =	simm.s32 $0x1;
	s21 =	sadd.s32 $0x16800, s21;
	[sflag:s16] =	ssyncadd.s32 $0xFFFFC000  }
0x30: {  	[hbm4b:s21+s2] =	stream.linear.scatter [tilespmem:s15], [sflag:$0x3], $0x4000, $0x38;
	[tilespmem:$0xA200] =	vst v63  }
0x31: {  	_ =	swait.ge [sflag:s22], $0x800  }
0x32: {  	[sflag:s22] =	ssyncset.done $0x0  }
0x33: {  	[sflag:s22] =	ssyncadd.s32 $0xFFFFF800  }
0x34: {  	_ =	swait.ge [sflag:s22], $0x800  }
0x35: {  	[sflag:s22] =	ssyncset.done $0x0  }
0x36: {  	[sflag:s22] =	ssyncadd.s32 $0xFFFFF800  }
0x37: {  	_ =	swait.ge [sflag:s22], $0x800  }
0x38: {  	s30 =	ssub.s32 $0x2, s23;
	s25 =	sshll.u32 s25, $0xA;
	[sflag:s22] =	ssyncset.done $0x0  }
0x39: {  	s31 =	sshrl.u32 s30, $0x1;
	s24 =	sadd.s32 s25, s24;
	[sflag:s22] =	ssyncadd.s32 $0xFFFFF800  }
0x3a: {  	s23 =	sadd.s32 $0xD000, s24;
	s24 =	ssub.s32 s30, s31;
	_ =	swait.ge [sflag:s22], $0x800  }
0x3b: {  	s24 =	smax.u32 s24, $0x1;
	[sflag:s22] =	ssyncset.done $0x0  }
0x3c: {  	p0 =	sne.s32 s24, $0x1;
	[sflag:s22] =	ssyncadd.s32 $0xFFFFF800  }
0x3d: {  	[hbm4b:s23+s2] =	stream.linear.scatter [tilespmem:s7], [sflag:$0x4], $0x2000, $0x38;
	[tilespmem:$0xA200] =	vst v63  }
.Ltmp0:
0x3e: {  	_ =	swait.ge [sflag:s4], $0x2000;
	(pc) =	sbr.rel @!p0 .LBB2_2-.Ltmp0, $4  }
0x3f: {  	[sflag:s4] =	ssyncset.done $0x0  }
0x40: {  	[sflag:s4] =	ssyncadd.s32 $0xFFFFE000  }
0x41: {  	_ =	swait.ge [sflag:s17], $0x4000  }
0x42: {  	s24 =	sadd.s32 $0xFFFFFFFF, s24;
	[sflag:s17] =	ssyncset.done $0x0  }
.LBB2_1:
0x43: {  	p0 =	sne.s32 s24, $0x1;
	s24 =	sadd.s32 $0xFFFFFFFF, s24;
	[sflag:s17] =	ssyncadd.s32 $0xFFFFC000  }
0x44: {  	[tilespmem:s2], [sflag:$0x4] =	stream.linear.gather [hbm4b:s3+s2], $0x200, $0x38;
	[tilespmem:$0xA200] =	vst v63  }
0x45: {  	_ =	swait.ge [sflag:s4], $0x200  }
0x46: {  	[sflag:s4] =	ssyncset.done $0x0  }
0x47: {  	[sflag:s4] =	ssyncadd.s32 $0xFFFFFE00  }
0x48: {  	[tilespmem:s7], [sflag:$0x1] =	stream.indirect.gather [hbm4b:s5+s6], $0x10, s2, s6, $0xb8;
	[tilespmem:$0xA200] =	vst v63  }
0x49: {  	_ = 	snop  }
0x4a: {  	[tilespmem:s8], [sflag:$0x1] =	stream.indirect.gather [hbm4b:s5+s6], $0x10, s6, s6, $0xb8;
	[tilespmem:$0xA200] =	vst v63  }
0x4b: {  	_ = 	snop  }
0x4c: {  	[tilespmem:s10], [sflag:$0x1] =	stream.indirect.gather [hbm4b:s5+s6], $0x10, s9, s6, $0xb8;
	[tilespmem:$0xA200] =	vst v63  }
0x4d: {  	_ = 	snop  }
0x4e: {  	[tilespmem:s12], [sflag:$0x1] =	stream.indirect.gather [hbm4b:s5+s6], $0x10, s11, s6, $0xb8;
	[tilespmem:$0xA200] =	vst v63  }
0x4f: {  	_ = 	snop  }
0x50: {  	[tilespmem:s14], [sflag:$0x2] =	stream.indirect.gather [hbm4b:s13+s6], $0x80, s2, s6, $0xb8;
	[tilespmem:$0xA200] =	vst v63  }
0x51: {  	_ = 	snop  }
0x52: {  	[tilespmem:s15], [sflag:$0x2] =	stream.indirect.gather [hbm4b:s13+s6], $0x80, s6, s6, $0xb8;
	[tilespmem:$0xA200] =	vst v63  }
0x53: {  	_ =	swait.ge [sflag:s16], $0x4000  }
0x54: {  	[sflag:s16] =	ssyncset.done $0x0  }
0x55: {  	[sflag:s16] =	ssyncadd.s32 $0xFFFFC000  }
0x56: {  	[hbm4b:s18+s2] =	stream.linear.scatter [tilespmem:s14], [sflag:$0x3], $0x4000, $0x38;
	[tilespmem:$0xA200] =	vst v63  }
0x57: {  	_ =	swait.ge [sflag:s17], $0x4000  }
0x58: {  	[sflag:s17] =	ssyncset.done $0x0  }
0x59: {  	[sflag:s17] =	ssyncadd.s32 $0xFFFFC000  }
0x5a: {  	[tilespmem:s14], [sflag:$0x2] =	stream.indirect.gather [hbm4b:s13+s6], $0x80, s9, s6, $0xb8;
	[tilespmem:$0xA200] =	vst v63  }
0x5b: {  	_ =	swait.ge [sflag:s16], $0x4000  }
0x5c: {  	[sflag:s16] =	ssyncset.done $0x0  }
0x5d: {  	[sflag:s16] =	ssyncadd.s32 $0xFFFFC000  }
0x5e: {  	[hbm4b:s19+s2] =	stream.linear.scatter [tilespmem:s15], [sflag:$0x3], $0x4000, $0x38;
	[tilespmem:$0xA200] =	vst v63  }
0x5f: {  	_ =	swait.ge [sflag:s17], $0x4000  }
0x60: {  	[sflag:s17] =	ssyncset.done $0x0  }
0x61: {  	[sflag:s17] =	ssyncadd.s32 $0xFFFFC000  }
0x62: {  	[tilespmem:s15], [sflag:$0x2] =	stream.indirect.gather [hbm4b:s13+s6], $0x80, s11, s6, $0xb8;
	[tilespmem:$0xA200] =	vst v63  }
0x63: {  	_ =	swait.ge [sflag:s16], $0x4000  }
0x64: {  	[sflag:s16] =	ssyncset.done $0x0  }
0x65: {  	[sflag:s16] =	ssyncadd.s32 $0xFFFFC000  }
0x66: {  	[hbm4b:s20+s2] =	stream.linear.scatter [tilespmem:s14], [sflag:$0x3], $0x4000, $0x38;
	[tilespmem:$0xA200] =	vst v63  }
0x67: {  	_ =	swait.ge [sflag:s17], $0x4000  }
0x68: {  	[sflag:s17] =	ssyncset.done $0x0  }
0x69: {  	[sflag:s17] =	ssyncadd.s32 $0xFFFFC000  }
0x6a: {  	_ =	swait.ge [sflag:s16], $0x4000  }
0x6b: {  	[sflag:s16] =	ssyncset.done $0x0  }
0x6c: {  	[sflag:s16] =	ssyncadd.s32 $0xFFFFC000  }
0x6d: {  	[hbm4b:s21+s2] =	stream.linear.scatter [tilespmem:s15], [sflag:$0x3], $0x4000, $0x38;
	[tilespmem:$0xA200] =	vst v63  }
0x6e: {  	_ =	swait.ge [sflag:s22], $0x800  }
0x6f: {  	[sflag:s22] =	ssyncset.done $0x0  }
0x70: {  	[sflag:s22] =	ssyncadd.s32 $0xFFFFF800  }
0x71: {  	_ =	swait.ge [sflag:s22], $0x800  }
0x72: {  	[sflag:s22] =	ssyncset.done $0x0  }
0x73: {  	[sflag:s22] =	ssyncadd.s32 $0xFFFFF800  }
0x74: {  	_ =	swait.ge [sflag:s22], $0x800  }
0x75: {  	[sflag:s22] =	ssyncset.done $0x0  }
0x76: {  	[sflag:s22] =	ssyncadd.s32 $0xFFFFF800  }
0x77: {  	_ =	swait.ge [sflag:s22], $0x800  }
0x78: {  	[sflag:s22] =	ssyncset.done $0x0  }
0x79: {  	[sflag:s22] =	ssyncadd.s32 $0xFFFFF800  }
0x7a: {  	[hbm4b:s23+s2] =	stream.linear.scatter [tilespmem:s7], [sflag:$0x4], $0x2000, $0x38;
	[tilespmem:$0xA200] =	vst v63  }
.Ltmp1:
0x7b: {  	_ =	swait.ge [sflag:s4], $0x2000;
	(pc) =	sbr.rel @p0 .LBB2_1-.Ltmp1, $4  }
0x7c: {  	[sflag:s4] =	ssyncset.done $0x0  }
0x7d: {  	[sflag:s4] =	ssyncadd.s32 $0xFFFFE000  }
0x7e: {  	_ =	swait.ge [sflag:s17], $0x4000  }
0x7f: {  	[sflag:s17] =	ssyncset.done $0x0  }
.LBB2_2:
0x80: {  	[sflag:s17] =	ssyncadd.s32 $0xFFFFC000  }
0x81: {  	_ =	sfence.sel $0x180000  }
0x82: {  	[bflag:$0x0] =	sbarrier.arrive $0xFFFF  }
0x83: {  	p0 =	sne.s32 s0, $0x0;
	_ =	strace $0x9000004A  }
0x84: {  	s0 =	sadd.s32 @!p0 $0x100000, s1;
	[bflag:$0x2] =	sbarrier.arrive $0xFFFF  }
0x85: {  	[sflag:s0] =	ssyncadd.tile.s32 @!p0 $0x1;
	_ =	shalt  }
.Lfunc_end2:
_tile_overlayer_lowered:
.L_overlay_start_2:
0x86: {  	(tag) =	ssettag $0x2  }
0x87: {  	s0 =	rddreg [dreg:$0x0];
	s2 =	stileid.u32  }
0x88: {  	s1 =	rddreg [dreg:$0x1];
	p0 =	sne.s32 s2, $0x0  }
0x89: {  	s3 =	rddreg [dreg:$0x2];
	[bflag:$0x3] =	sbarrier.arrive $0xFFFF;
	s2 =	simm.s32 @!p0 $0x1C04  }
0x8a: {  	[timem:s3], [sflag:s2] =	dma.local @!p0 [hbm:s0], s1  }
0x8b: {  	s0 =	simm.s32 @!p0 $0x4  }
0x8c: {  	_ =	swait.ge @!p0 [sflag:s0], s1  }
0x8d: {  	s1 =	ssub.s32 @!p0 $0x0, s1;
	[sflag:s0] =	ssyncset.done @!p0 $0x0  }
0x8e: {  	[sflag:s0] =	ssyncadd.s32 @!p0 s1  }
0x8f: {  	[bflag:$0x3] =	sbarrier.arrive $0xFFFF  }
0x90: {  	_ =	shalt  }

// kernel: kernel.25.cloned.1.call-start
scs
__scs_entry_jumppad:
0x0: {  	(pc) =	sbr.rel $0x88, $3  }
0x1: {  	(tag) =	ssettag $0x0;
	lr =	simm.s32 $0x1  }
0x2: {  	[smem:$0x3F87] =	sst lr;
	_ =	strace $0xD0000000  }
0x3: {  	_ = 	snop  }
0x4: {  	_ = 	snop  }
0x5: {  	_ = 	snop  }
0x6: {  	_ = 	snop  }
0x7: {  	_ = 	snop  }
__scs_overlays_trampoline_lowered:
0x8: {  	[smem:$0x3F96] =	sst s0  }
0x9: {  	[smem:$0x3F97] =	sst s1  }
0xa: {  	[smem:$0x3F98] =	sst s2  }
0xb: {  	[smem:$0x3F99] =	sst s3  }
0xc: {  	[smem:$0x3F9A] =	sst s4  }
0xd: {  	[smem:$0x3F9B] =	sst s5  }
0xe: {  	[smem:$0x3F9C] =	sst s6  }
0xf: {  	[smem:$0x3F9D] =	sst s7  }
0x10: {  	[smem:$0x3F9E] =	sst s8  }
0x11: {  	[smem:$0x3F9F] =	sst s9;
	s0 =	simm.s32 @!p0 $0x0  }
0x12: {  	s1 =	sld [smem:$0x3F85];
	s0 =	simm.s32 @p0 $0x1  }
0x13: {  	[smem:$0x3FA0] =	sst s0;
	s0 =	simm.s32 @!p1 $0x0  }
0x14: {  	s2 =	sld [smem:$0x3F84];
	s0 =	simm.s32 @p1 $0x1  }
0x15: {  	[smem:$0x3FA1] =	sst s0;
	s0 =	simm.s32 @!p2 $0x0  }
0x16: {  	s3 =	sld [smem:$0x3FDB];
	s0 =	simm.s32 @p2 $0x1  }
0x17: {  	s4 =	simm.s32 $0x1BF5;
	[smem:$0x3FA3] =	sst s0  }
0x18: {  	s0 =	sld [smem:$0x3F86];
	_ =	swait.ge [sflag:s4], $0x0  }
0x19: {  	s7 =	sld [smem:$0x3F87]  }
0x1a: {  	s8 =	sadd.s32 $0xFFFFE003, lr  }
0x1b: {  	s9 =	sadd.s32 $0xFFFFFEF7, lr;
	s5 =	simm.s32 $0xFFFFFFFF;
	p2 =	slt.u32 s8, $0xFFFFF086  }
0x1c: {  	p1 =	slt.u32 s9, $0xF7A;
	s5 =	simm.s32 @!p2 $0x0  }
0x1d: {  	s5 =	simm.s32 @p1 $0x1;
	p0 =	seq.s32 s7, s2  }
0x1e: {  	s7 =	smul.u32 @!p0 $0xF7A, s2;
	p2 =	seq.s32 @!p0 s5, $0x0  }
0x1f: {  	s9 =	smul.u32 $0xF7A, s1;
	s8 =	simm.s32 @!p0 $0x1BF5;
	p2 =	por !p2, p0  }
0x20: {  	[sflag:s8] =	ssyncset.s32 @!p0 $0xFFFFF086;
	s6 =	sadd.s32 @!p0 s3, s7;
	s7 =	simm.s32 @!p0 $0x108  }
0x21: {  	s3 =	sadd.s32 s3, s9;
	s6 =	sadd.s32 @!p0 $0x88, s6;
	s7 =	simm.s32 @p2 $0x1082  }
0x22: {  	[simem:s7], [sflag:s8] =	dma.local @!p0 [hbm:s6], $0xF7A  }
0x23: {  	s9 =	sor.u32 $0xD0000000, s2;
	s6 =	simm.s32 $0x108;
	_ =	swait.ge @!p0 [sflag:s8], $0x0  }
0x24: {  	s3 =	sadd.s32 $0x88, s3;
	s6 =	simm.s32 @!p1 $0x1082;
	[sflag:s4] =	ssyncset.s32 $0xFFFFF086  }
0x25: {  	[simem:s6], [sflag:s4] =	dma.local [hbm:s3], $0xF7A  }
0x26: {  	[smem:$0x3F87] =	sst s1;
	(tag) =	ssettag s2;
	_ =	strace s9  }
0x27: {  	s1 =	sld [smem:$0x3F97]  }
0x28: {  	s2 =	sld [smem:$0x3F98]  }
0x29: {  	s4 =	sld [smem:$0x3F9A]  }
0x2a: {  	p0 =	seq.s32 s5, $0x0;
	s5 =	sld [smem:$0x3F9B]  }
0x2b: {  	s6 =	sld [smem:$0x3F9C]  }
0x2c: {  	s7 =	sld [smem:$0x3F9D]  }
0x2d: {  	s3 =	simm.s32 $0x108;
	s8 =	sld [smem:$0x3F9E]  }
0x2e: {  	s3 =	simm.s32 @!p0 $0x1082;
	s9 =	sld [smem:$0x3F9F]  }
0x2f: {  	lr =	sadd.s32 s0, s3;
	s0 =	sld [smem:$0x3F96]  }
0x30: {  	s3 =	sld [smem:$0x3F99]  }
0x31: {  	[smem:$0x3FA2] =	sst s10  }
0x32: {  	s10 =	sld [smem:$0x3FA0];
	_ =	sdelay $0x3  }
0x33: {  	p0 =	seq.s32 s10, $0x1;
	s10 =	sld [smem:$0x3FA2];
	_ =	sdelay $0x3  }
0x34: {  	[smem:$0x3FA2] =	sst s10  }
0x35: {  	s10 =	sld [smem:$0x3FA1];
	_ =	sdelay $0x3  }
0x36: {  	p1 =	seq.s32 s10, $0x1;
	s10 =	sld [smem:$0x3FA2];
	_ =	sdelay $0x3  }
0x37: {  	[smem:$0x3FA2] =	sst s10  }
0x38: {  	s10 =	sld [smem:$0x3FA3]  }
0x39: {  	_ = 	snop;
	(pc) =	sbr.ind lr, $3  }
0x3a: {  	_ = 	snop  }
0x3b: {  	_ = 	snop  }
0x3c: {  	p2 =	seq.s32 s10, $0x1;
	s10 =	sld [smem:$0x3FA2]  }
0x3d: {  	_ =	shalt  }
0x3e: {  	_ =	shalt  }
0x3f: {  	_ =	shalt  }
0x40: {  	_ =	shalt  }
0x41: {  	_ =	shalt  }
0x42: {  	_ =	shalt  }
0x43: {  	_ =	shalt  }
0x44: {  	_ =	shalt  }
0x45: {  	_ =	shalt  }
0x46: {  	_ =	shalt  }
0x47: {  	_ =	shalt  }
0x48: {  	_ =	shalt  }
0x49: {  	_ =	shalt  }
0x4a: {  	_ =	shalt  }
0x4b: {  	_ =	shalt  }
0x4c: {  	_ =	shalt  }
0x4d: {  	_ =	shalt  }
0x4e: {  	_ =	shalt  }
0x4f: {  	_ =	shalt  }
0x50: {  	_ =	shalt  }
0x51: {  	_ =	shalt  }
0x52: {  	_ =	shalt  }
0x53: {  	_ =	shalt  }
0x54: {  	_ =	shalt  }
0x55: {  	_ =	shalt  }
0x56: {  	_ =	shalt  }
0x57: {  	_ =	shalt  }
0x58: {  	_ =	shalt  }
0x59: {  	_ =	shalt  }
0x5a: {  	_ =	shalt  }
0x5b: {  	_ =	shalt  }
0x5c: {  	_ =	shalt  }
0x5d: {  	_ =	shalt  }
0x5e: {  	_ =	shalt  }
0x5f: {  	_ =	shalt  }
0x60: {  	_ =	shalt  }
0x61: {  	_ =	shalt  }
0x62: {  	_ =	shalt  }
0x63: {  	_ =	shalt  }
0x64: {  	_ =	shalt  }
0x65: {  	_ =	shalt  }
0x66: {  	_ =	shalt  }
0x67: {  	_ =	shalt  }
0x68: {  	_ =	shalt  }
0x69: {  	_ =	shalt  }
0x6a: {  	_ =	shalt  }
0x6b: {  	_ =	shalt  }
0x6c: {  	_ =	shalt  }
0x6d: {  	_ =	shalt  }
0x6e: {  	_ =	shalt  }
0x6f: {  	_ =	shalt  }
0x70: {  	_ =	shalt  }
0x71: {  	_ =	shalt  }
0x72: {  	_ =	shalt  }
0x73: {  	_ =	shalt  }
0x74: {  	_ =	shalt  }
0x75: {  	_ =	shalt  }
0x76: {  	_ =	shalt  }
0x77: {  	_ =	shalt  }
0x78: {  	_ =	shalt  }
0x79: {  	_ =	shalt  }
0x7a: {  	_ =	shalt  }
0x7b: {  	_ =	shalt  }
0x7c: {  	_ =	shalt  }
0x7d: {  	_ =	shalt  }
0x7e: {  	_ =	shalt  }
0x7f: {  	_ =	shalt  }
0x80: {  	_ =	shalt  }
0x81: {  	_ =	shalt  }
0x82: {  	_ =	shalt  }
0x83: {  	_ =	shalt  }
0x84: {  	_ =	shalt  }
0x85: {  	_ =	shalt  }
0x86: {  	_ =	shalt  }
0x87: {  	_ =	shalt  }
.Lfunc_end0:
.L_simem_size_0:
called_computation.4_lowered:
.L_overlay_start_0:
0x88: {  	s2 =	sld [smem:$0x3FD9]  }
0x89: {  	s3 =	sld [smem:$0x3FFE];
	_ =	sdelay $0x1  }
0x8a: {  	s1 =	srdreg.scid  }
0x8b: {  	s0 =	sand.u32 $0x1, s1  }
0x8c: {  	s17 =	sshll.u32 s0, $0xA;
	s2 =	sadd.s32 s3, s2  }
0x8d: {  	s2 =	sadd.s32 s2, s17  }
0x8e: {  	[smem:$0x3FAE] =	sst s2  }
0x8f: {  	_ = 	snop  }
0x90: {  	s18 =	sld [smem:$0x3FB0];
	(tm) =	ssettm $0x1  }
0x91: {  	s19 =	sld [smem:$0x3FFB];
	_ =	sdelay $0x3  }
0x92: {  	_ =	strace s19  }
0x93: {  	s2 =	sld [smem:$0x3FFC];
	_ =	sdelay $0x3  }
0x94: {  	_ =	strace s2  }
0x95: {  	s2 =	sld [smem:$0x3FFD];
	_ =	sdelay $0x3  }
0x96: {  	_ =	strace s2  }
0x97: {  	_ =	strace $0x8FFFFFFF  }
0x98: {  	s20 =	sld [smem:$0x3FDB];
	_ =	sdelay $0x1  }
0x99: {  	s4 =	simm.s32 $_scs_section_size  }
0x9a: {  	s5 =	simm.s32 $_size__tile_overlayer_lowered;
	s6 =	simm.s32 $_tile_overlayer_lowered  }
0x9b: {  	s7 =	simm.s32 $0x1BFF;
	s21 =	sshll.u32 s6, $0x1;
	s4 =	sadd.s32 s4, s20  }
0x9c: {  	s22 =	simm.s32 $0x0;
	s5 =	sshll.u32 s5, $0x1;
	s6 =	sadd.s32 s21, s4  }
0x9d: {  	[timem:s22], [sflag:s7] =	dma.local [hbm:s6], s5  }
0x9e: {  	_ =	swait.ge [sflag:s7], s5  }
0x9f: {  	s5 =	ssub.s32 $0x0, s5;
	[sflag:s7] =	ssyncset.done $0x0  }
0xa0: {  	[sflag:s7] =	ssyncadd.s32 s5;
	_ =	sdelay $0x1  }
0xa1: {  	s23 =	simm.s32 $0x1B8B  }
0xa2: {  	_ =	swait.ge [sflag:s23], $0x1  }
0xa3: {  	[sflag:s23] =	ssyncset.done $0x0  }
0xa4: {  	[sflag:s23] =	ssyncadd.s32 $0xFFFFFFFF  }
0xa5: {  	s5 =	sld [smem:$0x0]  }
0xa6: {  	s6 =	sand.u32 $0xFFFFFFFE, s1  }
0xa7: {  	p0 =	sne.s32 s1, s6  }
0xa8: {  	s6 =	sshll.u32 @p0 s6, $0xE  }
0xa9: {  	s6 =	sadd.s32 @p0 $0x11B8D, s6;
	s7 =	sshll.u32 @p0 s5, $0x11  }
0xaa: {  	s6 =	sor.u32 @p0 s7, s6  }
0xab: {  	[sflag:s6] =	ssyncadd.remote.s32 @p0 $0x1;
	_ =	sdelay $0x1  }
0xac: {  	s6 =	simm.s32 @p0 $0x1B8D  }
0xad: {  	_ =	swait.eq @p0 [sflag:s6], $0x1  }
0xae: {  	[sflag:s6] =	ssyncadd.s32 @p0 $0xFFFFFFFF  }
0xaf: {  	s7 =	sshll.u32 @!p0 s1, $0xE  }
0xb0: {  	s7 =	sor.u32 @!p0 $0x4000, s7;
	s6 =	simm.s32 @!p0 $0x1B8D  }
0xb1: {  	s5 =	sshll.u32 @!p0 s5, $0x11;
	s7 =	sadd.s32 @!p0 $0x11B8D, s7;
	_ =	swait.eq @!p0 [sflag:s6], $0x1  }
0xb2: {  	s5 =	sor.u32 @!p0 s5, s7;
	[sflag:s6] =	ssyncadd.s32 @!p0 $0xFFFFFFFF  }
0xb3: {  	s25 =	simm.s32 $0x1B8E;
	s24 =	sld [smem:$0x3FFE];
	[sflag:s5] =	ssyncadd.remote.s32 @!p0 $0x1  }
0xb4: {  	s26 =	simm.s32 $execute0_lowered;
	[smem:$0x3FD2] =	sst s25  }
0xb5: {  	s6 =	sshll.u32 s26, $0x1;
	_ =	strace $0x8000004F;
	[dreg:$0x1] =	wrdreg $0xFFFFFFFF  }
0xb6: {  	s28 =	simm.s32 $_size_execute0_lowered;
	s4 =	sadd.s32 s4, s6;
	[dreg:$0x0] =	wrdreg $0x0  }
0xb7: {  	s6 =	sshll.u32 s28, $0x1;
	[dreg:$0x2] =	wrdreg s4  }
0xb8: {  	[dreg:$0x3] =	wrdreg s6  }
0xb9: {  	[dreg:$0x4] =	wrdreg $0xC0  }
0xba: {  	_ =	task [dreg:s22], $0x5FFFF  }
0xbb: {  	[dreg:$0x1] =	wrdreg $0xFFFFFFFF  }
0xbc: {  	[dreg:$0x0] =	wrdreg $0x60  }
0xbd: {  	[dreg:$0x2] =	wrdreg s24  }
0xbe: {  	[dreg:$0x3] =	wrdreg s18  }
0xbf: {  	[dreg:$0x4] =	wrdreg $0x146000  }
0xc0: {  	[dreg:$0x5] =	wrdreg $0x166000  }
0xc1: {  	[dreg:$0x6] =	wrdreg $0x186000  }
0xc2: {  	[dreg:$0x7] =	wrdreg $0xA  }
0xc3: {  	_ =	task.clear_ibuf [dreg:s22], $0x8FFFF;
	_ =	strace $0x9000004F  }
0xc4: {  	s29 =	simm.s32 $0xA;
	_ =	strace $0x80000051  }
0xc5: {  	_ =	swait.ge [sflag:s29], $0x1  }
0xc6: {  	[sflag:s29] =	ssyncadd.s32 $0xFFFFFFFF  }
0xc7: {  	_ =	strace $0x90000051  }
0xc8: {  	_ =	sfence  }
0xc9: {  	s30 =	sld [smem:$0x0];
	_ =	sdelay $0x2  }
0xca: {  	s31 =	sshll.u32 s1, $0xD;
	s1 =	sshrl.u32 s1, $0x2  }
0xcb: {  	s4 =	sand.u32 $0x4000, s31;
	s1 =	sadd.s32 s1, s30  }
0xcc: {  	s0 =	sor.u32 s4, s0;
	s1 =	sshll.u32 s1, $0x11  }
0xcd: {  	s0 =	sor.u32 s1, s0  }
0xce: {  	s0 =	sadd.s32 $0x8F2B, s0  }
0xcf: {  	[sflag:s0] =	ssyncadd.remote.s32 $0x1  }
0xd0: {  	_ =	sfence.sel $0xFFFF  }
0xd1: {  	[dreg:$0x0] =	wrdreg $0xFFFFFFFF;
	(pc) =	sbr.abs _section_cstart, $3  }
0xd2: {  	[dreg:$0x1] =	wrdreg $0xFFFFFFFF  }
0xd3: {  	_ =	task.clear_ibuf [dreg:s22], $0x2FFFF;
	_ =	strace $0x9FFFFFFF  }
0xd4: {  	(tm) =	ssettm $0x7FFFFFFF  }
0xd5: {  	_ =	shalt  }
tec
execute0_lowered:
.L_overlay_start_1:
0x0: {  	(tag) =	ssettag $0x1  }
0x1: {  	s0 =	rddreg [dreg:$0x0]  }
0x2: {  	s1 =	rddreg [dreg:$0x1]  }
0x3: {  	s3 =	rddreg [dreg:$0x2]  }
0x4: {  	s4 =	rddreg [dreg:$0x3]  }
0x5: {  	s5 =	rddreg [dreg:$0x4]  }
0x6: {  	s26 =	rddreg [dreg:$0x5]  }
0x7: {  	s6 =	srdreg.scid;
	s17 =	stileid.u32;
	s2 =	simm.s32 $0x0  }
0x8: {  	s31 =	simm.s32 $0x10200;
	p0 =	por $0x0, $0x0;
	s30 =	simm.s32 $0x11200  }
0x9: {  	s29 =	simm.s32 $0x11A00;
	s6 =	sand.u32 $0x1, s6;
	s7 =	sshll.u32 s17, $0x1  }
0xa: {  	[smem:$0x7FF] =	sst s2;
	s11 =	sadd.s32 $0xD000, s0;
	s12 =	sadd.s32 $0x9D000, s0  }
0xb: {  	s13 =	sshll.u32 s17, $0xA;
	s9 =	sshll.u32 s17, $0x6;
	s15 =	sshll.u32 s17, $0x7  }
0xc: {  	s7 =	sor.u32 s6, s7;
	_ =	strace $0x80000050;
	s10 =	sshll.u32 s6, $0xA  }
0xd: {  	s14 =	sadd.s32 s13, s0;
	s22 =	sadd.s32 s15, s0;
	s6 =	ssub.s32 $0x2, s6  }
0xe: {  	s8 =	sshll.u32 s7, $0xA;
	s9 =	sor.u32 s9, s10;
	s24 =	sshrl.u32 s6, $0x1  }
0xf: {  	s14 =	sadd.s32 $0xDD000, s14;
	s16 =	sshll.u32 s7, $0x6;
	s10 =	sadd.s32 $0x8000, s22  }
0x10: {  	s7 =	sshll.u32 s7, $0xD;
	s8 =	sadd.s32 s8, s0;
	s23 =	sshll.u32 s9, $0x4  }
0x11: {  	s9 =	sshll.u32 s9, $0x1;
	[dreg:$0x6] =	wrdreg s14;
	s1 =	sadd.s32 s16, s1  }
0x12: {  	s25 =	ssub.s32 s6, s24;
	[dreg:$0x7] =	wrdreg s10;
	s14 =	sshll.u32 s17, $0xD  }
0x13: {  	s17 =	sadd.s32 s11, s7;
	s18 =	sadd.s32 s12, s7;
	s19 =	sor.u32 $0x800, s7  }
0x14: {  	s22 =	sor.u32 $0x1000, s7;
	s6 =	sadd.s32 s13, s5;
	s24 =	sor.u32 $0x1800, s7  }
0x15: {  	s13 =	simm.s32 $0x12200;
	s16 =	simm.s32 $0x4200;
	s15 =	sadd.s32 s23, s0  }
0x16: {  	s0 =	sadd.s32 s9, s0;
	s1 =	sadd.s32 $0x800, s1;
	[dreg:$0xa] =	wrdreg s17  }
0x17: {  	s10 =	sadd.s32 $0x4D000, s8;
	[dreg:$0xb] =	wrdreg s18;
	s20 =	sadd.s32 s11, s19  }
0x18: {  	s21 =	sadd.s32 s12, s19;
	s9 =	sadd.s32 s14, s4;
	s23 =	sadd.s32 s11, s22  }
0x19: {  	s28 =	sadd.s32 s12, s22;
	s22 =	sadd.s32 s12, s24;
	[dreg:$0x8] =	wrdreg s1  }
0x1a: {  	s25 =	smax.u32 s25, $0x1;
	s8 =	simm.s32 $0x3;
	[dreg:$0x9] =	wrdreg s10  }
0x1b: {  	s17 =	simm.s32 $0xC200;
	s19 =	simm.s32 $0x1;
	[dreg:$0xc] =	wrdreg s20  }
0x1c: {  	s18 =	simm.s32 $0x2;
	[dreg:$0xd] =	wrdreg s21;
	p1 =	sne.s32 s25, $0x1  }
.Ltmp0:
0x1d: {  	s10 =	sadd.s32 s14, s3;
	[dreg:$0xe] =	wrdreg s23;
	(pc) =	sbr.rel @!p1 .LBB2_1-.Ltmp0, $4  }
0x1e: {  	s21 =	sadd.s32 s11, s24;
	s14 =	sadd.s32 $0xE2000, s15;
	s12 =	sadd.s32 $0xEA000, s15  }
0x1f: {  	s7 =	sadd.s32 $0xE1000, s0;
	s11 =	simm.s32 $0x14200;
	s23 =	simm.s32 $0x200  }
0x20: {  	s24 =	simm.s32 $0x8200;
	s15 =	simm.s32 $0x80;
	s0 =	sadd.s32 $0xFFFFFFFF, s25  }
0x21: {  	s25 =	simm.s32 $0x100;
	s20 =	simm.s32 $0x180;
	s1 =	rddreg [dreg:$0x6]  }
0x22: {  	[tilespmem:s13], [sflag:$0x3] =	stream.linear.gather [hbm4b:s1+s2], $0x2000, $0x38;
	[tilespmem:$0x18A00] =	vst v63  }
0x23: {  	_ =	swait.ge [sflag:s8], $0x2000  }
0x24: {  	[sflag:s8] =	ssyncset.done $0x0  }
0x25: {  	[sflag:s8] =	ssyncadd.s32 $0xFFFFE000  }
0x26: {  	[spmem:s10] =	stream.linear.scatter [tilespmem:s13], [sflag:$0x3], $0x2000, $0x38;
	[tilespmem:$0x18A00] =	vst v63  }
0x27: {  	_ =	swait.ge [sflag:s8], $0x2000  }
0x28: {  	[sflag:s8] =	ssyncset.done $0x0  }
0x29: {  	[sflag:s8] =	ssyncadd.s32 $0xFFFFE000  }
0x2a: {  	[spmem:s9] =	stream.linear.scatter [tilespmem:s13], [sflag:$0x3], $0x2000, $0x38;
	[tilespmem:$0x18A00] =	vst v63  }
0x2b: {  	_ =	swait.ge [sflag:s8], $0x2000  }
0x2c: {  	[sflag:s8] =	ssyncset.done $0x0  }
0x2d: {  	s26 =	rddreg [dreg:$0x7];
	[sflag:s8] =	ssyncadd.s32 $0xFFFFE000  }
0x2e: {  	[tilespmem:s11], [sflag:$0x3] =	stream.linear.gather [hbm4b:s26+s2], $0x400, $0x38;
	[tilespmem:$0x18A00] =	vst v63  }
0x2f: {  	_ =	swait.ge [sflag:s8], $0x400  }
0x30: {  	[sflag:s8] =	ssyncset.done $0x0  }
0x31: {  	[sflag:s8] =	ssyncadd.s32 $0xFFFFFC00  }
0x32: {  	[spmem:s6] =	stream.linear.scatter [tilespmem:s11], [sflag:$0x3], $0x400, $0x38;
	[tilespmem:$0x18A00] =	vst v63  }
0x33: {  	_ =	swait.ge [sflag:s8], $0x400  }
0x34: {  	[sflag:s8] =	ssyncset.done $0x0  }
0x35: {  	s26 =	rddreg [dreg:$0x8];
	[sflag:s8] =	ssyncadd.s32 $0xFFFFFC00  }
0x36: {  	[tilespmem:s2], [sflag:$0x3] =	stream.linear.gather [hbm4b:s26+s2], $0x200, $0x38;
	[tilespmem:$0x18A00] =	vst v63  }
0x37: {  	_ =	swait.ge [sflag:s8], $0x200  }
0x38: {  	[sflag:s8] =	ssyncset.done $0x0  }
0x39: {  	s26 =	rddreg [dreg:$0x9];
	[sflag:s8] =	ssyncadd.s32 $0xFFFFFE00  }
0x3a: {  	[tilespmem:s31], [sflag:$0x3] =	stream.linear.gather [hbm4b:s26+s2], $0x2000, $0x38;
	[tilespmem:$0x18A00] =	vst v63  }
0x3b: {  	_ =	swait.ge [sflag:s8], $0x2000  }
0x3c: {  	[sflag:s8] =	ssyncset.done $0x0  }
0x3d: {  	[sflag:s8] =	ssyncadd.s32 $0xFFFFE000  }
0x3e: {  	[bflag:$0x0] =	sbarrier.arrive $0xFFFF  }
0x3f: {  	s1 =	rddreg [dreg:$0xa]  }
0x40: {  	[tilespmem:s23], [sflag:$0x1] =	stream.linear.gather [hbm4b:s1+s2], $0x4000, $0x38;
	[tilespmem:$0x18A00] =	vst v63  }
0x41: {  	s26 =	smov.u32 s0;
	s0 =	rddreg [dreg:$0xb]  }
0x42: {  	[tilespmem:s24], [sflag:$0x1] =	stream.linear.gather [hbm4b:s0+s2], $0x4000, $0x38;
	[tilespmem:$0x18A00] =	vst v63  }
0x43: {  	_ = 	snop  }
0x44: {  	[spmem:s5] =	stream.indirect.scatter.add.f32 [tilespmem:s31], [sflag:$0x3], $0x10, s2, s15, $0xb8;
	[tilespmem:$0x18A00] =	vst v63  }
0x45: {  	_ =	swait.ge [sflag:s8], $0x800  }
0x46: {  	[sflag:s8] =	ssyncset.done $0x0  }
0x47: {  	s0 =	rddreg [dreg:$0xc];
	[sflag:s8] =	ssyncadd.s32 $0xFFFFF800  }
0x48: {  	[tilespmem:s16], [sflag:$0x1] =	stream.linear.gather [hbm4b:s0+s2], $0x4000, $0x38;
	[tilespmem:$0x18A00] =	vst v63  }
0x49: {  	s1 =	rddreg [dreg:$0xd]  }
0x4a: {  	[tilespmem:s17], [sflag:$0x1] =	stream.linear.gather [hbm4b:s1+s2], $0x4000, $0x38;
	[tilespmem:$0x18A00] =	vst v63  }
0x4b: {  	_ =	swait.ge [sflag:s19], $0x4000  }
0x4c: {  	[sflag:s19] =	ssyncset.done $0x0  }
0x4d: {  	[sflag:s19] =	ssyncadd.s32 $0xFFFFC000  }
0x4e: {  	_ =	swait.ge [sflag:s19], $0x4000  }
0x4f: {  	[sflag:s19] =	ssyncset.done $0x0  }
0x50: {  	[sflag:s19] =	ssyncadd.s32 $0xFFFFC000  }
0x51: {  	[spmem:s3] =	stream.indirect.scatter.add.f32 [tilespmem:s23], [sflag:$0x2], $0x80, s2, s15, $0xb8;
	[tilespmem:$0x18A00] =	vst v63  }
0x52: {  	_ = 	snop  }
0x53: {  	[spmem:s4] =	stream.indirect.scatter.add.f32 [tilespmem:s24], [sflag:$0x2], $0x80, s2, s15, $0xb8;
	[tilespmem:$0x18A00] =	vst v63  }
0x54: {  	s1 =	simm.s32 $0x10A00  }
0x55: {  	[spmem:s5] =	stream.indirect.scatter.add.f32 [tilespmem:s1], [sflag:$0x3], $0x10, s15, s15, $0xb8;
	[tilespmem:$0x18A00] =	vst v63  }
0x56: {  	_ =	swait.ge [sflag:s8], $0x800  }
0x57: {  	[sflag:s8] =	ssyncset.done $0x0  }
0x58: {  	[sflag:s8] =	ssyncadd.s32 $0xFFFFF800  }
0x59: {  	_ =	swait.ge [sflag:s18], $0x4000  }
0x5a: {  	[sflag:s18] =	ssyncset.done $0x0  }
0x5b: {  	[sflag:s18] =	ssyncadd.s32 $0xFFFFC000  }
0x5c: {  	_ =	swait.ge [sflag:s18], $0x4000  }
0x5d: {  	[sflag:s18] =	ssyncset.done $0x0  }
0x5e: {  	s1 =	rddreg [dreg:$0xe];
	[sflag:s18] =	ssyncadd.s32 $0xFFFFC000  }
0x5f: {  	[tilespmem:s23], [sflag:$0x1] =	stream.linear.gather [hbm4b:s1+s2], $0x4000, $0x38;
	[tilespmem:$0x18A00] =	vst v63  }
0x60: {  	_ = 	snop  }
0x61: {  	[tilespmem:s24], [sflag:$0x1] =	stream.linear.gather [hbm4b:s28+s2], $0x4000, $0x38;
	[tilespmem:$0x18A00] =	vst v63  }
0x62: {  	_ =	swait.ge [sflag:s19], $0x4000  }
0x63: {  	[sflag:s19] =	ssyncset.done $0x0  }
0x64: {  	[sflag:s19] =	ssyncadd.s32 $0xFFFFC000  }
0x65: {  	_ =	swait.ge [sflag:s19], $0x4000  }
0x66: {  	[sflag:s19] =	ssyncset.done $0x0  }
0x67: {  	[sflag:s19] =	ssyncadd.s32 $0xFFFFC000  }
0x68: {  	[spmem:s3] =	stream.indirect.scatter.add.f32 [tilespmem:s16], [sflag:$0x2], $0x80, s15, s15, $0xb8;
	[tilespmem:$0x18A00] =	vst v63  }
0x69: {  	_ = 	snop  }
0x6a: {  	[spmem:s4] =	stream.indirect.scatter.add.f32 [tilespmem:s17], [sflag:$0x2], $0x80, s15, s15, $0xb8;
	[tilespmem:$0x18A00] =	vst v63  }
0x6b: {  	_ = 	snop  }
0x6c: {  	[spmem:s5] =	stream.indirect.scatter.add.f32 [tilespmem:s30], [sflag:$0x3], $0x10, s25, s15, $0xb8;
	[tilespmem:$0x18A00] =	vst v63  }
0x6d: {  	_ =	swait.ge [sflag:s8], $0x800  }
0x6e: {  	[sflag:s8] =	ssyncset.done $0x0  }
0x6f: {  	[sflag:s8] =	ssyncadd.s32 $0xFFFFF800  }
0x70: {  	_ =	swait.ge [sflag:s18], $0x4000  }
0x71: {  	[sflag:s18] =	ssyncset.done $0x0  }
0x72: {  	[sflag:s18] =	ssyncadd.s32 $0xFFFFC000  }
0x73: {  	_ =	swait.ge [sflag:s18], $0x4000  }
0x74: {  	[sflag:s18] =	ssyncset.done $0x0  }
0x75: {  	[sflag:s18] =	ssyncadd.s32 $0xFFFFC000  }
0x76: {  	[tilespmem:s16], [sflag:$0x1] =	stream.linear.gather [hbm4b:s21+s2], $0x4000, $0x38;
	[tilespmem:$0x18A00] =	vst v63  }
0x77: {  	_ = 	snop  }
0x78: {  	[tilespmem:s17], [sflag:$0x1] =	stream.linear.gather [hbm4b:s22+s2], $0x4000, $0x38;
	[tilespmem:$0x18A00] =	vst v63  }
0x79: {  	_ =	swait.ge [sflag:s19], $0x4000  }
0x7a: {  	[sflag:s19] =	ssyncset.done $0x0  }
0x7b: {  	[sflag:s19] =	ssyncadd.s32 $0xFFFFC000  }
0x7c: {  	_ =	swait.ge [sflag:s19], $0x4000  }
0x7d: {  	[sflag:s19] =	ssyncset.done $0x0  }
0x7e: {  	[sflag:s19] =	ssyncadd.s32 $0xFFFFC000  }
0x7f: {  	[spmem:s3] =	stream.indirect.scatter.add.f32 [tilespmem:s23], [sflag:$0x2], $0x80, s25, s15, $0xb8;
	[tilespmem:$0x18A00] =	vst v63  }
0x80: {  	_ = 	snop  }
0x81: {  	[spmem:s4] =	stream.indirect.scatter.add.f32 [tilespmem:s24], [sflag:$0x2], $0x80, s25, s15, $0xb8;
	[tilespmem:$0x18A00] =	vst v63  }
0x82: {  	_ = 	snop  }
0x83: {  	[spmem:s5] =	stream.indirect.scatter.add.f32 [tilespmem:s29], [sflag:$0x3], $0x10, s20, s15, $0xb8;
	[tilespmem:$0x18A00] =	vst v63  }
0x84: {  	_ =	swait.ge [sflag:s8], $0x800  }
0x85: {  	[sflag:s8] =	ssyncset.done $0x0  }
0x86: {  	[sflag:s8] =	ssyncadd.s32 $0xFFFFF800  }
0x87: {  	_ =	swait.ge [sflag:s18], $0x4000  }
0x88: {  	[sflag:s18] =	ssyncset.done $0x0  }
0x89: {  	[sflag:s18] =	ssyncadd.s32 $0xFFFFC000  }
0x8a: {  	_ =	swait.ge [sflag:s18], $0x4000  }
0x8b: {  	[sflag:s18] =	ssyncset.done $0x0  }
0x8c: {  	[sflag:s18] =	ssyncadd.s32 $0xFFFFC000  }
0x8d: {  	_ =	swait.ge [sflag:s19], $0x4000  }
0x8e: {  	[sflag:s19] =	ssyncset.done $0x0  }
0x8f: {  	[sflag:s19] =	ssyncadd.s32 $0xFFFFC000  }
0x90: {  	_ =	swait.ge [sflag:s19], $0x4000  }
0x91: {  	[sflag:s19] =	ssyncset.done $0x0  }
0x92: {  	[sflag:s19] =	ssyncadd.s32 $0xFFFFC000  }
0x93: {  	[spmem:s3] =	stream.indirect.scatter.add.f32 [tilespmem:s16], [sflag:$0x2], $0x80, s20, s15, $0xb8;
	[tilespmem:$0x18A00] =	vst v63  }
0x94: {  	_ = 	snop  }
0x95: {  	[spmem:s4] =	stream.indirect.scatter.add.f32 [tilespmem:s17], [sflag:$0x2], $0x80, s20, s15, $0xb8;
	[tilespmem:$0x18A00] =	vst v63  }
0x96: {  	_ =	swait.ge [sflag:s18], $0x4000  }
0x97: {  	[sflag:s18] =	ssyncset.done $0x0  }
0x98: {  	[sflag:s18] =	ssyncadd.s32 $0xFFFFC000  }
0x99: {  	_ =	swait.ge [sflag:s18], $0x4000  }
0x9a: {  	[sflag:s18] =	ssyncset.done $0x0  }
0x9b: {  	[sflag:s18] =	ssyncadd.s32 $0xFFFFC000  }
0x9c: {  	[bflag:$0x0] =	sbarrier.arrive $0xFFFF  }
0x9d: {  	[tilespmem:s13], [sflag:$0x3] =	stream.linear.gather [spmem:s10], $0x2000, $0x38;
	[tilespmem:$0x18A00] =	vst v63  }
0x9e: {  	_ =	swait.ge [sflag:s8], $0x2000  }
0x9f: {  	[sflag:s8] =	ssyncset.done $0x0  }
0xa0: {  	[sflag:s8] =	ssyncadd.s32 $0xFFFFE000  }
0xa1: {  	[hbm4b:s14+s2] =	stream.linear.scatter [tilespmem:s13], [sflag:$0x3], $0x2000, $0x38;
	[tilespmem:$0x18A00] =	vst v63  }
0xa2: {  	_ =	swait.ge [sflag:s8], $0x2000  }
0xa3: {  	[sflag:s8] =	ssyncset.done $0x0  }
0xa4: {  	[sflag:s8] =	ssyncadd.s32 $0xFFFFE000  }
0xa5: {  	[tilespmem:s13], [sflag:$0x3] =	stream.linear.gather [spmem:s9], $0x2000, $0x38;
	[tilespmem:$0x18A00] =	vst v63  }
0xa6: {  	_ =	swait.ge [sflag:s8], $0x2000  }
0xa7: {  	[sflag:s8] =	ssyncset.done $0x0  }
0xa8: {  	[sflag:s8] =	ssyncadd.s32 $0xFFFFE000  }
0xa9: {  	[hbm4b:s12+s2] =	stream.linear.scatter [tilespmem:s13], [sflag:$0x3], $0x2000, $0x38;
	[tilespmem:$0x18A00] =	vst v63  }
0xaa: {  	_ =	swait.ge [sflag:s8], $0x2000  }
0xab: {  	[sflag:s8] =	ssyncset.done $0x0  }
0xac: {  	[sflag:s8] =	ssyncadd.s32 $0xFFFFE000  }
0xad: {  	[tilespmem:s11], [sflag:$0x3] =	stream.linear.gather [spmem:s6], $0x400, $0x38;
	[tilespmem:$0x18A00] =	vst v63  }
0xae: {  	p1 =	sne.s32 s26, $0x1;
	_ =	swait.ge [sflag:s8], $0x400  }
.Ltmp1:
0xaf: {  	[sflag:s8] =	ssyncset.done $0x0;
	(pc) =	sbr.rel @!p1 .LBB2_3-.Ltmp1, $4  }
0xb0: {  	[sflag:s8] =	ssyncadd.s32 $0xFFFFFC00  }
0xb1: {  	[hbm4b:s7+s2] =	stream.linear.scatter [tilespmem:s11], [sflag:$0x3], $0x400, $0x38;
	[tilespmem:$0x18A00] =	vst v63  }
0xb2: {  	p0 =	por $0x1, $0x1;
	_ =	swait.ge [sflag:s8], $0x400  }
0xb3: {  	s0 =	sadd.s32 $0xFFFFFFFF, s26;
	s1 =	rddreg [dreg:$0x6];
	[sflag:s8] =	ssyncset.done $0x0  }
.LBB2_4:
0xb4: {  	[sflag:s8] =	ssyncadd.s32 $0xFFFFFC00  }
0xb5: {  	[tilespmem:s13], [sflag:$0x3] =	stream.linear.gather [hbm4b:s1+s2], $0x2000, $0x38;
	[tilespmem:$0x18A00] =	vst v63  }
0xb6: {  	_ =	swait.ge [sflag:s8], $0x2000  }
0xb7: {  	[sflag:s8] =	ssyncset.done $0x0  }
0xb8: {  	[sflag:s8] =	ssyncadd.s32 $0xFFFFE000  }
0xb9: {  	[spmem:s10] =	stream.linear.scatter [tilespmem:s13], [sflag:$0x3], $0x2000, $0x38;
	[tilespmem:$0x18A00] =	vst v63  }
0xba: {  	_ =	swait.ge [sflag:s8], $0x2000  }
0xbb: {  	[sflag:s8] =	ssyncset.done $0x0  }
0xbc: {  	[sflag:s8] =	ssyncadd.s32 $0xFFFFE000  }
0xbd: {  	[spmem:s9] =	stream.linear.scatter [tilespmem:s13], [sflag:$0x3], $0x2000, $0x38;
	[tilespmem:$0x18A00] =	vst v63  }
0xbe: {  	_ =	swait.ge [sflag:s8], $0x2000  }
0xbf: {  	[sflag:s8] =	ssyncset.done $0x0  }
0xc0: {  	s26 =	rddreg [dreg:$0x7];
	[sflag:s8] =	ssyncadd.s32 $0xFFFFE000  }
0xc1: {  	[tilespmem:s11], [sflag:$0x3] =	stream.linear.gather [hbm4b:s26+s2], $0x400, $0x38;
	[tilespmem:$0x18A00] =	vst v63  }
0xc2: {  	_ =	swait.ge [sflag:s8], $0x400  }
0xc3: {  	[sflag:s8] =	ssyncset.done $0x0  }
0xc4: {  	[sflag:s8] =	ssyncadd.s32 $0xFFFFFC00  }
0xc5: {  	[spmem:s6] =	stream.linear.scatter [tilespmem:s11], [sflag:$0x3], $0x400, $0x38;
	[tilespmem:$0x18A00] =	vst v63  }
0xc6: {  	_ =	swait.ge [sflag:s8], $0x400  }
0xc7: {  	[sflag:s8] =	ssyncset.done $0x0  }
0xc8: {  	s26 =	rddreg [dreg:$0x8];
	[sflag:s8] =	ssyncadd.s32 $0xFFFFFC00  }
0xc9: {  	[tilespmem:s2], [sflag:$0x3] =	stream.linear.gather [hbm4b:s26+s2], $0x200, $0x38;
	[tilespmem:$0x18A00] =	vst v63  }
0xca: {  	_ =	swait.ge [sflag:s8], $0x200  }
0xcb: {  	[sflag:s8] =	ssyncset.done $0x0  }
0xcc: {  	s26 =	rddreg [dreg:$0x9];
	[sflag:s8] =	ssyncadd.s32 $0xFFFFFE00  }
0xcd: {  	[tilespmem:s31], [sflag:$0x3] =	stream.linear.gather [hbm4b:s26+s2], $0x2000, $0x38;
	[tilespmem:$0x18A00] =	vst v63  }
0xce: {  	_ =	swait.ge [sflag:s8], $0x2000  }
0xcf: {  	[sflag:s8] =	ssyncset.done $0x0  }
0xd0: {  	[sflag:s8] =	ssyncadd.s32 $0xFFFFE000  }
0xd1: {  	[bflag:$0x0] =	sbarrier.arrive $0xFFFF  }
0xd2: {  	s1 =	rddreg [dreg:$0xa]  }
0xd3: {  	[tilespmem:s23], [sflag:$0x1] =	stream.linear.gather [hbm4b:s1+s2], $0x4000, $0x38;
	[tilespmem:$0x18A00] =	vst v63  }
0xd4: {  	s26 =	rddreg [dreg:$0xb]  }
0xd5: {  	[tilespmem:s24], [sflag:$0x1] =	stream.linear.gather [hbm4b:s26+s2], $0x4000, $0x38;
	[tilespmem:$0x18A00] =	vst v63  }
0xd6: {  	_ = 	snop  }
0xd7: {  	[spmem:s5] =	stream.indirect.scatter.add.f32 [tilespmem:s31], [sflag:$0x3], $0x10, s2, s15, $0xb8;
	[tilespmem:$0x18A00] =	vst v63  }
0xd8: {  	_ =	swait.ge [sflag:s8], $0x800  }
0xd9: {  	[sflag:s8] =	ssyncset.done $0x0  }
0xda: {  	s1 =	rddreg [dreg:$0xc];
	[sflag:s8] =	ssyncadd.s32 $0xFFFFF800  }
0xdb: {  	[tilespmem:s16], [sflag:$0x1] =	stream.linear.gather [hbm4b:s1+s2], $0x4000, $0x38;
	[tilespmem:$0x18A00] =	vst v63  }
0xdc: {  	s26 =	rddreg [dreg:$0xd]  }
0xdd: {  	[tilespmem:s17], [sflag:$0x1] =	stream.linear.gather [hbm4b:s26+s2], $0x4000, $0x38;
	[tilespmem:$0x18A00] =	vst v63  }
0xde: {  	_ =	swait.ge [sflag:s19], $0x4000  }
0xdf: {  	[sflag:s19] =	ssyncset.done $0x0  }
0xe0: {  	[sflag:s19] =	ssyncadd.s32 $0xFFFFC000  }
0xe1: {  	_ =	swait.ge [sflag:s19], $0x4000  }
0xe2: {  	[sflag:s19] =	ssyncset.done $0x0  }
0xe3: {  	[sflag:s19] =	ssyncadd.s32 $0xFFFFC000  }
0xe4: {  	[spmem:s3] =	stream.indirect.scatter.add.f32 [tilespmem:s23], [sflag:$0x2], $0x80, s2, s15, $0xb8;
	[tilespmem:$0x18A00] =	vst v63  }
0xe5: {  	_ = 	snop  }
0xe6: {  	[spmem:s4] =	stream.indirect.scatter.add.f32 [tilespmem:s24], [sflag:$0x2], $0x80, s2, s15, $0xb8;
	[tilespmem:$0x18A00] =	vst v63  }
0xe7: {  	s26 =	simm.s32 $0x10A00  }
0xe8: {  	[spmem:s5] =	stream.indirect.scatter.add.f32 [tilespmem:s26], [sflag:$0x3], $0x10, s15, s15, $0xb8;
	[tilespmem:$0x18A00] =	vst v63  }
0xe9: {  	_ =	swait.ge [sflag:s8], $0x800  }
0xea: {  	[sflag:s8] =	ssyncset.done $0x0  }
0xeb: {  	[sflag:s8] =	ssyncadd.s32 $0xFFFFF800  }
0xec: {  	_ =	swait.ge [sflag:s18], $0x4000  }
0xed: {  	[sflag:s18] =	ssyncset.done $0x0  }
0xee: {  	[sflag:s18] =	ssyncadd.s32 $0xFFFFC000  }
0xef: {  	_ =	swait.ge [sflag:s18], $0x4000  }
0xf0: {  	[sflag:s18] =	ssyncset.done $0x0  }
0xf1: {  	s26 =	rddreg [dreg:$0xe];
	[sflag:s18] =	ssyncadd.s32 $0xFFFFC000  }
0xf2: {  	[tilespmem:s23], [sflag:$0x1] =	stream.linear.gather [hbm4b:s26+s2], $0x4000, $0x38;
	[tilespmem:$0x18A00] =	vst v63  }
0xf3: {  	_ = 	snop  }
0xf4: {  	[tilespmem:s24], [sflag:$0x1] =	stream.linear.gather [hbm4b:s28+s2], $0x4000, $0x38;
	[tilespmem:$0x18A00] =	vst v63  }
0xf5: {  	_ =	swait.ge [sflag:s19], $0x4000  }
0xf6: {  	[sflag:s19] =	ssyncset.done $0x0  }
0xf7: {  	[sflag:s19] =	ssyncadd.s32 $0xFFFFC000  }
0xf8: {  	_ =	swait.ge [sflag:s19], $0x4000  }
0xf9: {  	[sflag:s19] =	ssyncset.done $0x0  }
0xfa: {  	[sflag:s19] =	ssyncadd.s32 $0xFFFFC000  }
0xfb: {  	[spmem:s3] =	stream.indirect.scatter.add.f32 [tilespmem:s16], [sflag:$0x2], $0x80, s15, s15, $0xb8;
	[tilespmem:$0x18A00] =	vst v63  }
0xfc: {  	_ = 	snop  }
0xfd: {  	[spmem:s4] =	stream.indirect.scatter.add.f32 [tilespmem:s17], [sflag:$0x2], $0x80, s15, s15, $0xb8;
	[tilespmem:$0x18A00] =	vst v63  }
0xfe: {  	_ = 	snop  }
0xff: {  	[spmem:s5] =	stream.indirect.scatter.add.f32 [tilespmem:s30], [sflag:$0x3], $0x10, s25, s15, $0xb8;
	[tilespmem:$0x18A00] =	vst v63  }
0x100: {  	_ =	swait.ge [sflag:s8], $0x800  }
0x101: {  	[sflag:s8] =	ssyncset.done $0x0  }
0x102: {  	[sflag:s8] =	ssyncadd.s32 $0xFFFFF800  }
0x103: {  	_ =	swait.ge [sflag:s18], $0x4000  }
0x104: {  	[sflag:s18] =	ssyncset.done $0x0  }
0x105: {  	[sflag:s18] =	ssyncadd.s32 $0xFFFFC000  }
0x106: {  	_ =	swait.ge [sflag:s18], $0x4000  }
0x107: {  	[sflag:s18] =	ssyncset.done $0x0  }
0x108: {  	[sflag:s18] =	ssyncadd.s32 $0xFFFFC000  }
0x109: {  	[tilespmem:s16], [sflag:$0x1] =	stream.linear.gather [hbm4b:s21+s2], $0x4000, $0x38;
	[tilespmem:$0x18A00] =	vst v63  }
0x10a: {  	_ = 	snop  }
0x10b: {  	[tilespmem:s17], [sflag:$0x1] =	stream.linear.gather [hbm4b:s22+s2], $0x4000, $0x38;
	[tilespmem:$0x18A00] =	vst v63  }
0x10c: {  	_ =	swait.ge [sflag:s19], $0x4000  }
0x10d: {  	[sflag:s19] =	ssyncset.done $0x0  }
0x10e: {  	[sflag:s19] =	ssyncadd.s32 $0xFFFFC000  }
0x10f: {  	_ =	swait.ge [sflag:s19], $0x4000  }
0x110: {  	[sflag:s19] =	ssyncset.done $0x0  }
0x111: {  	[sflag:s19] =	ssyncadd.s32 $0xFFFFC000  }
0x112: {  	[spmem:s3] =	stream.indirect.scatter.add.f32 [tilespmem:s23], [sflag:$0x2], $0x80, s25, s15, $0xb8;
	[tilespmem:$0x18A00] =	vst v63  }
0x113: {  	_ = 	snop  }
0x114: {  	[spmem:s4] =	stream.indirect.scatter.add.f32 [tilespmem:s24], [sflag:$0x2], $0x80, s25, s15, $0xb8;
	[tilespmem:$0x18A00] =	vst v63  }
0x115: {  	_ = 	snop  }
0x116: {  	[spmem:s5] =	stream.indirect.scatter.add.f32 [tilespmem:s29], [sflag:$0x3], $0x10, s20, s15, $0xb8;
	[tilespmem:$0x18A00] =	vst v63  }
0x117: {  	_ =	swait.ge [sflag:s8], $0x800  }
0x118: {  	[sflag:s8] =	ssyncset.done $0x0  }
0x119: {  	[sflag:s8] =	ssyncadd.s32 $0xFFFFF800  }
0x11a: {  	_ =	swait.ge [sflag:s18], $0x4000  }
0x11b: {  	[sflag:s18] =	ssyncset.done $0x0  }
0x11c: {  	[sflag:s18] =	ssyncadd.s32 $0xFFFFC000  }
0x11d: {  	_ =	swait.ge [sflag:s18], $0x4000  }
0x11e: {  	[sflag:s18] =	ssyncset.done $0x0  }
0x11f: {  	[sflag:s18] =	ssyncadd.s32 $0xFFFFC000  }
0x120: {  	_ =	swait.ge [sflag:s19], $0x4000  }
0x121: {  	[sflag:s19] =	ssyncset.done $0x0  }
0x122: {  	[sflag:s19] =	ssyncadd.s32 $0xFFFFC000  }
0x123: {  	_ =	swait.ge [sflag:s19], $0x4000  }
0x124: {  	[sflag:s19] =	ssyncset.done $0x0  }
0x125: {  	[sflag:s19] =	ssyncadd.s32 $0xFFFFC000  }
0x126: {  	[spmem:s3] =	stream.indirect.scatter.add.f32 [tilespmem:s16], [sflag:$0x2], $0x80, s20, s15, $0xb8;
	[tilespmem:$0x18A00] =	vst v63  }
0x127: {  	_ = 	snop  }
0x128: {  	[spmem:s4] =	stream.indirect.scatter.add.f32 [tilespmem:s17], [sflag:$0x2], $0x80, s20, s15, $0xb8;
	[tilespmem:$0x18A00] =	vst v63  }
0x129: {  	_ =	swait.ge [sflag:s18], $0x4000  }
0x12a: {  	[sflag:s18] =	ssyncset.done $0x0  }
0x12b: {  	[sflag:s18] =	ssyncadd.s32 $0xFFFFC000  }
0x12c: {  	_ =	swait.ge [sflag:s18], $0x4000  }
0x12d: {  	[sflag:s18] =	ssyncset.done $0x0  }
0x12e: {  	[sflag:s18] =	ssyncadd.s32 $0xFFFFC000  }
0x12f: {  	[bflag:$0x0] =	sbarrier.arrive $0xFFFF  }
0x130: {  	[tilespmem:s13], [sflag:$0x3] =	stream.linear.gather [spmem:s10], $0x2000, $0x38;
	[tilespmem:$0x18A00] =	vst v63  }
0x131: {  	_ =	swait.ge [sflag:s8], $0x2000  }
0x132: {  	[sflag:s8] =	ssyncset.done $0x0  }
0x133: {  	[sflag:s8] =	ssyncadd.s32 $0xFFFFE000  }
0x134: {  	[hbm4b:s14+s2] =	stream.linear.scatter [tilespmem:s13], [sflag:$0x3], $0x2000, $0x38;
	[tilespmem:$0x18A00] =	vst v63  }
0x135: {  	_ =	swait.ge [sflag:s8], $0x2000  }
0x136: {  	[sflag:s8] =	ssyncset.done $0x0  }
0x137: {  	[sflag:s8] =	ssyncadd.s32 $0xFFFFE000  }
0x138: {  	[tilespmem:s13], [sflag:$0x3] =	stream.linear.gather [spmem:s9], $0x2000, $0x38;
	[tilespmem:$0x18A00] =	vst v63  }
0x139: {  	_ =	swait.ge [sflag:s8], $0x2000  }
0x13a: {  	[sflag:s8] =	ssyncset.done $0x0  }
0x13b: {  	[sflag:s8] =	ssyncadd.s32 $0xFFFFE000  }
0x13c: {  	[hbm4b:s12+s2] =	stream.linear.scatter [tilespmem:s13], [sflag:$0x3], $0x2000, $0x38;
	[tilespmem:$0x18A00] =	vst v63  }
0x13d: {  	_ =	swait.ge [sflag:s8], $0x2000  }
0x13e: {  	[sflag:s8] =	ssyncset.done $0x0  }
0x13f: {  	[sflag:s8] =	ssyncadd.s32 $0xFFFFE000  }
0x140: {  	[tilespmem:s11], [sflag:$0x3] =	stream.linear.gather [spmem:s6], $0x400, $0x38;
	[tilespmem:$0x18A00] =	vst v63  }
0x141: {  	p1 =	sne.s32 s0, $0x1;
	_ =	swait.ge [sflag:s8], $0x400  }
.Ltmp2:
0x142: {  	[sflag:s8] =	ssyncset.done $0x0;
	(pc) =	sbr.rel @p1 .LBB2_4-.Ltmp2, $4  }
0x143: {  	[sflag:s8] =	ssyncadd.s32 $0xFFFFFC00  }
0x144: {  	[hbm4b:s7+s2] =	stream.linear.scatter [tilespmem:s11], [sflag:$0x3], $0x400, $0x38;
	[tilespmem:$0x18A00] =	vst v63  }
0x145: {  	_ =	swait.ge [sflag:s8], $0x400  }
0x146: {  	s0 =	sadd.s32 $0xFFFFFFFF, s0;
	s1 =	rddreg [dreg:$0x6];
	[sflag:s8] =	ssyncset.done $0x0  }
0x147: {  	s29 =	simm.s32 $0x10A00;
	s30 =	simm.s32 $0x11200;
	s26 =	rddreg [dreg:$0x5]  }
.LBB2_6:
0x148: {  	[sflag:s8] =	ssyncadd.s32 @p0 $0xFFFFFC00  }
0x149: {  	[tilespmem:s13], [sflag:$0x3] =	stream.linear.gather [hbm4b:s1+s2], $0x2000, $0x38;
	[tilespmem:$0x18A00] =	vst v63  }
0x14a: {  	_ =	swait.ge [sflag:s8], $0x2000  }
0x14b: {  	[sflag:s8] =	ssyncset.done $0x0  }
0x14c: {  	[sflag:s8] =	ssyncadd.s32 $0xFFFFE000  }
0x14d: {  	[spmem:s10] =	stream.linear.scatter [tilespmem:s13], [sflag:$0x3], $0x2000, $0x38;
	[tilespmem:$0x18A00] =	vst v63  }
0x14e: {  	_ =	swait.ge [sflag:s8], $0x2000  }
0x14f: {  	[sflag:s8] =	ssyncset.done $0x0  }
0x150: {  	[sflag:s8] =	ssyncadd.s32 $0xFFFFE000  }
0x151: {  	[spmem:s9] =	stream.linear.scatter [tilespmem:s13], [sflag:$0x3], $0x2000, $0x38;
	[tilespmem:$0x18A00] =	vst v63  }
0x152: {  	_ =	swait.ge [sflag:s8], $0x2000  }
0x153: {  	[sflag:s8] =	ssyncset.done $0x0  }
0x154: {  	s0 =	rddreg [dreg:$0x7];
	[sflag:s8] =	ssyncadd.s32 $0xFFFFE000  }
0x155: {  	[tilespmem:s11], [sflag:$0x3] =	stream.linear.gather [hbm4b:s0+s2], $0x400, $0x38;
	[tilespmem:$0x18A00] =	vst v63  }
0x156: {  	_ =	swait.ge [sflag:s8], $0x400  }
0x157: {  	[sflag:s8] =	ssyncset.done $0x0  }
0x158: {  	[sflag:s8] =	ssyncadd.s32 $0xFFFFFC00  }
0x159: {  	[spmem:s6] =	stream.linear.scatter [tilespmem:s11], [sflag:$0x3], $0x400, $0x38;
	[tilespmem:$0x18A00] =	vst v63  }
0x15a: {  	_ =	swait.ge [sflag:s8], $0x400  }
0x15b: {  	[sflag:s8] =	ssyncset.done $0x0  }
0x15c: {  	s1 =	rddreg [dreg:$0x8];
	[sflag:s8] =	ssyncadd.s32 $0xFFFFFC00  }
0x15d: {  	[tilespmem:s2], [sflag:$0x3] =	stream.linear.gather [hbm4b:s1+s2], $0x200, $0x38;
	[tilespmem:$0x18A00] =	vst v63  }
0x15e: {  	_ =	swait.ge [sflag:s8], $0x200  }
0x15f: {  	[sflag:s8] =	ssyncset.done $0x0  }
0x160: {  	s1 =	rddreg [dreg:$0x9];
	[sflag:s8] =	ssyncadd.s32 $0xFFFFFE00  }
0x161: {  	[tilespmem:s31], [sflag:$0x3] =	stream.linear.gather [hbm4b:s1+s2], $0x2000, $0x38;
	[tilespmem:$0x18A00] =	vst v63  }
0x162: {  	_ =	swait.ge [sflag:s8], $0x2000  }
0x163: {  	[sflag:s8] =	ssyncset.done $0x0  }
0x164: {  	[sflag:s8] =	ssyncadd.s32 $0xFFFFE000  }
0x165: {  	[bflag:$0x0] =	sbarrier.arrive $0xFFFF  }
0x166: {  	s0 =	rddreg [dreg:$0xa]  }
0x167: {  	[tilespmem:s23], [sflag:$0x1] =	stream.linear.gather [hbm4b:s0+s2], $0x4000, $0x38;
	[tilespmem:$0x18A00] =	vst v63  }
0x168: {  	s1 =	rddreg [dreg:$0xb]  }
0x169: {  	[tilespmem:s24], [sflag:$0x1] =	stream.linear.gather [hbm4b:s1+s2], $0x4000, $0x38;
	[tilespmem:$0x18A00] =	vst v63  }
0x16a: {  	_ = 	snop  }
0x16b: {  	[spmem:s5] =	stream.indirect.scatter.add.f32 [tilespmem:s31], [sflag:$0x3], $0x10, s2, s15, $0xb8;
	[tilespmem:$0x18A00] =	vst v63  }
0x16c: {  	_ =	swait.ge [sflag:s8], $0x800  }
0x16d: {  	[sflag:s8] =	ssyncset.done $0x0  }
0x16e: {  	s1 =	rddreg [dreg:$0xc];
	[sflag:s8] =	ssyncadd.s32 $0xFFFFF800  }
0x16f: {  	[tilespmem:s16], [sflag:$0x1] =	stream.linear.gather [hbm4b:s1+s2], $0x4000, $0x38;
	[tilespmem:$0x18A00] =	vst v63  }
0x170: {  	s31 =	rddreg [dreg:$0xd]  }
0x171: {  	[tilespmem:s17], [sflag:$0x1] =	stream.linear.gather [hbm4b:s31+s2], $0x4000, $0x38;
	[tilespmem:$0x18A00] =	vst v63  }
0x172: {  	_ =	swait.ge [sflag:s19], $0x4000  }
0x173: {  	[sflag:s19] =	ssyncset.done $0x0  }
0x174: {  	[sflag:s19] =	ssyncadd.s32 $0xFFFFC000  }
0x175: {  	_ =	swait.ge [sflag:s19], $0x4000  }
0x176: {  	[sflag:s19] =	ssyncset.done $0x0  }
0x177: {  	[sflag:s19] =	ssyncadd.s32 $0xFFFFC000  }
0x178: {  	[spmem:s3] =	stream.indirect.scatter.add.f32 [tilespmem:s23], [sflag:$0x2], $0x80, s2, s15, $0xb8;
	[tilespmem:$0x18A00] =	vst v63  }
0x179: {  	_ = 	snop  }
0x17a: {  	[spmem:s4] =	stream.indirect.scatter.add.f32 [tilespmem:s24], [sflag:$0x2], $0x80, s2, s15, $0xb8;
	[tilespmem:$0x18A00] =	vst v63  }
0x17b: {  	_ = 	snop  }
0x17c: {  	[spmem:s5] =	stream.indirect.scatter.add.f32 [tilespmem:s29], [sflag:$0x3], $0x10, s15, s15, $0xb8;
	[tilespmem:$0x18A00] =	vst v63  }
0x17d: {  	_ =	swait.ge [sflag:s8], $0x800  }
0x17e: {  	[sflag:s8] =	ssyncset.done $0x0  }
0x17f: {  	[sflag:s8] =	ssyncadd.s32 $0xFFFFF800  }
0x180: {  	_ =	swait.ge [sflag:s18], $0x4000  }
0x181: {  	[sflag:s18] =	ssyncset.done $0x0  }
0x182: {  	[sflag:s18] =	ssyncadd.s32 $0xFFFFC000  }
0x183: {  	_ =	swait.ge [sflag:s18], $0x4000  }
0x184: {  	[sflag:s18] =	ssyncset.done $0x0  }
0x185: {  	s29 =	rddreg [dreg:$0xe];
	[sflag:s18] =	ssyncadd.s32 $0xFFFFC000  }
0x186: {  	[tilespmem:s23], [sflag:$0x1] =	stream.linear.gather [hbm4b:s29+s2], $0x4000, $0x38;
	[tilespmem:$0x18A00] =	vst v63  }
0x187: {  	_ = 	snop  }
0x188: {  	[tilespmem:s24], [sflag:$0x1] =	stream.linear.gather [hbm4b:s28+s2], $0x4000, $0x38;
	[tilespmem:$0x18A00] =	vst v63  }
0x189: {  	_ =	swait.ge [sflag:s19], $0x4000  }
0x18a: {  	[sflag:s19] =	ssyncset.done $0x0  }
0x18b: {  	[sflag:s19] =	ssyncadd.s32 $0xFFFFC000  }
0x18c: {  	_ =	swait.ge [sflag:s19], $0x4000  }
0x18d: {  	[sflag:s19] =	ssyncset.done $0x0  }
0x18e: {  	[sflag:s19] =	ssyncadd.s32 $0xFFFFC000  }
0x18f: {  	[spmem:s3] =	stream.indirect.scatter.add.f32 [tilespmem:s16], [sflag:$0x2], $0x80, s15, s15, $0xb8;
	[tilespmem:$0x18A00] =	vst v63  }
0x190: {  	_ = 	snop  }
0x191: {  	[spmem:s4] =	stream.indirect.scatter.add.f32 [tilespmem:s17], [sflag:$0x2], $0x80, s15, s15, $0xb8;
	[tilespmem:$0x18A00] =	vst v63  }
0x192: {  	_ = 	snop  }
0x193: {  	[spmem:s5] =	stream.indirect.scatter.add.f32 [tilespmem:s30], [sflag:$0x3], $0x10, s25, s15, $0xb8;
	[tilespmem:$0x18A00] =	vst v63  }
0x194: {  	_ =	swait.ge [sflag:s8], $0x800  }
0x195: {  	[sflag:s8] =	ssyncset.done $0x0  }
0x196: {  	[sflag:s8] =	ssyncadd.s32 $0xFFFFF800  }
0x197: {  	_ =	swait.ge [sflag:s18], $0x4000  }
0x198: {  	[sflag:s18] =	ssyncset.done $0x0  }
0x199: {  	[sflag:s18] =	ssyncadd.s32 $0xFFFFC000  }
0x19a: {  	_ =	swait.ge [sflag:s18], $0x4000  }
0x19b: {  	[sflag:s18] =	ssyncset.done $0x0  }
0x19c: {  	[sflag:s18] =	ssyncadd.s32 $0xFFFFC000  }
0x19d: {  	[tilespmem:s16], [sflag:$0x1] =	stream.linear.gather [hbm4b:s21+s2], $0x4000, $0x38;
	[tilespmem:$0x18A00] =	vst v63  }
0x19e: {  	_ = 	snop  }
0x19f: {  	[tilespmem:s17], [sflag:$0x1] =	stream.linear.gather [hbm4b:s22+s2], $0x4000, $0x38;
	[tilespmem:$0x18A00] =	vst v63  }
0x1a0: {  	_ =	swait.ge [sflag:s19], $0x4000  }
0x1a1: {  	[sflag:s19] =	ssyncset.done $0x0  }
0x1a2: {  	[sflag:s19] =	ssyncadd.s32 $0xFFFFC000  }
0x1a3: {  	_ =	swait.ge [sflag:s19], $0x4000  }
0x1a4: {  	[sflag:s19] =	ssyncset.done $0x0  }
0x1a5: {  	[sflag:s19] =	ssyncadd.s32 $0xFFFFC000  }
0x1a6: {  	[spmem:s3] =	stream.indirect.scatter.add.f32 [tilespmem:s23], [sflag:$0x2], $0x80, s25, s15, $0xb8;
	[tilespmem:$0x18A00] =	vst v63  }
0x1a7: {  	_ = 	snop  }
0x1a8: {  	[spmem:s4] =	stream.indirect.scatter.add.f32 [tilespmem:s24], [sflag:$0x2], $0x80, s25, s15, $0xb8;
	[tilespmem:$0x18A00] =	vst v63  }
0x1a9: {  	s30 =	simm.s32 $0x11A00  }
0x1aa: {  	[spmem:s5] =	stream.indirect.scatter.add.f32 [tilespmem:s30], [sflag:$0x3], $0x10, s20, s15, $0xb8;
	[tilespmem:$0x18A00] =	vst v63  }
0x1ab: {  	_ =	swait.ge [sflag:s8], $0x800  }
0x1ac: {  	[sflag:s8] =	ssyncset.done $0x0  }
0x1ad: {  	[sflag:s8] =	ssyncadd.s32 $0xFFFFF800  }
0x1ae: {  	_ =	swait.ge [sflag:s18], $0x4000  }
0x1af: {  	[sflag:s18] =	ssyncset.done $0x0  }
0x1b0: {  	[sflag:s18] =	ssyncadd.s32 $0xFFFFC000  }
0x1b1: {  	_ =	swait.ge [sflag:s18], $0x4000  }
0x1b2: {  	[sflag:s18] =	ssyncset.done $0x0  }
0x1b3: {  	[sflag:s18] =	ssyncadd.s32 $0xFFFFC000  }
0x1b4: {  	_ =	swait.ge [sflag:s19], $0x4000  }
0x1b5: {  	[sflag:s19] =	ssyncset.done $0x0  }
0x1b6: {  	[sflag:s19] =	ssyncadd.s32 $0xFFFFC000  }
0x1b7: {  	_ =	swait.ge [sflag:s19], $0x4000  }
0x1b8: {  	[sflag:s19] =	ssyncset.done $0x0  }
0x1b9: {  	[sflag:s19] =	ssyncadd.s32 $0xFFFFC000  }
0x1ba: {  	[spmem:s3] =	stream.indirect.scatter.add.f32 [tilespmem:s16], [sflag:$0x2], $0x80, s20, s15, $0xb8;
	[tilespmem:$0x18A00] =	vst v63  }
0x1bb: {  	_ = 	snop  }
0x1bc: {  	[spmem:s4] =	stream.indirect.scatter.add.f32 [tilespmem:s17], [sflag:$0x2], $0x80, s20, s15, $0xb8;
	[tilespmem:$0x18A00] =	vst v63  }
0x1bd: {  	_ =	swait.ge [sflag:s18], $0x4000  }
0x1be: {  	[sflag:s18] =	ssyncset.done $0x0  }
0x1bf: {  	[sflag:s18] =	ssyncadd.s32 $0xFFFFC000  }
0x1c0: {  	_ =	swait.ge [sflag:s18], $0x4000  }
0x1c1: {  	[sflag:s18] =	ssyncset.done $0x0  }
0x1c2: {  	[sflag:s18] =	ssyncadd.s32 $0xFFFFC000  }
0x1c3: {  	[bflag:$0x0] =	sbarrier.arrive $0xFFFF  }
0x1c4: {  	[tilespmem:s13], [sflag:$0x3] =	stream.linear.gather [spmem:s10], $0x2000, $0x38;
	[tilespmem:$0x18A00] =	vst v63  }
0x1c5: {  	_ =	swait.ge [sflag:s8], $0x2000  }
0x1c6: {  	[sflag:s8] =	ssyncset.done $0x0  }
0x1c7: {  	[sflag:s8] =	ssyncadd.s32 $0xFFFFE000  }
0x1c8: {  	[hbm4b:s14+s2] =	stream.linear.scatter [tilespmem:s13], [sflag:$0x3], $0x2000, $0x38;
	[tilespmem:$0x18A00] =	vst v63  }
0x1c9: {  	_ =	swait.ge [sflag:s8], $0x2000  }
0x1ca: {  	[sflag:s8] =	ssyncset.done $0x0  }
0x1cb: {  	[sflag:s8] =	ssyncadd.s32 $0xFFFFE000  }
0x1cc: {  	[tilespmem:s13], [sflag:$0x3] =	stream.linear.gather [spmem:s9], $0x2000, $0x38;
	[tilespmem:$0x18A00] =	vst v63  }
0x1cd: {  	_ =	swait.ge [sflag:s8], $0x2000  }
0x1ce: {  	[sflag:s8] =	ssyncset.done $0x0  }
0x1cf: {  	[sflag:s8] =	ssyncadd.s32 $0xFFFFE000  }
0x1d0: {  	[hbm4b:s12+s2] =	stream.linear.scatter [tilespmem:s13], [sflag:$0x3], $0x2000, $0x38;
	[tilespmem:$0x18A00] =	vst v63  }
0x1d1: {  	_ =	swait.ge [sflag:s8], $0x2000  }
0x1d2: {  	[sflag:s8] =	ssyncset.done $0x0  }
0x1d3: {  	[sflag:s8] =	ssyncadd.s32 $0xFFFFE000  }
0x1d4: {  	[tilespmem:s11], [sflag:$0x3] =	stream.linear.gather [spmem:s6], $0x400, $0x38;
	[tilespmem:$0x18A00] =	vst v63  }
0x1d5: {  	_ =	swait.ge [sflag:s8], $0x400  }
0x1d6: {  	[sflag:s8] =	ssyncset.done $0x0  }
0x1d7: {  	[sflag:s8] =	ssyncadd.s32 $0xFFFFFC00  }
0x1d8: {  	[hbm4b:s7+s2] =	stream.linear.scatter [tilespmem:s11], [sflag:$0x3], $0x400, $0x38;
	[tilespmem:$0x18A00] =	vst v63  }
0x1d9: {  	_ =	swait.ge [sflag:s8], $0x400  }
0x1da: {  	[sflag:s8] =	ssyncset.done $0x0  }
0x1db: {  	[sflag:s8] =	ssyncadd.s32 $0xFFFFFC00  }
0x1dc: {  	_ =	sfence.sel $0x180000  }
0x1dd: {  	s31 =	stileid.u32;
	[bflag:$0x0] =	sbarrier.arrive $0xFFFF  }
0x1de: {  	p0 =	sne.s32 s31, $0x0;
	_ =	strace $0x90000050  }
0x1df: {  	s0 =	sadd.s32 @!p0 $0x100000, s26;
	[bflag:$0x2] =	sbarrier.arrive $0xFFFF  }
0x1e0: {  	[sflag:s0] =	ssyncadd.tile.s32 @!p0 $0x1;
	_ =	shalt  }
.LBB2_1:
.Ltmp3:
0x1e1: {  	(pc) =	sbr.rel .LBB2_6-.Ltmp3, $2  }
0x1e2: {  	_ =	sdelay $0x2  }
0x1e3: {  	s29 =	simm.s32 $0x10A00;
	s30 =	simm.s32 $0x11200  }
.LBB2_3:
.Ltmp4:
0x1e4: {  	(pc) =	sbr.rel .LBB2_6-.Ltmp4, $2  }
0x1e5: {  	_ =	sdelay $0x2  }
0x1e6: {  	s29 =	simm.s32 $0x10A00;
	s30 =	simm.s32 $0x11200;
	s26 =	rddreg [dreg:$0x5]  }
.Lfunc_end2:
_tile_overlayer_lowered:
.L_overlay_start_2:
0x1e7: {  	(tag) =	ssettag $0x2  }
0x1e8: {  	s0 =	rddreg [dreg:$0x0];
	s2 =	stileid.u32  }
0x1e9: {  	s1 =	rddreg [dreg:$0x1];
	p0 =	sne.s32 s2, $0x0  }
0x1ea: {  	s3 =	rddreg [dreg:$0x2];
	[bflag:$0x3] =	sbarrier.arrive $0xFFFF;
	s2 =	simm.s32 @!p0 $0x1C03  }
0x1eb: {  	[timem:s3], [sflag:s2] =	dma.local @!p0 [hbm:s0], s1  }
0x1ec: {  	s0 =	simm.s32 @!p0 $0x3  }
0x1ed: {  	_ =	swait.ge @!p0 [sflag:s0], s1  }
0x1ee: {  	s1 =	ssub.s32 @!p0 $0x0, s1;
	[sflag:s0] =	ssyncset.done @!p0 $0x0  }
0x1ef: {  	[sflag:s0] =	ssyncadd.s32 @!p0 s1  }
0x1f0: {  	[bflag:$0x3] =	sbarrier.arrive $0xFFFF  }
0x1f1: {  	_ =	shalt  }

// kernel: kernel.28.cloned.1.call-start
scs
__scs_entry_jumppad:
0x0: {  	(pc) =	sbr.rel $0x88, $3  }
0x1: {  	(tag) =	ssettag $0x0;
	lr =	simm.s32 $0x1  }
0x2: {  	[smem:$0x3F87] =	sst lr;
	_ =	strace $0xD0000000  }
0x3: {  	_ = 	snop  }
0x4: {  	_ = 	snop  }
0x5: {  	_ = 	snop  }
0x6: {  	_ = 	snop  }
0x7: {  	_ = 	snop  }
__scs_overlays_trampoline_lowered:
0x8: {  	[smem:$0x3F96] =	sst s0  }
0x9: {  	[smem:$0x3F97] =	sst s1  }
0xa: {  	[smem:$0x3F98] =	sst s2  }
0xb: {  	[smem:$0x3F99] =	sst s3  }
0xc: {  	[smem:$0x3F9A] =	sst s4  }
0xd: {  	[smem:$0x3F9B] =	sst s5  }
0xe: {  	[smem:$0x3F9C] =	sst s6  }
0xf: {  	[smem:$0x3F9D] =	sst s7  }
0x10: {  	[smem:$0x3F9E] =	sst s8  }
0x11: {  	[smem:$0x3F9F] =	sst s9;
	s0 =	simm.s32 @!p0 $0x0  }
0x12: {  	s1 =	sld [smem:$0x3F85];
	s0 =	simm.s32 @p0 $0x1  }
0x13: {  	[smem:$0x3FA0] =	sst s0;
	s0 =	simm.s32 @!p1 $0x0  }
0x14: {  	s2 =	sld [smem:$0x3F84];
	s0 =	simm.s32 @p1 $0x1  }
0x15: {  	[smem:$0x3FA1] =	sst s0;
	s0 =	simm.s32 @!p2 $0x0  }
0x16: {  	s3 =	sld [smem:$0x3FDB];
	s0 =	simm.s32 @p2 $0x1  }
0x17: {  	s4 =	simm.s32 $0x1BF5;
	[smem:$0x3FA3] =	sst s0  }
0x18: {  	s0 =	sld [smem:$0x3F86];
	_ =	swait.ge [sflag:s4], $0x0  }
0x19: {  	s7 =	sld [smem:$0x3F87]  }
0x1a: {  	s8 =	sadd.s32 $0xFFFFE003, lr  }
0x1b: {  	s9 =	sadd.s32 $0xFFFFFEF7, lr;
	s5 =	simm.s32 $0xFFFFFFFF;
	p2 =	slt.u32 s8, $0xFFFFF086  }
0x1c: {  	p1 =	slt.u32 s9, $0xF7A;
	s5 =	simm.s32 @!p2 $0x0  }
0x1d: {  	s5 =	simm.s32 @p1 $0x1;
	p0 =	seq.s32 s7, s2  }
0x1e: {  	s7 =	smul.u32 @!p0 $0xF7A, s2;
	p2 =	seq.s32 @!p0 s5, $0x0  }
0x1f: {  	s9 =	smul.u32 $0xF7A, s1;
	s8 =	simm.s32 @!p0 $0x1BF5;
	p2 =	por !p2, p0  }
0x20: {  	[sflag:s8] =	ssyncset.s32 @!p0 $0xFFFFF086;
	s6 =	sadd.s32 @!p0 s3, s7;
	s7 =	simm.s32 @!p0 $0x108  }
0x21: {  	s3 =	sadd.s32 s3, s9;
	s6 =	sadd.s32 @!p0 $0x88, s6;
	s7 =	simm.s32 @p2 $0x1082  }
0x22: {  	[simem:s7], [sflag:s8] =	dma.local @!p0 [hbm:s6], $0xF7A  }
0x23: {  	s9 =	sor.u32 $0xD0000000, s2;
	s6 =	simm.s32 $0x108;
	_ =	swait.ge @!p0 [sflag:s8], $0x0  }
0x24: {  	s3 =	sadd.s32 $0x88, s3;
	s6 =	simm.s32 @!p1 $0x1082;
	[sflag:s4] =	ssyncset.s32 $0xFFFFF086  }
0x25: {  	[simem:s6], [sflag:s4] =	dma.local [hbm:s3], $0xF7A  }
0x26: {  	[smem:$0x3F87] =	sst s1;
	(tag) =	ssettag s2;
	_ =	strace s9  }
0x27: {  	s1 =	sld [smem:$0x3F97]  }
0x28: {  	s2 =	sld [smem:$0x3F98]  }
0x29: {  	s4 =	sld [smem:$0x3F9A]  }
0x2a: {  	p0 =	seq.s32 s5, $0x0;
	s5 =	sld [smem:$0x3F9B]  }
0x2b: {  	s6 =	sld [smem:$0x3F9C]  }
0x2c: {  	s7 =	sld [smem:$0x3F9D]  }
0x2d: {  	s3 =	simm.s32 $0x108;
	s8 =	sld [smem:$0x3F9E]  }
0x2e: {  	s3 =	simm.s32 @!p0 $0x1082;
	s9 =	sld [smem:$0x3F9F]  }
0x2f: {  	lr =	sadd.s32 s0, s3;
	s0 =	sld [smem:$0x3F96]  }
0x30: {  	s3 =	sld [smem:$0x3F99]  }
0x31: {  	[smem:$0x3FA2] =	sst s10  }
0x32: {  	s10 =	sld [smem:$0x3FA0];
	_ =	sdelay $0x3  }
0x33: {  	p0 =	seq.s32 s10, $0x1;
	s10 =	sld [smem:$0x3FA2];
	_ =	sdelay $0x3  }
0x34: {  	[smem:$0x3FA2] =	sst s10  }
0x35: {  	s10 =	sld [smem:$0x3FA1];
	_ =	sdelay $0x3  }
0x36: {  	p1 =	seq.s32 s10, $0x1;
	s10 =	sld [smem:$0x3FA2];
	_ =	sdelay $0x3  }
0x37: {  	[smem:$0x3FA2] =	sst s10  }
0x38: {  	s10 =	sld [smem:$0x3FA3]  }
0x39: {  	_ = 	snop;
	(pc) =	sbr.ind lr, $3  }
0x3a: {  	_ = 	snop  }
0x3b: {  	_ = 	snop  }
0x3c: {  	p2 =	seq.s32 s10, $0x1;
	s10 =	sld [smem:$0x3FA2]  }
0x3d: {  	_ =	shalt  }
0x3e: {  	_ =	shalt  }
0x3f: {  	_ =	shalt  }
0x40: {  	_ =	shalt  }
0x41: {  	_ =	shalt  }
0x42: {  	_ =	shalt  }
0x43: {  	_ =	shalt  }
0x44: {  	_ =	shalt  }
0x45: {  	_ =	shalt  }
0x46: {  	_ =	shalt  }
0x47: {  	_ =	shalt  }
0x48: {  	_ =	shalt  }
0x49: {  	_ =	shalt  }
0x4a: {  	_ =	shalt  }
0x4b: {  	_ =	shalt  }
0x4c: {  	_ =	shalt  }
0x4d: {  	_ =	shalt  }
0x4e: {  	_ =	shalt  }
0x4f: {  	_ =	shalt  }
0x50: {  	_ =	shalt  }
0x51: {  	_ =	shalt  }
0x52: {  	_ =	shalt  }
0x53: {  	_ =	shalt  }
0x54: {  	_ =	shalt  }
0x55: {  	_ =	shalt  }
0x56: {  	_ =	shalt  }
0x57: {  	_ =	shalt  }
0x58: {  	_ =	shalt  }
0x59: {  	_ =	shalt  }
0x5a: {  	_ =	shalt  }
0x5b: {  	_ =	shalt  }
0x5c: {  	_ =	shalt  }
0x5d: {  	_ =	shalt  }
0x5e: {  	_ =	shalt  }
0x5f: {  	_ =	shalt  }
0x60: {  	_ =	shalt  }
0x61: {  	_ =	shalt  }
0x62: {  	_ =	shalt  }
0x63: {  	_ =	shalt  }
0x64: {  	_ =	shalt  }
0x65: {  	_ =	shalt  }
0x66: {  	_ =	shalt  }
0x67: {  	_ =	shalt  }
0x68: {  	_ =	shalt  }
0x69: {  	_ =	shalt  }
0x6a: {  	_ =	shalt  }
0x6b: {  	_ =	shalt  }
0x6c: {  	_ =	shalt  }
0x6d: {  	_ =	shalt  }
0x6e: {  	_ =	shalt  }
0x6f: {  	_ =	shalt  }
0x70: {  	_ =	shalt  }
0x71: {  	_ =	shalt  }
0x72: {  	_ =	shalt  }
0x73: {  	_ =	shalt  }
0x74: {  	_ =	shalt  }
0x75: {  	_ =	shalt  }
0x76: {  	_ =	shalt  }
0x77: {  	_ =	shalt  }
0x78: {  	_ =	shalt  }
0x79: {  	_ =	shalt  }
0x7a: {  	_ =	shalt  }
0x7b: {  	_ =	shalt  }
0x7c: {  	_ =	shalt  }
0x7d: {  	_ =	shalt  }
0x7e: {  	_ =	shalt  }
0x7f: {  	_ =	shalt  }
0x80: {  	_ =	shalt  }
0x81: {  	_ =	shalt  }
0x82: {  	_ =	shalt  }
0x83: {  	_ =	shalt  }
0x84: {  	_ =	shalt  }
0x85: {  	_ =	shalt  }
0x86: {  	_ =	shalt  }
0x87: {  	_ =	shalt  }
.Lfunc_end0:
.L_simem_size_0:
called_computation.5_lowered:
.L_overlay_start_0:
0x88: {  	s2 =	sld [smem:$0x3FD9]  }
0x89: {  	s3 =	sld [smem:$0x3FFE];
	_ =	sdelay $0x1  }
0x8a: {  	s1 =	srdreg.scid  }
0x8b: {  	s0 =	sand.u32 $0x1, s1  }
0x8c: {  	s17 =	sshll.u32 s0, $0xA;
	s2 =	sadd.s32 s3, s2  }
0x8d: {  	s2 =	sadd.s32 s2, s17  }
0x8e: {  	[smem:$0x3FAE] =	sst s2  }
0x8f: {  	_ = 	snop  }
0x90: {  	s2 =	sld [smem:$0x3FB0]  }
0x91: {  	s18 =	sld [smem:$0x3FD0];
	(tm) =	ssettm $0x1  }
0x92: {  	s4 =	sld [smem:$0x3FFB];
	_ =	sdelay $0x3  }
0x93: {  	_ =	strace s4  }
0x94: {  	s4 =	sld [smem:$0x3FFC];
	_ =	sdelay $0x3  }
0x95: {  	_ =	strace s4  }
0x96: {  	s4 =	sld [smem:$0x3FFD];
	_ =	sdelay $0x3  }
0x97: {  	_ =	strace s4  }
0x98: {  	_ =	strace $0x8FFFFFFF  }
0x99: {  	s19 =	sld [smem:$0x3FDB];
	_ =	sdelay $0x1  }
0x9a: {  	s5 =	simm.s32 $_scs_section_size  }
0x9b: {  	s6 =	simm.s32 $_size__tile_overlayer_lowered;
	s7 =	simm.s32 $_tile_overlayer_lowered  }
0x9c: {  	s22 =	simm.s32 $0x1BFF;
	s21 =	sshll.u32 s7, $0x1;
	s4 =	sadd.s32 s5, s19  }
0x9d: {  	s8 =	simm.s32 $0x0;
	s20 =	sshll.u32 s6, $0x1;
	s6 =	sadd.s32 s21, s4  }
0x9e: {  	[timem:s8], [sflag:s22] =	dma.local [hbm:s6], s20  }
0x9f: {  	_ =	swait.ge [sflag:s22], s20  }
0xa0: {  	s5 =	ssub.s32 $0x0, s20;
	[sflag:s22] =	ssyncset.done $0x0  }
0xa1: {  	[sflag:s22] =	ssyncadd.s32 s5;
	_ =	sdelay $0x1  }
0xa2: {  	s23 =	simm.s32 $0x1B8B  }
0xa3: {  	_ =	swait.ge [sflag:s23], $0x1  }
0xa4: {  	[sflag:s23] =	ssyncset.done $0x0  }
0xa5: {  	s25 =	simm.s32 $0x1B8E;
	s24 =	sld [smem:$0x3FFE];
	[sflag:s23] =	ssyncadd.s32 $0xFFFFFFFF  }
0xa6: {  	s26 =	simm.s32 $execute0_lowered;
	[smem:$0x3FD2] =	sst s25  }
0xa7: {  	s6 =	sshll.u32 s26, $0x1;
	_ =	strace $0x80000055;
	[dreg:$0x1] =	wrdreg $0xFFFFFFFF  }
0xa8: {  	s28 =	simm.s32 $_size_execute0_lowered;
	s4 =	sadd.s32 s4, s6;
	[dreg:$0x0] =	wrdreg $0x0  }
0xa9: {  	s6 =	sshll.u32 s28, $0x1;
	[dreg:$0x2] =	wrdreg s4  }
0xaa: {  	[dreg:$0x3] =	wrdreg s6  }
0xab: {  	[dreg:$0x4] =	wrdreg $0xC0  }
0xac: {  	_ =	task [dreg:s8], $0x5FFFF  }
0xad: {  	[dreg:$0x1] =	wrdreg $0xFFFFFFFF  }
0xae: {  	[dreg:$0x0] =	wrdreg $0x60  }
0xaf: {  	[dreg:$0x2] =	wrdreg s24  }
0xb0: {  	[dreg:$0x3] =	wrdreg s2  }
0xb1: {  	[dreg:$0x4] =	wrdreg s18  }
0xb2: {  	[dreg:$0x5] =	wrdreg $0x9  }
0xb3: {  	_ =	task.clear_ibuf [dreg:s8], $0x6FFFF;
	_ =	strace $0x90000055  }
0xb4: {  	s29 =	simm.s32 $0x9;
	_ =	strace $0x80000057  }
0xb5: {  	_ =	swait.ge [sflag:s29], $0x1  }
0xb6: {  	[sflag:s29] =	ssyncadd.s32 $0xFFFFFFFF  }
0xb7: {  	_ =	strace $0x90000057  }
0xb8: {  	_ =	sfence  }
0xb9: {  	s30 =	sld [smem:$0x0];
	_ =	sdelay $0x2  }
0xba: {  	s31 =	sshll.u32 s1, $0xD;
	s1 =	sshrl.u32 s1, $0x2  }
0xbb: {  	s3 =	sand.u32 $0x4000, s31;
	s1 =	sadd.s32 s1, s30  }
0xbc: {  	s0 =	sor.u32 s3, s0;
	s1 =	sshll.u32 s1, $0x11  }
0xbd: {  	s0 =	sor.u32 s1, s0  }
0xbe: {  	s0 =	sadd.s32 $0x8F2B, s0  }
0xbf: {  	[sflag:s0] =	ssyncadd.remote.s32 $0x1  }
0xc0: {  	_ =	sfence.sel $0xFFFF  }
0xc1: {  	[dreg:$0x0] =	wrdreg $0xFFFFFFFF;
	(pc) =	sbr.abs _section_cstart, $3  }
0xc2: {  	[dreg:$0x1] =	wrdreg $0xFFFFFFFF  }
0xc3: {  	_ =	task.clear_ibuf [dreg:s8], $0x2FFFF;
	_ =	strace $0x9FFFFFFF  }
0xc4: {  	(tm) =	ssettm $0x7FFFFFFF  }
0xc5: {  	_ =	shalt  }
tec
execute0_lowered:
.L_overlay_start_1:
0x0: {  	(tag) =	ssettag $0x1  }
0x1: {  	s5 =	rddreg [dreg:$0x0]  }
0x2: {  	s3 =	rddreg [dreg:$0x1]  }
0x3: {  	s1 =	srdreg.scid;
	s0 =	stileid.u32  }
0x4: {  	s10 =	rddreg [dreg:$0x2];
	s24 =	sand.u32 $0x1, s1;
	s4 =	sshll.u32 s0, $0x1  }
0x5: {  	s2 =	simm.s32 $0x0;
	s1 =	rddreg [dreg:$0x3];
	s11 =	sor.u32 s24, s4  }
0x6: {  	[smem:$0x7FF] =	sst s2;
	s4 =	sshll.u32 s11, $0x7  }
0x7: {  	_ =	strace $0x80000056;
	s3 =	sadd.s32 s3, s4;
	s4 =	simm.s32 $0x3  }
0x8: {  	[tilespmem:s2], [sflag:$0x3] =	stream.linear.gather [hbm4b:s3+s2], $0x400, $0x38;
	[tilespmem:$0x8400] =	vst v63  }
0x9: {  	_ =	swait.ge [sflag:s4], $0x400  }
0xa: {  	s6 =	simm.s32 $0x80;
	[sflag:s4] =	ssyncset.done $0x0  }
0xb: {  	s7 =	simm.s32 $0x400;
	s5 =	sadd.s32 $0x8000, s5;
	[sflag:s4] =	ssyncadd.s32 $0xFFFFFC00  }
0xc: {  	[tilespmem:s7], [sflag:$0x1] =	stream.indirect.gather [hbm4b:s5+s6], $0x80, s2, s6, $0xb8;
	[tilespmem:$0x8400] =	vst v63  }
0xd: {  	s8 =	simm.s32 $0x4400;
	s9 =	simm.s32 $0x1  }
0xe: {  	[tilespmem:s8], [sflag:$0x1] =	stream.indirect.gather [hbm4b:s5+s6], $0x80, s6, s6, $0xb8;
	[tilespmem:$0x8400] =	vst v63  }
0xf: {  	_ =	swait.ge [sflag:s9], $0x4000  }
0x10: {  	s11 =	sshll.u32 s11, $0xE;
	[sflag:s9] =	ssyncset.done $0x0  }
0x11: {  	s11 =	sadd.s32 s10, s11;
	s10 =	simm.s32 $0x2;
	[sflag:s9] =	ssyncadd.s32 $0xFFFFC000  }
0x12: {  	[hbm4b:s11+s2] =	stream.linear.scatter [tilespmem:s7], [sflag:$0x2], $0x4000, $0x38;
	[tilespmem:$0x8400] =	vst v63  }
0x13: {  	_ =	swait.ge [sflag:s10], $0x4000  }
0x14: {  	[sflag:s10] =	ssyncset.done $0x0  }
0x15: {  	s12 =	simm.s32 $0x100;
	[sflag:s10] =	ssyncadd.s32 $0xFFFFC000  }
0x16: {  	[tilespmem:s7], [sflag:$0x1] =	stream.indirect.gather [hbm4b:s5+s6], $0x80, s12, s6, $0xb8;
	[tilespmem:$0x8400] =	vst v63  }
0x17: {  	_ =	swait.ge [sflag:s9], $0x4000  }
0x18: {  	[sflag:s9] =	ssyncset.done $0x0  }
0x19: {  	s13 =	sadd.s32 $0x800, s11;
	[sflag:s9] =	ssyncadd.s32 $0xFFFFC000  }
0x1a: {  	[hbm4b:s13+s2] =	stream.linear.scatter [tilespmem:s8], [sflag:$0x2], $0x4000, $0x38;
	[tilespmem:$0x8400] =	vst v63  }
0x1b: {  	_ =	swait.ge [sflag:s10], $0x4000  }
0x1c: {  	[sflag:s10] =	ssyncset.done $0x0  }
0x1d: {  	s14 =	simm.s32 $0x180;
	[sflag:s10] =	ssyncadd.s32 $0xFFFFC000  }
0x1e: {  	[tilespmem:s8], [sflag:$0x1] =	stream.indirect.gather [hbm4b:s5+s6], $0x80, s14, s6, $0xb8;
	[tilespmem:$0x8400] =	vst v63  }
0x1f: {  	_ =	swait.ge [sflag:s9], $0x4000  }
0x20: {  	[sflag:s9] =	ssyncset.done $0x0  }
0x21: {  	s15 =	sadd.s32 $0x1000, s11;
	[sflag:s9] =	ssyncadd.s32 $0xFFFFC000  }
0x22: {  	[hbm4b:s15+s2] =	stream.linear.scatter [tilespmem:s7], [sflag:$0x2], $0x4000, $0x38;
	[tilespmem:$0x8400] =	vst v63  }
0x23: {  	_ =	swait.ge [sflag:s10], $0x4000  }
0x24: {  	[sflag:s10] =	ssyncset.done $0x0  }
0x25: {  	s16 =	simm.s32 $0x200;
	[sflag:s10] =	ssyncadd.s32 $0xFFFFC000  }
0x26: {  	[tilespmem:s7], [sflag:$0x1] =	stream.indirect.gather [hbm4b:s5+s6], $0x80, s16, s6, $0xb8;
	[tilespmem:$0x8400] =	vst v63  }
0x27: {  	_ =	swait.ge [sflag:s9], $0x4000  }
0x28: {  	[sflag:s9] =	ssyncset.done $0x0  }
0x29: {  	s17 =	sadd.s32 $0x1800, s11;
	[sflag:s9] =	ssyncadd.s32 $0xFFFFC000  }
0x2a: {  	[hbm4b:s17+s2] =	stream.linear.scatter [tilespmem:s8], [sflag:$0x2], $0x4000, $0x38;
	[tilespmem:$0x8400] =	vst v63  }
0x2b: {  	_ =	swait.ge [sflag:s10], $0x4000  }
0x2c: {  	[sflag:s10] =	ssyncset.done $0x0  }
0x2d: {  	s18 =	simm.s32 $0x280;
	[sflag:s10] =	ssyncadd.s32 $0xFFFFC000  }
0x2e: {  	[tilespmem:s8], [sflag:$0x1] =	stream.indirect.gather [hbm4b:s5+s6], $0x80, s18, s6, $0xb8;
	[tilespmem:$0x8400] =	vst v63  }
0x2f: {  	_ =	swait.ge [sflag:s9], $0x4000  }
0x30: {  	[sflag:s9] =	ssyncset.done $0x0  }
0x31: {  	s19 =	sadd.s32 $0x2000, s11;
	[sflag:s9] =	ssyncadd.s32 $0xFFFFC000  }
0x32: {  	[hbm4b:s19+s2] =	stream.linear.scatter [tilespmem:s7], [sflag:$0x2], $0x4000, $0x38;
	[tilespmem:$0x8400] =	vst v63  }
0x33: {  	_ =	swait.ge [sflag:s10], $0x4000  }
0x34: {  	[sflag:s10] =	ssyncset.done $0x0  }
0x35: {  	s20 =	simm.s32 $0x300;
	[sflag:s10] =	ssyncadd.s32 $0xFFFFC000  }
0x36: {  	[tilespmem:s7], [sflag:$0x1] =	stream.indirect.gather [hbm4b:s5+s6], $0x80, s20, s6, $0xb8;
	[tilespmem:$0x8400] =	vst v63  }
0x37: {  	_ =	swait.ge [sflag:s9], $0x4000  }
0x38: {  	[sflag:s9] =	ssyncset.done $0x0  }
0x39: {  	s21 =	sadd.s32 $0x2800, s11;
	[sflag:s9] =	ssyncadd.s32 $0xFFFFC000  }
0x3a: {  	[hbm4b:s21+s2] =	stream.linear.scatter [tilespmem:s8], [sflag:$0x2], $0x4000, $0x38;
	[tilespmem:$0x8400] =	vst v63  }
0x3b: {  	_ =	swait.ge [sflag:s10], $0x4000  }
0x3c: {  	[sflag:s10] =	ssyncset.done $0x0  }
0x3d: {  	s22 =	simm.s32 $0x380;
	[sflag:s10] =	ssyncadd.s32 $0xFFFFC000  }
0x3e: {  	[tilespmem:s8], [sflag:$0x1] =	stream.indirect.gather [hbm4b:s5+s6], $0x80, s22, s6, $0xb8;
	[tilespmem:$0x8400] =	vst v63  }
0x3f: {  	_ =	swait.ge [sflag:s9], $0x4000  }
0x40: {  	[sflag:s9] =	ssyncset.done $0x0  }
0x41: {  	s24 =	ssub.s32 $0x2, s24;
	s23 =	sadd.s32 $0x3000, s11;
	[sflag:s9] =	ssyncadd.s32 $0xFFFFC000  }
0x42: {  	[hbm4b:s23+s2] =	stream.linear.scatter [tilespmem:s7], [sflag:$0x2], $0x4000, $0x38;
	[tilespmem:$0x8400] =	vst v63  }
0x43: {  	s25 =	sshrl.u32 s24, $0x1;
	_ =	swait.ge [sflag:s10], $0x4000  }
0x44: {  	s25 =	ssub.s32 s24, s25;
	[sflag:s10] =	ssyncset.done $0x0  }
0x45: {  	s25 =	smax.u32 s25, $0x1;
	[sflag:s10] =	ssyncadd.s32 $0xFFFFC000  }
0x46: {  	p0 =	sne.s32 s25, $0x1;
	_ =	swait.ge [sflag:s9], $0x4000  }
.Ltmp0:
0x47: {  	[sflag:s9] =	ssyncset.done $0x0;
	(pc) =	sbr.rel @!p0 .LBB2_2-.Ltmp0, $4  }
0x48: {  	s24 =	sadd.s32 $0x3800, s11;
	[sflag:s9] =	ssyncadd.s32 $0xFFFFC000  }
0x49: {  	[hbm4b:s24+s2] =	stream.linear.scatter [tilespmem:s8], [sflag:$0x2], $0x4000, $0x38;
	[tilespmem:$0x8400] =	vst v63  }
0x4a: {  	_ =	swait.ge [sflag:s10], $0x4000  }
0x4b: {  	s25 =	sadd.s32 $0xFFFFFFFF, s25;
	[sflag:s10] =	ssyncset.done $0x0  }
.LBB2_1:
0x4c: {  	p0 =	sne.s32 s25, $0x1;
	s25 =	sadd.s32 $0xFFFFFFFF, s25;
	[sflag:s10] =	ssyncadd.s32 $0xFFFFC000  }
0x4d: {  	[tilespmem:s2], [sflag:$0x3] =	stream.linear.gather [hbm4b:s3+s2], $0x400, $0x38;
	[tilespmem:$0x8400] =	vst v63  }
0x4e: {  	_ =	swait.ge [sflag:s4], $0x400  }
0x4f: {  	[sflag:s4] =	ssyncset.done $0x0  }
0x50: {  	[sflag:s4] =	ssyncadd.s32 $0xFFFFFC00  }
0x51: {  	[tilespmem:s7], [sflag:$0x1] =	stream.indirect.gather [hbm4b:s5+s6], $0x80, s2, s6, $0xb8;
	[tilespmem:$0x8400] =	vst v63  }
0x52: {  	_ = 	snop  }
0x53: {  	[tilespmem:s8], [sflag:$0x1] =	stream.indirect.gather [hbm4b:s5+s6], $0x80, s6, s6, $0xb8;
	[tilespmem:$0x8400] =	vst v63  }
0x54: {  	_ =	swait.ge [sflag:s9], $0x4000  }
0x55: {  	[sflag:s9] =	ssyncset.done $0x0  }
0x56: {  	[sflag:s9] =	ssyncadd.s32 $0xFFFFC000  }
0x57: {  	[hbm4b:s11+s2] =	stream.linear.scatter [tilespmem:s7], [sflag:$0x2], $0x4000, $0x38;
	[tilespmem:$0x8400] =	vst v63  }
0x58: {  	_ =	swait.ge [sflag:s10], $0x4000  }
0x59: {  	[sflag:s10] =	ssyncset.done $0x0  }
0x5a: {  	[sflag:s10] =	ssyncadd.s32 $0xFFFFC000  }
0x5b: {  	[tilespmem:s7], [sflag:$0x1] =	stream.indirect.gather [hbm4b:s5+s6], $0x80, s12, s6, $0xb8;
	[tilespmem:$0x8400] =	vst v63  }
0x5c: {  	_ =	swait.ge [sflag:s9], $0x4000  }
0x5d: {  	[sflag:s9] =	ssyncset.done $0x0  }
0x5e: {  	[sflag:s9] =	ssyncadd.s32 $0xFFFFC000  }
0x5f: {  	[hbm4b:s13+s2] =	stream.linear.scatter [tilespmem:s8], [sflag:$0x2], $0x4000, $0x38;
	[tilespmem:$0x8400] =	vst v63  }
0x60: {  	_ =	swait.ge [sflag:s10], $0x4000  }
0x61: {  	[sflag:s10] =	ssyncset.done $0x0  }
0x62: {  	[sflag:s10] =	ssyncadd.s32 $0xFFFFC000  }
0x63: {  	[tilespmem:s8], [sflag:$0x1] =	stream.indirect.gather [hbm4b:s5+s6], $0x80, s14, s6, $0xb8;
	[tilespmem:$0x8400] =	vst v63  }
0x64: {  	_ =	swait.ge [sflag:s9], $0x4000  }
0x65: {  	[sflag:s9] =	ssyncset.done $0x0  }
0x66: {  	[sflag:s9] =	ssyncadd.s32 $0xFFFFC000  }
0x67: {  	[hbm4b:s15+s2] =	stream.linear.scatter [tilespmem:s7], [sflag:$0x2], $0x4000, $0x38;
	[tilespmem:$0x8400] =	vst v63  }
0x68: {  	_ =	swait.ge [sflag:s10], $0x4000  }
0x69: {  	[sflag:s10] =	ssyncset.done $0x0  }
0x6a: {  	[sflag:s10] =	ssyncadd.s32 $0xFFFFC000  }
0x6b: {  	[tilespmem:s7], [sflag:$0x1] =	stream.indirect.gather [hbm4b:s5+s6], $0x80, s16, s6, $0xb8;
	[tilespmem:$0x8400] =	vst v63  }
0x6c: {  	_ =	swait.ge [sflag:s9], $0x4000  }
0x6d: {  	[sflag:s9] =	ssyncset.done $0x0  }
0x6e: {  	[sflag:s9] =	ssyncadd.s32 $0xFFFFC000  }
0x6f: {  	[hbm4b:s17+s2] =	stream.linear.scatter [tilespmem:s8], [sflag:$0x2], $0x4000, $0x38;
	[tilespmem:$0x8400] =	vst v63  }
0x70: {  	_ =	swait.ge [sflag:s10], $0x4000  }
0x71: {  	[sflag:s10] =	ssyncset.done $0x0  }
0x72: {  	[sflag:s10] =	ssyncadd.s32 $0xFFFFC000  }
0x73: {  	[tilespmem:s8], [sflag:$0x1] =	stream.indirect.gather [hbm4b:s5+s6], $0x80, s18, s6, $0xb8;
	[tilespmem:$0x8400] =	vst v63  }
0x74: {  	_ =	swait.ge [sflag:s9], $0x4000  }
0x75: {  	[sflag:s9] =	ssyncset.done $0x0  }
0x76: {  	[sflag:s9] =	ssyncadd.s32 $0xFFFFC000  }
0x77: {  	[hbm4b:s19+s2] =	stream.linear.scatter [tilespmem:s7], [sflag:$0x2], $0x4000, $0x38;
	[tilespmem:$0x8400] =	vst v63  }
0x78: {  	_ =	swait.ge [sflag:s10], $0x4000  }
0x79: {  	[sflag:s10] =	ssyncset.done $0x0  }
0x7a: {  	[sflag:s10] =	ssyncadd.s32 $0xFFFFC000  }
0x7b: {  	[tilespmem:s7], [sflag:$0x1] =	stream.indirect.gather [hbm4b:s5+s6], $0x80, s20, s6, $0xb8;
	[tilespmem:$0x8400] =	vst v63  }
0x7c: {  	_ =	swait.ge [sflag:s9], $0x4000  }
0x7d: {  	[sflag:s9] =	ssyncset.done $0x0  }
0x7e: {  	[sflag:s9] =	ssyncadd.s32 $0xFFFFC000  }
0x7f: {  	[hbm4b:s21+s2] =	stream.linear.scatter [tilespmem:s8], [sflag:$0x2], $0x4000, $0x38;
	[tilespmem:$0x8400] =	vst v63  }
0x80: {  	_ =	swait.ge [sflag:s10], $0x4000  }
0x81: {  	[sflag:s10] =	ssyncset.done $0x0  }
0x82: {  	[sflag:s10] =	ssyncadd.s32 $0xFFFFC000  }
0x83: {  	[tilespmem:s8], [sflag:$0x1] =	stream.indirect.gather [hbm4b:s5+s6], $0x80, s22, s6, $0xb8;
	[tilespmem:$0x8400] =	vst v63  }
0x84: {  	_ =	swait.ge [sflag:s9], $0x4000  }
0x85: {  	[sflag:s9] =	ssyncset.done $0x0  }
0x86: {  	[sflag:s9] =	ssyncadd.s32 $0xFFFFC000  }
0x87: {  	[hbm4b:s23+s2] =	stream.linear.scatter [tilespmem:s7], [sflag:$0x2], $0x4000, $0x38;
	[tilespmem:$0x8400] =	vst v63  }
0x88: {  	_ =	swait.ge [sflag:s10], $0x4000  }
0x89: {  	[sflag:s10] =	ssyncset.done $0x0  }
0x8a: {  	[sflag:s10] =	ssyncadd.s32 $0xFFFFC000  }
0x8b: {  	_ =	swait.ge [sflag:s9], $0x4000  }
.Ltmp1:
0x8c: {  	[sflag:s9] =	ssyncset.done $0x0;
	(pc) =	sbr.rel @p0 .LBB2_1-.Ltmp1, $4  }
0x8d: {  	[sflag:s9] =	ssyncadd.s32 $0xFFFFC000  }
0x8e: {  	[hbm4b:s24+s2] =	stream.linear.scatter [tilespmem:s8], [sflag:$0x2], $0x4000, $0x38;
	[tilespmem:$0x8400] =	vst v63  }
0x8f: {  	_ =	swait.ge [sflag:s10], $0x4000  }
0x90: {  	[sflag:s10] =	ssyncset.done $0x0  }
.LBB2_2:
0x91: {  	[sflag:s10] =	ssyncadd.s32 $0xFFFFC000  }
0x92: {  	_ =	sfence.sel $0x180000  }
0x93: {  	[bflag:$0x0] =	sbarrier.arrive $0xFFFF  }
0x94: {  	p0 =	sne.s32 s0, $0x0;
	_ =	strace $0x90000056  }
0x95: {  	s0 =	sadd.s32 @!p0 $0x100000, s1;
	[bflag:$0x2] =	sbarrier.arrive $0xFFFF  }
0x96: {  	[sflag:s0] =	ssyncadd.tile.s32 @!p0 $0x1;
	_ =	shalt  }
.Lfunc_end2:
_tile_overlayer_lowered:
.L_overlay_start_2:
0x97: {  	(tag) =	ssettag $0x2  }
0x98: {  	s0 =	rddreg [dreg:$0x0];
	s2 =	stileid.u32  }
0x99: {  	s1 =	rddreg [dreg:$0x1];
	p0 =	sne.s32 s2, $0x0  }
0x9a: {  	s3 =	rddreg [dreg:$0x2];
	[bflag:$0x3] =	sbarrier.arrive $0xFFFF;
	s2 =	simm.s32 @!p0 $0x1C03  }
0x9b: {  	[timem:s3], [sflag:s2] =	dma.local @!p0 [hbm:s0], s1  }
0x9c: {  	s0 =	simm.s32 @!p0 $0x3  }
0x9d: {  	_ =	swait.ge @!p0 [sflag:s0], s1  }
0x9e: {  	s1 =	ssub.s32 @!p0 $0x0, s1;
	[sflag:s0] =	ssyncset.done @!p0 $0x0  }
0x9f: {  	[sflag:s0] =	ssyncadd.s32 @!p0 s1  }
0xa0: {  	[bflag:$0x3] =	sbarrier.arrive $0xFFFF  }
0xa1: {  	_ =	shalt  }

</sc_bundles>
